<compile_context>
chip_gen: v7x
topology: tpu7x:2x2x1
jax: 0.10.2.dev20260603
libtpu: 0.0.44.dev20260713+nightly
codegen_flags: <defaults>
</compile_context>

<pallas_src>
import functools

import jax
import jax.numpy as jnp
from jax import lax
from jax.experimental import pallas as pl
from jax.experimental.pallas import tpu as pltpu
from jax.experimental.pallas import tpu_sc as plsc

_NC = 2
_NS = 16
_CHUNK = 128
_RBLK = 1000


def _sc_edge_accumulate(hp, eidx):
    N, H = hp.shape
    E = eidx.shape[1]
    nw = _NC * _NS
    per_w = E // nw
    rw, tail = divmod(per_w, _CHUNK)
    nbuf = 6
    n_grp = rw // nbuf
    n_rem = rw - n_grp * nbuf
    rps = N // _NS

    mesh = plsc.VectorSubcoreMesh(core_axis_name="c", subcore_axis_name="s")

    @functools.partial(
        pl.kernel,
        mesh=mesh,
        out_type=jax.ShapeDtypeStruct((2 * N, 128), jnp.float32),
        compiler_params=pltpu.CompilerParams(use_tc_tiling_on_sc=False),
        scratch_types=[
            pltpu.VMEM((per_w,), jnp.int32),
            pltpu.VMEM((per_w,), jnp.int32),
            [pltpu.VMEM((_CHUNK, H), jnp.float32)] * nbuf,
            pltpu.VMEM_SHARED((N, H), jnp.float32),
            pltpu.SemaphoreType.DMA,
        ],
    )
    def ker(hp_hbm, eidx_hbm, out_hbm,
            sidx, didx, rows, acc, sem):
        c = lax.axis_index("c")
        s = lax.axis_index("s")
        w = c * _NS + s
        zero16 = jnp.zeros((16,), jnp.float32)

        def zrow(i, carry):
            for j in range(H // 16):
                rows[0][i, pl.ds(j * 16, 16)] = zero16
            return carry

        lax.fori_loop(0, _CHUNK, zrow, 0)
        zfull, zrem = divmod(rps, _CHUNK)
        for z in range(zfull):
            pltpu.sync_copy(rows[0], acc.at[pl.ds(s * rps + z * _CHUNK, _CHUNK)])
        if zrem:
            pltpu.sync_copy(rows[0].at[pl.ds(0, zrem)],
                            acc.at[pl.ds(s * rps + zfull * _CHUNK, zrem)])
        pltpu.sync_copy(eidx_hbm.at[0, pl.ds(w * per_w, per_w)], sidx)
        pltpu.sync_copy(eidx_hbm.at[1, pl.ds(w * per_w, per_w)], didx)
        plsc.subcore_barrier()

        def run_chunks(jb, nb, size):
            handles = [
                pltpu.async_copy(
                    hp_hbm.at[sidx.at[pl.ds((jb + b) * _CHUNK, size)]],
                    rows[b].at[pl.ds(0, size)], sem)
                for b in range(nb)
            ]
            for b in range(nb):
                handles[b].wait()
                pltpu.sync_copy(
                    rows[b].at[pl.ds(0, size)],
                    acc.at[didx.at[pl.ds((jb + b) * _CHUNK, size)]],
                    add=True)

        def group(g, carry):
            run_chunks(g * nbuf, nbuf, _CHUNK)
            return carry

        lax.fori_loop(0, n_grp, group, 0)
        if n_rem:
            run_chunks(n_grp * nbuf, n_rem, _CHUNK)
        if tail:
            run_chunks(rw, 1, tail)
        plsc.subcore_barrier()

        pltpu.sync_copy(acc.at[pl.ds(s * rps, rps)],
                        out_hbm.at[pl.ds(c * N + s * rps, rps), pl.ds(0, H)])

    return ker(hp, eidx)


def _sc_edge_accumulate_fused(hp, dinv16, eidx):
    N, H = hp.shape
    W = dinv16.shape[1]
    E = eidx.shape[1]
    nw = _NC * _NS
    per_w = E // nw
    rw, tail = divmod(per_w, _CHUNK)
    nbuf = 5
    n_grp = rw // nbuf
    n_rem = rw - n_grp * nbuf
    rps = N // _NS

    mesh = plsc.VectorSubcoreMesh(core_axis_name="c", subcore_axis_name="s")

    @functools.partial(
        pl.kernel,
        mesh=mesh,
        out_type=(jax.ShapeDtypeStruct((2 * N, 128), jnp.float32),
                  jax.ShapeDtypeStruct((2 * N, W), jnp.float32)),
        compiler_params=pltpu.CompilerParams(use_tc_tiling_on_sc=False),
        scratch_types=[
            pltpu.VMEM((per_w,), jnp.int32),
            pltpu.VMEM((per_w,), jnp.int32),
            [pltpu.VMEM((_CHUNK, H), jnp.float32)] * nbuf,
            [pltpu.VMEM((_CHUNK, W), jnp.float32)] * nbuf,
            pltpu.VMEM_SHARED((N, H), jnp.float32),
            pltpu.VMEM_SHARED((N, W), jnp.float32),
            pltpu.SemaphoreType.DMA,
            pltpu.SemaphoreType.DMA,
        ],
    )
    def ker(hp_hbm, dinv_hbm, eidx_hbm, oute_hbm, outw_hbm,
            sidx, didx, rows, wrows, acce, accw, sem, semw):
        c = lax.axis_index("c")
        s = lax.axis_index("s")
        w = c * _NS + s
        zero16 = jnp.zeros((16,), jnp.float32)

        def zrow(i, carry):
            for j in range(H // 16):
                rows[0][i, pl.ds(j * 16, 16)] = zero16
            wrows[0][i, :] = zero16
            return carry

        lax.fori_loop(0, _CHUNK, zrow, 0)
        zfull, zrem = divmod(rps, _CHUNK)
        for z in range(zfull):
            pltpu.sync_copy(rows[0], acce.at[pl.ds(s * rps + z * _CHUNK, _CHUNK)])
            pltpu.sync_copy(wrows[0], accw.at[pl.ds(s * rps + z * _CHUNK, _CHUNK)])
        if zrem:
            pltpu.sync_copy(rows[0].at[pl.ds(0, zrem)],
                            acce.at[pl.ds(s * rps + zfull * _CHUNK, zrem)])
            pltpu.sync_copy(wrows[0].at[pl.ds(0, zrem)],
                            accw.at[pl.ds(s * rps + zfull * _CHUNK, zrem)])
        pltpu.sync_copy(eidx_hbm.at[0, pl.ds(w * per_w, per_w)], sidx)
        pltpu.sync_copy(eidx_hbm.at[1, pl.ds(w * per_w, per_w)], didx)
        plsc.subcore_barrier()

        def run_chunks(jb, nb, size):
            def sl(idx_ref, b):
                return idx_ref.at[pl.ds((jb + b) * _CHUNK, size)]

            eh = [pltpu.async_copy(hp_hbm.at[sl(sidx, b)],
                                   rows[b].at[pl.ds(0, size)], sem)
                  for b in range(nb)]
            wh = [pltpu.async_copy(dinv_hbm.at[sl(didx, b)],
                                   wrows[b].at[pl.ds(0, size)], semw)
                  for b in range(nb)]
            for b in range(nb):
                eh[b].wait()
                pltpu.sync_copy(rows[b].at[pl.ds(0, size)],
                                acce.at[sl(didx, b)], add=True)
                wh[b].wait()
                pltpu.sync_copy(wrows[b].at[pl.ds(0, size)],
                                accw.at[sl(sidx, b)], add=True)

        def group(g, carry):
            run_chunks(g * nbuf, nbuf, _CHUNK)
            return carry

        lax.fori_loop(0, n_grp, group, 0)
        if n_rem:
            run_chunks(n_grp * nbuf, n_rem, _CHUNK)
        if tail:
            run_chunks(rw, 1, tail)
        plsc.subcore_barrier()

        pltpu.sync_copy(acce.at[pl.ds(s * rps, rps)],
                        oute_hbm.at[pl.ds(c * N + s * rps, rps), pl.ds(0, H)])
        pltpu.sync_copy(accw.at[pl.ds(s * rps, rps)],
                        outw_hbm.at[pl.ds(c * N + s * rps, rps)])

    return ker(hp, dinv16, eidx)


def _sc_degree(eidx, n_nodes):
    N = n_nodes
    W = 16
    E = eidx.shape[1]
    nw = _NC * _NS
    per_w = E // nw
    rw, tail = divmod(per_w, _CHUNK)
    nbuf = 6
    n_grp = rw // nbuf
    n_rem = rw - n_grp * nbuf
    rps = N // _NS

    mesh = plsc.VectorSubcoreMesh(core_axis_name="c", subcore_axis_name="s")

    @functools.partial(
        pl.kernel,
        mesh=mesh,
        out_type=jax.ShapeDtypeStruct((2 * N, 128), jnp.float32),
        compiler_params=pltpu.CompilerParams(use_tc_tiling_on_sc=False),
        scratch_types=[
            pltpu.VMEM((per_w,), jnp.int32),
            pltpu.VMEM((_CHUNK, W), jnp.float32),
            pltpu.VMEM((rps, W), jnp.float32),
            pltpu.VMEM_SHARED((N, W), jnp.float32),
            pltpu.SemaphoreType.DMA,
        ],
    )
    def ker(eidx_hbm, out_hbm, didx, ones, zbuf, acc, sem):
        c = lax.axis_index("c")
        s = lax.axis_index("s")
        w = c * _NS + s
        onehot = jnp.where(lax.iota(jnp.int32, 16) == 0,
                           jnp.float32(1), jnp.float32(0))
        zero16 = jnp.zeros((16,), jnp.float32)

        def fill(i, carry):
            ones[i, :] = onehot
            return carry

        lax.fori_loop(0, _CHUNK, fill, 0)

        def zrow(i, carry):
            zbuf[i, :] = zero16
            return carry

        lax.fori_loop(0, rps, zrow, 0)
        pltpu.sync_copy(zbuf, acc.at[pl.ds(s * rps, rps)])
        pltpu.sync_copy(eidx_hbm.at[1, pl.ds(w * per_w, per_w)], didx)
        plsc.subcore_barrier()

        def run_chunks(jb, nb, size):
            handles = [
                pltpu.async_copy(
                    ones.at[pl.ds(0, size)],
                    acc.at[didx.at[pl.ds((jb + b) * _CHUNK, size)]],
                    sem, add=True)
                for b in range(nb)
            ]
            for h in handles:
                h.wait()

        def body(g, carry):
            run_chunks(g * nbuf, nbuf, _CHUNK)
            return carry

        lax.fori_loop(0, n_grp, body, 0)
        if n_rem:
            run_chunks(n_grp * nbuf, n_rem, _CHUNK)
        if tail:
            run_chunks(rw, 1, tail)
        plsc.subcore_barrier()

        pltpu.sync_copy(acc.at[pl.ds(s * rps, rps)],
                        out_hbm.at[pl.ds(c * N + s * rps, rps), pl.ds(0, W)])

    return ker(eidx)


def _tc_matmul(x, W1):
    N = x.shape[0]
    H = W1.shape[1]

    def body(x_ref, w_ref, out_ref):
        out_ref[...] = jnp.dot(x_ref[...], w_ref[...],
                               preferred_element_type=jnp.float32)

    nb = N // _RBLK
    return pl.pallas_call(
        body,
        grid=(nb,),
        in_specs=[pl.BlockSpec((_RBLK, x.shape[1]), lambda i: (i, 0)),
                  pl.BlockSpec(W1.shape, lambda i: (0, 0))],
        out_specs=pl.BlockSpec((_RBLK, H), lambda i: (i, 0)),
        out_shape=jax.ShapeDtypeStruct((N, H), jnp.float32),
    )(x, W1)


def _tc_first(degp, xw):
    N, H = xw.shape
    nb = N // _RBLK

    def body(da_ref, db_ref, xw_ref, hp_ref, dinv_ref, dinv16_ref):
        deg = da_ref[:, 0:1] + db_ref[:, 0:1] + 1.0
        dinv = lax.rsqrt(deg)
        dinv_ref[...] = dinv
        dinv16_ref[...] = jnp.broadcast_to(dinv, (_RBLK, 16))
        hp_ref[...] = xw_ref[...] * dinv

    return pl.pallas_call(
        body,
        grid=(nb,),
        in_specs=[pl.BlockSpec((_RBLK, 128), lambda i: (i, 0)),
                  pl.BlockSpec((_RBLK, 128), lambda i: (i + nb, 0)),
                  pl.BlockSpec((_RBLK, H), lambda i: (i, 0))],
        out_specs=(pl.BlockSpec((_RBLK, H), lambda i: (i, 0)),
                   pl.BlockSpec((_RBLK, 1), lambda i: (i, 0)),
                   pl.BlockSpec((_RBLK, 16), lambda i: (i, 0))),
        out_shape=(jax.ShapeDtypeStruct((N, H), jnp.float32),
                   jax.ShapeDtypeStruct((N, 1), jnp.float32),
                   jax.ShapeDtypeStruct((N, 16), jnp.float32)),
    )(degp, degp, xw)


def _tc_mid(e, hp, dinv, b, W):
    N, H = hp.shape
    HO = W.shape[1]
    nb = N // _RBLK

    def body(ea_ref, eb_ref, hp_ref, dinv_ref, b_ref, w_ref, out_ref):
        esum = ea_ref[:, 0:H] + eb_ref[:, 0:H] + hp_ref[...]
        h = jnp.maximum(esum * dinv_ref[...] + b_ref[...], 0.0)
        out_ref[...] = jnp.dot(h, w_ref[...],
                               preferred_element_type=jnp.float32) * dinv_ref[...]

    return pl.pallas_call(
        body,
        grid=(nb,),
        in_specs=[pl.BlockSpec((_RBLK, 128), lambda i: (i, 0)),
                  pl.BlockSpec((_RBLK, 128), lambda i: (i + nb, 0)),
                  pl.BlockSpec((_RBLK, H), lambda i: (i, 0)),
                  pl.BlockSpec((_RBLK, 1), lambda i: (i, 0)),
                  pl.BlockSpec((1, H), lambda i: (0, 0)),
                  pl.BlockSpec(W.shape, lambda i: (0, 0))],
        out_specs=pl.BlockSpec((_RBLK, HO), lambda i: (i, 0)),
        out_shape=jax.ShapeDtypeStruct((N, HO), jnp.float32),
    )(e, e, hp, dinv, b, W)


def _tc_final(e, hp, dinv, b2, W3, wsump, b3, Wc1, bc1, Wc2, bc2):
    N, H = hp.shape
    nb = N // _RBLK

    def body(ea_ref, eb_ref, hp_ref, dinv_ref, b2_ref, w3_ref, w_ref, b3_ref,
             wc1_ref, bc1_ref, wc2_ref, bc2_ref, out_ref, u_acc):
        i = pl.program_id(0)
        dinv = dinv_ref[...]
        esum = ea_ref[:, 0:H] + eb_ref[:, 0:H] + hp_ref[...]
        h2 = jnp.maximum(esum * dinv + b2_ref[...], 0.0)
        v = (w_ref[0, :, 0:1] + w_ref[1, :, 0:1] + dinv) * dinv
        u = jnp.sum(h2 * v, axis=0, keepdims=True)

        @pl.when(i == 0)
        def _():
            u_acc[...] = jnp.zeros_like(u_acc)

        u_acc[...] += u

        @pl.when(i == nb - 1)
        def _():
            g = jnp.dot(u_acc[...] * jnp.float32(1.0 / N), w3_ref[...],
                        preferred_element_type=jnp.float32) + b3_ref[...]
            z = jnp.maximum(jnp.dot(g, wc1_ref[...],
                                    preferred_element_type=jnp.float32)
                            + bc1_ref[...], 0.0)
            out_ref[...] = jnp.dot(z, wc2_ref[...],
                                   preferred_element_type=jnp.float32) + bc2_ref[...]

    return pl.pallas_call(
        body,
        grid=(nb,),
        in_specs=[pl.BlockSpec((_RBLK, 128), lambda i: (i, 0)),
                  pl.BlockSpec((_RBLK, 128), lambda i: (i + nb, 0)),
                  pl.BlockSpec((_RBLK, H), lambda i: (i, 0)),
                  pl.BlockSpec((_RBLK, 1), lambda i: (i, 0)),
                  pl.BlockSpec((1, H), lambda i: (0, 0)),
                  pl.BlockSpec(W3.shape, lambda i: (0, 0)),
                  pl.BlockSpec((2, _RBLK, 16), lambda i: (0, i, 0)),
                  pl.BlockSpec((1, H), lambda i: (0, 0)),
                  pl.BlockSpec(Wc1.shape, lambda i: (0, 0)),
                  pl.BlockSpec((1, Wc1.shape[1]), lambda i: (0, 0)),
                  pl.BlockSpec(Wc2.shape, lambda i: (0, 0)),
                  pl.BlockSpec((1, Wc2.shape[1]), lambda i: (0, 0))],
        out_specs=pl.BlockSpec((1, Wc2.shape[1]), lambda i: (0, 0)),
        out_shape=jax.ShapeDtypeStruct((1, Wc2.shape[1]), jnp.float32),
        scratch_shapes=[pltpu.VMEM((1, H), jnp.float32)],
    )(e, e, hp, dinv, b2, W3, wsump, b3, Wc1, bc1, Wc2, bc2)


def kernel(x, edge_index, W1, b1, W2, b2, W3, b3, Wc1, bc1, Wc2, bc2):
    N = x.shape[0]
    H = W1.shape[1]
    eidx = edge_index

    xw1 = _tc_matmul(x, W1)
    degp = _sc_degree(eidx, N)
    h1p, dinv, dinv16 = _tc_first(degp, xw1)

    e1, wsump = _sc_edge_accumulate_fused(h1p, dinv16, eidx)
    h2p = _tc_mid(e1, h1p, dinv, b1.reshape(1, -1), W2)

    e2 = _sc_edge_accumulate(h2p, eidx)
    out = _tc_final(e2, h2p, dinv, b2.reshape(1, -1), W3,
                    wsump.reshape(2, N, 16), b3.reshape(1, -1), Wc1,
                    bc1.reshape(1, -1), Wc2, bc2.reshape(1, -1))
    return out

# --- scband reference (transcript-rebuilt; emitter-appended) ---
"""Pipeline reference for scband-gcnclassifier-78357383348323 (READ-ONLY COPY).

The authoritative reference and input builder live on the scoring server;
editing this copy changes nothing except your own understanding.
"""

import jax, jax.numpy as jnp
import numpy as np

N = 10000
E = 320000
D = 128
H = 64


def setup_inputs(seed: int = 0) -> dict:
    key = jax.random.key(seed)
    ks = jax.random.split(key, 12)
    x = jax.random.normal(ks[0], (N, D), dtype=jnp.float32)
    edge_index = jax.random.randint(ks[1], (2, E), 0, N, dtype=jnp.int32)
    W1 = jax.random.normal(ks[2], (D, H), dtype=jnp.float32) * 0.05
    b1 = jnp.zeros((H,), dtype=jnp.float32)
    W2 = jax.random.normal(ks[3], (H, H), dtype=jnp.float32) * 0.05
    b2 = jnp.zeros((H,), dtype=jnp.float32)
    W3 = jax.random.normal(ks[4], (H, H), dtype=jnp.float32) * 0.05
    b3 = jnp.zeros((H,), dtype=jnp.float32)
    Wc1 = jax.random.normal(ks[5], (H, H // 2), dtype=jnp.float32) * 0.05
    bc1 = jnp.zeros((H // 2,), dtype=jnp.float32)
    Wc2 = jax.random.normal(ks[6], (H // 2, 2), dtype=jnp.float32) * 0.05
    bc2 = jnp.zeros((2,), dtype=jnp.float32)
    return {"x": x, "edge_index": edge_index, "W1": W1, "b1": b1, "W2": W2, "b2": b2, "W3": W3, "b3": b3, "Wc1": Wc1, "bc1": bc1, "Wc2": Wc2, "bc2": bc2}


def _gcn_conv(x, src, dst, norm, W, b):
    h = x @ W
    msg = h[src] * norm[:, None]
    out = jnp.zeros((N, W.shape[1]), dtype=x.dtype).at[dst].add(msg)
    return out + b


def _build_norm(edge_index):
    # GCN symmetric normalization with self loops (PyG GCNConv default)
    loop = jnp.arange(N, dtype=edge_index.dtype)
    src = jnp.concatenate([edge_index[0], loop])
    dst = jnp.concatenate([edge_index[1], loop])
    deg = jnp.zeros((N,), dtype=jnp.float32).at[dst].add(1.0)
    dinv = jnp.where(deg > 0, 1.0 / jnp.sqrt(jnp.maximum(deg, 1e-12)), 0.0)
    norm = dinv[src] * dinv[dst]
    return src, dst, norm


def reference(x, edge_index, W1, b1, W2, b2, W3, b3, Wc1, bc1, Wc2, bc2):
    src, dst, norm = _build_norm(edge_index)
    h = jax.nn.relu(_gcn_conv(x, src, dst, norm, W1, b1))
    # dropout is identity in eval mode
    h = jax.nn.relu(_gcn_conv(h, src, dst, norm, W2, b2))
    h = _gcn_conv(h, src, dst, norm, W3, b3)
    # global_mean_pool with batch=None -> mean over all nodes, single graph
    g = jnp.mean(h, axis=0, keepdims=True)
    z = jax.nn.relu(g @ Wc1 + bc1)
    out = z @ Wc2 + bc2
    return out

if __name__ == "__main__":
    import jax
    _d = setup_inputs()
    print(jax.jit(kernel)(*tuple(_d.values())))

</pallas_src>

<mosaic_0001>
#map = affine_map<(d0, d1) -> (0, 0)>
module attributes {stable_mosaic.version = 14 : i64} {
  func.func @ker(%arg0: i32, %arg1: i32, %arg2: memref<10000x64xf32, #tpu.memory_space<hbm>>, %arg3: memref<10000x16xf32, #tpu.memory_space<hbm>>, %arg4: memref<2x320000xi32, #tpu.memory_space<hbm>>, %arg5: memref<20000x128xf32, #tpu.memory_space<hbm>>, %arg6: memref<20000x16xf32, #tpu.memory_space<hbm>>, %arg7: memref<10000xi32, #tpu.memory_space<vmem>>, %arg8: memref<10000xi32, #tpu.memory_space<vmem>>, %arg9: memref<128x64xf32, #tpu.memory_space<vmem>>, %arg10: memref<128x64xf32, #tpu.memory_space<vmem>>, %arg11: memref<128x64xf32, #tpu.memory_space<vmem>>, %arg12: memref<128x64xf32, #tpu.memory_space<vmem>>, %arg13: memref<128x64xf32, #tpu.memory_space<vmem>>, %arg14: memref<128x16xf32, #tpu.memory_space<vmem>>, %arg15: memref<128x16xf32, #tpu.memory_space<vmem>>, %arg16: memref<128x16xf32, #tpu.memory_space<vmem>>, %arg17: memref<128x16xf32, #tpu.memory_space<vmem>>, %arg18: memref<128x16xf32, #tpu.memory_space<vmem>>, %arg19: memref<10000x64xf32, #tpu.memory_space<vmem_shared>>, %arg20: memref<10000x16xf32, #tpu.memory_space<vmem_shared>>, %arg21: memref<!tpu.dma_semaphore, #tpu.memory_space<semaphore_mem>>, %arg22: memref<!tpu.dma_semaphore, #tpu.memory_space<semaphore_mem>>) attributes {dimension_semantics = [#tpu.dimension_semantics<core_parallel>, #tpu.dimension_semantics<subcore_parallel>], iteration_bounds = array<i64: 2, 16>, scalar_prefetch = 0 : i64, scratch_operands = 16 : i64, tpu.core_type = #tpu.core_type<sc_vector_subcore>, window_params = [{transform_indices = #map}, {transform_indices = #map}, {transform_indices = #map}, {transform_indices = #map}, {transform_indices = #map}]} {
    %mul3A = arith.constant 16 : i32
    %mul3A_0 = arith.muli %arg0, %mul3A : i32
    %add3A = arith.addi %mul3A_0, %arg1 : i32
    %broadcast_in_dim3A = arith.constant 0.000000e+00 : f32
    %broadcast_in_dim3A_1 = vector.broadcast %broadcast_in_dim3A : f32 to vector<16xf32>
    %scan3A = arith.constant 0 : i32
    %scan3A_2 = arith.constant 0 : i32
    %scan3A_3 = arith.constant 128 : i32
    %scan3A_4 = arith.addi %scan3A_2, %scan3A_3 : i32
    %scan3A_5 = arith.constant 1 : i32
    scf.for %scan3A_199 = %scan3A_2 to %scan3A_4 step %scan3A_5  : i32 {
      %swap3A = arith.index_cast %scan3A_199 : i32 to index
      %swap3A_200 = arith.constant 0 : index
      %swap3A_201 = tpu.vector_load %arg9[%swap3A, %swap3A_200] {strides = array<i32>} : memref<128x64xf32, #tpu.memory_space<vmem>>, vector<1x16xf32>,
      %swap3A_202 = vector.shape_cast %swap3A_201 : vector<1x16xf32> to vector<16xf32>
      %swap3A_203 = vector.shape_cast %broadcast_in_dim3A_1 : vector<16xf32> to vector<1x16xf32>
      tpu.vector_store %arg9[%swap3A, %swap3A_200], %swap3A_203 {strides = array<i32>} : memref<128x64xf32, #tpu.memory_space<vmem>>, vector<1x16xf32>,
      %swap3A_204 = arith.index_cast %scan3A_199 : i32 to index
      %swap3A_205 = arith.constant 16 : index
      %swap3A_206 = tpu.vector_load %arg9[%swap3A_204, %swap3A_205] {strides = array<i32>} : memref<128x64xf32, #tpu.memory_space<vmem>>, vector<1x16xf32>,
      %swap3A_207 = vector.shape_cast %swap3A_206 : vector<1x16xf32> to vector<16xf32>
      %swap3A_208 = vector.shape_cast %broadcast_in_dim3A_1 : vector<16xf32> to vector<1x16xf32>
      tpu.vector_store %arg9[%swap3A_204, %swap3A_205], %swap3A_208 {strides = array<i32>} : memref<128x64xf32, #tpu.memory_space<vmem>>, vector<1x16xf32>,
      %swap3A_209 = arith.index_cast %scan3A_199 : i32 to index
      %swap3A_210 = arith.constant 32 : index
      %swap3A_211 = tpu.vector_load %arg9[%swap3A_209, %swap3A_210] {strides = array<i32>} : memref<128x64xf32, #tpu.memory_space<vmem>>, vector<1x16xf32>,
      %swap3A_212 = vector.shape_cast %swap3A_211 : vector<1x16xf32> to vector<16xf32>
      %swap3A_213 = vector.shape_cast %broadcast_in_dim3A_1 : vector<16xf32> to vector<1x16xf32>
      tpu.vector_store %arg9[%swap3A_209, %swap3A_210], %swap3A_213 {strides = array<i32>} : memref<128x64xf32, #tpu.memory_space<vmem>>, vector<1x16xf32>,
      %swap3A_214 = arith.index_cast %scan3A_199 : i32 to index
      %swap3A_215 = arith.constant 48 : index
      %swap3A_216 = tpu.vector_load %arg9[%swap3A_214, %swap3A_215] {strides = array<i32>} : memref<128x64xf32, #tpu.memory_space<vmem>>, vector<1x16xf32>,
      %swap3A_217 = vector.shape_cast %swap3A_216 : vector<1x16xf32> to vector<16xf32>
      %swap3A_218 = vector.shape_cast %broadcast_in_dim3A_1 : vector<16xf32> to vector<1x16xf32>
      tpu.vector_store %arg9[%swap3A_214, %swap3A_215], %swap3A_218 {strides = array<i32>} : memref<128x64xf32, #tpu.memory_space<vmem>>, vector<1x16xf32>,
      %swap3A_219 = arith.index_cast %scan3A_199 : i32 to index
      %swap3A_220 = arith.constant 0 : index
      %swap3A_221 = tpu.vector_load %arg14[%swap3A_219, %swap3A_220] {strides = array<i32>} : memref<128x16xf32, #tpu.memory_space<vmem>>, vector<1x16xf32>,
      %swap3A_222 = vector.shape_cast %swap3A_221 : vector<1x16xf32> to vector<16xf32>
      %swap3A_223 = vector.shape_cast %broadcast_in_dim3A_1 : vector<16xf32> to vector<1x16xf32>
      tpu.vector_store %arg14[%swap3A_219, %swap3A_220], %swap3A_223 {strides = array<i32>} : memref<128x16xf32, #tpu.memory_space<vmem>>, vector<1x16xf32>,
    }
    %scan3A_6 = arith.constant 128 : i32
    %mul3A_7 = arith.constant 625 : i32
    %mul3A_8 = arith.muli %arg1, %mul3A_7 : i32
    %add3A_9 = arith.constant 0 : i32
    %add3A_10 = arith.addi %mul3A_8, %add3A_9 : i32
    "tpu.region"() ({
      %run_scoped3A_199 = tpu.sem_alloc : memref<!tpu.dma_semaphore, #tpu.memory_space<semaphore_mem>>
      %dma_start3A_200 = arith.constant 0 : i32
      %dma_start3A_201 = tpu.memref_slice %arg19[%add3A_10, %dma_start3A_200] : memref<10000x64xf32, #tpu.memory_space<vmem_shared>> -> memref<128x64xf32, #tpu.memory_space<vmem_shared>>
      %dma_start3A_202 = arith.constant 0 : i32
      %dma_start3A_203 = tpu.memref_slice %arg19[%add3A_10, %dma_start3A_202] : memref<10000x64xf32, #tpu.memory_space<vmem_shared>> -> memref<128x64xf32, #tpu.memory_space<vmem_shared>>
      tpu.enqueue_dma source(%arg9 : memref<128x64xf32, #tpu.memory_space<vmem>>) target(%dma_start3A_203 : memref<128x64xf32, #tpu.memory_space<vmem_shared>>) target_semaphore(%run_scoped3A_199 : memref<!tpu.dma_semaphore, #tpu.memory_space<semaphore_mem>>)
      %dma_wait3A_204 = arith.constant 0 : i32
      %dma_wait3A_205 = tpu.memref_slice %arg19[%add3A_10, %dma_wait3A_204] : memref<10000x64xf32, #tpu.memory_space<vmem_shared>> -> memref<128x64xf32, #tpu.memory_space<vmem_shared>>
      %dma_wait3A_206 = arith.constant 0 : i32
      %dma_wait3A_207 = tpu.memref_slice %arg19[%add3A_10, %dma_wait3A_206] : memref<10000x64xf32, #tpu.memory_space<vmem_shared>> -> memref<128x64xf32, #tpu.memory_space<vmem_shared>>
      tpu.wait_dma2 semaphore(%run_scoped3A_199 : memref<!tpu.dma_semaphore, #tpu.memory_space<semaphore_mem>>) src(%arg9 : memref<128x64xf32, #tpu.memory_space<vmem>>) dst(%dma_wait3A_207 : memref<128x64xf32, #tpu.memory_space<vmem_shared>>)
      tpu.yield
    }) : () -> ()
    %mul3A_11 = arith.constant 625 : i32
    %mul3A_12 = arith.muli %arg1, %mul3A_11 : i32
    %add3A_13 = arith.constant 0 : i32
    %add3A_14 = arith.addi %mul3A_12, %add3A_13 : i32
    "tpu.region"() ({
      %run_scoped3A_199 = tpu.sem_alloc : memref<!tpu.dma_semaphore, #tpu.memory_space<semaphore_mem>>
      %dma_start3A_200 = arith.constant 0 : i32
      %dma_start3A_201 = tpu.memref_slice %arg20[%add3A_14, %dma_start3A_200] : memref<10000x16xf32, #tpu.memory_space<vmem_shared>> -> memref<128x16xf32, #tpu.memory_space<vmem_shared>>
      %dma_start3A_202 = arith.constant 0 : i32
      %dma_start3A_203 = tpu.memref_slice %arg20[%add3A_14, %dma_start3A_202] : memref<10000x16xf32, #tpu.memory_space<vmem_shared>> -> memref<128x16xf32, #tpu.memory_space<vmem_shared>>
      tpu.enqueue_dma source(%arg14 : memref<128x16xf32, #tpu.memory_space<vmem>>) target(%dma_start3A_203 : memref<128x16xf32, #tpu.memory_space<vmem_shared>>) target_semaphore(%run_scoped3A_199 : memref<!tpu.dma_semaphore, #tpu.memory_space<semaphore_mem>>)
      %dma_wait3A_204 = arith.constant 0 : i32
      %dma_wait3A_205 = tpu.memref_slice %arg20[%add3A_14, %dma_wait3A_204] : memref<10000x16xf32, #tpu.memory_space<vmem_shared>> -> memref<128x16xf32, #tpu.memory_space<vmem_shared>>
      %dma_wait3A_206 = arith.constant 0 : i32
      %dma_wait3A_207 = tpu.memref_slice %arg20[%add3A_14, %dma_wait3A_206] : memref<10000x16xf32, #tpu.memory_space<vmem_shared>> -> memref<128x16xf32, #tpu.memory_space<vmem_shared>>
      tpu.wait_dma2 semaphore(%run_scoped3A_199 : memref<!tpu.dma_semaphore, #tpu.memory_space<semaphore_mem>>) src(%arg14 : memref<128x16xf32, #tpu.memory_space<vmem>>) dst(%dma_wait3A_207 : memref<128x16xf32, #tpu.memory_space<vmem_shared>>)
      tpu.yield
    }) : () -> ()
    %mul3A_15 = arith.constant 625 : i32
    %mul3A_16 = arith.muli %arg1, %mul3A_15 : i32
    %add3A_17 = arith.constant 128 : i32
    %add3A_18 = arith.addi %mul3A_16, %add3A_17 : i32
    "tpu.region"() ({
      %run_scoped3A_199 = tpu.sem_alloc : memref<!tpu.dma_semaphore, #tpu.memory_space<semaphore_mem>>
      %dma_start3A_200 = arith.constant 0 : i32
      %dma_start3A_201 = tpu.memref_slice %arg19[%add3A_18, %dma_start3A_200] : memref<10000x64xf32, #tpu.memory_space<vmem_shared>> -> memref<128x64xf32, #tpu.memory_space<vmem_shared>>
      %dma_start3A_202 = arith.constant 0 : i32
      %dma_start3A_203 = tpu.memref_slice %arg19[%add3A_18, %dma_start3A_202] : memref<10000x64xf32, #tpu.memory_space<vmem_shared>> -> memref<128x64xf32, #tpu.memory_space<vmem_shared>>
      tpu.enqueue_dma source(%arg9 : memref<128x64xf32, #tpu.memory_space<vmem>>) target(%dma_start3A_203 : memref<128x64xf32, #tpu.memory_space<vmem_shared>>) target_semaphore(%run_scoped3A_199 : memref<!tpu.dma_semaphore, #tpu.memory_space<semaphore_mem>>)
      %dma_wait3A_204 = arith.constant 0 : i32
      %dma_wait3A_205 = tpu.memref_slice %arg19[%add3A_18, %dma_wait3A_204] : memref<10000x64xf32, #tpu.memory_space<vmem_shared>> -> memref<128x64xf32, #tpu.memory_space<vmem_shared>>
      %dma_wait3A_206 = arith.constant 0 : i32
      %dma_wait3A_207 = tpu.memref_slice %arg19[%add3A_18, %dma_wait3A_206] : memref<10000x64xf32, #tpu.memory_space<vmem_shared>> -> memref<128x64xf32, #tpu.memory_space<vmem_shared>>
      tpu.wait_dma2 semaphore(%run_scoped3A_199 : memref<!tpu.dma_semaphore, #tpu.memory_space<semaphore_mem>>) src(%arg9 : memref<128x64xf32, #tpu.memory_space<vmem>>) dst(%dma_wait3A_207 : memref<128x64xf32, #tpu.memory_space<vmem_shared>>)
      tpu.yield
    }) : () -> ()
    %mul3A_19 = arith.constant 625 : i32
    %mul3A_20 = arith.muli %arg1, %mul3A_19 : i32
    %add3A_21 = arith.constant 128 : i32
    %add3A_22 = arith.addi %mul3A_20, %add3A_21 : i32
    "tpu.region"() ({
      %run_scoped3A_199 = tpu.sem_alloc : memref<!tpu.dma_semaphore, #tpu.memory_space<semaphore_mem>>
      %dma_start3A_200 = arith.constant 0 : i32
      %dma_start3A_201 = tpu.memref_slice %arg20[%add3A_22, %dma_start3A_200] : memref<10000x16xf32, #tpu.memory_space<vmem_shared>> -> memref<128x16xf32, #tpu.memory_space<vmem_shared>>
      %dma_start3A_202 = arith.constant 0 : i32
      %dma_start3A_203 = tpu.memref_slice %arg20[%add3A_22, %dma_start3A_202] : memref<10000x16xf32, #tpu.memory_space<vmem_shared>> -> memref<128x16xf32, #tpu.memory_space<vmem_shared>>
      tpu.enqueue_dma source(%arg14 : memref<128x16xf32, #tpu.memory_space<vmem>>) target(%dma_start3A_203 : memref<128x16xf32, #tpu.memory_space<vmem_shared>>) target_semaphore(%run_scoped3A_199 : memref<!tpu.dma_semaphore, #tpu.memory_space<semaphore_mem>>)
      %dma_wait3A_204 = arith.constant 0 : i32
      %dma_wait3A_205 = tpu.memref_slice %arg20[%add3A_22, %dma_wait3A_204] : memref<10000x16xf32, #tpu.memory_space<vmem_shared>> -> memref<128x16xf32, #tpu.memory_space<vmem_shared>>
      %dma_wait3A_206 = arith.constant 0 : i32
      %dma_wait3A_207 = tpu.memref_slice %arg20[%add3A_22, %dma_wait3A_206] : memref<10000x16xf32, #tpu.memory_space<vmem_shared>> -> memref<128x16xf32, #tpu.memory_space<vmem_shared>>
      tpu.wait_dma2 semaphore(%run_scoped3A_199 : memref<!tpu.dma_semaphore, #tpu.memory_space<semaphore_mem>>) src(%arg14 : memref<128x16xf32, #tpu.memory_space<vmem>>) dst(%dma_wait3A_207 : memref<128x16xf32, #tpu.memory_space<vmem_shared>>)
      tpu.yield
    }) : () -> ()
    %mul3A_23 = arith.constant 625 : i32
    %mul3A_24 = arith.muli %arg1, %mul3A_23 : i32
    %add3A_25 = arith.constant 256 : i32
    %add3A_26 = arith.addi %mul3A_24, %add3A_25 : i32
    "tpu.region"() ({
      %run_scoped3A_199 = tpu.sem_alloc : memref<!tpu.dma_semaphore, #tpu.memory_space<semaphore_mem>>
      %dma_start3A_200 = arith.constant 0 : i32
      %dma_start3A_201 = tpu.memref_slice %arg19[%add3A_26, %dma_start3A_200] : memref<10000x64xf32, #tpu.memory_space<vmem_shared>> -> memref<128x64xf32, #tpu.memory_space<vmem_shared>>
      %dma_start3A_202 = arith.constant 0 : i32
      %dma_start3A_203 = tpu.memref_slice %arg19[%add3A_26, %dma_start3A_202] : memref<10000x64xf32, #tpu.memory_space<vmem_shared>> -> memref<128x64xf32, #tpu.memory_space<vmem_shared>>
      tpu.enqueue_dma source(%arg9 : memref<128x64xf32, #tpu.memory_space<vmem>>) target(%dma_start3A_203 : memref<128x64xf32, #tpu.memory_space<vmem_shared>>) target_semaphore(%run_scoped3A_199 : memref<!tpu.dma_semaphore, #tpu.memory_space<semaphore_mem>>)
      %dma_wait3A_204 = arith.constant 0 : i32
      %dma_wait3A_205 = tpu.memref_slice %arg19[%add3A_26, %dma_wait3A_204] : memref<10000x64xf32, #tpu.memory_space<vmem_shared>> -> memref<128x64xf32, #tpu.memory_space<vmem_shared>>
      %dma_wait3A_206 = arith.constant 0 : i32
      %dma_wait3A_207 = tpu.memref_slice %arg19[%add3A_26, %dma_wait3A_206] : memref<10000x64xf32, #tpu.memory_space<vmem_shared>> -> memref<128x64xf32, #tpu.memory_space<vmem_shared>>
      tpu.wait_dma2 semaphore(%run_scoped3A_199 : memref<!tpu.dma_semaphore, #tpu.memory_space<semaphore_mem>>) src(%arg9 : memref<128x64xf32, #tpu.memory_space<vmem>>) dst(%dma_wait3A_207 : memref<128x64xf32, #tpu.memory_space<vmem_shared>>)
      tpu.yield
    }) : () -> ()
    %mul3A_27 = arith.constant 625 : i32
    %mul3A_28 = arith.muli %arg1, %mul3A_27 : i32
    %add3A_29 = arith.constant 256 : i32
    %add3A_30 = arith.addi %mul3A_28, %add3A_29 : i32
    "tpu.region"() ({
      %run_scoped3A_199 = tpu.sem_alloc : memref<!tpu.dma_semaphore, #tpu.memory_space<semaphore_mem>>
      %dma_start3A_200 = arith.constant 0 : i32
      %dma_start3A_201 = tpu.memref_slice %arg20[%add3A_30, %dma_start3A_200] : memref<10000x16xf32, #tpu.memory_space<vmem_shared>> -> memref<128x16xf32, #tpu.memory_space<vmem_shared>>
      %dma_start3A_202 = arith.constant 0 : i32
      %dma_start3A_203 = tpu.memref_slice %arg20[%add3A_30, %dma_start3A_202] : memref<10000x16xf32, #tpu.memory_space<vmem_shared>> -> memref<128x16xf32, #tpu.memory_space<vmem_shared>>
      tpu.enqueue_dma source(%arg14 : memref<128x16xf32, #tpu.memory_space<vmem>>) target(%dma_start3A_203 : memref<128x16xf32, #tpu.memory_space<vmem_shared>>) target_semaphore(%run_scoped3A_199 : memref<!tpu.dma_semaphore, #tpu.memory_space<semaphore_mem>>)
      %dma_wait3A_204 = arith.constant 0 : i32
      %dma_wait3A_205 = tpu.memref_slice %arg20[%add3A_30, %dma_wait3A_204] : memref<10000x16xf32, #tpu.memory_space<vmem_shared>> -> memref<128x16xf32, #tpu.memory_space<vmem_shared>>
      %dma_wait3A_206 = arith.constant 0 : i32
      %dma_wait3A_207 = tpu.memref_slice %arg20[%add3A_30, %dma_wait3A_206] : memref<10000x16xf32, #tpu.memory_space<vmem_shared>> -> memref<128x16xf32, #tpu.memory_space<vmem_shared>>
      tpu.wait_dma2 semaphore(%run_scoped3A_199 : memref<!tpu.dma_semaphore, #tpu.memory_space<semaphore_mem>>) src(%arg14 : memref<128x16xf32, #tpu.memory_space<vmem>>) dst(%dma_wait3A_207 : memref<128x16xf32, #tpu.memory_space<vmem_shared>>)
      tpu.yield
    }) : () -> ()
    %mul3A_31 = arith.constant 625 : i32
    %mul3A_32 = arith.muli %arg1, %mul3A_31 : i32
    %add3A_33 = arith.constant 384 : i32
    %add3A_34 = arith.addi %mul3A_32, %add3A_33 : i32
    "tpu.region"() ({
      %run_scoped3A_199 = tpu.sem_alloc : memref<!tpu.dma_semaphore, #tpu.memory_space<semaphore_mem>>
      %dma_start3A_200 = arith.constant 0 : i32
      %dma_start3A_201 = tpu.memref_slice %arg19[%add3A_34, %dma_start3A_200] : memref<10000x64xf32, #tpu.memory_space<vmem_shared>> -> memref<128x64xf32, #tpu.memory_space<vmem_shared>>
      %dma_start3A_202 = arith.constant 0 : i32
      %dma_start3A_203 = tpu.memref_slice %arg19[%add3A_34, %dma_start3A_202] : memref<10000x64xf32, #tpu.memory_space<vmem_shared>> -> memref<128x64xf32, #tpu.memory_space<vmem_shared>>
      tpu.enqueue_dma source(%arg9 : memref<128x64xf32, #tpu.memory_space<vmem>>) target(%dma_start3A_203 : memref<128x64xf32, #tpu.memory_space<vmem_shared>>) target_semaphore(%run_scoped3A_199 : memref<!tpu.dma_semaphore, #tpu.memory_space<semaphore_mem>>)
      %dma_wait3A_204 = arith.constant 0 : i32
      %dma_wait3A_205 = tpu.memref_slice %arg19[%add3A_34, %dma_wait3A_204] : memref<10000x64xf32, #tpu.memory_space<vmem_shared>> -> memref<128x64xf32, #tpu.memory_space<vmem_shared>>
      %dma_wait3A_206 = arith.constant 0 : i32
      %dma_wait3A_207 = tpu.memref_slice %arg19[%add3A_34, %dma_wait3A_206] : memref<10000x64xf32, #tpu.memory_space<vmem_shared>> -> memref<128x64xf32, #tpu.memory_space<vmem_shared>>
      tpu.wait_dma2 semaphore(%run_scoped3A_199 : memref<!tpu.dma_semaphore, #tpu.memory_space<semaphore_mem>>) src(%arg9 : memref<128x64xf32, #tpu.memory_space<vmem>>) dst(%dma_wait3A_207 : memref<128x64xf32, #tpu.memory_space<vmem_shared>>)
      tpu.yield
    }) : () -> ()
    %mul3A_35 = arith.constant 625 : i32
    %mul3A_36 = arith.muli %arg1, %mul3A_35 : i32
    %add3A_37 = arith.constant 384 : i32
    %add3A_38 = arith.addi %mul3A_36, %add3A_37 : i32
    "tpu.region"() ({
      %run_scoped3A_199 = tpu.sem_alloc : memref<!tpu.dma_semaphore, #tpu.memory_space<semaphore_mem>>
      %dma_start3A_200 = arith.constant 0 : i32
      %dma_start3A_201 = tpu.memref_slice %arg20[%add3A_38, %dma_start3A_200] : memref<10000x16xf32, #tpu.memory_space<vmem_shared>> -> memref<128x16xf32, #tpu.memory_space<vmem_shared>>
      %dma_start3A_202 = arith.constant 0 : i32
      %dma_start3A_203 = tpu.memref_slice %arg20[%add3A_38, %dma_start3A_202] : memref<10000x16xf32, #tpu.memory_space<vmem_shared>> -> memref<128x16xf32, #tpu.memory_space<vmem_shared>>
      tpu.enqueue_dma source(%arg14 : memref<128x16xf32, #tpu.memory_space<vmem>>) target(%dma_start3A_203 : memref<128x16xf32, #tpu.memory_space<vmem_shared>>) target_semaphore(%run_scoped3A_199 : memref<!tpu.dma_semaphore, #tpu.memory_space<semaphore_mem>>)
      %dma_wait3A_204 = arith.constant 0 : i32
      %dma_wait3A_205 = tpu.memref_slice %arg20[%add3A_38, %dma_wait3A_204] : memref<10000x16xf32, #tpu.memory_space<vmem_shared>> -> memref<128x16xf32, #tpu.memory_space<vmem_shared>>
      %dma_wait3A_206 = arith.constant 0 : i32
      %dma_wait3A_207 = tpu.memref_slice %arg20[%add3A_38, %dma_wait3A_206] : memref<10000x16xf32, #tpu.memory_space<vmem_shared>> -> memref<128x16xf32, #tpu.memory_space<vmem_shared>>
      tpu.wait_dma2 semaphore(%run_scoped3A_199 : memref<!tpu.dma_semaphore, #tpu.memory_space<semaphore_mem>>) src(%arg14 : memref<128x16xf32, #tpu.memory_space<vmem>>) dst(%dma_wait3A_207 : memref<128x16xf32, #tpu.memory_space<vmem_shared>>)
      tpu.yield
    }) : () -> ()
    %mul3A_39 = arith.constant 625 : i32
    %mul3A_40 = arith.muli %arg1, %mul3A_39 : i32
    %add3A_41 = arith.constant 512 : i32
    %add3A_42 = arith.addi %mul3A_40, %add3A_41 : i32
    "tpu.region"() ({
      %run_scoped3A_199 = tpu.sem_alloc : memref<!tpu.dma_semaphore, #tpu.memory_space<semaphore_mem>>
      %dma_start3A_200 = arith.constant 0 : i32
      %dma_start3A_201 = arith.constant 0 : i32
      %dma_start3A_202 = tpu.memref_slice %arg9[%dma_start3A_200, %dma_start3A_201] : memref<128x64xf32, #tpu.memory_space<vmem>> -> memref<113x64xf32, #tpu.memory_space<vmem>>
      %dma_start3A_203 = arith.constant 0 : i32
      %dma_start3A_204 = tpu.memref_slice %arg19[%add3A_42, %dma_start3A_203] : memref<10000x64xf32, #tpu.memory_space<vmem_shared>> -> memref<113x64xf32, #tpu.memory_space<vmem_shared>>
      %dma_start3A_205 = arith.constant 0 : i32
      %dma_start3A_206 = tpu.memref_slice %arg19[%add3A_42, %dma_start3A_205] : memref<10000x64xf32, #tpu.memory_space<vmem_shared>> -> memref<113x64xf32, #tpu.memory_space<vmem_shared>>
      %dma_start3A_207 = arith.constant 0 : i32
      %dma_start3A_208 = arith.constant 0 : i32
      %dma_start3A_209 = tpu.memref_slice %arg9[%dma_start3A_207, %dma_start3A_208] : memref<128x64xf32, #tpu.memory_space<vmem>> -> memref<113x64xf32, #tpu.memory_space<vmem>>
      tpu.enqueue_dma source(%dma_start3A_209 : memref<113x64xf32, #tpu.memory_space<vmem>>) target(%dma_start3A_206 : memref<113x64xf32, #tpu.memory_space<vmem_shared>>) target_semaphore(%run_scoped3A_199 : memref<!tpu.dma_semaphore, #tpu.memory_space<semaphore_mem>>)
      %dma_wait3A_210 = arith.constant 0 : i32
      %dma_wait3A_211 = arith.constant 0 : i32
      %dma_wait3A_212 = tpu.memref_slice %arg9[%dma_wait3A_210, %dma_wait3A_211] : memref<128x64xf32, #tpu.memory_space<vmem>> -> memref<113x64xf32, #tpu.memory_space<vmem>>
      %dma_wait3A_213 = arith.constant 0 : i32
      %dma_wait3A_214 = tpu.memref_slice %arg19[%add3A_42, %dma_wait3A_213] : memref<10000x64xf32, #tpu.memory_space<vmem_shared>> -> memref<113x64xf32, #tpu.memory_space<vmem_shared>>
      %dma_wait3A_215 = arith.constant 0 : i32
      %dma_wait3A_216 = tpu.memref_slice %arg19[%add3A_42, %dma_wait3A_215] : memref<10000x64xf32, #tpu.memory_space<vmem_shared>> -> memref<113x64xf32, #tpu.memory_space<vmem_shared>>
      %dma_wait3A_217 = arith.constant 0 : i32
      %dma_wait3A_218 = arith.constant 0 : i32
      %dma_wait3A_219 = tpu.memref_slice %arg9[%dma_wait3A_217, %dma_wait3A_218] : memref<128x64xf32, #tpu.memory_space<vmem>> -> memref<113x64xf32, #tpu.memory_space<vmem>>
      tpu.wait_dma2 semaphore(%run_scoped3A_199 : memref<!tpu.dma_semaphore, #tpu.memory_space<semaphore_mem>>) src(%dma_wait3A_219 : memref<113x64xf32, #tpu.memory_space<vmem>>) dst(%dma_wait3A_216 : memref<113x64xf32, #tpu.memory_space<vmem_shared>>)
      tpu.yield
    }) : () -> ()
    %mul3A_43 = arith.constant 625 : i32
    %mul3A_44 = arith.muli %arg1, %mul3A_43 : i32
    %add3A_45 = arith.constant 512 : i32
    %add3A_46 = arith.addi %mul3A_44, %add3A_45 : i32
    "tpu.region"() ({
      %run_scoped3A_199 = tpu.sem_alloc : memref<!tpu.dma_semaphore, #tpu.memory_space<semaphore_mem>>
      %dma_start3A_200 = arith.constant 0 : i32
      %dma_start3A_201 = arith.constant 0 : i32
      %dma_start3A_202 = tpu.memref_slice %arg14[%dma_start3A_200, %dma_start3A_201] : memref<128x16xf32, #tpu.memory_space<vmem>> -> memref<113x16xf32, #tpu.memory_space<vmem>>
      %dma_start3A_203 = arith.constant 0 : i32
      %dma_start3A_204 = tpu.memref_slice %arg20[%add3A_46, %dma_start3A_203] : memref<10000x16xf32, #tpu.memory_space<vmem_shared>> -> memref<113x16xf32, #tpu.memory_space<vmem_shared>>
      %dma_start3A_205 = arith.constant 0 : i32
      %dma_start3A_206 = tpu.memref_slice %arg20[%add3A_46, %dma_start3A_205] : memref<10000x16xf32, #tpu.memory_space<vmem_shared>> -> memref<113x16xf32, #tpu.memory_space<vmem_shared>>
      %dma_start3A_207 = arith.constant 0 : i32
      %dma_start3A_208 = arith.constant 0 : i32
      %dma_start3A_209 = tpu.memref_slice %arg14[%dma_start3A_207, %dma_start3A_208] : memref<128x16xf32, #tpu.memory_space<vmem>> -> memref<113x16xf32, #tpu.memory_space<vmem>>
      tpu.enqueue_dma source(%dma_start3A_209 : memref<113x16xf32, #tpu.memory_space<vmem>>) target(%dma_start3A_206 : memref<113x16xf32, #tpu.memory_space<vmem_shared>>) target_semaphore(%run_scoped3A_199 : memref<!tpu.dma_semaphore, #tpu.memory_space<semaphore_mem>>)
      %dma_wait3A_210 = arith.constant 0 : i32
      %dma_wait3A_211 = arith.constant 0 : i32
      %dma_wait3A_212 = tpu.memref_slice %arg14[%dma_wait3A_210, %dma_wait3A_211] : memref<128x16xf32, #tpu.memory_space<vmem>> -> memref<113x16xf32, #tpu.memory_space<vmem>>
      %dma_wait3A_213 = arith.constant 0 : i32
      %dma_wait3A_214 = tpu.memref_slice %arg20[%add3A_46, %dma_wait3A_213] : memref<10000x16xf32, #tpu.memory_space<vmem_shared>> -> memref<113x16xf32, #tpu.memory_space<vmem_shared>>
      %dma_wait3A_215 = arith.constant 0 : i32
      %dma_wait3A_216 = tpu.memref_slice %arg20[%add3A_46, %dma_wait3A_215] : memref<10000x16xf32, #tpu.memory_space<vmem_shared>> -> memref<113x16xf32, #tpu.memory_space<vmem_shared>>
      %dma_wait3A_217 = arith.constant 0 : i32
      %dma_wait3A_218 = arith.constant 0 : i32
      %dma_wait3A_219 = tpu.memref_slice %arg14[%dma_wait3A_217, %dma_wait3A_218] : memref<128x16xf32, #tpu.memory_space<vmem>> -> memref<113x16xf32, #tpu.memory_space<vmem>>
      tpu.wait_dma2 semaphore(%run_scoped3A_199 : memref<!tpu.dma_semaphore, #tpu.memory_space<semaphore_mem>>) src(%dma_wait3A_219 : memref<113x16xf32, #tpu.memory_space<vmem>>) dst(%dma_wait3A_216 : memref<113x16xf32, #tpu.memory_space<vmem_shared>>)
      tpu.yield
    }) : () -> ()
    %mul3A_47 = arith.constant 10000 : i32
    %mul3A_48 = arith.muli %add3A, %mul3A_47 : i32
    %run_scoped3A = arith.constant 0 : i32
    "tpu.region"() ({
      %run_scoped3A_199 = tpu.sem_alloc : memref<!tpu.dma_semaphore, #tpu.memory_space<semaphore_mem>>
      %dma_start3A_200 = tpu.memref_slice %arg4[%run_scoped3A, %mul3A_48] : memref<2x320000xi32, #tpu.memory_space<hbm>> -> memref<1x10000xi32, #tpu.memory_space<hbm>>
      %dma_start3A_201 = tpu.memref_squeeze %dma_start3A_200 : memref<1x10000xi32, #tpu.memory_space<hbm>> -> memref<10000xi32, #tpu.memory_space<hbm>>
      %dma_start3A_202 = tpu.memref_slice %arg4[%run_scoped3A, %mul3A_48] : memref<2x320000xi32, #tpu.memory_space<hbm>> -> memref<1x10000xi32, #tpu.memory_space<hbm>>
      %dma_start3A_203 = tpu.memref_squeeze %dma_start3A_202 : memref<1x10000xi32, #tpu.memory_space<hbm>> -> memref<10000xi32, #tpu.memory_space<hbm>>
      tpu.enqueue_dma source(%dma_start3A_203 : memref<10000xi32, #tpu.memory_space<hbm>>) target(%arg7 : memref<10000xi32, #tpu.memory_space<vmem>>) target_semaphore(%run_scoped3A_199 : memref<!tpu.dma_semaphore, #tpu.memory_space<semaphore_mem>>)
      %dma_wait3A_204 = tpu.memref_slice %arg4[%run_scoped3A, %mul3A_48] : memref<2x320000xi32, #tpu.memory_space<hbm>> -> memref<1x10000xi32, #tpu.memory_space<hbm>>
      %dma_wait3A_205 = tpu.memref_squeeze %dma_wait3A_204 : memref<1x10000xi32, #tpu.memory_space<hbm>> -> memref<10000xi32, #tpu.memory_space<hbm>>
      %dma_wait3A_206 = tpu.memref_slice %arg4[%run_scoped3A, %mul3A_48] : memref<2x320000xi32, #tpu.memory_space<hbm>> -> memref<1x10000xi32, #tpu.memory_space<hbm>>
      %dma_wait3A_207 = tpu.memref_squeeze %dma_wait3A_206 : memref<1x10000xi32, #tpu.memory_space<hbm>> -> memref<10000xi32, #tpu.memory_space<hbm>>
      tpu.wait_dma2 semaphore(%run_scoped3A_199 : memref<!tpu.dma_semaphore, #tpu.memory_space<semaphore_mem>>) src(%dma_wait3A_207 : memref<10000xi32, #tpu.memory_space<hbm>>) dst(%arg7 : memref<10000xi32, #tpu.memory_space<vmem>>)
      tpu.yield
    }) : () -> ()
    %mul3A_49 = arith.constant 10000 : i32
    %mul3A_50 = arith.muli %add3A, %mul3A_49 : i32
    %run_scoped3A_51 = arith.constant 1 : i32
    "tpu.region"() ({
      %run_scoped3A_199 = tpu.sem_alloc : memref<!tpu.dma_semaphore, #tpu.memory_space<semaphore_mem>>
      %dma_start3A_200 = tpu.memref_slice %arg4[%run_scoped3A_51, %mul3A_50] : memref<2x320000xi32, #tpu.memory_space<hbm>> -> memref<1x10000xi32, #tpu.memory_space<hbm>>
      %dma_start3A_201 = tpu.memref_squeeze %dma_start3A_200 : memref<1x10000xi32, #tpu.memory_space<hbm>> -> memref<10000xi32, #tpu.memory_space<hbm>>
      %dma_start3A_202 = tpu.memref_slice %arg4[%run_scoped3A_51, %mul3A_50] : memref<2x320000xi32, #tpu.memory_space<hbm>> -> memref<1x10000xi32, #tpu.memory_space<hbm>>
      %dma_start3A_203 = tpu.memref_squeeze %dma_start3A_202 : memref<1x10000xi32, #tpu.memory_space<hbm>> -> memref<10000xi32, #tpu.memory_space<hbm>>
      tpu.enqueue_dma source(%dma_start3A_203 : memref<10000xi32, #tpu.memory_space<hbm>>) target(%arg8 : memref<10000xi32, #tpu.memory_space<vmem>>) target_semaphore(%run_scoped3A_199 : memref<!tpu.dma_semaphore, #tpu.memory_space<semaphore_mem>>)
      %dma_wait3A_204 = tpu.memref_slice %arg4[%run_scoped3A_51, %mul3A_50] : memref<2x320000xi32, #tpu.memory_space<hbm>> -> memref<1x10000xi32, #tpu.memory_space<hbm>>
      %dma_wait3A_205 = tpu.memref_squeeze %dma_wait3A_204 : memref<1x10000xi32, #tpu.memory_space<hbm>> -> memref<10000xi32, #tpu.memory_space<hbm>>
      %dma_wait3A_206 = tpu.memref_slice %arg4[%run_scoped3A_51, %mul3A_50] : memref<2x320000xi32, #tpu.memory_space<hbm>> -> memref<1x10000xi32, #tpu.memory_space<hbm>>
      %dma_wait3A_207 = tpu.memref_squeeze %dma_wait3A_206 : memref<1x10000xi32, #tpu.memory_space<hbm>> -> memref<10000xi32, #tpu.memory_space<hbm>>
      tpu.wait_dma2 semaphore(%run_scoped3A_199 : memref<!tpu.dma_semaphore, #tpu.memory_space<semaphore_mem>>) src(%dma_wait3A_207 : memref<10000xi32, #tpu.memory_space<hbm>>) dst(%arg8 : memref<10000xi32, #tpu.memory_space<vmem>>)
      tpu.yield
    }) : () -> ()
    %barrier3A = arith.constant 0 : index
    tpu.barrier barrier_id(%barrier3A)
    %scan3A_52 = arith.constant 0 : i32
    %scan3A_53 = arith.constant 0 : i32
    %scan3A_54 = arith.constant 15 : i32
    %scan3A_55 = arith.addi %scan3A_53, %scan3A_54 : i32
    %scan3A_56 = arith.constant 1 : i32
    scf.for %scan3A_199 = %scan3A_53 to %scan3A_55 step %scan3A_56  : i32 {
      %mul3A_200 = arith.constant 5 : i32
      %mul3A_201 = arith.muli %scan3A_199, %mul3A_200 : i32
      %add3A_202 = arith.constant 0 : i32
      %add3A_203 = arith.addi %mul3A_201, %add3A_202 : i32
      %mul3A_204 = arith.constant 128 : i32
      %mul3A_205 = arith.muli %add3A_203, %mul3A_204 : i32
      %dma_start3A_206 = arith.constant 0 : i32
      %dma_start3A_207 = arith.constant 0 : i32
      %dma_start3A_208 = tpu.memref_slice %arg9[%dma_start3A_206, %dma_start3A_207] : memref<128x64xf32, #tpu.memory_space<vmem>> -> memref<128x64xf32, #tpu.memory_space<vmem>>
      %dma_start3A_209 = tpu.memref_slice %arg7[%mul3A_205] : memref<10000xi32, #tpu.memory_space<vmem>> -> memref<128xi32, #tpu.memory_space<vmem>>
      %dma_start3A_210 = arith.constant 0 : i32
      %dma_start3A_211 = arith.constant 0 : i32
      %dma_start3A_212 = tpu.memref_slice %arg2[%dma_start3A_210, %dma_start3A_211] : memref<10000x64xf32, #tpu.memory_space<hbm>> -> memref<10000x64xf32, #tpu.memory_space<hbm>>
      tpu.enqueue_indirect_dma source(%dma_start3A_212 : memref<10000x64xf32, #tpu.memory_space<hbm>>) target(%dma_start3A_208 : memref<128x64xf32, #tpu.memory_space<vmem>>) offsets(%dma_start3A_209 : memref<128xi32, #tpu.memory_space<vmem>>) semaphore(%arg21 : memref<!tpu.dma_semaphore, #tpu.memory_space<semaphore_mem>>)
      %add3A_213 = arith.constant 1 : i32
      %add3A_214 = arith.addi %mul3A_201, %add3A_213 : i32
      %mul3A_215 = arith.constant 128 : i32
      %mul3A_216 = arith.muli %add3A_214, %mul3A_215 : i32
      %dma_start3A_217 = arith.constant 0 : i32
      %dma_start3A_218 = arith.constant 0 : i32
      %dma_start3A_219 = tpu.memref_slice %arg10[%dma_start3A_217, %dma_start3A_218] : memref<128x64xf32, #tpu.memory_space<vmem>> -> memref<128x64xf32, #tpu.memory_space<vmem>>
      %dma_start3A_220 = tpu.memref_slice %arg7[%mul3A_216] : memref<10000xi32, #tpu.memory_space<vmem>> -> memref<128xi32, #tpu.memory_space<vmem>>
      %dma_start3A_221 = arith.constant 0 : i32
      %dma_start3A_222 = arith.constant 0 : i32
      %dma_start3A_223 = tpu.memref_slice %arg2[%dma_start3A_221, %dma_start3A_222] : memref<10000x64xf32, #tpu.memory_space<hbm>> -> memref<10000x64xf32, #tpu.memory_space<hbm>>
      tpu.enqueue_indirect_dma source(%dma_start3A_223 : memref<10000x64xf32, #tpu.memory_space<hbm>>) target(%dma_start3A_219 : memref<128x64xf32, #tpu.memory_space<vmem>>) offsets(%dma_start3A_220 : memref<128xi32, #tpu.memory_space<vmem>>) semaphore(%arg21 : memref<!tpu.dma_semaphore, #tpu.memory_space<semaphore_mem>>)
      %add3A_224 = arith.constant 2 : i32
      %add3A_225 = arith.addi %mul3A_201, %add3A_224 : i32
      %mul3A_226 = arith.constant 128 : i32
      %mul3A_227 = arith.muli %add3A_225, %mul3A_226 : i32
      %dma_start3A_228 = arith.constant 0 : i32
      %dma_start3A_229 = arith.constant 0 : i32
      %dma_start3A_230 = tpu.memref_slice %arg11[%dma_start3A_228, %dma_start3A_229] : memref<128x64xf32, #tpu.memory_space<vmem>> -> memref<128x64xf32, #tpu.memory_space<vmem>>
      %dma_start3A_231 = tpu.memref_slice %arg7[%mul3A_227] : memref<10000xi32, #tpu.memory_space<vmem>> -> memref<128xi32, #tpu.memory_space<vmem>>
      %dma_start3A_232 = arith.constant 0 : i32
      %dma_start3A_233 = arith.constant 0 : i32
      %dma_start3A_234 = tpu.memref_slice %arg2[%dma_start3A_232, %dma_start3A_233] : memref<10000x64xf32, #tpu.memory_space<hbm>> -> memref<10000x64xf32, #tpu.memory_space<hbm>>
      tpu.enqueue_indirect_dma source(%dma_start3A_234 : memref<10000x64xf32, #tpu.memory_space<hbm>>) target(%dma_start3A_230 : memref<128x64xf32, #tpu.memory_space<vmem>>) offsets(%dma_start3A_231 : memref<128xi32, #tpu.memory_space<vmem>>) semaphore(%arg21 : memref<!tpu.dma_semaphore, #tpu.memory_space<semaphore_mem>>)
      %add3A_235 = arith.constant 3 : i32
      %add3A_236 = arith.addi %mul3A_201, %add3A_235 : i32
      %mul3A_237 = arith.constant 128 : i32
      %mul3A_238 = arith.muli %add3A_236, %mul3A_237 : i32
      %dma_start3A_239 = arith.constant 0 : i32
      %dma_start3A_240 = arith.constant 0 : i32
      %dma_start3A_241 = tpu.memref_slice %arg12[%dma_start3A_239, %dma_start3A_240] : memref<128x64xf32, #tpu.memory_space<vmem>> -> memref<128x64xf32, #tpu.memory_space<vmem>>
      %dma_start3A_242 = tpu.memref_slice %arg7[%mul3A_238] : memref<10000xi32, #tpu.memory_space<vmem>> -> memref<128xi32, #tpu.memory_space<vmem>>
      %dma_start3A_243 = arith.constant 0 : i32
      %dma_start3A_244 = arith.constant 0 : i32
      %dma_start3A_245 = tpu.memref_slice %arg2[%dma_start3A_243, %dma_start3A_244] : memref<10000x64xf32, #tpu.memory_space<hbm>> -> memref<10000x64xf32, #tpu.memory_space<hbm>>
      tpu.enqueue_indirect_dma source(%dma_start3A_245 : memref<10000x64xf32, #tpu.memory_space<hbm>>) target(%dma_start3A_241 : memref<128x64xf32, #tpu.memory_space<vmem>>) offsets(%dma_start3A_242 : memref<128xi32, #tpu.memory_space<vmem>>) semaphore(%arg21 : memref<!tpu.dma_semaphore, #tpu.memory_space<semaphore_mem>>)
      %add3A_246 = arith.constant 4 : i32
      %add3A_247 = arith.addi %mul3A_201, %add3A_246 : i32
      %mul3A_248 = arith.constant 128 : i32
      %mul3A_249 = arith.muli %add3A_247, %mul3A_248 : i32
      %dma_start3A_250 = arith.constant 0 : i32
      %dma_start3A_251 = arith.constant 0 : i32
      %dma_start3A_252 = tpu.memref_slice %arg13[%dma_start3A_250, %dma_start3A_251] : memref<128x64xf32, #tpu.memory_space<vmem>> -> memref<128x64xf32, #tpu.memory_space<vmem>>
      %dma_start3A_253 = tpu.memref_slice %arg7[%mul3A_249] : memref<10000xi32, #tpu.memory_space<vmem>> -> memref<128xi32, #tpu.memory_space<vmem>>
      %dma_start3A_254 = arith.constant 0 : i32
      %dma_start3A_255 = arith.constant 0 : i32
      %dma_start3A_256 = tpu.memref_slice %arg2[%dma_start3A_254, %dma_start3A_255] : memref<10000x64xf32, #tpu.memory_space<hbm>> -> memref<10000x64xf32, #tpu.memory_space<hbm>>
      tpu.enqueue_indirect_dma source(%dma_start3A_256 : memref<10000x64xf32, #tpu.memory_space<hbm>>) target(%dma_start3A_252 : memref<128x64xf32, #tpu.memory_space<vmem>>) offsets(%dma_start3A_253 : memref<128xi32, #tpu.memory_space<vmem>>) semaphore(%arg21 : memref<!tpu.dma_semaphore, #tpu.memory_space<semaphore_mem>>)
      %add3A_257 = arith.constant 0 : i32
      %add3A_258 = arith.addi %mul3A_201, %add3A_257 : i32
      %mul3A_259 = arith.constant 128 : i32
      %mul3A_260 = arith.muli %add3A_258, %mul3A_259 : i32
      %dma_start3A_261 = arith.constant 0 : i32
      %dma_start3A_262 = arith.constant 0 : i32
      %dma_start3A_263 = tpu.memref_slice %arg14[%dma_start3A_261, %dma_start3A_262] : memref<128x16xf32, #tpu.memory_space<vmem>> -> memref<128x16xf32, #tpu.memory_space<vmem>>
      %dma_start3A_264 = tpu.memref_slice %arg8[%mul3A_260] : memref<10000xi32, #tpu.memory_space<vmem>> -> memref<128xi32, #tpu.memory_space<vmem>>
      %dma_start3A_265 = arith.constant 0 : i32
      %dma_start3A_266 = arith.constant 0 : i32
      %dma_start3A_267 = tpu.memref_slice %arg3[%dma_start3A_265, %dma_start3A_266] : memref<10000x16xf32, #tpu.memory_space<hbm>> -> memref<10000x16xf32, #tpu.memory_space<hbm>>
      tpu.enqueue_indirect_dma source(%dma_start3A_267 : memref<10000x16xf32, #tpu.memory_space<hbm>>) target(%dma_start3A_263 : memref<128x16xf32, #tpu.memory_space<vmem>>) offsets(%dma_start3A_264 : memref<128xi32, #tpu.memory_space<vmem>>) semaphore(%arg22 : memref<!tpu.dma_semaphore, #tpu.memory_space<semaphore_mem>>)
      %add3A_268 = arith.constant 1 : i32
      %add3A_269 = arith.addi %mul3A_201, %add3A_268 : i32
      %mul3A_270 = arith.constant 128 : i32
      %mul3A_271 = arith.muli %add3A_269, %mul3A_270 : i32
      %dma_start3A_272 = arith.constant 0 : i32
      %dma_start3A_273 = arith.constant 0 : i32
      %dma_start3A_274 = tpu.memref_slice %arg15[%dma_start3A_272, %dma_start3A_273] : memref<128x16xf32, #tpu.memory_space<vmem>> -> memref<128x16xf32, #tpu.memory_space<vmem>>
      %dma_start3A_275 = tpu.memref_slice %arg8[%mul3A_271] : memref<10000xi32, #tpu.memory_space<vmem>> -> memref<128xi32, #tpu.memory_space<vmem>>
      %dma_start3A_276 = arith.constant 0 : i32
      %dma_start3A_277 = arith.constant 0 : i32
      %dma_start3A_278 = tpu.memref_slice %arg3[%dma_start3A_276, %dma_start3A_277] : memref<10000x16xf32, #tpu.memory_space<hbm>> -> memref<10000x16xf32, #tpu.memory_space<hbm>>
      tpu.enqueue_indirect_dma source(%dma_start3A_278 : memref<10000x16xf32, #tpu.memory_space<hbm>>) target(%dma_start3A_274 : memref<128x16xf32, #tpu.memory_space<vmem>>) offsets(%dma_start3A_275 : memref<128xi32, #tpu.memory_space<vmem>>) semaphore(%arg22 : memref<!tpu.dma_semaphore, #tpu.memory_space<semaphore_mem>>)
      %add3A_279 = arith.constant 2 : i32
      %add3A_280 = arith.addi %mul3A_201, %add3A_279 : i32
      %mul3A_281 = arith.constant 128 : i32
      %mul3A_282 = arith.muli %add3A_280, %mul3A_281 : i32
      %dma_start3A_283 = arith.constant 0 : i32
      %dma_start3A_284 = arith.constant 0 : i32
      %dma_start3A_285 = tpu.memref_slice %arg16[%dma_start3A_283, %dma_start3A_284] : memref<128x16xf32, #tpu.memory_space<vmem>> -> memref<128x16xf32, #tpu.memory_space<vmem>>
      %dma_start3A_286 = tpu.memref_slice %arg8[%mul3A_282] : memref<10000xi32, #tpu.memory_space<vmem>> -> memref<128xi32, #tpu.memory_space<vmem>>
      %dma_start3A_287 = arith.constant 0 : i32
      %dma_start3A_288 = arith.constant 0 : i32
      %dma_start3A_289 = tpu.memref_slice %arg3[%dma_start3A_287, %dma_start3A_288] : memref<10000x16xf32, #tpu.memory_space<hbm>> -> memref<10000x16xf32, #tpu.memory_space<hbm>>
      tpu.enqueue_indirect_dma source(%dma_start3A_289 : memref<10000x16xf32, #tpu.memory_space<hbm>>) target(%dma_start3A_285 : memref<128x16xf32, #tpu.memory_space<vmem>>) offsets(%dma_start3A_286 : memref<128xi32, #tpu.memory_space<vmem>>) semaphore(%arg22 : memref<!tpu.dma_semaphore, #tpu.memory_space<semaphore_mem>>)
      %add3A_290 = arith.constant 3 : i32
      %add3A_291 = arith.addi %mul3A_201, %add3A_290 : i32
      %mul3A_292 = arith.constant 128 : i32
      %mul3A_293 = arith.muli %add3A_291, %mul3A_292 : i32
      %dma_start3A_294 = arith.constant 0 : i32
      %dma_start3A_295 = arith.constant 0 : i32
      %dma_start3A_296 = tpu.memref_slice %arg17[%dma_start3A_294, %dma_start3A_295] : memref<128x16xf32, #tpu.memory_space<vmem>> -> memref<128x16xf32, #tpu.memory_space<vmem>>
      %dma_start3A_297 = tpu.memref_slice %arg8[%mul3A_293] : memref<10000xi32, #tpu.memory_space<vmem>> -> memref<128xi32, #tpu.memory_space<vmem>>
      %dma_start3A_298 = arith.constant 0 : i32
      %dma_start3A_299 = arith.constant 0 : i32
      %dma_start3A_300 = tpu.memref_slice %arg3[%dma_start3A_298, %dma_start3A_299] : memref<10000x16xf32, #tpu.memory_space<hbm>> -> memref<10000x16xf32, #tpu.memory_space<hbm>>
      tpu.enqueue_indirect_dma source(%dma_start3A_300 : memref<10000x16xf32, #tpu.memory_space<hbm>>) target(%dma_start3A_296 : memref<128x16xf32, #tpu.memory_space<vmem>>) offsets(%dma_start3A_297 : memref<128xi32, #tpu.memory_space<vmem>>) semaphore(%arg22 : memref<!tpu.dma_semaphore, #tpu.memory_space<semaphore_mem>>)
      %add3A_301 = arith.constant 4 : i32
      %add3A_302 = arith.addi %mul3A_201, %add3A_301 : i32
      %mul3A_303 = arith.constant 128 : i32
      %mul3A_304 = arith.muli %add3A_302, %mul3A_303 : i32
      %dma_start3A_305 = arith.constant 0 : i32
      %dma_start3A_306 = arith.constant 0 : i32
      %dma_start3A_307 = tpu.memref_slice %arg18[%dma_start3A_305, %dma_start3A_306] : memref<128x16xf32, #tpu.memory_space<vmem>> -> memref<128x16xf32, #tpu.memory_space<vmem>>
      %dma_start3A_308 = tpu.memref_slice %arg8[%mul3A_304] : memref<10000xi32, #tpu.memory_space<vmem>> -> memref<128xi32, #tpu.memory_space<vmem>>
      %dma_start3A_309 = arith.constant 0 : i32
      %dma_start3A_310 = arith.constant 0 : i32
      %dma_start3A_311 = tpu.memref_slice %arg3[%dma_start3A_309, %dma_start3A_310] : memref<10000x16xf32, #tpu.memory_space<hbm>> -> memref<10000x16xf32, #tpu.memory_space<hbm>>
      tpu.enqueue_indirect_dma source(%dma_start3A_311 : memref<10000x16xf32, #tpu.memory_space<hbm>>) target(%dma_start3A_307 : memref<128x16xf32, #tpu.memory_space<vmem>>) offsets(%dma_start3A_308 : memref<128xi32, #tpu.memory_space<vmem>>) semaphore(%arg22 : memref<!tpu.dma_semaphore, #tpu.memory_space<semaphore_mem>>)
      %dma_wait3A_312 = arith.constant 0 : i32
      %dma_wait3A_313 = arith.constant 0 : i32
      %dma_wait3A_314 = tpu.memref_slice %arg9[%dma_wait3A_312, %dma_wait3A_313] : memref<128x64xf32, #tpu.memory_space<vmem>> -> memref<128x64xf32, #tpu.memory_space<vmem>>
      %dma_wait3A_315 = tpu.memref_slice %arg7[%mul3A_205] : memref<10000xi32, #tpu.memory_space<vmem>> -> memref<128xi32, #tpu.memory_space<vmem>>
      %dma_wait3A_316 = arith.constant 0 : i32
      %dma_wait3A_317 = arith.constant 0 : i32
      %dma_wait3A_318 = tpu.memref_slice %arg2[%dma_wait3A_316, %dma_wait3A_317] : memref<10000x64xf32, #tpu.memory_space<hbm>> -> memref<10000x64xf32, #tpu.memory_space<hbm>>
      tpu.wait_indirect_dma semaphore(%arg21 : memref<!tpu.dma_semaphore, #tpu.memory_space<semaphore_mem>>) src(%dma_wait3A_318 : memref<10000x64xf32, #tpu.memory_space<hbm>>) dst(%dma_wait3A_314 : memref<128x64xf32, #tpu.memory_space<vmem>>)
      %add3A_319 = arith.constant 0 : i32
      %add3A_320 = arith.addi %mul3A_201, %add3A_319 : i32
      %mul3A_321 = arith.constant 128 : i32
      %mul3A_322 = arith.muli %add3A_320, %mul3A_321 : i32
      "tpu.region"() ({
        %run_scoped3A_422 = tpu.sem_alloc : memref<!tpu.dma_semaphore, #tpu.memory_space<semaphore_mem>>
        %dma_start3A_423 = arith.constant 0 : i32
        %dma_start3A_424 = arith.constant 0 : i32
        %dma_start3A_425 = tpu.memref_slice %arg9[%dma_start3A_423, %dma_start3A_424] : memref<128x64xf32, #tpu.memory_space<vmem>> -> memref<128x64xf32, #tpu.memory_space<vmem>>
        %dma_start3A_426 = tpu.memref_slice %arg8[%mul3A_322] : memref<10000xi32, #tpu.memory_space<vmem>> -> memref<128xi32, #tpu.memory_space<vmem>>
        %dma_start3A_427 = arith.constant 0 : i32
        %dma_start3A_428 = arith.constant 0 : i32
        %dma_start3A_429 = tpu.memref_slice %arg19[%dma_start3A_427, %dma_start3A_428] : memref<10000x64xf32, #tpu.memory_space<vmem_shared>> -> memref<10000x64xf32, #tpu.memory_space<vmem_shared>>
        tpu.enqueue_indirect_dma source(%dma_start3A_425 : memref<128x64xf32, #tpu.memory_space<vmem>>) target(%dma_start3A_429 : memref<10000x64xf32, #tpu.memory_space<vmem_shared>>) offsets(%dma_start3A_426 : memref<128xi32, #tpu.memory_space<vmem>>) semaphore(%run_scoped3A_422 : memref<!tpu.dma_semaphore, #tpu.memory_space<semaphore_mem>>) {add = true}
        %dma_wait3A_430 = arith.constant 0 : i32
        %dma_wait3A_431 = arith.constant 0 : i32
        %dma_wait3A_432 = tpu.memref_slice %arg9[%dma_wait3A_430, %dma_wait3A_431] : memref<128x64xf32, #tpu.memory_space<vmem>> -> memref<128x64xf32, #tpu.memory_space<vmem>>
        %dma_wait3A_433 = tpu.memref_slice %arg8[%mul3A_322] : memref<10000xi32, #tpu.memory_space<vmem>> -> memref<128xi32, #tpu.memory_space<vmem>>
        %dma_wait3A_434 = arith.constant 0 : i32
        %dma_wait3A_435 = arith.constant 0 : i32
        %dma_wait3A_436 = tpu.memref_slice %arg19[%dma_wait3A_434, %dma_wait3A_435] : memref<10000x64xf32, #tpu.memory_space<vmem_shared>> -> memref<10000x64xf32, #tpu.memory_space<vmem_shared>>
        tpu.wait_indirect_dma semaphore(%run_scoped3A_422 : memref<!tpu.dma_semaphore, #tpu.memory_space<semaphore_mem>>) src(%dma_wait3A_432 : memref<128x64xf32, #tpu.memory_space<vmem>>) dst(%dma_wait3A_436 : memref<10000x64xf32, #tpu.memory_space<vmem_shared>>)
        tpu.yield
      }) : () -> ()
      %dma_wait3A_323 = arith.constant 0 : i32
      %dma_wait3A_324 = arith.constant 0 : i32
      %dma_wait3A_325 = tpu.memref_slice %arg14[%dma_wait3A_323, %dma_wait3A_324] : memref<128x16xf32, #tpu.memory_space<vmem>> -> memref<128x16xf32, #tpu.memory_space<vmem>>
      %dma_wait3A_326 = tpu.memref_slice %arg8[%mul3A_260] : memref<10000xi32, #tpu.memory_space<vmem>> -> memref<128xi32, #tpu.memory_space<vmem>>
      %dma_wait3A_327 = arith.constant 0 : i32
      %dma_wait3A_328 = arith.constant 0 : i32
      %dma_wait3A_329 = tpu.memref_slice %arg3[%dma_wait3A_327, %dma_wait3A_328] : memref<10000x16xf32, #tpu.memory_space<hbm>> -> memref<10000x16xf32, #tpu.memory_space<hbm>>
      tpu.wait_indirect_dma semaphore(%arg22 : memref<!tpu.dma_semaphore, #tpu.memory_space<semaphore_mem>>) src(%dma_wait3A_329 : memref<10000x16xf32, #tpu.memory_space<hbm>>) dst(%dma_wait3A_325 : memref<128x16xf32, #tpu.memory_space<vmem>>)
      %add3A_330 = arith.constant 0 : i32
      %add3A_331 = arith.addi %mul3A_201, %add3A_330 : i32
      %mul3A_332 = arith.constant 128 : i32
      %mul3A_333 = arith.muli %add3A_331, %mul3A_332 : i32
      "tpu.region"() ({
        %run_scoped3A_422 = tpu.sem_alloc : memref<!tpu.dma_semaphore, #tpu.memory_space<semaphore_mem>>
        %dma_start3A_423 = arith.constant 0 : i32
        %dma_start3A_424 = arith.constant 0 : i32
        %dma_start3A_425 = tpu.memref_slice %arg14[%dma_start3A_423, %dma_start3A_424] : memref<128x16xf32, #tpu.memory_space<vmem>> -> memref<128x16xf32, #tpu.memory_space<vmem>>
        %dma_start3A_426 = tpu.memref_slice %arg7[%mul3A_333] : memref<10000xi32, #tpu.memory_space<vmem>> -> memref<128xi32, #tpu.memory_space<vmem>>
        %dma_start3A_427 = arith.constant 0 : i32
        %dma_start3A_428 = arith.constant 0 : i32
        %dma_start3A_429 = tpu.memref_slice %arg20[%dma_start3A_427, %dma_start3A_428] : memref<10000x16xf32, #tpu.memory_space<vmem_shared>> -> memref<10000x16xf32, #tpu.memory_space<vmem_shared>>
        tpu.enqueue_indirect_dma source(%dma_start3A_425 : memref<128x16xf32, #tpu.memory_space<vmem>>) target(%dma_start3A_429 : memref<10000x16xf32, #tpu.memory_space<vmem_shared>>) offsets(%dma_start3A_426 : memref<128xi32, #tpu.memory_space<vmem>>) semaphore(%run_scoped3A_422 : memref<!tpu.dma_semaphore, #tpu.memory_space<semaphore_mem>>) {add = true}
        %dma_wait3A_430 = arith.constant 0 : i32
        %dma_wait3A_431 = arith.constant 0 : i32
        %dma_wait3A_432 = tpu.memref_slice %arg14[%dma_wait3A_430, %dma_wait3A_431] : memref<128x16xf32, #tpu.memory_space<vmem>> -> memref<128x16xf32, #tpu.memory_space<vmem>>
        %dma_wait3A_433 = tpu.memref_slice %arg7[%mul3A_333] : memref<10000xi32, #tpu.memory_space<vmem>> -> memref<128xi32, #tpu.memory_space<vmem>>
        %dma_wait3A_434 = arith.constant 0 : i32
        %dma_wait3A_435 = arith.constant 0 : i32
        %dma_wait3A_436 = tpu.memref_slice %arg20[%dma_wait3A_434, %dma_wait3A_435] : memref<10000x16xf32, #tpu.memory_space<vmem_shared>> -> memref<10000x16xf32, #tpu.memory_space<vmem_shared>>
        tpu.wait_indirect_dma semaphore(%run_scoped3A_422 : memref<!tpu.dma_semaphore, #tpu.memory_space<semaphore_mem>>) src(%dma_wait3A_432 : memref<128x16xf32, #tpu.memory_space<vmem>>) dst(%dma_wait3A_436 : memref<10000x16xf32, #tpu.memory_space<vmem_shared>>)
        tpu.yield
      }) : () -> ()
      %dma_wait3A_334 = arith.constant 0 : i32
      %dma_wait3A_335 = arith.constant 0 : i32
      %dma_wait3A_336 = tpu.memref_slice %arg10[%dma_wait3A_334, %dma_wait3A_335] : memref<128x64xf32, #tpu.memory_space<vmem>> -> memref<128x64xf32, #tpu.memory_space<vmem>>
      %dma_wait3A_337 = tpu.memref_slice %arg7[%mul3A_216] : memref<10000xi32, #tpu.memory_space<vmem>> -> memref<128xi32, #tpu.memory_space<vmem>>
      %dma_wait3A_338 = arith.constant 0 : i32
      %dma_wait3A_339 = arith.constant 0 : i32
      %dma_wait3A_340 = tpu.memref_slice %arg2[%dma_wait3A_338, %dma_wait3A_339] : memref<10000x64xf32, #tpu.memory_space<hbm>> -> memref<10000x64xf32, #tpu.memory_space<hbm>>
      tpu.wait_indirect_dma semaphore(%arg21 : memref<!tpu.dma_semaphore, #tpu.memory_space<semaphore_mem>>) src(%dma_wait3A_340 : memref<10000x64xf32, #tpu.memory_space<hbm>>) dst(%dma_wait3A_336 : memref<128x64xf32, #tpu.memory_space<vmem>>)
      %add3A_341 = arith.constant 1 : i32
      %add3A_342 = arith.addi %mul3A_201, %add3A_341 : i32
      %mul3A_343 = arith.constant 128 : i32
      %mul3A_344 = arith.muli %add3A_342, %mul3A_343 : i32
      "tpu.region"() ({
        %run_scoped3A_422 = tpu.sem_alloc : memref<!tpu.dma_semaphore, #tpu.memory_space<semaphore_mem>>
        %dma_start3A_423 = arith.constant 0 : i32
        %dma_start3A_424 = arith.constant 0 : i32
        %dma_start3A_425 = tpu.memref_slice %arg10[%dma_start3A_423, %dma_start3A_424] : memref<128x64xf32, #tpu.memory_space<vmem>> -> memref<128x64xf32, #tpu.memory_space<vmem>>
        %dma_start3A_426 = tpu.memref_slice %arg8[%mul3A_344] : memref<10000xi32, #tpu.memory_space<vmem>> -> memref<128xi32, #tpu.memory_space<vmem>>
        %dma_start3A_427 = arith.constant 0 : i32
        %dma_start3A_428 = arith.constant 0 : i32
        %dma_start3A_429 = tpu.memref_slice %arg19[%dma_start3A_427, %dma_start3A_428] : memref<10000x64xf32, #tpu.memory_space<vmem_shared>> -> memref<10000x64xf32, #tpu.memory_space<vmem_shared>>
        tpu.enqueue_indirect_dma source(%dma_start3A_425 : memref<128x64xf32, #tpu.memory_space<vmem>>) target(%dma_start3A_429 : memref<10000x64xf32, #tpu.memory_space<vmem_shared>>) offsets(%dma_start3A_426 : memref<128xi32, #tpu.memory_space<vmem>>) semaphore(%run_scoped3A_422 : memref<!tpu.dma_semaphore, #tpu.memory_space<semaphore_mem>>) {add = true}
        %dma_wait3A_430 = arith.constant 0 : i32
        %dma_wait3A_431 = arith.constant 0 : i32
        %dma_wait3A_432 = tpu.memref_slice %arg10[%dma_wait3A_430, %dma_wait3A_431] : memref<128x64xf32, #tpu.memory_space<vmem>> -> memref<128x64xf32, #tpu.memory_space<vmem>>
        %dma_wait3A_433 = tpu.memref_slice %arg8[%mul3A_344] : memref<10000xi32, #tpu.memory_space<vmem>> -> memref<128xi32, #tpu.memory_space<vmem>>
        %dma_wait3A_434 = arith.constant 0 : i32
        %dma_wait3A_435 = arith.constant 0 : i32
        %dma_wait3A_436 = tpu.memref_slice %arg19[%dma_wait3A_434, %dma_wait3A_435] : memref<10000x64xf32, #tpu.memory_space<vmem_shared>> -> memref<10000x64xf32, #tpu.memory_space<vmem_shared>>
        tpu.wait_indirect_dma semaphore(%run_scoped3A_422 : memref<!tpu.dma_semaphore, #tpu.memory_space<semaphore_mem>>) src(%dma_wait3A_432 : memref<128x64xf32, #tpu.memory_space<vmem>>) dst(%dma_wait3A_436 : memref<10000x64xf32, #tpu.memory_space<vmem_shared>>)
        tpu.yield
      }) : () -> ()
      %dma_wait3A_345 = arith.constant 0 : i32
      %dma_wait3A_346 = arith.constant 0 : i32
      %dma_wait3A_347 = tpu.memref_slice %arg15[%dma_wait3A_345, %dma_wait3A_346] : memref<128x16xf32, #tpu.memory_space<vmem>> -> memref<128x16xf32, #tpu.memory_space<vmem>>
      %dma_wait3A_348 = tpu.memref_slice %arg8[%mul3A_271] : memref<10000xi32, #tpu.memory_space<vmem>> -> memref<128xi32, #tpu.memory_space<vmem>>
      %dma_wait3A_349 = arith.constant 0 : i32
      %dma_wait3A_350 = arith.constant 0 : i32
      %dma_wait3A_351 = tpu.memref_slice %arg3[%dma_wait3A_349, %dma_wait3A_350] : memref<10000x16xf32, #tpu.memory_space<hbm>> -> memref<10000x16xf32, #tpu.memory_space<hbm>>
      tpu.wait_indirect_dma semaphore(%arg22 : memref<!tpu.dma_semaphore, #tpu.memory_space<semaphore_mem>>) src(%dma_wait3A_351 : memref<10000x16xf32, #tpu.memory_space<hbm>>) dst(%dma_wait3A_347 : memref<128x16xf32, #tpu.memory_space<vmem>>)
      %add3A_352 = arith.constant 1 : i32
      %add3A_353 = arith.addi %mul3A_201, %add3A_352 : i32
      %mul3A_354 = arith.constant 128 : i32
      %mul3A_355 = arith.muli %add3A_353, %mul3A_354 : i32
      "tpu.region"() ({
        %run_scoped3A_422 = tpu.sem_alloc : memref<!tpu.dma_semaphore, #tpu.memory_space<semaphore_mem>>
        %dma_start3A_423 = arith.constant 0 : i32
        %dma_start3A_424 = arith.constant 0 : i32
        %dma_start3A_425 = tpu.memref_slice %arg15[%dma_start3A_423, %dma_start3A_424] : memref<128x16xf32, #tpu.memory_space<vmem>> -> memref<128x16xf32, #tpu.memory_space<vmem>>
        %dma_start3A_426 = tpu.memref_slice %arg7[%mul3A_355] : memref<10000xi32, #tpu.memory_space<vmem>> -> memref<128xi32, #tpu.memory_space<vmem>>
        %dma_start3A_427 = arith.constant 0 : i32
        %dma_start3A_428 = arith.constant 0 : i32
        %dma_start3A_429 = tpu.memref_slice %arg20[%dma_start3A_427, %dma_start3A_428] : memref<10000x16xf32, #tpu.memory_space<vmem_shared>> -> memref<10000x16xf32, #tpu.memory_space<vmem_shared>>
        tpu.enqueue_indirect_dma source(%dma_start3A_425 : memref<128x16xf32, #tpu.memory_space<vmem>>) target(%dma_start3A_429 : memref<10000x16xf32, #tpu.memory_space<vmem_shared>>) offsets(%dma_start3A_426 : memref<128xi32, #tpu.memory_space<vmem>>) semaphore(%run_scoped3A_422 : memref<!tpu.dma_semaphore, #tpu.memory_space<semaphore_mem>>) {add = true}
        %dma_wait3A_430 = arith.constant 0 : i32
        %dma_wait3A_431 = arith.constant 0 : i32
        %dma_wait3A_432 = tpu.memref_slice %arg15[%dma_wait3A_430, %dma_wait3A_431] : memref<128x16xf32, #tpu.memory_space<vmem>> -> memref<128x16xf32, #tpu.memory_space<vmem>>
        %dma_wait3A_433 = tpu.memref_slice %arg7[%mul3A_355] : memref<10000xi32, #tpu.memory_space<vmem>> -> memref<128xi32, #tpu.memory_space<vmem>>
        %dma_wait3A_434 = arith.constant 0 : i32
        %dma_wait3A_435 = arith.constant 0 : i32
        %dma_wait3A_436 = tpu.memref_slice %arg20[%dma_wait3A_434, %dma_wait3A_435] : memref<10000x16xf32, #tpu.memory_space<vmem_shared>> -> memref<10000x16xf32, #tpu.memory_space<vmem_shared>>
        tpu.wait_indirect_dma semaphore(%run_scoped3A_422 : memref<!tpu.dma_semaphore, #tpu.memory_space<semaphore_mem>>) src(%dma_wait3A_432 : memref<128x16xf32, #tpu.memory_space<vmem>>) dst(%dma_wait3A_436 : memref<10000x16xf32, #tpu.memory_space<vmem_shared>>)
        tpu.yield
      }) : () -> ()
      %dma_wait3A_356 = arith.constant 0 : i32
      %dma_wait3A_357 = arith.constant 0 : i32
      %dma_wait3A_358 = tpu.memref_slice %arg11[%dma_wait3A_356, %dma_wait3A_357] : memref<128x64xf32, #tpu.memory_space<vmem>> -> memref<128x64xf32, #tpu.memory_space<vmem>>
      %dma_wait3A_359 = tpu.memref_slice %arg7[%mul3A_227] : memref<10000xi32, #tpu.memory_space<vmem>> -> memref<128xi32, #tpu.memory_space<vmem>>
      %dma_wait3A_360 = arith.constant 0 : i32
      %dma_wait3A_361 = arith.constant 0 : i32
      %dma_wait3A_362 = tpu.memref_slice %arg2[%dma_wait3A_360, %dma_wait3A_361] : memref<10000x64xf32, #tpu.memory_space<hbm>> -> memref<10000x64xf32, #tpu.memory_space<hbm>>
      tpu.wait_indirect_dma semaphore(%arg21 : memref<!tpu.dma_semaphore, #tpu.memory_space<semaphore_mem>>) src(%dma_wait3A_362 : memref<10000x64xf32, #tpu.memory_space<hbm>>) dst(%dma_wait3A_358 : memref<128x64xf32, #tpu.memory_space<vmem>>)
      %add3A_363 = arith.constant 2 : i32
      %add3A_364 = arith.addi %mul3A_201, %add3A_363 : i32
      %mul3A_365 = arith.constant 128 : i32
      %mul3A_366 = arith.muli %add3A_364, %mul3A_365 : i32
      "tpu.region"() ({
        %run_scoped3A_422 = tpu.sem_alloc : memref<!tpu.dma_semaphore, #tpu.memory_space<semaphore_mem>>
        %dma_start3A_423 = arith.constant 0 : i32
        %dma_start3A_424 = arith.constant 0 : i32
        %dma_start3A_425 = tpu.memref_slice %arg11[%dma_start3A_423, %dma_start3A_424] : memref<128x64xf32, #tpu.memory_space<vmem>> -> memref<128x64xf32, #tpu.memory_space<vmem>>
        %dma_start3A_426 = tpu.memref_slice %arg8[%mul3A_366] : memref<10000xi32, #tpu.memory_space<vmem>> -> memref<128xi32, #tpu.memory_space<vmem>>
        %dma_start3A_427 = arith.constant 0 : i32
        %dma_start3A_428 = arith.constant 0 : i32
        %dma_start3A_429 = tpu.memref_slice %arg19[%dma_start3A_427, %dma_start3A_428] : memref<10000x64xf32, #tpu.memory_space<vmem_shared>> -> memref<10000x64xf32, #tpu.memory_space<vmem_shared>>
        tpu.enqueue_indirect_dma source(%dma_start3A_425 : memref<128x64xf32, #tpu.memory_space<vmem>>) target(%dma_start3A_429 : memref<10000x64xf32, #tpu.memory_space<vmem_shared>>) offsets(%dma_start3A_426 : memref<128xi32, #tpu.memory_space<vmem>>) semaphore(%run_scoped3A_422 : memref<!tpu.dma_semaphore, #tpu.memory_space<semaphore_mem>>) {add = true}
        %dma_wait3A_430 = arith.constant 0 : i32
        %dma_wait3A_431 = arith.constant 0 : i32
        %dma_wait3A_432 = tpu.memref_slice %arg11[%dma_wait3A_430, %dma_wait3A_431] : memref<128x64xf32, #tpu.memory_space<vmem>> -> memref<128x64xf32, #tpu.memory_space<vmem>>
        %dma_wait3A_433 = tpu.memref_slice %arg8[%mul3A_366] : memref<10000xi32, #tpu.memory_space<vmem>> -> memref<128xi32, #tpu.memory_space<vmem>>
        %dma_wait3A_434 = arith.constant 0 : i32
        %dma_wait3A_435 = arith.constant 0 : i32
        %dma_wait3A_436 = tpu.memref_slice %arg19[%dma_wait3A_434, %dma_wait3A_435] : memref<10000x64xf32, #tpu.memory_space<vmem_shared>> -> memref<10000x64xf32, #tpu.memory_space<vmem_shared>>
        tpu.wait_indirect_dma semaphore(%run_scoped3A_422 : memref<!tpu.dma_semaphore, #tpu.memory_space<semaphore_mem>>) src(%dma_wait3A_432 : memref<128x64xf32, #tpu.memory_space<vmem>>) dst(%dma_wait3A_436 : memref<10000x64xf32, #tpu.memory_space<vmem_shared>>)
        tpu.yield
      }) : () -> ()
      %dma_wait3A_367 = arith.constant 0 : i32
      %dma_wait3A_368 = arith.constant 0 : i32
      %dma_wait3A_369 = tpu.memref_slice %arg16[%dma_wait3A_367, %dma_wait3A_368] : memref<128x16xf32, #tpu.memory_space<vmem>> -> memref<128x16xf32, #tpu.memory_space<vmem>>
      %dma_wait3A_370 = tpu.memref_slice %arg8[%mul3A_282] : memref<10000xi32, #tpu.memory_space<vmem>> -> memref<128xi32, #tpu.memory_space<vmem>>
      %dma_wait3A_371 = arith.constant 0 : i32
      %dma_wait3A_372 = arith.constant 0 : i32
      %dma_wait3A_373 = tpu.memref_slice %arg3[%dma_wait3A_371, %dma_wait3A_372] : memref<10000x16xf32, #tpu.memory_space<hbm>> -> memref<10000x16xf32, #tpu.memory_space<hbm>>
      tpu.wait_indirect_dma semaphore(%arg22 : memref<!tpu.dma_semaphore, #tpu.memory_space<semaphore_mem>>) src(%dma_wait3A_373 : memref<10000x16xf32, #tpu.memory_space<hbm>>) dst(%dma_wait3A_369 : memref<128x16xf32, #tpu.memory_space<vmem>>)
      %add3A_374 = arith.constant 2 : i32
      %add3A_375 = arith.addi %mul3A_201, %add3A_374 : i32
      %mul3A_376 = arith.constant 128 : i32
      %mul3A_377 = arith.muli %add3A_375, %mul3A_376 : i32
      "tpu.region"() ({
        %run_scoped3A_422 = tpu.sem_alloc : memref<!tpu.dma_semaphore, #tpu.memory_space<semaphore_mem>>
        %dma_start3A_423 = arith.constant 0 : i32
        %dma_start3A_424 = arith.constant 0 : i32
        %dma_start3A_425 = tpu.memref_slice %arg16[%dma_start3A_423, %dma_start3A_424] : memref<128x16xf32, #tpu.memory_space<vmem>> -> memref<128x16xf32, #tpu.memory_space<vmem>>
        %dma_start3A_426 = tpu.memref_slice %arg7[%mul3A_377] : memref<10000xi32, #tpu.memory_space<vmem>> -> memref<128xi32, #tpu.memory_space<vmem>>
        %dma_start3A_427 = arith.constant 0 : i32
        %dma_start3A_428 = arith.constant 0 : i32
        %dma_start3A_429 = tpu.memref_slice %arg20[%dma_start3A_427, %dma_start3A_428] : memref<10000x16xf32, #tpu.memory_space<vmem_shared>> -> memref<10000x16xf32, #tpu.memory_space<vmem_shared>>
        tpu.enqueue_indirect_dma source(%dma_start3A_425 : memref<128x16xf32, #tpu.memory_space<vmem>>) target(%dma_start3A_429 : memref<10000x16xf32, #tpu.memory_space<vmem_shared>>) offsets(%dma_start3A_426 : memref<128xi32, #tpu.memory_space<vmem>>) semaphore(%run_scoped3A_422 : memref<!tpu.dma_semaphore, #tpu.memory_space<semaphore_mem>>) {add = true}
        %dma_wait3A_430 = arith.constant 0 : i32
        %dma_wait3A_431 = arith.constant 0 : i32
        %dma_wait3A_432 = tpu.memref_slice %arg16[%dma_wait3A_430, %dma_wait3A_431] : memref<128x16xf32, #tpu.memory_space<vmem>> -> memref<128x16xf32, #tpu.memory_space<vmem>>
        %dma_wait3A_433 = tpu.memref_slice %arg7[%mul3A_377] : memref<10000xi32, #tpu.memory_space<vmem>> -> memref<128xi32, #tpu.memory_space<vmem>>
        %dma_wait3A_434 = arith.constant 0 : i32
        %dma_wait3A_435 = arith.constant 0 : i32
        %dma_wait3A_436 = tpu.memref_slice %arg20[%dma_wait3A_434, %dma_wait3A_435] : memref<10000x16xf32, #tpu.memory_space<vmem_shared>> -> memref<10000x16xf32, #tpu.memory_space<vmem_shared>>
        tpu.wait_indirect_dma semaphore(%run_scoped3A_422 : memref<!tpu.dma_semaphore, #tpu.memory_space<semaphore_mem>>) src(%dma_wait3A_432 : memref<128x16xf32, #tpu.memory_space<vmem>>) dst(%dma_wait3A_436 : memref<10000x16xf32, #tpu.memory_space<vmem_shared>>)
        tpu.yield
      }) : () -> ()
      %dma_wait3A_378 = arith.constant 0 : i32
      %dma_wait3A_379 = arith.constant 0 : i32
      %dma_wait3A_380 = tpu.memref_slice %arg12[%dma_wait3A_378, %dma_wait3A_379] : memref<128x64xf32, #tpu.memory_space<vmem>> -> memref<128x64xf32, #tpu.memory_space<vmem>>
      %dma_wait3A_381 = tpu.memref_slice %arg7[%mul3A_238] : memref<10000xi32, #tpu.memory_space<vmem>> -> memref<128xi32, #tpu.memory_space<vmem>>
      %dma_wait3A_382 = arith.constant 0 : i32
      %dma_wait3A_383 = arith.constant 0 : i32
      %dma_wait3A_384 = tpu.memref_slice %arg2[%dma_wait3A_382, %dma_wait3A_383] : memref<10000x64xf32, #tpu.memory_space<hbm>> -> memref<10000x64xf32, #tpu.memory_space<hbm>>
      tpu.wait_indirect_dma semaphore(%arg21 : memref<!tpu.dma_semaphore, #tpu.memory_space<semaphore_mem>>) src(%dma_wait3A_384 : memref<10000x64xf32, #tpu.memory_space<hbm>>) dst(%dma_wait3A_380 : memref<128x64xf32, #tpu.memory_space<vmem>>)
      %add3A_385 = arith.constant 3 : i32
      %add3A_386 = arith.addi %mul3A_201, %add3A_385 : i32
      %mul3A_387 = arith.constant 128 : i32
      %mul3A_388 = arith.muli %add3A_386, %mul3A_387 : i32
      "tpu.region"() ({
        %run_scoped3A_422 = tpu.sem_alloc : memref<!tpu.dma_semaphore, #tpu.memory_space<semaphore_mem>>
        %dma_start3A_423 = arith.constant 0 : i32
        %dma_start3A_424 = arith.constant 0 : i32
        %dma_start3A_425 = tpu.memref_slice %arg12[%dma_start3A_423, %dma_start3A_424] : memref<128x64xf32, #tpu.memory_space<vmem>> -> memref<128x64xf32, #tpu.memory_space<vmem>>
        %dma_start3A_426 = tpu.memref_slice %arg8[%mul3A_388] : memref<10000xi32, #tpu.memory_space<vmem>> -> memref<128xi32, #tpu.memory_space<vmem>>
        %dma_start3A_427 = arith.constant 0 : i32
        %dma_start3A_428 = arith.constant 0 : i32
        %dma_start3A_429 = tpu.memref_slice %arg19[%dma_start3A_427, %dma_start3A_428] : memref<10000x64xf32, #tpu.memory_space<vmem_shared>> -> memref<10000x64xf32, #tpu.memory_space<vmem_shared>>
        tpu.enqueue_indirect_dma source(%dma_start3A_425 : memref<128x64xf32, #tpu.memory_space<vmem>>) target(%dma_start3A_429 : memref<10000x64xf32, #tpu.memory_space<vmem_shared>>) offsets(%dma_start3A_426 : memref<128xi32, #tpu.memory_space<vmem>>) semaphore(%run_scoped3A_422 : memref<!tpu.dma_semaphore, #tpu.memory_space<semaphore_mem>>) {add = true}
        %dma_wait3A_430 = arith.constant 0 : i32
        %dma_wait3A_431 = arith.constant 0 : i32
        %dma_wait3A_432 = tpu.memref_slice %arg12[%dma_wait3A_430, %dma_wait3A_431] : memref<128x64xf32, #tpu.memory_space<vmem>> -> memref<128x64xf32, #tpu.memory_space<vmem>>
        %dma_wait3A_433 = tpu.memref_slice %arg8[%mul3A_388] : memref<10000xi32, #tpu.memory_space<vmem>> -> memref<128xi32, #tpu.memory_space<vmem>>
        %dma_wait3A_434 = arith.constant 0 : i32
        %dma_wait3A_435 = arith.constant 0 : i32
        %dma_wait3A_436 = tpu.memref_slice %arg19[%dma_wait3A_434, %dma_wait3A_435] : memref<10000x64xf32, #tpu.memory_space<vmem_shared>> -> memref<10000x64xf32, #tpu.memory_space<vmem_shared>>
        tpu.wait_indirect_dma semaphore(%run_scoped3A_422 : memref<!tpu.dma_semaphore, #tpu.memory_space<semaphore_mem>>) src(%dma_wait3A_432 : memref<128x64xf32, #tpu.memory_space<vmem>>) dst(%dma_wait3A_436 : memref<10000x64xf32, #tpu.memory_space<vmem_shared>>)
        tpu.yield
      }) : () -> ()
      %dma_wait3A_389 = arith.constant 0 : i32
      %dma_wait3A_390 = arith.constant 0 : i32
      %dma_wait3A_391 = tpu.memref_slice %arg17[%dma_wait3A_389, %dma_wait3A_390] : memref<128x16xf32, #tpu.memory_space<vmem>> -> memref<128x16xf32, #tpu.memory_space<vmem>>
      %dma_wait3A_392 = tpu.memref_slice %arg8[%mul3A_293] : memref<10000xi32, #tpu.memory_space<vmem>> -> memref<128xi32, #tpu.memory_space<vmem>>
      %dma_wait3A_393 = arith.constant 0 : i32
      %dma_wait3A_394 = arith.constant 0 : i32
      %dma_wait3A_395 = tpu.memref_slice %arg3[%dma_wait3A_393, %dma_wait3A_394] : memref<10000x16xf32, #tpu.memory_space<hbm>> -> memref<10000x16xf32, #tpu.memory_space<hbm>>
      tpu.wait_indirect_dma semaphore(%arg22 : memref<!tpu.dma_semaphore, #tpu.memory_space<semaphore_mem>>) src(%dma_wait3A_395 : memref<10000x16xf32, #tpu.memory_space<hbm>>) dst(%dma_wait3A_391 : memref<128x16xf32, #tpu.memory_space<vmem>>)
      %add3A_396 = arith.constant 3 : i32
      %add3A_397 = arith.addi %mul3A_201, %add3A_396 : i32
      %mul3A_398 = arith.constant 128 : i32
      %mul3A_399 = arith.muli %add3A_397, %mul3A_398 : i32
      "tpu.region"() ({
        %run_scoped3A_422 = tpu.sem_alloc : memref<!tpu.dma_semaphore, #tpu.memory_space<semaphore_mem>>
        %dma_start3A_423 = arith.constant 0 : i32
        %dma_start3A_424 = arith.constant 0 : i32
        %dma_start3A_425 = tpu.memref_slice %arg17[%dma_start3A_423, %dma_start3A_424] : memref<128x16xf32, #tpu.memory_space<vmem>> -> memref<128x16xf32, #tpu.memory_space<vmem>>
        %dma_start3A_426 = tpu.memref_slice %arg7[%mul3A_399] : memref<10000xi32, #tpu.memory_space<vmem>> -> memref<128xi32, #tpu.memory_space<vmem>>
        %dma_start3A_427 = arith.constant 0 : i32
        %dma_start3A_428 = arith.constant 0 : i32
        %dma_start3A_429 = tpu.memref_slice %arg20[%dma_start3A_427, %dma_start3A_428] : memref<10000x16xf32, #tpu.memory_space<vmem_shared>> -> memref<10000x16xf32, #tpu.memory_space<vmem_shared>>
        tpu.enqueue_indirect_dma source(%dma_start3A_425 : memref<128x16xf32, #tpu.memory_space<vmem>>) target(%dma_start3A_429 : memref<10000x16xf32, #tpu.memory_space<vmem_shared>>) offsets(%dma_start3A_426 : memref<128xi32, #tpu.memory_space<vmem>>) semaphore(%run_scoped3A_422 : memref<!tpu.dma_semaphore, #tpu.memory_space<semaphore_mem>>) {add = true}
        %dma_wait3A_430 = arith.constant 0 : i32
        %dma_wait3A_431 = arith.constant 0 : i32
        %dma_wait3A_432 = tpu.memref_slice %arg17[%dma_wait3A_430, %dma_wait3A_431] : memref<128x16xf32, #tpu.memory_space<vmem>> -> memref<128x16xf32, #tpu.memory_space<vmem>>
        %dma_wait3A_433 = tpu.memref_slice %arg7[%mul3A_399] : memref<10000xi32, #tpu.memory_space<vmem>> -> memref<128xi32, #tpu.memory_space<vmem>>
        %dma_wait3A_434 = arith.constant 0 : i32
        %dma_wait3A_435 = arith.constant 0 : i32
        %dma_wait3A_436 = tpu.memref_slice %arg20[%dma_wait3A_434, %dma_wait3A_435] : memref<10000x16xf32, #tpu.memory_space<vmem_shared>> -> memref<10000x16xf32, #tpu.memory_space<vmem_shared>>
        tpu.wait_indirect_dma semaphore(%run_scoped3A_422 : memref<!tpu.dma_semaphore, #tpu.memory_space<semaphore_mem>>) src(%dma_wait3A_432 : memref<128x16xf32, #tpu.memory_space<vmem>>) dst(%dma_wait3A_436 : memref<10000x16xf32, #tpu.memory_space<vmem_shared>>)
        tpu.yield
      }) : () -> ()
      %dma_wait3A_400 = arith.constant 0 : i32
      %dma_wait3A_401 = arith.constant 0 : i32
      %dma_wait3A_402 = tpu.memref_slice %arg13[%dma_wait3A_400, %dma_wait3A_401] : memref<128x64xf32, #tpu.memory_space<vmem>> -> memref<128x64xf32, #tpu.memory_space<vmem>>
      %dma_wait3A_403 = tpu.memref_slice %arg7[%mul3A_249] : memref<10000xi32, #tpu.memory_space<vmem>> -> memref<128xi32, #tpu.memory_space<vmem>>
      %dma_wait3A_404 = arith.constant 0 : i32
      %dma_wait3A_405 = arith.constant 0 : i32
      %dma_wait3A_406 = tpu.memref_slice %arg2[%dma_wait3A_404, %dma_wait3A_405] : memref<10000x64xf32, #tpu.memory_space<hbm>> -> memref<10000x64xf32, #tpu.memory_space<hbm>>
      tpu.wait_indirect_dma semaphore(%arg21 : memref<!tpu.dma_semaphore, #tpu.memory_space<semaphore_mem>>) src(%dma_wait3A_406 : memref<10000x64xf32, #tpu.memory_space<hbm>>) dst(%dma_wait3A_402 : memref<128x64xf32, #tpu.memory_space<vmem>>)
      %add3A_407 = arith.constant 4 : i32
      %add3A_408 = arith.addi %mul3A_201, %add3A_407 : i32
      %mul3A_409 = arith.constant 128 : i32
      %mul3A_410 = arith.muli %add3A_408, %mul3A_409 : i32
      "tpu.region"() ({
        %run_scoped3A_422 = tpu.sem_alloc : memref<!tpu.dma_semaphore, #tpu.memory_space<semaphore_mem>>
        %dma_start3A_423 = arith.constant 0 : i32
        %dma_start3A_424 = arith.constant 0 : i32
        %dma_start3A_425 = tpu.memref_slice %arg13[%dma_start3A_423, %dma_start3A_424] : memref<128x64xf32, #tpu.memory_space<vmem>> -> memref<128x64xf32, #tpu.memory_space<vmem>>
        %dma_start3A_426 = tpu.memref_slice %arg8[%mul3A_410] : memref<10000xi32, #tpu.memory_space<vmem>> -> memref<128xi32, #tpu.memory_space<vmem>>
        %dma_start3A_427 = arith.constant 0 : i32
        %dma_start3A_428 = arith.constant 0 : i32
        %dma_start3A_429 = tpu.memref_slice %arg19[%dma_start3A_427, %dma_start3A_428] : memref<10000x64xf32, #tpu.memory_space<vmem_shared>> -> memref<10000x64xf32, #tpu.memory_space<vmem_shared>>
        tpu.enqueue_indirect_dma source(%dma_start3A_425 : memref<128x64xf32, #tpu.memory_space<vmem>>) target(%dma_start3A_429 : memref<10000x64xf32, #tpu.memory_space<vmem_shared>>) offsets(%dma_start3A_426 : memref<128xi32, #tpu.memory_space<vmem>>) semaphore(%run_scoped3A_422 : memref<!tpu.dma_semaphore, #tpu.memory_space<semaphore_mem>>) {add = true}
        %dma_wait3A_430 = arith.constant 0 : i32
        %dma_wait3A_431 = arith.constant 0 : i32
        %dma_wait3A_432 = tpu.memref_slice %arg13[%dma_wait3A_430, %dma_wait3A_431] : memref<128x64xf32, #tpu.memory_space<vmem>> -> memref<128x64xf32, #tpu.memory_space<vmem>>
        %dma_wait3A_433 = tpu.memref_slice %arg8[%mul3A_410] : memref<10000xi32, #tpu.memory_space<vmem>> -> memref<128xi32, #tpu.memory_space<vmem>>
        %dma_wait3A_434 = arith.constant 0 : i32
        %dma_wait3A_435 = arith.constant 0 : i32
        %dma_wait3A_436 = tpu.memref_slice %arg19[%dma_wait3A_434, %dma_wait3A_435] : memref<10000x64xf32, #tpu.memory_space<vmem_shared>> -> memref<10000x64xf32, #tpu.memory_space<vmem_shared>>
        tpu.wait_indirect_dma semaphore(%run_scoped3A_422 : memref<!tpu.dma_semaphore, #tpu.memory_space<semaphore_mem>>) src(%dma_wait3A_432 : memref<128x64xf32, #tpu.memory_space<vmem>>) dst(%dma_wait3A_436 : memref<10000x64xf32, #tpu.memory_space<vmem_shared>>)
        tpu.yield
      }) : () -> ()
      %dma_wait3A_411 = arith.constant 0 : i32
      %dma_wait3A_412 = arith.constant 0 : i32
      %dma_wait3A_413 = tpu.memref_slice %arg18[%dma_wait3A_411, %dma_wait3A_412] : memref<128x16xf32, #tpu.memory_space<vmem>> -> memref<128x16xf32, #tpu.memory_space<vmem>>
      %dma_wait3A_414 = tpu.memref_slice %arg8[%mul3A_304] : memref<10000xi32, #tpu.memory_space<vmem>> -> memref<128xi32, #tpu.memory_space<vmem>>
      %dma_wait3A_415 = arith.constant 0 : i32
      %dma_wait3A_416 = arith.constant 0 : i32
      %dma_wait3A_417 = tpu.memref_slice %arg3[%dma_wait3A_415, %dma_wait3A_416] : memref<10000x16xf32, #tpu.memory_space<hbm>> -> memref<10000x16xf32, #tpu.memory_space<hbm>>
      tpu.wait_indirect_dma semaphore(%arg22 : memref<!tpu.dma_semaphore, #tpu.memory_space<semaphore_mem>>) src(%dma_wait3A_417 : memref<10000x16xf32, #tpu.memory_space<hbm>>) dst(%dma_wait3A_413 : memref<128x16xf32, #tpu.memory_space<vmem>>)
      %add3A_418 = arith.constant 4 : i32
      %add3A_419 = arith.addi %mul3A_201, %add3A_418 : i32
      %mul3A_420 = arith.constant 128 : i32
      %mul3A_421 = arith.muli %add3A_419, %mul3A_420 : i32
      "tpu.region"() ({
        %run_scoped3A_422 = tpu.sem_alloc : memref<!tpu.dma_semaphore, #tpu.memory_space<semaphore_mem>>
        %dma_start3A_423 = arith.constant 0 : i32
        %dma_start3A_424 = arith.constant 0 : i32
        %dma_start3A_425 = tpu.memref_slice %arg18[%dma_start3A_423, %dma_start3A_424] : memref<128x16xf32, #tpu.memory_space<vmem>> -> memref<128x16xf32, #tpu.memory_space<vmem>>
        %dma_start3A_426 = tpu.memref_slice %arg7[%mul3A_421] : memref<10000xi32, #tpu.memory_space<vmem>> -> memref<128xi32, #tpu.memory_space<vmem>>
        %dma_start3A_427 = arith.constant 0 : i32
        %dma_start3A_428 = arith.constant 0 : i32
        %dma_start3A_429 = tpu.memref_slice %arg20[%dma_start3A_427, %dma_start3A_428] : memref<10000x16xf32, #tpu.memory_space<vmem_shared>> -> memref<10000x16xf32, #tpu.memory_space<vmem_shared>>
        tpu.enqueue_indirect_dma source(%dma_start3A_425 : memref<128x16xf32, #tpu.memory_space<vmem>>) target(%dma_start3A_429 : memref<10000x16xf32, #tpu.memory_space<vmem_shared>>) offsets(%dma_start3A_426 : memref<128xi32, #tpu.memory_space<vmem>>) semaphore(%run_scoped3A_422 : memref<!tpu.dma_semaphore, #tpu.memory_space<semaphore_mem>>) {add = true}
        %dma_wait3A_430 = arith.constant 0 : i32
        %dma_wait3A_431 = arith.constant 0 : i32
        %dma_wait3A_432 = tpu.memref_slice %arg18[%dma_wait3A_430, %dma_wait3A_431] : memref<128x16xf32, #tpu.memory_space<vmem>> -> memref<128x16xf32, #tpu.memory_space<vmem>>
        %dma_wait3A_433 = tpu.memref_slice %arg7[%mul3A_421] : memref<10000xi32, #tpu.memory_space<vmem>> -> memref<128xi32, #tpu.memory_space<vmem>>
        %dma_wait3A_434 = arith.constant 0 : i32
        %dma_wait3A_435 = arith.constant 0 : i32
        %dma_wait3A_436 = tpu.memref_slice %arg20[%dma_wait3A_434, %dma_wait3A_435] : memref<10000x16xf32, #tpu.memory_space<vmem_shared>> -> memref<10000x16xf32, #tpu.memory_space<vmem_shared>>
        tpu.wait_indirect_dma semaphore(%run_scoped3A_422 : memref<!tpu.dma_semaphore, #tpu.memory_space<semaphore_mem>>) src(%dma_wait3A_432 : memref<128x16xf32, #tpu.memory_space<vmem>>) dst(%dma_wait3A_436 : memref<10000x16xf32, #tpu.memory_space<vmem_shared>>)
        tpu.yield
      }) : () -> ()
    }
    %scan3A_57 = arith.constant 15 : i32
    %dma_start3A = arith.constant 0 : i32
    %dma_start3A_58 = arith.constant 0 : i32
    %dma_start3A_59 = tpu.memref_slice %arg9[%dma_start3A, %dma_start3A_58] : memref<128x64xf32, #tpu.memory_space<vmem>> -> memref<128x64xf32, #tpu.memory_space<vmem>>
    %dma_start3A_60 = arith.constant 9600 : i32
    %dma_start3A_61 = tpu.memref_slice %arg7[%dma_start3A_60] : memref<10000xi32, #tpu.memory_space<vmem>> -> memref<128xi32, #tpu.memory_space<vmem>>
    %dma_start3A_62 = arith.constant 0 : i32
    %dma_start3A_63 = arith.constant 0 : i32
    %dma_start3A_64 = tpu.memref_slice %arg2[%dma_start3A_62, %dma_start3A_63] : memref<10000x64xf32, #tpu.memory_space<hbm>> -> memref<10000x64xf32, #tpu.memory_space<hbm>>
    tpu.enqueue_indirect_dma source(%dma_start3A_64 : memref<10000x64xf32, #tpu.memory_space<hbm>>) target(%dma_start3A_59 : memref<128x64xf32, #tpu.memory_space<vmem>>) offsets(%dma_start3A_61 : memref<128xi32, #tpu.memory_space<vmem>>) semaphore(%arg21 : memref<!tpu.dma_semaphore, #tpu.memory_space<semaphore_mem>>)
    %dma_start3A_65 = arith.constant 0 : i32
    %dma_start3A_66 = arith.constant 0 : i32
    %dma_start3A_67 = tpu.memref_slice %arg10[%dma_start3A_65, %dma_start3A_66] : memref<128x64xf32, #tpu.memory_space<vmem>> -> memref<128x64xf32, #tpu.memory_space<vmem>>
    %dma_start3A_68 = arith.constant 9728 : i32
    %dma_start3A_69 = tpu.memref_slice %arg7[%dma_start3A_68] : memref<10000xi32, #tpu.memory_space<vmem>> -> memref<128xi32, #tpu.memory_space<vmem>>
    %dma_start3A_70 = arith.constant 0 : i32
    %dma_start3A_71 = arith.constant 0 : i32
    %dma_start3A_72 = tpu.memref_slice %arg2[%dma_start3A_70, %dma_start3A_71] : memref<10000x64xf32, #tpu.memory_space<hbm>> -> memref<10000x64xf32, #tpu.memory_space<hbm>>
    tpu.enqueue_indirect_dma source(%dma_start3A_72 : memref<10000x64xf32, #tpu.memory_space<hbm>>) target(%dma_start3A_67 : memref<128x64xf32, #tpu.memory_space<vmem>>) offsets(%dma_start3A_69 : memref<128xi32, #tpu.memory_space<vmem>>) semaphore(%arg21 : memref<!tpu.dma_semaphore, #tpu.memory_space<semaphore_mem>>)
    %dma_start3A_73 = arith.constant 0 : i32
    %dma_start3A_74 = arith.constant 0 : i32
    %dma_start3A_75 = tpu.memref_slice %arg11[%dma_start3A_73, %dma_start3A_74] : memref<128x64xf32, #tpu.memory_space<vmem>> -> memref<128x64xf32, #tpu.memory_space<vmem>>
    %dma_start3A_76 = arith.constant 9856 : i32
    %dma_start3A_77 = tpu.memref_slice %arg7[%dma_start3A_76] : memref<10000xi32, #tpu.memory_space<vmem>> -> memref<128xi32, #tpu.memory_space<vmem>>
    %dma_start3A_78 = arith.constant 0 : i32
    %dma_start3A_79 = arith.constant 0 : i32
    %dma_start3A_80 = tpu.memref_slice %arg2[%dma_start3A_78, %dma_start3A_79] : memref<10000x64xf32, #tpu.memory_space<hbm>> -> memref<10000x64xf32, #tpu.memory_space<hbm>>
    tpu.enqueue_indirect_dma source(%dma_start3A_80 : memref<10000x64xf32, #tpu.memory_space<hbm>>) target(%dma_start3A_75 : memref<128x64xf32, #tpu.memory_space<vmem>>) offsets(%dma_start3A_77 : memref<128xi32, #tpu.memory_space<vmem>>) semaphore(%arg21 : memref<!tpu.dma_semaphore, #tpu.memory_space<semaphore_mem>>)
    %dma_start3A_81 = arith.constant 0 : i32
    %dma_start3A_82 = arith.constant 0 : i32
    %dma_start3A_83 = tpu.memref_slice %arg14[%dma_start3A_81, %dma_start3A_82] : memref<128x16xf32, #tpu.memory_space<vmem>> -> memref<128x16xf32, #tpu.memory_space<vmem>>
    %dma_start3A_84 = arith.constant 9600 : i32
    %dma_start3A_85 = tpu.memref_slice %arg8[%dma_start3A_84] : memref<10000xi32, #tpu.memory_space<vmem>> -> memref<128xi32, #tpu.memory_space<vmem>>
    %dma_start3A_86 = arith.constant 0 : i32
    %dma_start3A_87 = arith.constant 0 : i32
    %dma_start3A_88 = tpu.memref_slice %arg3[%dma_start3A_86, %dma_start3A_87] : memref<10000x16xf32, #tpu.memory_space<hbm>> -> memref<10000x16xf32, #tpu.memory_space<hbm>>
    tpu.enqueue_indirect_dma source(%dma_start3A_88 : memref<10000x16xf32, #tpu.memory_space<hbm>>) target(%dma_start3A_83 : memref<128x16xf32, #tpu.memory_space<vmem>>) offsets(%dma_start3A_85 : memref<128xi32, #tpu.memory_space<vmem>>) semaphore(%arg22 : memref<!tpu.dma_semaphore, #tpu.memory_space<semaphore_mem>>)
    %dma_start3A_89 = arith.constant 0 : i32
    %dma_start3A_90 = arith.constant 0 : i32
    %dma_start3A_91 = tpu.memref_slice %arg15[%dma_start3A_89, %dma_start3A_90] : memref<128x16xf32, #tpu.memory_space<vmem>> -> memref<128x16xf32, #tpu.memory_space<vmem>>
    %dma_start3A_92 = arith.constant 9728 : i32
    %dma_start3A_93 = tpu.memref_slice %arg8[%dma_start3A_92] : memref<10000xi32, #tpu.memory_space<vmem>> -> memref<128xi32, #tpu.memory_space<vmem>>
    %dma_start3A_94 = arith.constant 0 : i32
    %dma_start3A_95 = arith.constant 0 : i32
    %dma_start3A_96 = tpu.memref_slice %arg3[%dma_start3A_94, %dma_start3A_95] : memref<10000x16xf32, #tpu.memory_space<hbm>> -> memref<10000x16xf32, #tpu.memory_space<hbm>>
    tpu.enqueue_indirect_dma source(%dma_start3A_96 : memref<10000x16xf32, #tpu.memory_space<hbm>>) target(%dma_start3A_91 : memref<128x16xf32, #tpu.memory_space<vmem>>) offsets(%dma_start3A_93 : memref<128xi32, #tpu.memory_space<vmem>>) semaphore(%arg22 : memref<!tpu.dma_semaphore, #tpu.memory_space<semaphore_mem>>)
    %dma_start3A_97 = arith.constant 0 : i32
    %dma_start3A_98 = arith.constant 0 : i32
    %dma_start3A_99 = tpu.memref_slice %arg16[%dma_start3A_97, %dma_start3A_98] : memref<128x16xf32, #tpu.memory_space<vmem>> -> memref<128x16xf32, #tpu.memory_space<vmem>>
    %dma_start3A_100 = arith.constant 9856 : i32
    %dma_start3A_101 = tpu.memref_slice %arg8[%dma_start3A_100] : memref<10000xi32, #tpu.memory_space<vmem>> -> memref<128xi32, #tpu.memory_space<vmem>>
    %dma_start3A_102 = arith.constant 0 : i32
    %dma_start3A_103 = arith.constant 0 : i32
    %dma_start3A_104 = tpu.memref_slice %arg3[%dma_start3A_102, %dma_start3A_103] : memref<10000x16xf32, #tpu.memory_space<hbm>> -> memref<10000x16xf32, #tpu.memory_space<hbm>>
    tpu.enqueue_indirect_dma source(%dma_start3A_104 : memref<10000x16xf32, #tpu.memory_space<hbm>>) target(%dma_start3A_99 : memref<128x16xf32, #tpu.memory_space<vmem>>) offsets(%dma_start3A_101 : memref<128xi32, #tpu.memory_space<vmem>>) semaphore(%arg22 : memref<!tpu.dma_semaphore, #tpu.memory_space<semaphore_mem>>)
    %dma_wait3A = arith.constant 0 : i32
    %dma_wait3A_105 = arith.constant 0 : i32
    %dma_wait3A_106 = tpu.memref_slice %arg9[%dma_wait3A, %dma_wait3A_105] : memref<128x64xf32, #tpu.memory_space<vmem>> -> memref<128x64xf32, #tpu.memory_space<vmem>>
    %dma_wait3A_107 = arith.constant 9600 : i32
    %dma_wait3A_108 = tpu.memref_slice %arg7[%dma_wait3A_107] : memref<10000xi32, #tpu.memory_space<vmem>> -> memref<128xi32, #tpu.memory_space<vmem>>
    %dma_wait3A_109 = arith.constant 0 : i32
    %dma_wait3A_110 = arith.constant 0 : i32
    %dma_wait3A_111 = tpu.memref_slice %arg2[%dma_wait3A_109, %dma_wait3A_110] : memref<10000x64xf32, #tpu.memory_space<hbm>> -> memref<10000x64xf32, #tpu.memory_space<hbm>>
    tpu.wait_indirect_dma semaphore(%arg21 : memref<!tpu.dma_semaphore, #tpu.memory_space<semaphore_mem>>) src(%dma_wait3A_111 : memref<10000x64xf32, #tpu.memory_space<hbm>>) dst(%dma_wait3A_106 : memref<128x64xf32, #tpu.memory_space<vmem>>)
    "tpu.region"() ({
      %run_scoped3A_199 = tpu.sem_alloc : memref<!tpu.dma_semaphore, #tpu.memory_space<semaphore_mem>>
      %dma_start3A_200 = arith.constant 0 : i32
      %dma_start3A_201 = arith.constant 0 : i32
      %dma_start3A_202 = tpu.memref_slice %arg9[%dma_start3A_200, %dma_start3A_201] : memref<128x64xf32, #tpu.memory_space<vmem>> -> memref<128x64xf32, #tpu.memory_space<vmem>>
      %dma_start3A_203 = arith.constant 9600 : i32
      %dma_start3A_204 = tpu.memref_slice %arg8[%dma_start3A_203] : memref<10000xi32, #tpu.memory_space<vmem>> -> memref<128xi32, #tpu.memory_space<vmem>>
      %dma_start3A_205 = arith.constant 0 : i32
      %dma_start3A_206 = arith.constant 0 : i32
      %dma_start3A_207 = tpu.memref_slice %arg19[%dma_start3A_205, %dma_start3A_206] : memref<10000x64xf32, #tpu.memory_space<vmem_shared>> -> memref<10000x64xf32, #tpu.memory_space<vmem_shared>>
      tpu.enqueue_indirect_dma source(%dma_start3A_202 : memref<128x64xf32, #tpu.memory_space<vmem>>) target(%dma_start3A_207 : memref<10000x64xf32, #tpu.memory_space<vmem_shared>>) offsets(%dma_start3A_204 : memref<128xi32, #tpu.memory_space<vmem>>) semaphore(%run_scoped3A_199 : memref<!tpu.dma_semaphore, #tpu.memory_space<semaphore_mem>>) {add = true}
      %dma_wait3A_208 = arith.constant 0 : i32
      %dma_wait3A_209 = arith.constant 0 : i32
      %dma_wait3A_210 = tpu.memref_slice %arg9[%dma_wait3A_208, %dma_wait3A_209] : memref<128x64xf32, #tpu.memory_space<vmem>> -> memref<128x64xf32, #tpu.memory_space<vmem>>
      %dma_wait3A_211 = arith.constant 9600 : i32
      %dma_wait3A_212 = tpu.memref_slice %arg8[%dma_wait3A_211] : memref<10000xi32, #tpu.memory_space<vmem>> -> memref<128xi32, #tpu.memory_space<vmem>>
      %dma_wait3A_213 = arith.constant 0 : i32
      %dma_wait3A_214 = arith.constant 0 : i32
      %dma_wait3A_215 = tpu.memref_slice %arg19[%dma_wait3A_213, %dma_wait3A_214] : memref<10000x64xf32, #tpu.memory_space<vmem_shared>> -> memref<10000x64xf32, #tpu.memory_space<vmem_shared>>
      tpu.wait_indirect_dma semaphore(%run_scoped3A_199 : memref<!tpu.dma_semaphore, #tpu.memory_space<semaphore_mem>>) src(%dma_wait3A_210 : memref<128x64xf32, #tpu.memory_space<vmem>>) dst(%dma_wait3A_215 : memref<10000x64xf32, #tpu.memory_space<vmem_shared>>)
      tpu.yield
    }) : () -> ()
    %dma_wait3A_112 = arith.constant 0 : i32
    %dma_wait3A_113 = arith.constant 0 : i32
    %dma_wait3A_114 = tpu.memref_slice %arg14[%dma_wait3A_112, %dma_wait3A_113] : memref<128x16xf32, #tpu.memory_space<vmem>> -> memref<128x16xf32, #tpu.memory_space<vmem>>
    %dma_wait3A_115 = arith.constant 9600 : i32
    %dma_wait3A_116 = tpu.memref_slice %arg8[%dma_wait3A_115] : memref<10000xi32, #tpu.memory_space<vmem>> -> memref<128xi32, #tpu.memory_space<vmem>>
    %dma_wait3A_117 = arith.constant 0 : i32
    %dma_wait3A_118 = arith.constant 0 : i32
    %dma_wait3A_119 = tpu.memref_slice %arg3[%dma_wait3A_117, %dma_wait3A_118] : memref<10000x16xf32, #tpu.memory_space<hbm>> -> memref<10000x16xf32, #tpu.memory_space<hbm>>
    tpu.wait_indirect_dma semaphore(%arg22 : memref<!tpu.dma_semaphore, #tpu.memory_space<semaphore_mem>>) src(%dma_wait3A_119 : memref<10000x16xf32, #tpu.memory_space<hbm>>) dst(%dma_wait3A_114 : memref<128x16xf32, #tpu.memory_space<vmem>>)
    "tpu.region"() ({
      %run_scoped3A_199 = tpu.sem_alloc : memref<!tpu.dma_semaphore, #tpu.memory_space<semaphore_mem>>
      %dma_start3A_200 = arith.constant 0 : i32
      %dma_start3A_201 = arith.constant 0 : i32
      %dma_start3A_202 = tpu.memref_slice %arg14[%dma_start3A_200, %dma_start3A_201] : memref<128x16xf32, #tpu.memory_space<vmem>> -> memref<128x16xf32, #tpu.memory_space<vmem>>
      %dma_start3A_203 = arith.constant 9600 : i32
      %dma_start3A_204 = tpu.memref_slice %arg7[%dma_start3A_203] : memref<10000xi32, #tpu.memory_space<vmem>> -> memref<128xi32, #tpu.memory_space<vmem>>
      %dma_start3A_205 = arith.constant 0 : i32
      %dma_start3A_206 = arith.constant 0 : i32
      %dma_start3A_207 = tpu.memref_slice %arg20[%dma_start3A_205, %dma_start3A_206] : memref<10000x16xf32, #tpu.memory_space<vmem_shared>> -> memref<10000x16xf32, #tpu.memory_space<vmem_shared>>
      tpu.enqueue_indirect_dma source(%dma_start3A_202 : memref<128x16xf32, #tpu.memory_space<vmem>>) target(%dma_start3A_207 : memref<10000x16xf32, #tpu.memory_space<vmem_shared>>) offsets(%dma_start3A_204 : memref<128xi32, #tpu.memory_space<vmem>>) semaphore(%run_scoped3A_199 : memref<!tpu.dma_semaphore, #tpu.memory_space<semaphore_mem>>) {add = true}
      %dma_wait3A_208 = arith.constant 0 : i32
      %dma_wait3A_209 = arith.constant 0 : i32
      %dma_wait3A_210 = tpu.memref_slice %arg14[%dma_wait3A_208, %dma_wait3A_209] : memref<128x16xf32, #tpu.memory_space<vmem>> -> memref<128x16xf32, #tpu.memory_space<vmem>>
      %dma_wait3A_211 = arith.constant 9600 : i32
      %dma_wait3A_212 = tpu.memref_slice %arg7[%dma_wait3A_211] : memref<10000xi32, #tpu.memory_space<vmem>> -> memref<128xi32, #tpu.memory_space<vmem>>
      %dma_wait3A_213 = arith.constant 0 : i32
      %dma_wait3A_214 = arith.constant 0 : i32
      %dma_wait3A_215 = tpu.memref_slice %arg20[%dma_wait3A_213, %dma_wait3A_214] : memref<10000x16xf32, #tpu.memory_space<vmem_shared>> -> memref<10000x16xf32, #tpu.memory_space<vmem_shared>>
      tpu.wait_indirect_dma semaphore(%run_scoped3A_199 : memref<!tpu.dma_semaphore, #tpu.memory_space<semaphore_mem>>) src(%dma_wait3A_210 : memref<128x16xf32, #tpu.memory_space<vmem>>) dst(%dma_wait3A_215 : memref<10000x16xf32, #tpu.memory_space<vmem_shared>>)
      tpu.yield
    }) : () -> ()
    %dma_wait3A_120 = arith.constant 0 : i32
    %dma_wait3A_121 = arith.constant 0 : i32
    %dma_wait3A_122 = tpu.memref_slice %arg10[%dma_wait3A_120, %dma_wait3A_121] : memref<128x64xf32, #tpu.memory_space<vmem>> -> memref<128x64xf32, #tpu.memory_space<vmem>>
    %dma_wait3A_123 = arith.constant 9728 : i32
    %dma_wait3A_124 = tpu.memref_slice %arg7[%dma_wait3A_123] : memref<10000xi32, #tpu.memory_space<vmem>> -> memref<128xi32, #tpu.memory_space<vmem>>
    %dma_wait3A_125 = arith.constant 0 : i32
    %dma_wait3A_126 = arith.constant 0 : i32
    %dma_wait3A_127 = tpu.memref_slice %arg2[%dma_wait3A_125, %dma_wait3A_126] : memref<10000x64xf32, #tpu.memory_space<hbm>> -> memref<10000x64xf32, #tpu.memory_space<hbm>>
    tpu.wait_indirect_dma semaphore(%arg21 : memref<!tpu.dma_semaphore, #tpu.memory_space<semaphore_mem>>) src(%dma_wait3A_127 : memref<10000x64xf32, #tpu.memory_space<hbm>>) dst(%dma_wait3A_122 : memref<128x64xf32, #tpu.memory_space<vmem>>)
    "tpu.region"() ({
      %run_scoped3A_199 = tpu.sem_alloc : memref<!tpu.dma_semaphore, #tpu.memory_space<semaphore_mem>>
      %dma_start3A_200 = arith.constant 0 : i32
      %dma_start3A_201 = arith.constant 0 : i32
      %dma_start3A_202 = tpu.memref_slice %arg10[%dma_start3A_200, %dma_start3A_201] : memref<128x64xf32, #tpu.memory_space<vmem>> -> memref<128x64xf32, #tpu.memory_space<vmem>>
      %dma_start3A_203 = arith.constant 9728 : i32
      %dma_start3A_204 = tpu.memref_slice %arg8[%dma_start3A_203] : memref<10000xi32, #tpu.memory_space<vmem>> -> memref<128xi32, #tpu.memory_space<vmem>>
      %dma_start3A_205 = arith.constant 0 : i32
      %dma_start3A_206 = arith.constant 0 : i32
      %dma_start3A_207 = tpu.memref_slice %arg19[%dma_start3A_205, %dma_start3A_206] : memref<10000x64xf32, #tpu.memory_space<vmem_shared>> -> memref<10000x64xf32, #tpu.memory_space<vmem_shared>>
      tpu.enqueue_indirect_dma source(%dma_start3A_202 : memref<128x64xf32, #tpu.memory_space<vmem>>) target(%dma_start3A_207 : memref<10000x64xf32, #tpu.memory_space<vmem_shared>>) offsets(%dma_start3A_204 : memref<128xi32, #tpu.memory_space<vmem>>) semaphore(%run_scoped3A_199 : memref<!tpu.dma_semaphore, #tpu.memory_space<semaphore_mem>>) {add = true}
      %dma_wait3A_208 = arith.constant 0 : i32
      %dma_wait3A_209 = arith.constant 0 : i32
      %dma_wait3A_210 = tpu.memref_slice %arg10[%dma_wait3A_208, %dma_wait3A_209] : memref<128x64xf32, #tpu.memory_space<vmem>> -> memref<128x64xf32, #tpu.memory_space<vmem>>
      %dma_wait3A_211 = arith.constant 9728 : i32
      %dma_wait3A_212 = tpu.memref_slice %arg8[%dma_wait3A_211] : memref<10000xi32, #tpu.memory_space<vmem>> -> memref<128xi32, #tpu.memory_space<vmem>>
      %dma_wait3A_213 = arith.constant 0 : i32
      %dma_wait3A_214 = arith.constant 0 : i32
      %dma_wait3A_215 = tpu.memref_slice %arg19[%dma_wait3A_213, %dma_wait3A_214] : memref<10000x64xf32, #tpu.memory_space<vmem_shared>> -> memref<10000x64xf32, #tpu.memory_space<vmem_shared>>
      tpu.wait_indirect_dma semaphore(%run_scoped3A_199 : memref<!tpu.dma_semaphore, #tpu.memory_space<semaphore_mem>>) src(%dma_wait3A_210 : memref<128x64xf32, #tpu.memory_space<vmem>>) dst(%dma_wait3A_215 : memref<10000x64xf32, #tpu.memory_space<vmem_shared>>)
      tpu.yield
    }) : () -> ()
    %dma_wait3A_128 = arith.constant 0 : i32
    %dma_wait3A_129 = arith.constant 0 : i32
    %dma_wait3A_130 = tpu.memref_slice %arg15[%dma_wait3A_128, %dma_wait3A_129] : memref<128x16xf32, #tpu.memory_space<vmem>> -> memref<128x16xf32, #tpu.memory_space<vmem>>
    %dma_wait3A_131 = arith.constant 9728 : i32
    %dma_wait3A_132 = tpu.memref_slice %arg8[%dma_wait3A_131] : memref<10000xi32, #tpu.memory_space<vmem>> -> memref<128xi32, #tpu.memory_space<vmem>>
    %dma_wait3A_133 = arith.constant 0 : i32
    %dma_wait3A_134 = arith.constant 0 : i32
    %dma_wait3A_135 = tpu.memref_slice %arg3[%dma_wait3A_133, %dma_wait3A_134] : memref<10000x16xf32, #tpu.memory_space<hbm>> -> memref<10000x16xf32, #tpu.memory_space<hbm>>
    tpu.wait_indirect_dma semaphore(%arg22 : memref<!tpu.dma_semaphore, #tpu.memory_space<semaphore_mem>>) src(%dma_wait3A_135 : memref<10000x16xf32, #tpu.memory_space<hbm>>) dst(%dma_wait3A_130 : memref<128x16xf32, #tpu.memory_space<vmem>>)
    "tpu.region"() ({
      %run_scoped3A_199 = tpu.sem_alloc : memref<!tpu.dma_semaphore, #tpu.memory_space<semaphore_mem>>
      %dma_start3A_200 = arith.constant 0 : i32
      %dma_start3A_201 = arith.constant 0 : i32
      %dma_start3A_202 = tpu.memref_slice %arg15[%dma_start3A_200, %dma_start3A_201] : memref<128x16xf32, #tpu.memory_space<vmem>> -> memref<128x16xf32, #tpu.memory_space<vmem>>
      %dma_start3A_203 = arith.constant 9728 : i32
      %dma_start3A_204 = tpu.memref_slice %arg7[%dma_start3A_203] : memref<10000xi32, #tpu.memory_space<vmem>> -> memref<128xi32, #tpu.memory_space<vmem>>
      %dma_start3A_205 = arith.constant 0 : i32
      %dma_start3A_206 = arith.constant 0 : i32
      %dma_start3A_207 = tpu.memref_slice %arg20[%dma_start3A_205, %dma_start3A_206] : memref<10000x16xf32, #tpu.memory_space<vmem_shared>> -> memref<10000x16xf32, #tpu.memory_space<vmem_shared>>
      tpu.enqueue_indirect_dma source(%dma_start3A_202 : memref<128x16xf32, #tpu.memory_space<vmem>>) target(%dma_start3A_207 : memref<10000x16xf32, #tpu.memory_space<vmem_shared>>) offsets(%dma_start3A_204 : memref<128xi32, #tpu.memory_space<vmem>>) semaphore(%run_scoped3A_199 : memref<!tpu.dma_semaphore, #tpu.memory_space<semaphore_mem>>) {add = true}
      %dma_wait3A_208 = arith.constant 0 : i32
      %dma_wait3A_209 = arith.constant 0 : i32
      %dma_wait3A_210 = tpu.memref_slice %arg15[%dma_wait3A_208, %dma_wait3A_209] : memref<128x16xf32, #tpu.memory_space<vmem>> -> memref<128x16xf32, #tpu.memory_space<vmem>>
      %dma_wait3A_211 = arith.constant 9728 : i32
      %dma_wait3A_212 = tpu.memref_slice %arg7[%dma_wait3A_211] : memref<10000xi32, #tpu.memory_space<vmem>> -> memref<128xi32, #tpu.memory_space<vmem>>
      %dma_wait3A_213 = arith.constant 0 : i32
      %dma_wait3A_214 = arith.constant 0 : i32
      %dma_wait3A_215 = tpu.memref_slice %arg20[%dma_wait3A_213, %dma_wait3A_214] : memref<10000x16xf32, #tpu.memory_space<vmem_shared>> -> memref<10000x16xf32, #tpu.memory_space<vmem_shared>>
      tpu.wait_indirect_dma semaphore(%run_scoped3A_199 : memref<!tpu.dma_semaphore, #tpu.memory_space<semaphore_mem>>) src(%dma_wait3A_210 : memref<128x16xf32, #tpu.memory_space<vmem>>) dst(%dma_wait3A_215 : memref<10000x16xf32, #tpu.memory_space<vmem_shared>>)
      tpu.yield
    }) : () -> ()
    %dma_wait3A_136 = arith.constant 0 : i32
    %dma_wait3A_137 = arith.constant 0 : i32
    %dma_wait3A_138 = tpu.memref_slice %arg11[%dma_wait3A_136, %dma_wait3A_137] : memref<128x64xf32, #tpu.memory_space<vmem>> -> memref<128x64xf32, #tpu.memory_space<vmem>>
    %dma_wait3A_139 = arith.constant 9856 : i32
    %dma_wait3A_140 = tpu.memref_slice %arg7[%dma_wait3A_139] : memref<10000xi32, #tpu.memory_space<vmem>> -> memref<128xi32, #tpu.memory_space<vmem>>
    %dma_wait3A_141 = arith.constant 0 : i32
    %dma_wait3A_142 = arith.constant 0 : i32
    %dma_wait3A_143 = tpu.memref_slice %arg2[%dma_wait3A_141, %dma_wait3A_142] : memref<10000x64xf32, #tpu.memory_space<hbm>> -> memref<10000x64xf32, #tpu.memory_space<hbm>>
    tpu.wait_indirect_dma semaphore(%arg21 : memref<!tpu.dma_semaphore, #tpu.memory_space<semaphore_mem>>) src(%dma_wait3A_143 : memref<10000x64xf32, #tpu.memory_space<hbm>>) dst(%dma_wait3A_138 : memref<128x64xf32, #tpu.memory_space<vmem>>)
    "tpu.region"() ({
      %run_scoped3A_199 = tpu.sem_alloc : memref<!tpu.dma_semaphore, #tpu.memory_space<semaphore_mem>>
      %dma_start3A_200 = arith.constant 0 : i32
      %dma_start3A_201 = arith.constant 0 : i32
      %dma_start3A_202 = tpu.memref_slice %arg11[%dma_start3A_200, %dma_start3A_201] : memref<128x64xf32, #tpu.memory_space<vmem>> -> memref<128x64xf32, #tpu.memory_space<vmem>>
      %dma_start3A_203 = arith.constant 9856 : i32
      %dma_start3A_204 = tpu.memref_slice %arg8[%dma_start3A_203] : memref<10000xi32, #tpu.memory_space<vmem>> -> memref<128xi32, #tpu.memory_space<vmem>>
      %dma_start3A_205 = arith.constant 0 : i32
      %dma_start3A_206 = arith.constant 0 : i32
      %dma_start3A_207 = tpu.memref_slice %arg19[%dma_start3A_205, %dma_start3A_206] : memref<10000x64xf32, #tpu.memory_space<vmem_shared>> -> memref<10000x64xf32, #tpu.memory_space<vmem_shared>>
      tpu.enqueue_indirect_dma source(%dma_start3A_202 : memref<128x64xf32, #tpu.memory_space<vmem>>) target(%dma_start3A_207 : memref<10000x64xf32, #tpu.memory_space<vmem_shared>>) offsets(%dma_start3A_204 : memref<128xi32, #tpu.memory_space<vmem>>) semaphore(%run_scoped3A_199 : memref<!tpu.dma_semaphore, #tpu.memory_space<semaphore_mem>>) {add = true}
      %dma_wait3A_208 = arith.constant 0 : i32
      %dma_wait3A_209 = arith.constant 0 : i32
      %dma_wait3A_210 = tpu.memref_slice %arg11[%dma_wait3A_208, %dma_wait3A_209] : memref<128x64xf32, #tpu.memory_space<vmem>> -> memref<128x64xf32, #tpu.memory_space<vmem>>
      %dma_wait3A_211 = arith.constant 9856 : i32
      %dma_wait3A_212 = tpu.memref_slice %arg8[%dma_wait3A_211] : memref<10000xi32, #tpu.memory_space<vmem>> -> memref<128xi32, #tpu.memory_space<vmem>>
      %dma_wait3A_213 = arith.constant 0 : i32
      %dma_wait3A_214 = arith.constant 0 : i32
      %dma_wait3A_215 = tpu.memref_slice %arg19[%dma_wait3A_213, %dma_wait3A_214] : memref<10000x64xf32, #tpu.memory_space<vmem_shared>> -> memref<10000x64xf32, #tpu.memory_space<vmem_shared>>
      tpu.wait_indirect_dma semaphore(%run_scoped3A_199 : memref<!tpu.dma_semaphore, #tpu.memory_space<semaphore_mem>>) src(%dma_wait3A_210 : memref<128x64xf32, #tpu.memory_space<vmem>>) dst(%dma_wait3A_215 : memref<10000x64xf32, #tpu.memory_space<vmem_shared>>)
      tpu.yield
    }) : () -> ()
    %dma_wait3A_144 = arith.constant 0 : i32
    %dma_wait3A_145 = arith.constant 0 : i32
    %dma_wait3A_146 = tpu.memref_slice %arg16[%dma_wait3A_144, %dma_wait3A_145] : memref<128x16xf32, #tpu.memory_space<vmem>> -> memref<128x16xf32, #tpu.memory_space<vmem>>
    %dma_wait3A_147 = arith.constant 9856 : i32
    %dma_wait3A_148 = tpu.memref_slice %arg8[%dma_wait3A_147] : memref<10000xi32, #tpu.memory_space<vmem>> -> memref<128xi32, #tpu.memory_space<vmem>>
    %dma_wait3A_149 = arith.constant 0 : i32
    %dma_wait3A_150 = arith.constant 0 : i32
    %dma_wait3A_151 = tpu.memref_slice %arg3[%dma_wait3A_149, %dma_wait3A_150] : memref<10000x16xf32, #tpu.memory_space<hbm>> -> memref<10000x16xf32, #tpu.memory_space<hbm>>
    tpu.wait_indirect_dma semaphore(%arg22 : memref<!tpu.dma_semaphore, #tpu.memory_space<semaphore_mem>>) src(%dma_wait3A_151 : memref<10000x16xf32, #tpu.memory_space<hbm>>) dst(%dma_wait3A_146 : memref<128x16xf32, #tpu.memory_space<vmem>>)
    "tpu.region"() ({
      %run_scoped3A_199 = tpu.sem_alloc : memref<!tpu.dma_semaphore, #tpu.memory_space<semaphore_mem>>
      %dma_start3A_200 = arith.constant 0 : i32
      %dma_start3A_201 = arith.constant 0 : i32
      %dma_start3A_202 = tpu.memref_slice %arg16[%dma_start3A_200, %dma_start3A_201] : memref<128x16xf32, #tpu.memory_space<vmem>> -> memref<128x16xf32, #tpu.memory_space<vmem>>
      %dma_start3A_203 = arith.constant 9856 : i32
      %dma_start3A_204 = tpu.memref_slice %arg7[%dma_start3A_203] : memref<10000xi32, #tpu.memory_space<vmem>> -> memref<128xi32, #tpu.memory_space<vmem>>
      %dma_start3A_205 = arith.constant 0 : i32
      %dma_start3A_206 = arith.constant 0 : i32
      %dma_start3A_207 = tpu.memref_slice %arg20[%dma_start3A_205, %dma_start3A_206] : memref<10000x16xf32, #tpu.memory_space<vmem_shared>> -> memref<10000x16xf32, #tpu.memory_space<vmem_shared>>
      tpu.enqueue_indirect_dma source(%dma_start3A_202 : memref<128x16xf32, #tpu.memory_space<vmem>>) target(%dma_start3A_207 : memref<10000x16xf32, #tpu.memory_space<vmem_shared>>) offsets(%dma_start3A_204 : memref<128xi32, #tpu.memory_space<vmem>>) semaphore(%run_scoped3A_199 : memref<!tpu.dma_semaphore, #tpu.memory_space<semaphore_mem>>) {add = true}
      %dma_wait3A_208 = arith.constant 0 : i32
      %dma_wait3A_209 = arith.constant 0 : i32
      %dma_wait3A_210 = tpu.memref_slice %arg16[%dma_wait3A_208, %dma_wait3A_209] : memref<128x16xf32, #tpu.memory_space<vmem>> -> memref<128x16xf32, #tpu.memory_space<vmem>>
      %dma_wait3A_211 = arith.constant 9856 : i32
      %dma_wait3A_212 = tpu.memref_slice %arg7[%dma_wait3A_211] : memref<10000xi32, #tpu.memory_space<vmem>> -> memref<128xi32, #tpu.memory_space<vmem>>
      %dma_wait3A_213 = arith.constant 0 : i32
      %dma_wait3A_214 = arith.constant 0 : i32
      %dma_wait3A_215 = tpu.memref_slice %arg20[%dma_wait3A_213, %dma_wait3A_214] : memref<10000x16xf32, #tpu.memory_space<vmem_shared>> -> memref<10000x16xf32, #tpu.memory_space<vmem_shared>>
      tpu.wait_indirect_dma semaphore(%run_scoped3A_199 : memref<!tpu.dma_semaphore, #tpu.memory_space<semaphore_mem>>) src(%dma_wait3A_210 : memref<128x16xf32, #tpu.memory_space<vmem>>) dst(%dma_wait3A_215 : memref<10000x16xf32, #tpu.memory_space<vmem_shared>>)
      tpu.yield
    }) : () -> ()
    %dma_start3A_152 = arith.constant 0 : i32
    %dma_start3A_153 = arith.constant 0 : i32
    %dma_start3A_154 = tpu.memref_slice %arg9[%dma_start3A_152, %dma_start3A_153] : memref<128x64xf32, #tpu.memory_space<vmem>> -> memref<16x64xf32, #tpu.memory_space<vmem>>
    %dma_start3A_155 = arith.constant 9984 : i32
    %dma_start3A_156 = tpu.memref_slice %arg7[%dma_start3A_155] : memref<10000xi32, #tpu.memory_space<vmem>> -> memref<16xi32, #tpu.memory_space<vmem>>
    %dma_start3A_157 = arith.constant 0 : i32
    %dma_start3A_158 = arith.constant 0 : i32
    %dma_start3A_159 = tpu.memref_slice %arg2[%dma_start3A_157, %dma_start3A_158] : memref<10000x64xf32, #tpu.memory_space<hbm>> -> memref<10000x64xf32, #tpu.memory_space<hbm>>
    tpu.enqueue_indirect_dma source(%dma_start3A_159 : memref<10000x64xf32, #tpu.memory_space<hbm>>) target(%dma_start3A_154 : memref<16x64xf32, #tpu.memory_space<vmem>>) offsets(%dma_start3A_156 : memref<16xi32, #tpu.memory_space<vmem>>) semaphore(%arg21 : memref<!tpu.dma_semaphore, #tpu.memory_space<semaphore_mem>>)
    %dma_start3A_160 = arith.constant 0 : i32
    %dma_start3A_161 = arith.constant 0 : i32
    %dma_start3A_162 = tpu.memref_slice %arg14[%dma_start3A_160, %dma_start3A_161] : memref<128x16xf32, #tpu.memory_space<vmem>> -> memref<16x16xf32, #tpu.memory_space<vmem>>
    %dma_start3A_163 = arith.constant 9984 : i32
    %dma_start3A_164 = tpu.memref_slice %arg8[%dma_start3A_163] : memref<10000xi32, #tpu.memory_space<vmem>> -> memref<16xi32, #tpu.memory_space<vmem>>
    %dma_start3A_165 = arith.constant 0 : i32
    %dma_start3A_166 = arith.constant 0 : i32
    %dma_start3A_167 = tpu.memref_slice %arg3[%dma_start3A_165, %dma_start3A_166] : memref<10000x16xf32, #tpu.memory_space<hbm>> -> memref<10000x16xf32, #tpu.memory_space<hbm>>
    tpu.enqueue_indirect_dma source(%dma_start3A_167 : memref<10000x16xf32, #tpu.memory_space<hbm>>) target(%dma_start3A_162 : memref<16x16xf32, #tpu.memory_space<vmem>>) offsets(%dma_start3A_164 : memref<16xi32, #tpu.memory_space<vmem>>) semaphore(%arg22 : memref<!tpu.dma_semaphore, #tpu.memory_space<semaphore_mem>>)
    %dma_wait3A_168 = arith.constant 0 : i32
    %dma_wait3A_169 = arith.constant 0 : i32
    %dma_wait3A_170 = tpu.memref_slice %arg9[%dma_wait3A_168, %dma_wait3A_169] : memref<128x64xf32, #tpu.memory_space<vmem>> -> memref<16x64xf32, #tpu.memory_space<vmem>>
    %dma_wait3A_171 = arith.constant 9984 : i32
    %dma_wait3A_172 = tpu.memref_slice %arg7[%dma_wait3A_171] : memref<10000xi32, #tpu.memory_space<vmem>> -> memref<16xi32, #tpu.memory_space<vmem>>
    %dma_wait3A_173 = arith.constant 0 : i32
    %dma_wait3A_174 = arith.constant 0 : i32
    %dma_wait3A_175 = tpu.memref_slice %arg2[%dma_wait3A_173, %dma_wait3A_174] : memref<10000x64xf32, #tpu.memory_space<hbm>> -> memref<10000x64xf32, #tpu.memory_space<hbm>>
    tpu.wait_indirect_dma semaphore(%arg21 : memref<!tpu.dma_semaphore, #tpu.memory_space<semaphore_mem>>) src(%dma_wait3A_175 : memref<10000x64xf32, #tpu.memory_space<hbm>>) dst(%dma_wait3A_170 : memref<16x64xf32, #tpu.memory_space<vmem>>)
    "tpu.region"() ({
      %run_scoped3A_199 = tpu.sem_alloc : memref<!tpu.dma_semaphore, #tpu.memory_space<semaphore_mem>>
      %dma_start3A_200 = arith.constant 0 : i32
      %dma_start3A_201 = arith.constant 0 : i32
      %dma_start3A_202 = tpu.memref_slice %arg9[%dma_start3A_200, %dma_start3A_201] : memref<128x64xf32, #tpu.memory_space<vmem>> -> memref<16x64xf32, #tpu.memory_space<vmem>>
      %dma_start3A_203 = arith.constant 9984 : i32
      %dma_start3A_204 = tpu.memref_slice %arg8[%dma_start3A_203] : memref<10000xi32, #tpu.memory_space<vmem>> -> memref<16xi32, #tpu.memory_space<vmem>>
      %dma_start3A_205 = arith.constant 0 : i32
      %dma_start3A_206 = arith.constant 0 : i32
      %dma_start3A_207 = tpu.memref_slice %arg19[%dma_start3A_205, %dma_start3A_206] : memref<10000x64xf32, #tpu.memory_space<vmem_shared>> -> memref<10000x64xf32, #tpu.memory_space<vmem_shared>>
      tpu.enqueue_indirect_dma source(%dma_start3A_202 : memref<16x64xf32, #tpu.memory_space<vmem>>) target(%dma_start3A_207 : memref<10000x64xf32, #tpu.memory_space<vmem_shared>>) offsets(%dma_start3A_204 : memref<16xi32, #tpu.memory_space<vmem>>) semaphore(%run_scoped3A_199 : memref<!tpu.dma_semaphore, #tpu.memory_space<semaphore_mem>>) {add = true}
      %dma_wait3A_208 = arith.constant 0 : i32
      %dma_wait3A_209 = arith.constant 0 : i32
      %dma_wait3A_210 = tpu.memref_slice %arg9[%dma_wait3A_208, %dma_wait3A_209] : memref<128x64xf32, #tpu.memory_space<vmem>> -> memref<16x64xf32, #tpu.memory_space<vmem>>
      %dma_wait3A_211 = arith.constant 9984 : i32
      %dma_wait3A_212 = tpu.memref_slice %arg8[%dma_wait3A_211] : memref<10000xi32, #tpu.memory_space<vmem>> -> memref<16xi32, #tpu.memory_space<vmem>>
      %dma_wait3A_213 = arith.constant 0 : i32
      %dma_wait3A_214 = arith.constant 0 : i32
      %dma_wait3A_215 = tpu.memref_slice %arg19[%dma_wait3A_213, %dma_wait3A_214] : memref<10000x64xf32, #tpu.memory_space<vmem_shared>> -> memref<10000x64xf32, #tpu.memory_space<vmem_shared>>
      tpu.wait_indirect_dma semaphore(%run_scoped3A_199 : memref<!tpu.dma_semaphore, #tpu.memory_space<semaphore_mem>>) src(%dma_wait3A_210 : memref<16x64xf32, #tpu.memory_space<vmem>>) dst(%dma_wait3A_215 : memref<10000x64xf32, #tpu.memory_space<vmem_shared>>)
      tpu.yield
    }) : () -> ()
    %dma_wait3A_176 = arith.constant 0 : i32
    %dma_wait3A_177 = arith.constant 0 : i32
    %dma_wait3A_178 = tpu.memref_slice %arg14[%dma_wait3A_176, %dma_wait3A_177] : memref<128x16xf32, #tpu.memory_space<vmem>> -> memref<16x16xf32, #tpu.memory_space<vmem>>
    %dma_wait3A_179 = arith.constant 9984 : i32
    %dma_wait3A_180 = tpu.memref_slice %arg8[%dma_wait3A_179] : memref<10000xi32, #tpu.memory_space<vmem>> -> memref<16xi32, #tpu.memory_space<vmem>>
    %dma_wait3A_181 = arith.constant 0 : i32
    %dma_wait3A_182 = arith.constant 0 : i32
    %dma_wait3A_183 = tpu.memref_slice %arg3[%dma_wait3A_181, %dma_wait3A_182] : memref<10000x16xf32, #tpu.memory_space<hbm>> -> memref<10000x16xf32, #tpu.memory_space<hbm>>
    tpu.wait_indirect_dma semaphore(%arg22 : memref<!tpu.dma_semaphore, #tpu.memory_space<semaphore_mem>>) src(%dma_wait3A_183 : memref<10000x16xf32, #tpu.memory_space<hbm>>) dst(%dma_wait3A_178 : memref<16x16xf32, #tpu.memory_space<vmem>>)
    "tpu.region"() ({
      %run_scoped3A_199 = tpu.sem_alloc : memref<!tpu.dma_semaphore, #tpu.memory_space<semaphore_mem>>
      %dma_start3A_200 = arith.constant 0 : i32
      %dma_start3A_201 = arith.constant 0 : i32
      %dma_start3A_202 = tpu.memref_slice %arg14[%dma_start3A_200, %dma_start3A_201] : memref<128x16xf32, #tpu.memory_space<vmem>> -> memref<16x16xf32, #tpu.memory_space<vmem>>
      %dma_start3A_203 = arith.constant 9984 : i32
      %dma_start3A_204 = tpu.memref_slice %arg7[%dma_start3A_203] : memref<10000xi32, #tpu.memory_space<vmem>> -> memref<16xi32, #tpu.memory_space<vmem>>
      %dma_start3A_205 = arith.constant 0 : i32
      %dma_start3A_206 = arith.constant 0 : i32
      %dma_start3A_207 = tpu.memref_slice %arg20[%dma_start3A_205, %dma_start3A_206] : memref<10000x16xf32, #tpu.memory_space<vmem_shared>> -> memref<10000x16xf32, #tpu.memory_space<vmem_shared>>
      tpu.enqueue_indirect_dma source(%dma_start3A_202 : memref<16x16xf32, #tpu.memory_space<vmem>>) target(%dma_start3A_207 : memref<10000x16xf32, #tpu.memory_space<vmem_shared>>) offsets(%dma_start3A_204 : memref<16xi32, #tpu.memory_space<vmem>>) semaphore(%run_scoped3A_199 : memref<!tpu.dma_semaphore, #tpu.memory_space<semaphore_mem>>) {add = true}
      %dma_wait3A_208 = arith.constant 0 : i32
      %dma_wait3A_209 = arith.constant 0 : i32
      %dma_wait3A_210 = tpu.memref_slice %arg14[%dma_wait3A_208, %dma_wait3A_209] : memref<128x16xf32, #tpu.memory_space<vmem>> -> memref<16x16xf32, #tpu.memory_space<vmem>>
      %dma_wait3A_211 = arith.constant 9984 : i32
      %dma_wait3A_212 = tpu.memref_slice %arg7[%dma_wait3A_211] : memref<10000xi32, #tpu.memory_space<vmem>> -> memref<16xi32, #tpu.memory_space<vmem>>
      %dma_wait3A_213 = arith.constant 0 : i32
      %dma_wait3A_214 = arith.constant 0 : i32
      %dma_wait3A_215 = tpu.memref_slice %arg20[%dma_wait3A_213, %dma_wait3A_214] : memref<10000x16xf32, #tpu.memory_space<vmem_shared>> -> memref<10000x16xf32, #tpu.memory_space<vmem_shared>>
      tpu.wait_indirect_dma semaphore(%run_scoped3A_199 : memref<!tpu.dma_semaphore, #tpu.memory_space<semaphore_mem>>) src(%dma_wait3A_210 : memref<16x16xf32, #tpu.memory_space<vmem>>) dst(%dma_wait3A_215 : memref<10000x16xf32, #tpu.memory_space<vmem_shared>>)
      tpu.yield
    }) : () -> ()
    %barrier3A_184 = arith.constant 0 : index
    tpu.barrier barrier_id(%barrier3A_184)
    %mul3A_185 = arith.constant 625 : i32
    %mul3A_186 = arith.muli %arg1, %mul3A_185 : i32
    %mul3A_187 = arith.constant 10000 : i32
    %mul3A_188 = arith.muli %arg0, %mul3A_187 : i32
    %mul3A_189 = arith.constant 625 : i32
    %mul3A_190 = arith.muli %arg1, %mul3A_189 : i32
    %add3A_191 = arith.addi %mul3A_188, %mul3A_190 : i32
    "tpu.region"() ({
      %run_scoped3A_199 = tpu.sem_alloc : memref<!tpu.dma_semaphore, #tpu.memory_space<semaphore_mem>>
      %dma_start3A_200 = arith.constant 0 : i32
      %dma_start3A_201 = tpu.memref_slice %arg5[%add3A_191, %dma_start3A_200] : memref<20000x128xf32, #tpu.memory_space<hbm>> -> memref<625x64xf32, #tpu.memory_space<hbm>>
      %dma_start3A_202 = arith.constant 0 : i32
      %dma_start3A_203 = tpu.memref_slice %arg19[%mul3A_186, %dma_start3A_202] : memref<10000x64xf32, #tpu.memory_space<vmem_shared>> -> memref<625x64xf32, #tpu.memory_space<vmem_shared>>
      tpu.enqueue_dma source(%dma_start3A_203 : memref<625x64xf32, #tpu.memory_space<vmem_shared>>) target(%dma_start3A_201 : memref<625x64xf32, #tpu.memory_space<hbm>>) target_semaphore(%run_scoped3A_199 : memref<!tpu.dma_semaphore, #tpu.memory_space<semaphore_mem>>)
      %dma_wait3A_204 = arith.constant 0 : i32
      %dma_wait3A_205 = tpu.memref_slice %arg5[%add3A_191, %dma_wait3A_204] : memref<20000x128xf32, #tpu.memory_space<hbm>> -> memref<625x64xf32, #tpu.memory_space<hbm>>
      %dma_wait3A_206 = arith.constant 0 : i32
      %dma_wait3A_207 = tpu.memref_slice %arg19[%mul3A_186, %dma_wait3A_206] : memref<10000x64xf32, #tpu.memory_space<vmem_shared>> -> memref<625x64xf32, #tpu.memory_space<vmem_shared>>
      tpu.wait_dma2 semaphore(%run_scoped3A_199 : memref<!tpu.dma_semaphore, #tpu.memory_space<semaphore_mem>>) src(%dma_wait3A_207 : memref<625x64xf32, #tpu.memory_space<vmem_shared>>) dst(%dma_wait3A_205 : memref<625x64xf32, #tpu.memory_space<hbm>>)
      tpu.yield
    }) : () -> ()
    %mul3A_192 = arith.constant 625 : i32
    %mul3A_193 = arith.muli %arg1, %mul3A_192 : i32
    %mul3A_194 = arith.constant 10000 : i32
    %mul3A_195 = arith.muli %arg0, %mul3A_194 : i32
    %mul3A_196 = arith.constant 625 : i32
    %mul3A_197 = arith.muli %arg1, %mul3A_196 : i32
    %add3A_198 = arith.addi %mul3A_195, %mul3A_197 : i32
    "tpu.region"() ({
      %run_scoped3A_199 = tpu.sem_alloc : memref<!tpu.dma_semaphore, #tpu.memory_space<semaphore_mem>>
      %dma_start3A_200 = arith.constant 0 : i32
      %dma_start3A_201 = tpu.memref_slice %arg6[%add3A_198, %dma_start3A_200] : memref<20000x16xf32, #tpu.memory_space<hbm>> -> memref<625x16xf32, #tpu.memory_space<hbm>>
      %dma_start3A_202 = arith.constant 0 : i32
      %dma_start3A_203 = tpu.memref_slice %arg20[%mul3A_193, %dma_start3A_202] : memref<10000x16xf32, #tpu.memory_space<vmem_shared>> -> memref<625x16xf32, #tpu.memory_space<vmem_shared>>
      tpu.enqueue_dma source(%dma_start3A_203 : memref<625x16xf32, #tpu.memory_space<vmem_shared>>) target(%dma_start3A_201 : memref<625x16xf32, #tpu.memory_space<hbm>>) target_semaphore(%run_scoped3A_199 : memref<!tpu.dma_semaphore, #tpu.memory_space<semaphore_mem>>)
      %dma_wait3A_204 = arith.constant 0 : i32
      %dma_wait3A_205 = tpu.memref_slice %arg6[%add3A_198, %dma_wait3A_204] : memref<20000x16xf32, #tpu.memory_space<hbm>> -> memref<625x16xf32, #tpu.memory_space<hbm>>
      %dma_wait3A_206 = arith.constant 0 : i32
      %dma_wait3A_207 = tpu.memref_slice %arg20[%mul3A_193, %dma_wait3A_206] : memref<10000x16xf32, #tpu.memory_space<vmem_shared>> -> memref<625x16xf32, #tpu.memory_space<vmem_shared>>
      tpu.wait_dma2 semaphore(%run_scoped3A_199 : memref<!tpu.dma_semaphore, #tpu.memory_space<semaphore_mem>>) src(%dma_wait3A_207 : memref<625x16xf32, #tpu.memory_space<vmem_shared>>) dst(%dma_wait3A_205 : memref<625x16xf32, #tpu.memory_space<hbm>>)
      tpu.yield
    }) : () -> ()
    return
  }
}

#map = affine_map<(d0, d1) -> (0, 0)>
module attributes {stable_mosaic.version = 14 : i64} {
  func.func @ker(%arg0: i32, %arg1: i32, %arg2: memref<2x320000xi32, #tpu.memory_space<hbm>>, %arg3: memref<20000x128xf32, #tpu.memory_space<hbm>>, %arg4: memref<10000xi32, #tpu.memory_space<vmem>>, %arg5: memref<128x16xf32, #tpu.memory_space<vmem>>, %arg6: memref<625x16xf32, #tpu.memory_space<vmem>>, %arg7: memref<10000x16xf32, #tpu.memory_space<vmem_shared>>, %arg8: memref<!tpu.dma_semaphore, #tpu.memory_space<semaphore_mem>>) attributes {dimension_semantics = [#tpu.dimension_semantics<core_parallel>, #tpu.dimension_semantics<subcore_parallel>], iteration_bounds = array<i64: 2, 16>, scalar_prefetch = 0 : i64, scratch_operands = 5 : i64, tpu.core_type = #tpu.core_type<sc_vector_subcore>, window_params = [{transform_indices = #map}, {transform_indices = #map}]} {
    %mul3A = arith.constant 16 : i32
    %mul3A_0 = arith.muli %arg0, %mul3A : i32
    %add3A = arith.addi %mul3A_0, %arg1 : i32
    %iota3A = tpu.iota {dimensions = array<i32: 0>} : vector<16xi32>
    %eq3A = arith.constant 0 : i32
    %eq3A_1 = vector.broadcast %eq3A : i32 to vector<16xi32>
    %eq3A_2 = arith.cmpi eq, %iota3A, %eq3A_1 : vector<16xi32>
    %jit3A = arith.constant 1.000000e+00 : f32
    %jit3A_3 = arith.constant 0.000000e+00 : f32
    %broadcast_in_dim3A = vector.broadcast %jit3A : f32 to vector<16xf32>
    %broadcast_in_dim3A_4 = vector.broadcast %jit3A_3 : f32 to vector<16xf32>
    %select_n3A = arith.select %eq3A_2, %broadcast_in_dim3A, %broadcast_in_dim3A_4 : vector<16xi1>, vector<16xf32>
    %broadcast_in_dim3A_5 = arith.constant 0.000000e+00 : f32
    %broadcast_in_dim3A_6 = vector.broadcast %broadcast_in_dim3A_5 : f32 to vector<16xf32>
    %scan3A = arith.constant 0 : i32
    %scan3A_7 = arith.constant 0 : i32
    %scan3A_8 = arith.constant 128 : i32
    %scan3A_9 = arith.addi %scan3A_7, %scan3A_8 : i32
    %scan3A_10 = arith.constant 1 : i32
    scf.for %scan3A_50 = %scan3A_7 to %scan3A_9 step %scan3A_10  : i32 {
      %swap3A = arith.index_cast %scan3A_50 : i32 to index
      %swap3A_51 = arith.constant 0 : index
      %swap3A_52 = tpu.vector_load %arg5[%swap3A, %swap3A_51] {strides = array<i32>} : memref<128x16xf32, #tpu.memory_space<vmem>>, vector<1x16xf32>,
      %swap3A_53 = vector.shape_cast %swap3A_52 : vector<1x16xf32> to vector<16xf32>
      %swap3A_54 = vector.shape_cast %select_n3A : vector<16xf32> to vector<1x16xf32>
      tpu.vector_store %arg5[%swap3A, %swap3A_51], %swap3A_54 {strides = array<i32>} : memref<128x16xf32, #tpu.memory_space<vmem>>, vector<1x16xf32>,
    }
    %scan3A_11 = arith.constant 128 : i32
    %scan3A_12 = arith.constant 0 : i32
    %scan3A_13 = arith.constant 0 : i32
    %scan3A_14 = arith.constant 625 : i32
    %scan3A_15 = arith.addi %scan3A_13, %scan3A_14 : i32
    %scan3A_16 = arith.constant 1 : i32
    scf.for %scan3A_50 = %scan3A_13 to %scan3A_15 step %scan3A_16  : i32 {
      %swap3A = arith.index_cast %scan3A_50 : i32 to index
      %swap3A_51 = arith.constant 0 : index
      %swap3A_52 = tpu.vector_load %arg6[%swap3A, %swap3A_51] {strides = array<i32>} : memref<625x16xf32, #tpu.memory_space<vmem>>, vector<1x16xf32>,
      %swap3A_53 = vector.shape_cast %swap3A_52 : vector<1x16xf32> to vector<16xf32>
      %swap3A_54 = vector.shape_cast %broadcast_in_dim3A_6 : vector<16xf32> to vector<1x16xf32>
      tpu.vector_store %arg6[%swap3A, %swap3A_51], %swap3A_54 {strides = array<i32>} : memref<625x16xf32, #tpu.memory_space<vmem>>, vector<1x16xf32>,
    }
    %scan3A_17 = arith.constant 625 : i32
    %mul3A_18 = arith.constant 625 : i32
    %mul3A_19 = arith.muli %arg1, %mul3A_18 : i32
    "tpu.region"() ({
      %run_scoped3A_50 = tpu.sem_alloc : memref<!tpu.dma_semaphore, #tpu.memory_space<semaphore_mem>>
      %dma_start3A_51 = arith.constant 0 : i32
      %dma_start3A_52 = tpu.memref_slice %arg7[%mul3A_19, %dma_start3A_51] : memref<10000x16xf32, #tpu.memory_space<vmem_shared>> -> memref<625x16xf32, #tpu.memory_space<vmem_shared>>
      %dma_start3A_53 = arith.constant 0 : i32
      %dma_start3A_54 = tpu.memref_slice %arg7[%mul3A_19, %dma_start3A_53] : memref<10000x16xf32, #tpu.memory_space<vmem_shared>> -> memref<625x16xf32, #tpu.memory_space<vmem_shared>>
      tpu.enqueue_dma source(%arg6 : memref<625x16xf32, #tpu.memory_space<vmem>>) target(%dma_start3A_54 : memref<625x16xf32, #tpu.memory_space<vmem_shared>>) target_semaphore(%run_scoped3A_50 : memref<!tpu.dma_semaphore, #tpu.memory_space<semaphore_mem>>)
      %dma_wait3A_55 = arith.constant 0 : i32
      %dma_wait3A_56 = tpu.memref_slice %arg7[%mul3A_19, %dma_wait3A_55] : memref<10000x16xf32, #tpu.memory_space<vmem_shared>> -> memref<625x16xf32, #tpu.memory_space<vmem_shared>>
      %dma_wait3A_57 = arith.constant 0 : i32
      %dma_wait3A_58 = tpu.memref_slice %arg7[%mul3A_19, %dma_wait3A_57] : memref<10000x16xf32, #tpu.memory_space<vmem_shared>> -> memref<625x16xf32, #tpu.memory_space<vmem_shared>>
      tpu.wait_dma2 semaphore(%run_scoped3A_50 : memref<!tpu.dma_semaphore, #tpu.memory_space<semaphore_mem>>) src(%arg6 : memref<625x16xf32, #tpu.memory_space<vmem>>) dst(%dma_wait3A_58 : memref<625x16xf32, #tpu.memory_space<vmem_shared>>)
      tpu.yield
    }) : () -> ()
    %mul3A_20 = arith.constant 10000 : i32
    %mul3A_21 = arith.muli %add3A, %mul3A_20 : i32
    %run_scoped3A = arith.constant 1 : i32
    "tpu.region"() ({
      %run_scoped3A_50 = tpu.sem_alloc : memref<!tpu.dma_semaphore, #tpu.memory_space<semaphore_mem>>
      %dma_start3A_51 = tpu.memref_slice %arg2[%run_scoped3A, %mul3A_21] : memref<2x320000xi32, #tpu.memory_space<hbm>> -> memref<1x10000xi32, #tpu.memory_space<hbm>>
      %dma_start3A_52 = tpu.memref_squeeze %dma_start3A_51 : memref<1x10000xi32, #tpu.memory_space<hbm>> -> memref<10000xi32, #tpu.memory_space<hbm>>
      %dma_start3A_53 = tpu.memref_slice %arg2[%run_scoped3A, %mul3A_21] : memref<2x320000xi32, #tpu.memory_space<hbm>> -> memref<1x10000xi32, #tpu.memory_space<hbm>>
      %dma_start3A_54 = tpu.memref_squeeze %dma_start3A_53 : memref<1x10000xi32, #tpu.memory_space<hbm>> -> memref<10000xi32, #tpu.memory_space<hbm>>
      tpu.enqueue_dma source(%dma_start3A_54 : memref<10000xi32, #tpu.memory_space<hbm>>) target(%arg4 : memref<10000xi32, #tpu.memory_space<vmem>>) target_semaphore(%run_scoped3A_50 : memref<!tpu.dma_semaphore, #tpu.memory_space<semaphore_mem>>)
      %dma_wait3A_55 = tpu.memref_slice %arg2[%run_scoped3A, %mul3A_21] : memref<2x320000xi32, #tpu.memory_space<hbm>> -> memref<1x10000xi32, #tpu.memory_space<hbm>>
      %dma_wait3A_56 = tpu.memref_squeeze %dma_wait3A_55 : memref<1x10000xi32, #tpu.memory_space<hbm>> -> memref<10000xi32, #tpu.memory_space<hbm>>
      %dma_wait3A_57 = tpu.memref_slice %arg2[%run_scoped3A, %mul3A_21] : memref<2x320000xi32, #tpu.memory_space<hbm>> -> memref<1x10000xi32, #tpu.memory_space<hbm>>
      %dma_wait3A_58 = tpu.memref_squeeze %dma_wait3A_57 : memref<1x10000xi32, #tpu.memory_space<hbm>> -> memref<10000xi32, #tpu.memory_space<hbm>>
      tpu.wait_dma2 semaphore(%run_scoped3A_50 : memref<!tpu.dma_semaphore, #tpu.memory_space<semaphore_mem>>) src(%dma_wait3A_58 : memref<10000xi32, #tpu.memory_space<hbm>>) dst(%arg4 : memref<10000xi32, #tpu.memory_space<vmem>>)
      tpu.yield
    }) : () -> ()
    %barrier3A = arith.constant 0 : index
    tpu.barrier barrier_id(%barrier3A)
    %scan3A_22 = arith.constant 0 : i32
    %scan3A_23 = arith.constant 0 : i32
    %scan3A_24 = arith.constant 13 : i32
    %scan3A_25 = arith.addi %scan3A_23, %scan3A_24 : i32
    %scan3A_26 = arith.constant 1 : i32
    scf.for %scan3A_50 = %scan3A_23 to %scan3A_25 step %scan3A_26  : i32 {
      %mul3A_51 = arith.constant 6 : i32
      %mul3A_52 = arith.muli %scan3A_50, %mul3A_51 : i32
      %add3A_53 = arith.constant 0 : i32
      %add3A_54 = arith.addi %mul3A_52, %add3A_53 : i32
      %mul3A_55 = arith.constant 128 : i32
      %mul3A_56 = arith.muli %add3A_54, %mul3A_55 : i32
      %dma_start3A_57 = arith.constant 0 : i32
      %dma_start3A_58 = arith.constant 0 : i32
      %dma_start3A_59 = tpu.memref_slice %arg5[%dma_start3A_57, %dma_start3A_58] : memref<128x16xf32, #tpu.memory_space<vmem>> -> memref<128x16xf32, #tpu.memory_space<vmem>>
      %dma_start3A_60 = tpu.memref_slice %arg4[%mul3A_56] : memref<10000xi32, #tpu.memory_space<vmem>> -> memref<128xi32, #tpu.memory_space<vmem>>
      %dma_start3A_61 = arith.constant 0 : i32
      %dma_start3A_62 = arith.constant 0 : i32
      %dma_start3A_63 = tpu.memref_slice %arg7[%dma_start3A_61, %dma_start3A_62] : memref<10000x16xf32, #tpu.memory_space<vmem_shared>> -> memref<10000x16xf32, #tpu.memory_space<vmem_shared>>
      tpu.enqueue_indirect_dma source(%dma_start3A_59 : memref<128x16xf32, #tpu.memory_space<vmem>>) target(%dma_start3A_63 : memref<10000x16xf32, #tpu.memory_space<vmem_shared>>) offsets(%dma_start3A_60 : memref<128xi32, #tpu.memory_space<vmem>>) semaphore(%arg8 : memref<!tpu.dma_semaphore, #tpu.memory_space<semaphore_mem>>) {add = true}
      %add3A_64 = arith.constant 1 : i32
      %add3A_65 = arith.addi %mul3A_52, %add3A_64 : i32
      %mul3A_66 = arith.constant 128 : i32
      %mul3A_67 = arith.muli %add3A_65, %mul3A_66 : i32
      %dma_start3A_68 = arith.constant 0 : i32
      %dma_start3A_69 = arith.constant 0 : i32
      %dma_start3A_70 = tpu.memref_slice %arg5[%dma_start3A_68, %dma_start3A_69] : memref<128x16xf32, #tpu.memory_space<vmem>> -> memref<128x16xf32, #tpu.memory_space<vmem>>
      %dma_start3A_71 = tpu.memref_slice %arg4[%mul3A_67] : memref<10000xi32, #tpu.memory_space<vmem>> -> memref<128xi32, #tpu.memory_space<vmem>>
      %dma_start3A_72 = arith.constant 0 : i32
      %dma_start3A_73 = arith.constant 0 : i32
      %dma_start3A_74 = tpu.memref_slice %arg7[%dma_start3A_72, %dma_start3A_73] : memref<10000x16xf32, #tpu.memory_space<vmem_shared>> -> memref<10000x16xf32, #tpu.memory_space<vmem_shared>>
      tpu.enqueue_indirect_dma source(%dma_start3A_70 : memref<128x16xf32, #tpu.memory_space<vmem>>) target(%dma_start3A_74 : memref<10000x16xf32, #tpu.memory_space<vmem_shared>>) offsets(%dma_start3A_71 : memref<128xi32, #tpu.memory_space<vmem>>) semaphore(%arg8 : memref<!tpu.dma_semaphore, #tpu.memory_space<semaphore_mem>>) {add = true}
      %add3A_75 = arith.constant 2 : i32
      %add3A_76 = arith.addi %mul3A_52, %add3A_75 : i32
      %mul3A_77 = arith.constant 128 : i32
      %mul3A_78 = arith.muli %add3A_76, %mul3A_77 : i32
      %dma_start3A_79 = arith.constant 0 : i32
      %dma_start3A_80 = arith.constant 0 : i32
      %dma_start3A_81 = tpu.memref_slice %arg5[%dma_start3A_79, %dma_start3A_80] : memref<128x16xf32, #tpu.memory_space<vmem>> -> memref<128x16xf32, #tpu.memory_space<vmem>>
      %dma_start3A_82 = tpu.memref_slice %arg4[%mul3A_78] : memref<10000xi32, #tpu.memory_space<vmem>> -> memref<128xi32, #tpu.memory_space<vmem>>
      %dma_start3A_83 = arith.constant 0 : i32
      %dma_start3A_84 = arith.constant 0 : i32
      %dma_start3A_85 = tpu.memref_slice %arg7[%dma_start3A_83, %dma_start3A_84] : memref<10000x16xf32, #tpu.memory_space<vmem_shared>> -> memref<10000x16xf32, #tpu.memory_space<vmem_shared>>
      tpu.enqueue_indirect_dma source(%dma_start3A_81 : memref<128x16xf32, #tpu.memory_space<vmem>>) target(%dma_start3A_85 : memref<10000x16xf32, #tpu.memory_space<vmem_shared>>) offsets(%dma_start3A_82 : memref<128xi32, #tpu.memory_space<vmem>>) semaphore(%arg8 : memref<!tpu.dma_semaphore, #tpu.memory_space<semaphore_mem>>) {add = true}
      %add3A_86 = arith.constant 3 : i32
      %add3A_87 = arith.addi %mul3A_52, %add3A_86 : i32
      %mul3A_88 = arith.constant 128 : i32
      %mul3A_89 = arith.muli %add3A_87, %mul3A_88 : i32
      %dma_start3A_90 = arith.constant 0 : i32
      %dma_start3A_91 = arith.constant 0 : i32
      %dma_start3A_92 = tpu.memref_slice %arg5[%dma_start3A_90, %dma_start3A_91] : memref<128x16xf32, #tpu.memory_space<vmem>> -> memref<128x16xf32, #tpu.memory_space<vmem>>
      %dma_start3A_93 = tpu.memref_slice %arg4[%mul3A_89] : memref<10000xi32, #tpu.memory_space<vmem>> -> memref<128xi32, #tpu.memory_space<vmem>>
      %dma_start3A_94 = arith.constant 0 : i32
      %dma_start3A_95 = arith.constant 0 : i32
      %dma_start3A_96 = tpu.memref_slice %arg7[%dma_start3A_94, %dma_start3A_95] : memref<10000x16xf32, #tpu.memory_space<vmem_shared>> -> memref<10000x16xf32, #tpu.memory_space<vmem_shared>>
      tpu.enqueue_indirect_dma source(%dma_start3A_92 : memref<128x16xf32, #tpu.memory_space<vmem>>) target(%dma_start3A_96 : memref<10000x16xf32, #tpu.memory_space<vmem_shared>>) offsets(%dma_start3A_93 : memref<128xi32, #tpu.memory_space<vmem>>) semaphore(%arg8 : memref<!tpu.dma_semaphore, #tpu.memory_space<semaphore_mem>>) {add = true}
      %add3A_97 = arith.constant 4 : i32
      %add3A_98 = arith.addi %mul3A_52, %add3A_97 : i32
      %mul3A_99 = arith.constant 128 : i32
      %mul3A_100 = arith.muli %add3A_98, %mul3A_99 : i32
      %dma_start3A_101 = arith.constant 0 : i32
      %dma_start3A_102 = arith.constant 0 : i32
      %dma_start3A_103 = tpu.memref_slice %arg5[%dma_start3A_101, %dma_start3A_102] : memref<128x16xf32, #tpu.memory_space<vmem>> -> memref<128x16xf32, #tpu.memory_space<vmem>>
      %dma_start3A_104 = tpu.memref_slice %arg4[%mul3A_100] : memref<10000xi32, #tpu.memory_space<vmem>> -> memref<128xi32, #tpu.memory_space<vmem>>
      %dma_start3A_105 = arith.constant 0 : i32
      %dma_start3A_106 = arith.constant 0 : i32
      %dma_start3A_107 = tpu.memref_slice %arg7[%dma_start3A_105, %dma_start3A_106] : memref<10000x16xf32, #tpu.memory_space<vmem_shared>> -> memref<10000x16xf32, #tpu.memory_space<vmem_shared>>
      tpu.enqueue_indirect_dma source(%dma_start3A_103 : memref<128x16xf32, #tpu.memory_space<vmem>>) target(%dma_start3A_107 : memref<10000x16xf32, #tpu.memory_space<vmem_shared>>) offsets(%dma_start3A_104 : memref<128xi32, #tpu.memory_space<vmem>>) semaphore(%arg8 : memref<!tpu.dma_semaphore, #tpu.memory_space<semaphore_mem>>) {add = true}
      %add3A_108 = arith.constant 5 : i32
      %add3A_109 = arith.addi %mul3A_52, %add3A_108 : i32
      %mul3A_110 = arith.constant 128 : i32
      %mul3A_111 = arith.muli %add3A_109, %mul3A_110 : i32
      %dma_start3A_112 = arith.constant 0 : i32
      %dma_start3A_113 = arith.constant 0 : i32
      %dma_start3A_114 = tpu.memref_slice %arg5[%dma_start3A_112, %dma_start3A_113] : memref<128x16xf32, #tpu.memory_space<vmem>> -> memref<128x16xf32, #tpu.memory_space<vmem>>
      %dma_start3A_115 = tpu.memref_slice %arg4[%mul3A_111] : memref<10000xi32, #tpu.memory_space<vmem>> -> memref<128xi32, #tpu.memory_space<vmem>>
      %dma_start3A_116 = arith.constant 0 : i32
      %dma_start3A_117 = arith.constant 0 : i32
      %dma_start3A_118 = tpu.memref_slice %arg7[%dma_start3A_116, %dma_start3A_117] : memref<10000x16xf32, #tpu.memory_space<vmem_shared>> -> memref<10000x16xf32, #tpu.memory_space<vmem_shared>>
      tpu.enqueue_indirect_dma source(%dma_start3A_114 : memref<128x16xf32, #tpu.memory_space<vmem>>) target(%dma_start3A_118 : memref<10000x16xf32, #tpu.memory_space<vmem_shared>>) offsets(%dma_start3A_115 : memref<128xi32, #tpu.memory_space<vmem>>) semaphore(%arg8 : memref<!tpu.dma_semaphore, #tpu.memory_space<semaphore_mem>>) {add = true}
      %dma_wait3A_119 = arith.constant 0 : i32
      %dma_wait3A_120 = arith.constant 0 : i32
      %dma_wait3A_121 = tpu.memref_slice %arg5[%dma_wait3A_119, %dma_wait3A_120] : memref<128x16xf32, #tpu.memory_space<vmem>> -> memref<128x16xf32, #tpu.memory_space<vmem>>
      %dma_wait3A_122 = tpu.memref_slice %arg4[%mul3A_56] : memref<10000xi32, #tpu.memory_space<vmem>> -> memref<128xi32, #tpu.memory_space<vmem>>
      %dma_wait3A_123 = arith.constant 0 : i32
      %dma_wait3A_124 = arith.constant 0 : i32
      %dma_wait3A_125 = tpu.memref_slice %arg7[%dma_wait3A_123, %dma_wait3A_124] : memref<10000x16xf32, #tpu.memory_space<vmem_shared>> -> memref<10000x16xf32, #tpu.memory_space<vmem_shared>>
      tpu.wait_indirect_dma semaphore(%arg8 : memref<!tpu.dma_semaphore, #tpu.memory_space<semaphore_mem>>) src(%dma_wait3A_121 : memref<128x16xf32, #tpu.memory_space<vmem>>) dst(%dma_wait3A_125 : memref<10000x16xf32, #tpu.memory_space<vmem_shared>>)
      %dma_wait3A_126 = arith.constant 0 : i32
      %dma_wait3A_127 = arith.constant 0 : i32
      %dma_wait3A_128 = tpu.memref_slice %arg5[%dma_wait3A_126, %dma_wait3A_127] : memref<128x16xf32, #tpu.memory_space<vmem>> -> memref<128x16xf32, #tpu.memory_space<vmem>>
      %dma_wait3A_129 = tpu.memref_slice %arg4[%mul3A_67] : memref<10000xi32, #tpu.memory_space<vmem>> -> memref<128xi32, #tpu.memory_space<vmem>>
      %dma_wait3A_130 = arith.constant 0 : i32
      %dma_wait3A_131 = arith.constant 0 : i32
      %dma_wait3A_132 = tpu.memref_slice %arg7[%dma_wait3A_130, %dma_wait3A_131] : memref<10000x16xf32, #tpu.memory_space<vmem_shared>> -> memref<10000x16xf32, #tpu.memory_space<vmem_shared>>
      tpu.wait_indirect_dma semaphore(%arg8 : memref<!tpu.dma_semaphore, #tpu.memory_space<semaphore_mem>>) src(%dma_wait3A_128 : memref<128x16xf32, #tpu.memory_space<vmem>>) dst(%dma_wait3A_132 : memref<10000x16xf32, #tpu.memory_space<vmem_shared>>)
      %dma_wait3A_133 = arith.constant 0 : i32
      %dma_wait3A_134 = arith.constant 0 : i32
      %dma_wait3A_135 = tpu.memref_slice %arg5[%dma_wait3A_133, %dma_wait3A_134] : memref<128x16xf32, #tpu.memory_space<vmem>> -> memref<128x16xf32, #tpu.memory_space<vmem>>
      %dma_wait3A_136 = tpu.memref_slice %arg4[%mul3A_78] : memref<10000xi32, #tpu.memory_space<vmem>> -> memref<128xi32, #tpu.memory_space<vmem>>
      %dma_wait3A_137 = arith.constant 0 : i32
      %dma_wait3A_138 = arith.constant 0 : i32
      %dma_wait3A_139 = tpu.memref_slice %arg7[%dma_wait3A_137, %dma_wait3A_138] : memref<10000x16xf32, #tpu.memory_space<vmem_shared>> -> memref<10000x16xf32, #tpu.memory_space<vmem_shared>>
      tpu.wait_indirect_dma semaphore(%arg8 : memref<!tpu.dma_semaphore, #tpu.memory_space<semaphore_mem>>) src(%dma_wait3A_135 : memref<128x16xf32, #tpu.memory_space<vmem>>) dst(%dma_wait3A_139 : memref<10000x16xf32, #tpu.memory_space<vmem_shared>>)
      %dma_wait3A_140 = arith.constant 0 : i32
      %dma_wait3A_141 = arith.constant 0 : i32
      %dma_wait3A_142 = tpu.memref_slice %arg5[%dma_wait3A_140, %dma_wait3A_141] : memref<128x16xf32, #tpu.memory_space<vmem>> -> memref<128x16xf32, #tpu.memory_space<vmem>>
      %dma_wait3A_143 = tpu.memref_slice %arg4[%mul3A_89] : memref<10000xi32, #tpu.memory_space<vmem>> -> memref<128xi32, #tpu.memory_space<vmem>>
      %dma_wait3A_144 = arith.constant 0 : i32
      %dma_wait3A_145 = arith.constant 0 : i32
      %dma_wait3A_146 = tpu.memref_slice %arg7[%dma_wait3A_144, %dma_wait3A_145] : memref<10000x16xf32, #tpu.memory_space<vmem_shared>> -> memref<10000x16xf32, #tpu.memory_space<vmem_shared>>
      tpu.wait_indirect_dma semaphore(%arg8 : memref<!tpu.dma_semaphore, #tpu.memory_space<semaphore_mem>>) src(%dma_wait3A_142 : memref<128x16xf32, #tpu.memory_space<vmem>>) dst(%dma_wait3A_146 : memref<10000x16xf32, #tpu.memory_space<vmem_shared>>)
      %dma_wait3A_147 = arith.constant 0 : i32
      %dma_wait3A_148 = arith.constant 0 : i32
      %dma_wait3A_149 = tpu.memref_slice %arg5[%dma_wait3A_147, %dma_wait3A_148] : memref<128x16xf32, #tpu.memory_space<vmem>> -> memref<128x16xf32, #tpu.memory_space<vmem>>
      %dma_wait3A_150 = tpu.memref_slice %arg4[%mul3A_100] : memref<10000xi32, #tpu.memory_space<vmem>> -> memref<128xi32, #tpu.memory_space<vmem>>
      %dma_wait3A_151 = arith.constant 0 : i32
      %dma_wait3A_152 = arith.constant 0 : i32
      %dma_wait3A_153 = tpu.memref_slice %arg7[%dma_wait3A_151, %dma_wait3A_152] : memref<10000x16xf32, #tpu.memory_space<vmem_shared>> -> memref<10000x16xf32, #tpu.memory_space<vmem_shared>>
      tpu.wait_indirect_dma semaphore(%arg8 : memref<!tpu.dma_semaphore, #tpu.memory_space<semaphore_mem>>) src(%dma_wait3A_149 : memref<128x16xf32, #tpu.memory_space<vmem>>) dst(%dma_wait3A_153 : memref<10000x16xf32, #tpu.memory_space<vmem_shared>>)
      %dma_wait3A_154 = arith.constant 0 : i32
      %dma_wait3A_155 = arith.constant 0 : i32
      %dma_wait3A_156 = tpu.memref_slice %arg5[%dma_wait3A_154, %dma_wait3A_155] : memref<128x16xf32, #tpu.memory_space<vmem>> -> memref<128x16xf32, #tpu.memory_space<vmem>>
      %dma_wait3A_157 = tpu.memref_slice %arg4[%mul3A_111] : memref<10000xi32, #tpu.memory_space<vmem>> -> memref<128xi32, #tpu.memory_space<vmem>>
      %dma_wait3A_158 = arith.constant 0 : i32
      %dma_wait3A_159 = arith.constant 0 : i32
      %dma_wait3A_160 = tpu.memref_slice %arg7[%dma_wait3A_158, %dma_wait3A_159] : memref<10000x16xf32, #tpu.memory_space<vmem_shared>> -> memref<10000x16xf32, #tpu.memory_space<vmem_shared>>
      tpu.wait_indirect_dma semaphore(%arg8 : memref<!tpu.dma_semaphore, #tpu.memory_space<semaphore_mem>>) src(%dma_wait3A_156 : memref<128x16xf32, #tpu.memory_space<vmem>>) dst(%dma_wait3A_160 : memref<10000x16xf32, #tpu.memory_space<vmem_shared>>)
    }
    %scan3A_27 = arith.constant 13 : i32
    %dma_start3A = arith.constant 0 : i32
    %dma_start3A_28 = arith.constant 0 : i32
    %dma_start3A_29 = tpu.memref_slice %arg5[%dma_start3A, %dma_start3A_28] : memref<128x16xf32, #tpu.memory_space<vmem>> -> memref<16x16xf32, #tpu.memory_space<vmem>>
    %dma_start3A_30 = arith.constant 9984 : i32
    %dma_start3A_31 = tpu.memref_slice %arg4[%dma_start3A_30] : memref<10000xi32, #tpu.memory_space<vmem>> -> memref<16xi32, #tpu.memory_space<vmem>>
    %dma_start3A_32 = arith.constant 0 : i32
    %dma_start3A_33 = arith.constant 0 : i32
    %dma_start3A_34 = tpu.memref_slice %arg7[%dma_start3A_32, %dma_start3A_33] : memref<10000x16xf32, #tpu.memory_space<vmem_shared>> -> memref<10000x16xf32, #tpu.memory_space<vmem_shared>>
    tpu.enqueue_indirect_dma source(%dma_start3A_29 : memref<16x16xf32, #tpu.memory_space<vmem>>) target(%dma_start3A_34 : memref<10000x16xf32, #tpu.memory_space<vmem_shared>>) offsets(%dma_start3A_31 : memref<16xi32, #tpu.memory_space<vmem>>) semaphore(%arg8 : memref<!tpu.dma_semaphore, #tpu.memory_space<semaphore_mem>>) {add = true}
    %dma_wait3A = arith.constant 0 : i32
    %dma_wait3A_35 = arith.constant 0 : i32
    %dma_wait3A_36 = tpu.memref_slice %arg5[%dma_wait3A, %dma_wait3A_35] : memref<128x16xf32, #tpu.memory_space<vmem>> -> memref<16x16xf32, #tpu.memory_space<vmem>>
    %dma_wait3A_37 = arith.constant 9984 : i32
    %dma_wait3A_38 = tpu.memref_slice %arg4[%dma_wait3A_37] : memref<10000xi32, #tpu.memory_space<vmem>> -> memref<16xi32, #tpu.memory_space<vmem>>
    %dma_wait3A_39 = arith.constant 0 : i32
    %dma_wait3A_40 = arith.constant 0 : i32
    %dma_wait3A_41 = tpu.memref_slice %arg7[%dma_wait3A_39, %dma_wait3A_40] : memref<10000x16xf32, #tpu.memory_space<vmem_shared>> -> memref<10000x16xf32, #tpu.memory_space<vmem_shared>>
    tpu.wait_indirect_dma semaphore(%arg8 : memref<!tpu.dma_semaphore, #tpu.memory_space<semaphore_mem>>) src(%dma_wait3A_36 : memref<16x16xf32, #tpu.memory_space<vmem>>) dst(%dma_wait3A_41 : memref<10000x16xf32, #tpu.memory_space<vmem_shared>>)
    %barrier3A_42 = arith.constant 0 : index
    tpu.barrier barrier_id(%barrier3A_42)
    %mul3A_43 = arith.constant 625 : i32
    %mul3A_44 = arith.muli %arg1, %mul3A_43 : i32
    %mul3A_45 = arith.constant 10000 : i32
    %mul3A_46 = arith.muli %arg0, %mul3A_45 : i32
    %mul3A_47 = arith.constant 625 : i32
    %mul3A_48 = arith.muli %arg1, %mul3A_47 : i32
    %add3A_49 = arith.addi %mul3A_46, %mul3A_48 : i32
    "tpu.region"() ({
      %run_scoped3A_50 = tpu.sem_alloc : memref<!tpu.dma_semaphore, #tpu.memory_space<semaphore_mem>>
      %dma_start3A_51 = arith.constant 0 : i32
      %dma_start3A_52 = tpu.memref_slice %arg3[%add3A_49, %dma_start3A_51] : memref<20000x128xf32, #tpu.memory_space<hbm>> -> memref<625x16xf32, #tpu.memory_space<hbm>>
      %dma_start3A_53 = arith.constant 0 : i32
      %dma_start3A_54 = tpu.memref_slice %arg7[%mul3A_44, %dma_start3A_53] : memref<10000x16xf32, #tpu.memory_space<vmem_shared>> -> memref<625x16xf32, #tpu.memory_space<vmem_shared>>
      tpu.enqueue_dma source(%dma_start3A_54 : memref<625x16xf32, #tpu.memory_space<vmem_shared>>) target(%dma_start3A_52 : memref<625x16xf32, #tpu.memory_space<hbm>>) target_semaphore(%run_scoped3A_50 : memref<!tpu.dma_semaphore, #tpu.memory_space<semaphore_mem>>)
      %dma_wait3A_55 = arith.constant 0 : i32
      %dma_wait3A_56 = tpu.memref_slice %arg3[%add3A_49, %dma_wait3A_55] : memref<20000x128xf32, #tpu.memory_space<hbm>> -> memref<625x16xf32, #tpu.memory_space<hbm>>
      %dma_wait3A_57 = arith.constant 0 : i32
      %dma_wait3A_58 = tpu.memref_slice %arg7[%mul3A_44, %dma_wait3A_57] : memref<10000x16xf32, #tpu.memory_space<vmem_shared>> -> memref<625x16xf32, #tpu.memory_space<vmem_shared>>
      tpu.wait_dma2 semaphore(%run_scoped3A_50 : memref<!tpu.dma_semaphore, #tpu.memory_space<semaphore_mem>>) src(%dma_wait3A_58 : memref<625x16xf32, #tpu.memory_space<vmem_shared>>) dst(%dma_wait3A_56 : memref<625x16xf32, #tpu.memory_space<hbm>>)
      tpu.yield
    }) : () -> ()
    return
  }
}

#map = affine_map<(d0, d1) -> (0, 0)>
module attributes {stable_mosaic.version = 14 : i64} {
  func.func @ker(%arg0: i32, %arg1: i32, %arg2: memref<10000x64xf32, #tpu.memory_space<hbm>>, %arg3: memref<2x320000xi32, #tpu.memory_space<hbm>>, %arg4: memref<20000x128xf32, #tpu.memory_space<hbm>>, %arg5: memref<10000xi32, #tpu.memory_space<vmem>>, %arg6: memref<10000xi32, #tpu.memory_space<vmem>>, %arg7: memref<128x64xf32, #tpu.memory_space<vmem>>, %arg8: memref<128x64xf32, #tpu.memory_space<vmem>>, %arg9: memref<128x64xf32, #tpu.memory_space<vmem>>, %arg10: memref<128x64xf32, #tpu.memory_space<vmem>>, %arg11: memref<128x64xf32, #tpu.memory_space<vmem>>, %arg12: memref<128x64xf32, #tpu.memory_space<vmem>>, %arg13: memref<10000x64xf32, #tpu.memory_space<vmem_shared>>, %arg14: memref<!tpu.dma_semaphore, #tpu.memory_space<semaphore_mem>>) attributes {dimension_semantics = [#tpu.dimension_semantics<core_parallel>, #tpu.dimension_semantics<subcore_parallel>], iteration_bounds = array<i64: 2, 16>, scalar_prefetch = 0 : i64, scratch_operands = 10 : i64, tpu.core_type = #tpu.core_type<sc_vector_subcore>, window_params = [{transform_indices = #map}, {transform_indices = #map}, {transform_indices = #map}]} {
    %mul3A = arith.constant 16 : i32
    %mul3A_0 = arith.muli %arg0, %mul3A : i32
    %add3A = arith.addi %mul3A_0, %arg1 : i32
    %broadcast_in_dim3A = arith.constant 0.000000e+00 : f32
    %broadcast_in_dim3A_1 = vector.broadcast %broadcast_in_dim3A : f32 to vector<16xf32>
    %scan3A = arith.constant 0 : i32
    %scan3A_2 = arith.constant 0 : i32
    %scan3A_3 = arith.constant 128 : i32
    %scan3A_4 = arith.addi %scan3A_2, %scan3A_3 : i32
    %scan3A_5 = arith.constant 1 : i32
    scf.for %scan3A_60 = %scan3A_2 to %scan3A_4 step %scan3A_5  : i32 {
      %swap3A = arith.index_cast %scan3A_60 : i32 to index
      %swap3A_61 = arith.constant 0 : index
      %swap3A_62 = tpu.vector_load %arg7[%swap3A, %swap3A_61] {strides = array<i32>} : memref<128x64xf32, #tpu.memory_space<vmem>>, vector<1x16xf32>,
      %swap3A_63 = vector.shape_cast %swap3A_62 : vector<1x16xf32> to vector<16xf32>
      %swap3A_64 = vector.shape_cast %broadcast_in_dim3A_1 : vector<16xf32> to vector<1x16xf32>
      tpu.vector_store %arg7[%swap3A, %swap3A_61], %swap3A_64 {strides = array<i32>} : memref<128x64xf32, #tpu.memory_space<vmem>>, vector<1x16xf32>,
      %swap3A_65 = arith.index_cast %scan3A_60 : i32 to index
      %swap3A_66 = arith.constant 16 : index
      %swap3A_67 = tpu.vector_load %arg7[%swap3A_65, %swap3A_66] {strides = array<i32>} : memref<128x64xf32, #tpu.memory_space<vmem>>, vector<1x16xf32>,
      %swap3A_68 = vector.shape_cast %swap3A_67 : vector<1x16xf32> to vector<16xf32>
      %swap3A_69 = vector.shape_cast %broadcast_in_dim3A_1 : vector<16xf32> to vector<1x16xf32>
      tpu.vector_store %arg7[%swap3A_65, %swap3A_66], %swap3A_69 {strides = array<i32>} : memref<128x64xf32, #tpu.memory_space<vmem>>, vector<1x16xf32>,
      %swap3A_70 = arith.index_cast %scan3A_60 : i32 to index
      %swap3A_71 = arith.constant 32 : index
      %swap3A_72 = tpu.vector_load %arg7[%swap3A_70, %swap3A_71] {strides = array<i32>} : memref<128x64xf32, #tpu.memory_space<vmem>>, vector<1x16xf32>,
      %swap3A_73 = vector.shape_cast %swap3A_72 : vector<1x16xf32> to vector<16xf32>
      %swap3A_74 = vector.shape_cast %broadcast_in_dim3A_1 : vector<16xf32> to vector<1x16xf32>
      tpu.vector_store %arg7[%swap3A_70, %swap3A_71], %swap3A_74 {strides = array<i32>} : memref<128x64xf32, #tpu.memory_space<vmem>>, vector<1x16xf32>,
      %swap3A_75 = arith.index_cast %scan3A_60 : i32 to index
      %swap3A_76 = arith.constant 48 : index
      %swap3A_77 = tpu.vector_load %arg7[%swap3A_75, %swap3A_76] {strides = array<i32>} : memref<128x64xf32, #tpu.memory_space<vmem>>, vector<1x16xf32>,
      %swap3A_78 = vector.shape_cast %swap3A_77 : vector<1x16xf32> to vector<16xf32>
      %swap3A_79 = vector.shape_cast %broadcast_in_dim3A_1 : vector<16xf32> to vector<1x16xf32>
      tpu.vector_store %arg7[%swap3A_75, %swap3A_76], %swap3A_79 {strides = array<i32>} : memref<128x64xf32, #tpu.memory_space<vmem>>, vector<1x16xf32>,
    }
    %scan3A_6 = arith.constant 128 : i32
    %mul3A_7 = arith.constant 625 : i32
    %mul3A_8 = arith.muli %arg1, %mul3A_7 : i32
    %add3A_9 = arith.constant 0 : i32
    %add3A_10 = arith.addi %mul3A_8, %add3A_9 : i32
    "tpu.region"() ({
      %run_scoped3A_60 = tpu.sem_alloc : memref<!tpu.dma_semaphore, #tpu.memory_space<semaphore_mem>>
      %dma_start3A_61 = arith.constant 0 : i32
      %dma_start3A_62 = tpu.memref_slice %arg13[%add3A_10, %dma_start3A_61] : memref<10000x64xf32, #tpu.memory_space<vmem_shared>> -> memref<128x64xf32, #tpu.memory_space<vmem_shared>>
      %dma_start3A_63 = arith.constant 0 : i32
      %dma_start3A_64 = tpu.memref_slice %arg13[%add3A_10, %dma_start3A_63] : memref<10000x64xf32, #tpu.memory_space<vmem_shared>> -> memref<128x64xf32, #tpu.memory_space<vmem_shared>>
      tpu.enqueue_dma source(%arg7 : memref<128x64xf32, #tpu.memory_space<vmem>>) target(%dma_start3A_64 : memref<128x64xf32, #tpu.memory_space<vmem_shared>>) target_semaphore(%run_scoped3A_60 : memref<!tpu.dma_semaphore, #tpu.memory_space<semaphore_mem>>)
      %dma_wait3A_65 = arith.constant 0 : i32
      %dma_wait3A_66 = tpu.memref_slice %arg13[%add3A_10, %dma_wait3A_65] : memref<10000x64xf32, #tpu.memory_space<vmem_shared>> -> memref<128x64xf32, #tpu.memory_space<vmem_shared>>
      %dma_wait3A_67 = arith.constant 0 : i32
      %dma_wait3A_68 = tpu.memref_slice %arg13[%add3A_10, %dma_wait3A_67] : memref<10000x64xf32, #tpu.memory_space<vmem_shared>> -> memref<128x64xf32, #tpu.memory_space<vmem_shared>>
      tpu.wait_dma2 semaphore(%run_scoped3A_60 : memref<!tpu.dma_semaphore, #tpu.memory_space<semaphore_mem>>) src(%arg7 : memref<128x64xf32, #tpu.memory_space<vmem>>) dst(%dma_wait3A_68 : memref<128x64xf32, #tpu.memory_space<vmem_shared>>)
      tpu.yield
    }) : () -> ()
    %mul3A_11 = arith.constant 625 : i32
    %mul3A_12 = arith.muli %arg1, %mul3A_11 : i32
    %add3A_13 = arith.constant 128 : i32
    %add3A_14 = arith.addi %mul3A_12, %add3A_13 : i32
    "tpu.region"() ({
      %run_scoped3A_60 = tpu.sem_alloc : memref<!tpu.dma_semaphore, #tpu.memory_space<semaphore_mem>>
      %dma_start3A_61 = arith.constant 0 : i32
      %dma_start3A_62 = tpu.memref_slice %arg13[%add3A_14, %dma_start3A_61] : memref<10000x64xf32, #tpu.memory_space<vmem_shared>> -> memref<128x64xf32, #tpu.memory_space<vmem_shared>>
      %dma_start3A_63 = arith.constant 0 : i32
      %dma_start3A_64 = tpu.memref_slice %arg13[%add3A_14, %dma_start3A_63] : memref<10000x64xf32, #tpu.memory_space<vmem_shared>> -> memref<128x64xf32, #tpu.memory_space<vmem_shared>>
      tpu.enqueue_dma source(%arg7 : memref<128x64xf32, #tpu.memory_space<vmem>>) target(%dma_start3A_64 : memref<128x64xf32, #tpu.memory_space<vmem_shared>>) target_semaphore(%run_scoped3A_60 : memref<!tpu.dma_semaphore, #tpu.memory_space<semaphore_mem>>)
      %dma_wait3A_65 = arith.constant 0 : i32
      %dma_wait3A_66 = tpu.memref_slice %arg13[%add3A_14, %dma_wait3A_65] : memref<10000x64xf32, #tpu.memory_space<vmem_shared>> -> memref<128x64xf32, #tpu.memory_space<vmem_shared>>
      %dma_wait3A_67 = arith.constant 0 : i32
      %dma_wait3A_68 = tpu.memref_slice %arg13[%add3A_14, %dma_wait3A_67] : memref<10000x64xf32, #tpu.memory_space<vmem_shared>> -> memref<128x64xf32, #tpu.memory_space<vmem_shared>>
      tpu.wait_dma2 semaphore(%run_scoped3A_60 : memref<!tpu.dma_semaphore, #tpu.memory_space<semaphore_mem>>) src(%arg7 : memref<128x64xf32, #tpu.memory_space<vmem>>) dst(%dma_wait3A_68 : memref<128x64xf32, #tpu.memory_space<vmem_shared>>)
      tpu.yield
    }) : () -> ()
    %mul3A_15 = arith.constant 625 : i32
    %mul3A_16 = arith.muli %arg1, %mul3A_15 : i32
    %add3A_17 = arith.constant 256 : i32
    %add3A_18 = arith.addi %mul3A_16, %add3A_17 : i32
    "tpu.region"() ({
      %run_scoped3A_60 = tpu.sem_alloc : memref<!tpu.dma_semaphore, #tpu.memory_space<semaphore_mem>>
      %dma_start3A_61 = arith.constant 0 : i32
      %dma_start3A_62 = tpu.memref_slice %arg13[%add3A_18, %dma_start3A_61] : memref<10000x64xf32, #tpu.memory_space<vmem_shared>> -> memref<128x64xf32, #tpu.memory_space<vmem_shared>>
      %dma_start3A_63 = arith.constant 0 : i32
      %dma_start3A_64 = tpu.memref_slice %arg13[%add3A_18, %dma_start3A_63] : memref<10000x64xf32, #tpu.memory_space<vmem_shared>> -> memref<128x64xf32, #tpu.memory_space<vmem_shared>>
      tpu.enqueue_dma source(%arg7 : memref<128x64xf32, #tpu.memory_space<vmem>>) target(%dma_start3A_64 : memref<128x64xf32, #tpu.memory_space<vmem_shared>>) target_semaphore(%run_scoped3A_60 : memref<!tpu.dma_semaphore, #tpu.memory_space<semaphore_mem>>)
      %dma_wait3A_65 = arith.constant 0 : i32
      %dma_wait3A_66 = tpu.memref_slice %arg13[%add3A_18, %dma_wait3A_65] : memref<10000x64xf32, #tpu.memory_space<vmem_shared>> -> memref<128x64xf32, #tpu.memory_space<vmem_shared>>
      %dma_wait3A_67 = arith.constant 0 : i32
      %dma_wait3A_68 = tpu.memref_slice %arg13[%add3A_18, %dma_wait3A_67] : memref<10000x64xf32, #tpu.memory_space<vmem_shared>> -> memref<128x64xf32, #tpu.memory_space<vmem_shared>>
      tpu.wait_dma2 semaphore(%run_scoped3A_60 : memref<!tpu.dma_semaphore, #tpu.memory_space<semaphore_mem>>) src(%arg7 : memref<128x64xf32, #tpu.memory_space<vmem>>) dst(%dma_wait3A_68 : memref<128x64xf32, #tpu.memory_space<vmem_shared>>)
      tpu.yield
    }) : () -> ()
    %mul3A_19 = arith.constant 625 : i32
    %mul3A_20 = arith.muli %arg1, %mul3A_19 : i32
    %add3A_21 = arith.constant 384 : i32
    %add3A_22 = arith.addi %mul3A_20, %add3A_21 : i32
    "tpu.region"() ({
      %run_scoped3A_60 = tpu.sem_alloc : memref<!tpu.dma_semaphore, #tpu.memory_space<semaphore_mem>>
      %dma_start3A_61 = arith.constant 0 : i32
      %dma_start3A_62 = tpu.memref_slice %arg13[%add3A_22, %dma_start3A_61] : memref<10000x64xf32, #tpu.memory_space<vmem_shared>> -> memref<128x64xf32, #tpu.memory_space<vmem_shared>>
      %dma_start3A_63 = arith.constant 0 : i32
      %dma_start3A_64 = tpu.memref_slice %arg13[%add3A_22, %dma_start3A_63] : memref<10000x64xf32, #tpu.memory_space<vmem_shared>> -> memref<128x64xf32, #tpu.memory_space<vmem_shared>>
      tpu.enqueue_dma source(%arg7 : memref<128x64xf32, #tpu.memory_space<vmem>>) target(%dma_start3A_64 : memref<128x64xf32, #tpu.memory_space<vmem_shared>>) target_semaphore(%run_scoped3A_60 : memref<!tpu.dma_semaphore, #tpu.memory_space<semaphore_mem>>)
      %dma_wait3A_65 = arith.constant 0 : i32
      %dma_wait3A_66 = tpu.memref_slice %arg13[%add3A_22, %dma_wait3A_65] : memref<10000x64xf32, #tpu.memory_space<vmem_shared>> -> memref<128x64xf32, #tpu.memory_space<vmem_shared>>
      %dma_wait3A_67 = arith.constant 0 : i32
      %dma_wait3A_68 = tpu.memref_slice %arg13[%add3A_22, %dma_wait3A_67] : memref<10000x64xf32, #tpu.memory_space<vmem_shared>> -> memref<128x64xf32, #tpu.memory_space<vmem_shared>>
      tpu.wait_dma2 semaphore(%run_scoped3A_60 : memref<!tpu.dma_semaphore, #tpu.memory_space<semaphore_mem>>) src(%arg7 : memref<128x64xf32, #tpu.memory_space<vmem>>) dst(%dma_wait3A_68 : memref<128x64xf32, #tpu.memory_space<vmem_shared>>)
      tpu.yield
    }) : () -> ()
    %mul3A_23 = arith.constant 625 : i32
    %mul3A_24 = arith.muli %arg1, %mul3A_23 : i32
    %add3A_25 = arith.constant 512 : i32
    %add3A_26 = arith.addi %mul3A_24, %add3A_25 : i32
    "tpu.region"() ({
      %run_scoped3A_60 = tpu.sem_alloc : memref<!tpu.dma_semaphore, #tpu.memory_space<semaphore_mem>>
      %dma_start3A_61 = arith.constant 0 : i32
      %dma_start3A_62 = arith.constant 0 : i32
      %dma_start3A_63 = tpu.memref_slice %arg7[%dma_start3A_61, %dma_start3A_62] : memref<128x64xf32, #tpu.memory_space<vmem>> -> memref<113x64xf32, #tpu.memory_space<vmem>>
      %dma_start3A_64 = arith.constant 0 : i32
      %dma_start3A_65 = tpu.memref_slice %arg13[%add3A_26, %dma_start3A_64] : memref<10000x64xf32, #tpu.memory_space<vmem_shared>> -> memref<113x64xf32, #tpu.memory_space<vmem_shared>>
      %dma_start3A_66 = arith.constant 0 : i32
      %dma_start3A_67 = tpu.memref_slice %arg13[%add3A_26, %dma_start3A_66] : memref<10000x64xf32, #tpu.memory_space<vmem_shared>> -> memref<113x64xf32, #tpu.memory_space<vmem_shared>>
      %dma_start3A_68 = arith.constant 0 : i32
      %dma_start3A_69 = arith.constant 0 : i32
      %dma_start3A_70 = tpu.memref_slice %arg7[%dma_start3A_68, %dma_start3A_69] : memref<128x64xf32, #tpu.memory_space<vmem>> -> memref<113x64xf32, #tpu.memory_space<vmem>>
      tpu.enqueue_dma source(%dma_start3A_70 : memref<113x64xf32, #tpu.memory_space<vmem>>) target(%dma_start3A_67 : memref<113x64xf32, #tpu.memory_space<vmem_shared>>) target_semaphore(%run_scoped3A_60 : memref<!tpu.dma_semaphore, #tpu.memory_space<semaphore_mem>>)
      %dma_wait3A_71 = arith.constant 0 : i32
      %dma_wait3A_72 = arith.constant 0 : i32
      %dma_wait3A_73 = tpu.memref_slice %arg7[%dma_wait3A_71, %dma_wait3A_72] : memref<128x64xf32, #tpu.memory_space<vmem>> -> memref<113x64xf32, #tpu.memory_space<vmem>>
      %dma_wait3A_74 = arith.constant 0 : i32
      %dma_wait3A_75 = tpu.memref_slice %arg13[%add3A_26, %dma_wait3A_74] : memref<10000x64xf32, #tpu.memory_space<vmem_shared>> -> memref<113x64xf32, #tpu.memory_space<vmem_shared>>
      %dma_wait3A_76 = arith.constant 0 : i32
      %dma_wait3A_77 = tpu.memref_slice %arg13[%add3A_26, %dma_wait3A_76] : memref<10000x64xf32, #tpu.memory_space<vmem_shared>> -> memref<113x64xf32, #tpu.memory_space<vmem_shared>>
      %dma_wait3A_78 = arith.constant 0 : i32
      %dma_wait3A_79 = arith.constant 0 : i32
      %dma_wait3A_80 = tpu.memref_slice %arg7[%dma_wait3A_78, %dma_wait3A_79] : memref<128x64xf32, #tpu.memory_space<vmem>> -> memref<113x64xf32, #tpu.memory_space<vmem>>
      tpu.wait_dma2 semaphore(%run_scoped3A_60 : memref<!tpu.dma_semaphore, #tpu.memory_space<semaphore_mem>>) src(%dma_wait3A_80 : memref<113x64xf32, #tpu.memory_space<vmem>>) dst(%dma_wait3A_77 : memref<113x64xf32, #tpu.memory_space<vmem_shared>>)
      tpu.yield
    }) : () -> ()
    %mul3A_27 = arith.constant 10000 : i32
    %mul3A_28 = arith.muli %add3A, %mul3A_27 : i32
    %run_scoped3A = arith.constant 0 : i32
    "tpu.region"() ({
      %run_scoped3A_60 = tpu.sem_alloc : memref<!tpu.dma_semaphore, #tpu.memory_space<semaphore_mem>>
      %dma_start3A_61 = tpu.memref_slice %arg3[%run_scoped3A, %mul3A_28] : memref<2x320000xi32, #tpu.memory_space<hbm>> -> memref<1x10000xi32, #tpu.memory_space<hbm>>
      %dma_start3A_62 = tpu.memref_squeeze %dma_start3A_61 : memref<1x10000xi32, #tpu.memory_space<hbm>> -> memref<10000xi32, #tpu.memory_space<hbm>>
      %dma_start3A_63 = tpu.memref_slice %arg3[%run_scoped3A, %mul3A_28] : memref<2x320000xi32, #tpu.memory_space<hbm>> -> memref<1x10000xi32, #tpu.memory_space<hbm>>
      %dma_start3A_64 = tpu.memref_squeeze %dma_start3A_63 : memref<1x10000xi32, #tpu.memory_space<hbm>> -> memref<10000xi32, #tpu.memory_space<hbm>>
      tpu.enqueue_dma source(%dma_start3A_64 : memref<10000xi32, #tpu.memory_space<hbm>>) target(%arg5 : memref<10000xi32, #tpu.memory_space<vmem>>) target_semaphore(%run_scoped3A_60 : memref<!tpu.dma_semaphore, #tpu.memory_space<semaphore_mem>>)
      %dma_wait3A_65 = tpu.memref_slice %arg3[%run_scoped3A, %mul3A_28] : memref<2x320000xi32, #tpu.memory_space<hbm>> -> memref<1x10000xi32, #tpu.memory_space<hbm>>
      %dma_wait3A_66 = tpu.memref_squeeze %dma_wait3A_65 : memref<1x10000xi32, #tpu.memory_space<hbm>> -> memref<10000xi32, #tpu.memory_space<hbm>>
      %dma_wait3A_67 = tpu.memref_slice %arg3[%run_scoped3A, %mul3A_28] : memref<2x320000xi32, #tpu.memory_space<hbm>> -> memref<1x10000xi32, #tpu.memory_space<hbm>>
      %dma_wait3A_68 = tpu.memref_squeeze %dma_wait3A_67 : memref<1x10000xi32, #tpu.memory_space<hbm>> -> memref<10000xi32, #tpu.memory_space<hbm>>
      tpu.wait_dma2 semaphore(%run_scoped3A_60 : memref<!tpu.dma_semaphore, #tpu.memory_space<semaphore_mem>>) src(%dma_wait3A_68 : memref<10000xi32, #tpu.memory_space<hbm>>) dst(%arg5 : memref<10000xi32, #tpu.memory_space<vmem>>)
      tpu.yield
    }) : () -> ()
    %mul3A_29 = arith.constant 10000 : i32
    %mul3A_30 = arith.muli %add3A, %mul3A_29 : i32
    %run_scoped3A_31 = arith.constant 1 : i32
    "tpu.region"() ({
      %run_scoped3A_60 = tpu.sem_alloc : memref<!tpu.dma_semaphore, #tpu.memory_space<semaphore_mem>>
      %dma_start3A_61 = tpu.memref_slice %arg3[%run_scoped3A_31, %mul3A_30] : memref<2x320000xi32, #tpu.memory_space<hbm>> -> memref<1x10000xi32, #tpu.memory_space<hbm>>
      %dma_start3A_62 = tpu.memref_squeeze %dma_start3A_61 : memref<1x10000xi32, #tpu.memory_space<hbm>> -> memref<10000xi32, #tpu.memory_space<hbm>>
      %dma_start3A_63 = tpu.memref_slice %arg3[%run_scoped3A_31, %mul3A_30] : memref<2x320000xi32, #tpu.memory_space<hbm>> -> memref<1x10000xi32, #tpu.memory_space<hbm>>
      %dma_start3A_64 = tpu.memref_squeeze %dma_start3A_63 : memref<1x10000xi32, #tpu.memory_space<hbm>> -> memref<10000xi32, #tpu.memory_space<hbm>>
      tpu.enqueue_dma source(%dma_start3A_64 : memref<10000xi32, #tpu.memory_space<hbm>>) target(%arg6 : memref<10000xi32, #tpu.memory_space<vmem>>) target_semaphore(%run_scoped3A_60 : memref<!tpu.dma_semaphore, #tpu.memory_space<semaphore_mem>>)
      %dma_wait3A_65 = tpu.memref_slice %arg3[%run_scoped3A_31, %mul3A_30] : memref<2x320000xi32, #tpu.memory_space<hbm>> -> memref<1x10000xi32, #tpu.memory_space<hbm>>
      %dma_wait3A_66 = tpu.memref_squeeze %dma_wait3A_65 : memref<1x10000xi32, #tpu.memory_space<hbm>> -> memref<10000xi32, #tpu.memory_space<hbm>>
      %dma_wait3A_67 = tpu.memref_slice %arg3[%run_scoped3A_31, %mul3A_30] : memref<2x320000xi32, #tpu.memory_space<hbm>> -> memref<1x10000xi32, #tpu.memory_space<hbm>>
      %dma_wait3A_68 = tpu.memref_squeeze %dma_wait3A_67 : memref<1x10000xi32, #tpu.memory_space<hbm>> -> memref<10000xi32, #tpu.memory_space<hbm>>
      tpu.wait_dma2 semaphore(%run_scoped3A_60 : memref<!tpu.dma_semaphore, #tpu.memory_space<semaphore_mem>>) src(%dma_wait3A_68 : memref<10000xi32, #tpu.memory_space<hbm>>) dst(%arg6 : memref<10000xi32, #tpu.memory_space<vmem>>)
      tpu.yield
    }) : () -> ()
    %barrier3A = arith.constant 0 : index
    tpu.barrier barrier_id(%barrier3A)
    %scan3A_32 = arith.constant 0 : i32
    %scan3A_33 = arith.constant 0 : i32
    %scan3A_34 = arith.constant 13 : i32
    %scan3A_35 = arith.addi %scan3A_33, %scan3A_34 : i32
    %scan3A_36 = arith.constant 1 : i32
    scf.for %scan3A_60 = %scan3A_33 to %scan3A_35 step %scan3A_36  : i32 {
      %mul3A_61 = arith.constant 6 : i32
      %mul3A_62 = arith.muli %scan3A_60, %mul3A_61 : i32
      %add3A_63 = arith.constant 0 : i32
      %add3A_64 = arith.addi %mul3A_62, %add3A_63 : i32
      %mul3A_65 = arith.constant 128 : i32
      %mul3A_66 = arith.muli %add3A_64, %mul3A_65 : i32
      %dma_start3A_67 = arith.constant 0 : i32
      %dma_start3A_68 = arith.constant 0 : i32
      %dma_start3A_69 = tpu.memref_slice %arg7[%dma_start3A_67, %dma_start3A_68] : memref<128x64xf32, #tpu.memory_space<vmem>> -> memref<128x64xf32, #tpu.memory_space<vmem>>
      %dma_start3A_70 = tpu.memref_slice %arg5[%mul3A_66] : memref<10000xi32, #tpu.memory_space<vmem>> -> memref<128xi32, #tpu.memory_space<vmem>>
      %dma_start3A_71 = arith.constant 0 : i32
      %dma_start3A_72 = arith.constant 0 : i32
      %dma_start3A_73 = tpu.memref_slice %arg2[%dma_start3A_71, %dma_start3A_72] : memref<10000x64xf32, #tpu.memory_space<hbm>> -> memref<10000x64xf32, #tpu.memory_space<hbm>>
      tpu.enqueue_indirect_dma source(%dma_start3A_73 : memref<10000x64xf32, #tpu.memory_space<hbm>>) target(%dma_start3A_69 : memref<128x64xf32, #tpu.memory_space<vmem>>) offsets(%dma_start3A_70 : memref<128xi32, #tpu.memory_space<vmem>>) semaphore(%arg14 : memref<!tpu.dma_semaphore, #tpu.memory_space<semaphore_mem>>)
      %add3A_74 = arith.constant 1 : i32
      %add3A_75 = arith.addi %mul3A_62, %add3A_74 : i32
      %mul3A_76 = arith.constant 128 : i32
      %mul3A_77 = arith.muli %add3A_75, %mul3A_76 : i32
      %dma_start3A_78 = arith.constant 0 : i32
      %dma_start3A_79 = arith.constant 0 : i32
      %dma_start3A_80 = tpu.memref_slice %arg8[%dma_start3A_78, %dma_start3A_79] : memref<128x64xf32, #tpu.memory_space<vmem>> -> memref<128x64xf32, #tpu.memory_space<vmem>>
      %dma_start3A_81 = tpu.memref_slice %arg5[%mul3A_77] : memref<10000xi32, #tpu.memory_space<vmem>> -> memref<128xi32, #tpu.memory_space<vmem>>
      %dma_start3A_82 = arith.constant 0 : i32
      %dma_start3A_83 = arith.constant 0 : i32
      %dma_start3A_84 = tpu.memref_slice %arg2[%dma_start3A_82, %dma_start3A_83] : memref<10000x64xf32, #tpu.memory_space<hbm>> -> memref<10000x64xf32, #tpu.memory_space<hbm>>
      tpu.enqueue_indirect_dma source(%dma_start3A_84 : memref<10000x64xf32, #tpu.memory_space<hbm>>) target(%dma_start3A_80 : memref<128x64xf32, #tpu.memory_space<vmem>>) offsets(%dma_start3A_81 : memref<128xi32, #tpu.memory_space<vmem>>) semaphore(%arg14 : memref<!tpu.dma_semaphore, #tpu.memory_space<semaphore_mem>>)
      %add3A_85 = arith.constant 2 : i32
      %add3A_86 = arith.addi %mul3A_62, %add3A_85 : i32
      %mul3A_87 = arith.constant 128 : i32
      %mul3A_88 = arith.muli %add3A_86, %mul3A_87 : i32
      %dma_start3A_89 = arith.constant 0 : i32
      %dma_start3A_90 = arith.constant 0 : i32
      %dma_start3A_91 = tpu.memref_slice %arg9[%dma_start3A_89, %dma_start3A_90] : memref<128x64xf32, #tpu.memory_space<vmem>> -> memref<128x64xf32, #tpu.memory_space<vmem>>
      %dma_start3A_92 = tpu.memref_slice %arg5[%mul3A_88] : memref<10000xi32, #tpu.memory_space<vmem>> -> memref<128xi32, #tpu.memory_space<vmem>>
      %dma_start3A_93 = arith.constant 0 : i32
      %dma_start3A_94 = arith.constant 0 : i32
      %dma_start3A_95 = tpu.memref_slice %arg2[%dma_start3A_93, %dma_start3A_94] : memref<10000x64xf32, #tpu.memory_space<hbm>> -> memref<10000x64xf32, #tpu.memory_space<hbm>>
      tpu.enqueue_indirect_dma source(%dma_start3A_95 : memref<10000x64xf32, #tpu.memory_space<hbm>>) target(%dma_start3A_91 : memref<128x64xf32, #tpu.memory_space<vmem>>) offsets(%dma_start3A_92 : memref<128xi32, #tpu.memory_space<vmem>>) semaphore(%arg14 : memref<!tpu.dma_semaphore, #tpu.memory_space<semaphore_mem>>)
      %add3A_96 = arith.constant 3 : i32
      %add3A_97 = arith.addi %mul3A_62, %add3A_96 : i32
      %mul3A_98 = arith.constant 128 : i32
      %mul3A_99 = arith.muli %add3A_97, %mul3A_98 : i32
      %dma_start3A_100 = arith.constant 0 : i32
      %dma_start3A_101 = arith.constant 0 : i32
      %dma_start3A_102 = tpu.memref_slice %arg10[%dma_start3A_100, %dma_start3A_101] : memref<128x64xf32, #tpu.memory_space<vmem>> -> memref<128x64xf32, #tpu.memory_space<vmem>>
      %dma_start3A_103 = tpu.memref_slice %arg5[%mul3A_99] : memref<10000xi32, #tpu.memory_space<vmem>> -> memref<128xi32, #tpu.memory_space<vmem>>
      %dma_start3A_104 = arith.constant 0 : i32
      %dma_start3A_105 = arith.constant 0 : i32
      %dma_start3A_106 = tpu.memref_slice %arg2[%dma_start3A_104, %dma_start3A_105] : memref<10000x64xf32, #tpu.memory_space<hbm>> -> memref<10000x64xf32, #tpu.memory_space<hbm>>
      tpu.enqueue_indirect_dma source(%dma_start3A_106 : memref<10000x64xf32, #tpu.memory_space<hbm>>) target(%dma_start3A_102 : memref<128x64xf32, #tpu.memory_space<vmem>>) offsets(%dma_start3A_103 : memref<128xi32, #tpu.memory_space<vmem>>) semaphore(%arg14 : memref<!tpu.dma_semaphore, #tpu.memory_space<semaphore_mem>>)
      %add3A_107 = arith.constant 4 : i32
      %add3A_108 = arith.addi %mul3A_62, %add3A_107 : i32
      %mul3A_109 = arith.constant 128 : i32
      %mul3A_110 = arith.muli %add3A_108, %mul3A_109 : i32
      %dma_start3A_111 = arith.constant 0 : i32
      %dma_start3A_112 = arith.constant 0 : i32
      %dma_start3A_113 = tpu.memref_slice %arg11[%dma_start3A_111, %dma_start3A_112] : memref<128x64xf32, #tpu.memory_space<vmem>> -> memref<128x64xf32, #tpu.memory_space<vmem>>
      %dma_start3A_114 = tpu.memref_slice %arg5[%mul3A_110] : memref<10000xi32, #tpu.memory_space<vmem>> -> memref<128xi32, #tpu.memory_space<vmem>>
      %dma_start3A_115 = arith.constant 0 : i32
      %dma_start3A_116 = arith.constant 0 : i32
      %dma_start3A_117 = tpu.memref_slice %arg2[%dma_start3A_115, %dma_start3A_116] : memref<10000x64xf32, #tpu.memory_space<hbm>> -> memref<10000x64xf32, #tpu.memory_space<hbm>>
      tpu.enqueue_indirect_dma source(%dma_start3A_117 : memref<10000x64xf32, #tpu.memory_space<hbm>>) target(%dma_start3A_113 : memref<128x64xf32, #tpu.memory_space<vmem>>) offsets(%dma_start3A_114 : memref<128xi32, #tpu.memory_space<vmem>>) semaphore(%arg14 : memref<!tpu.dma_semaphore, #tpu.memory_space<semaphore_mem>>)
      %add3A_118 = arith.constant 5 : i32
      %add3A_119 = arith.addi %mul3A_62, %add3A_118 : i32
      %mul3A_120 = arith.constant 128 : i32
      %mul3A_121 = arith.muli %add3A_119, %mul3A_120 : i32
      %dma_start3A_122 = arith.constant 0 : i32
      %dma_start3A_123 = arith.constant 0 : i32
      %dma_start3A_124 = tpu.memref_slice %arg12[%dma_start3A_122, %dma_start3A_123] : memref<128x64xf32, #tpu.memory_space<vmem>> -> memref<128x64xf32, #tpu.memory_space<vmem>>
      %dma_start3A_125 = tpu.memref_slice %arg5[%mul3A_121] : memref<10000xi32, #tpu.memory_space<vmem>> -> memref<128xi32, #tpu.memory_space<vmem>>
      %dma_start3A_126 = arith.constant 0 : i32
      %dma_start3A_127 = arith.constant 0 : i32
      %dma_start3A_128 = tpu.memref_slice %arg2[%dma_start3A_126, %dma_start3A_127] : memref<10000x64xf32, #tpu.memory_space<hbm>> -> memref<10000x64xf32, #tpu.memory_space<hbm>>
      tpu.enqueue_indirect_dma source(%dma_start3A_128 : memref<10000x64xf32, #tpu.memory_space<hbm>>) target(%dma_start3A_124 : memref<128x64xf32, #tpu.memory_space<vmem>>) offsets(%dma_start3A_125 : memref<128xi32, #tpu.memory_space<vmem>>) semaphore(%arg14 : memref<!tpu.dma_semaphore, #tpu.memory_space<semaphore_mem>>)
      %dma_wait3A_129 = arith.constant 0 : i32
      %dma_wait3A_130 = arith.constant 0 : i32
      %dma_wait3A_131 = tpu.memref_slice %arg7[%dma_wait3A_129, %dma_wait3A_130] : memref<128x64xf32, #tpu.memory_space<vmem>> -> memref<128x64xf32, #tpu.memory_space<vmem>>
      %dma_wait3A_132 = tpu.memref_slice %arg5[%mul3A_66] : memref<10000xi32, #tpu.memory_space<vmem>> -> memref<128xi32, #tpu.memory_space<vmem>>
      %dma_wait3A_133 = arith.constant 0 : i32
      %dma_wait3A_134 = arith.constant 0 : i32
      %dma_wait3A_135 = tpu.memref_slice %arg2[%dma_wait3A_133, %dma_wait3A_134] : memref<10000x64xf32, #tpu.memory_space<hbm>> -> memref<10000x64xf32, #tpu.memory_space<hbm>>
      tpu.wait_indirect_dma semaphore(%arg14 : memref<!tpu.dma_semaphore, #tpu.memory_space<semaphore_mem>>) src(%dma_wait3A_135 : memref<10000x64xf32, #tpu.memory_space<hbm>>) dst(%dma_wait3A_131 : memref<128x64xf32, #tpu.memory_space<vmem>>)
      %add3A_136 = arith.constant 0 : i32
      %add3A_137 = arith.addi %mul3A_62, %add3A_136 : i32
      %mul3A_138 = arith.constant 128 : i32
      %mul3A_139 = arith.muli %add3A_137, %mul3A_138 : i32
      "tpu.region"() ({
        %run_scoped3A_195 = tpu.sem_alloc : memref<!tpu.dma_semaphore, #tpu.memory_space<semaphore_mem>>
        %dma_start3A_196 = arith.constant 0 : i32
        %dma_start3A_197 = arith.constant 0 : i32
        %dma_start3A_198 = tpu.memref_slice %arg7[%dma_start3A_196, %dma_start3A_197] : memref<128x64xf32, #tpu.memory_space<vmem>> -> memref<128x64xf32, #tpu.memory_space<vmem>>
        %dma_start3A_199 = tpu.memref_slice %arg6[%mul3A_139] : memref<10000xi32, #tpu.memory_space<vmem>> -> memref<128xi32, #tpu.memory_space<vmem>>
        %dma_start3A_200 = arith.constant 0 : i32
        %dma_start3A_201 = arith.constant 0 : i32
        %dma_start3A_202 = tpu.memref_slice %arg13[%dma_start3A_200, %dma_start3A_201] : memref<10000x64xf32, #tpu.memory_space<vmem_shared>> -> memref<10000x64xf32, #tpu.memory_space<vmem_shared>>
        tpu.enqueue_indirect_dma source(%dma_start3A_198 : memref<128x64xf32, #tpu.memory_space<vmem>>) target(%dma_start3A_202 : memref<10000x64xf32, #tpu.memory_space<vmem_shared>>) offsets(%dma_start3A_199 : memref<128xi32, #tpu.memory_space<vmem>>) semaphore(%run_scoped3A_195 : memref<!tpu.dma_semaphore, #tpu.memory_space<semaphore_mem>>) {add = true}
        %dma_wait3A_203 = arith.constant 0 : i32
        %dma_wait3A_204 = arith.constant 0 : i32
        %dma_wait3A_205 = tpu.memref_slice %arg7[%dma_wait3A_203, %dma_wait3A_204] : memref<128x64xf32, #tpu.memory_space<vmem>> -> memref<128x64xf32, #tpu.memory_space<vmem>>
        %dma_wait3A_206 = tpu.memref_slice %arg6[%mul3A_139] : memref<10000xi32, #tpu.memory_space<vmem>> -> memref<128xi32, #tpu.memory_space<vmem>>
        %dma_wait3A_207 = arith.constant 0 : i32
        %dma_wait3A_208 = arith.constant 0 : i32
        %dma_wait3A_209 = tpu.memref_slice %arg13[%dma_wait3A_207, %dma_wait3A_208] : memref<10000x64xf32, #tpu.memory_space<vmem_shared>> -> memref<10000x64xf32, #tpu.memory_space<vmem_shared>>
        tpu.wait_indirect_dma semaphore(%run_scoped3A_195 : memref<!tpu.dma_semaphore, #tpu.memory_space<semaphore_mem>>) src(%dma_wait3A_205 : memref<128x64xf32, #tpu.memory_space<vmem>>) dst(%dma_wait3A_209 : memref<10000x64xf32, #tpu.memory_space<vmem_shared>>)
        tpu.yield
      }) : () -> ()
      %dma_wait3A_140 = arith.constant 0 : i32
      %dma_wait3A_141 = arith.constant 0 : i32
      %dma_wait3A_142 = tpu.memref_slice %arg8[%dma_wait3A_140, %dma_wait3A_141] : memref<128x64xf32, #tpu.memory_space<vmem>> -> memref<128x64xf32, #tpu.memory_space<vmem>>
      %dma_wait3A_143 = tpu.memref_slice %arg5[%mul3A_77] : memref<10000xi32, #tpu.memory_space<vmem>> -> memref<128xi32, #tpu.memory_space<vmem>>
      %dma_wait3A_144 = arith.constant 0 : i32
      %dma_wait3A_145 = arith.constant 0 : i32
      %dma_wait3A_146 = tpu.memref_slice %arg2[%dma_wait3A_144, %dma_wait3A_145] : memref<10000x64xf32, #tpu.memory_space<hbm>> -> memref<10000x64xf32, #tpu.memory_space<hbm>>
      tpu.wait_indirect_dma semaphore(%arg14 : memref<!tpu.dma_semaphore, #tpu.memory_space<semaphore_mem>>) src(%dma_wait3A_146 : memref<10000x64xf32, #tpu.memory_space<hbm>>) dst(%dma_wait3A_142 : memref<128x64xf32, #tpu.memory_space<vmem>>)
      %add3A_147 = arith.constant 1 : i32
      %add3A_148 = arith.addi %mul3A_62, %add3A_147 : i32
      %mul3A_149 = arith.constant 128 : i32
      %mul3A_150 = arith.muli %add3A_148, %mul3A_149 : i32
      "tpu.region"() ({
        %run_scoped3A_195 = tpu.sem_alloc : memref<!tpu.dma_semaphore, #tpu.memory_space<semaphore_mem>>
        %dma_start3A_196 = arith.constant 0 : i32
        %dma_start3A_197 = arith.constant 0 : i32
        %dma_start3A_198 = tpu.memref_slice %arg8[%dma_start3A_196, %dma_start3A_197] : memref<128x64xf32, #tpu.memory_space<vmem>> -> memref<128x64xf32, #tpu.memory_space<vmem>>
        %dma_start3A_199 = tpu.memref_slice %arg6[%mul3A_150] : memref<10000xi32, #tpu.memory_space<vmem>> -> memref<128xi32, #tpu.memory_space<vmem>>
        %dma_start3A_200 = arith.constant 0 : i32
        %dma_start3A_201 = arith.constant 0 : i32
        %dma_start3A_202 = tpu.memref_slice %arg13[%dma_start3A_200, %dma_start3A_201] : memref<10000x64xf32, #tpu.memory_space<vmem_shared>> -> memref<10000x64xf32, #tpu.memory_space<vmem_shared>>
        tpu.enqueue_indirect_dma source(%dma_start3A_198 : memref<128x64xf32, #tpu.memory_space<vmem>>) target(%dma_start3A_202 : memref<10000x64xf32, #tpu.memory_space<vmem_shared>>) offsets(%dma_start3A_199 : memref<128xi32, #tpu.memory_space<vmem>>) semaphore(%run_scoped3A_195 : memref<!tpu.dma_semaphore, #tpu.memory_space<semaphore_mem>>) {add = true}
        %dma_wait3A_203 = arith.constant 0 : i32
        %dma_wait3A_204 = arith.constant 0 : i32
        %dma_wait3A_205 = tpu.memref_slice %arg8[%dma_wait3A_203, %dma_wait3A_204] : memref<128x64xf32, #tpu.memory_space<vmem>> -> memref<128x64xf32, #tpu.memory_space<vmem>>
        %dma_wait3A_206 = tpu.memref_slice %arg6[%mul3A_150] : memref<10000xi32, #tpu.memory_space<vmem>> -> memref<128xi32, #tpu.memory_space<vmem>>
        %dma_wait3A_207 = arith.constant 0 : i32
        %dma_wait3A_208 = arith.constant 0 : i32
        %dma_wait3A_209 = tpu.memref_slice %arg13[%dma_wait3A_207, %dma_wait3A_208] : memref<10000x64xf32, #tpu.memory_space<vmem_shared>> -> memref<10000x64xf32, #tpu.memory_space<vmem_shared>>
        tpu.wait_indirect_dma semaphore(%run_scoped3A_195 : memref<!tpu.dma_semaphore, #tpu.memory_space<semaphore_mem>>) src(%dma_wait3A_205 : memref<128x64xf32, #tpu.memory_space<vmem>>) dst(%dma_wait3A_209 : memref<10000x64xf32, #tpu.memory_space<vmem_shared>>)
        tpu.yield
      }) : () -> ()
      %dma_wait3A_151 = arith.constant 0 : i32
      %dma_wait3A_152 = arith.constant 0 : i32
      %dma_wait3A_153 = tpu.memref_slice %arg9[%dma_wait3A_151, %dma_wait3A_152] : memref<128x64xf32, #tpu.memory_space<vmem>> -> memref<128x64xf32, #tpu.memory_space<vmem>>
      %dma_wait3A_154 = tpu.memref_slice %arg5[%mul3A_88] : memref<10000xi32, #tpu.memory_space<vmem>> -> memref<128xi32, #tpu.memory_space<vmem>>
      %dma_wait3A_155 = arith.constant 0 : i32
      %dma_wait3A_156 = arith.constant 0 : i32
      %dma_wait3A_157 = tpu.memref_slice %arg2[%dma_wait3A_155, %dma_wait3A_156] : memref<10000x64xf32, #tpu.memory_space<hbm>> -> memref<10000x64xf32, #tpu.memory_space<hbm>>
      tpu.wait_indirect_dma semaphore(%arg14 : memref<!tpu.dma_semaphore, #tpu.memory_space<semaphore_mem>>) src(%dma_wait3A_157 : memref<10000x64xf32, #tpu.memory_space<hbm>>) dst(%dma_wait3A_153 : memref<128x64xf32, #tpu.memory_space<vmem>>)
      %add3A_158 = arith.constant 2 : i32
      %add3A_159 = arith.addi %mul3A_62, %add3A_158 : i32
      %mul3A_160 = arith.constant 128 : i32
      %mul3A_161 = arith.muli %add3A_159, %mul3A_160 : i32
      "tpu.region"() ({
        %run_scoped3A_195 = tpu.sem_alloc : memref<!tpu.dma_semaphore, #tpu.memory_space<semaphore_mem>>
        %dma_start3A_196 = arith.constant 0 : i32
        %dma_start3A_197 = arith.constant 0 : i32
        %dma_start3A_198 = tpu.memref_slice %arg9[%dma_start3A_196, %dma_start3A_197] : memref<128x64xf32, #tpu.memory_space<vmem>> -> memref<128x64xf32, #tpu.memory_space<vmem>>
        %dma_start3A_199 = tpu.memref_slice %arg6[%mul3A_161] : memref<10000xi32, #tpu.memory_space<vmem>> -> memref<128xi32, #tpu.memory_space<vmem>>
        %dma_start3A_200 = arith.constant 0 : i32
        %dma_start3A_201 = arith.constant 0 : i32
        %dma_start3A_202 = tpu.memref_slice %arg13[%dma_start3A_200, %dma_start3A_201] : memref<10000x64xf32, #tpu.memory_space<vmem_shared>> -> memref<10000x64xf32, #tpu.memory_space<vmem_shared>>
        tpu.enqueue_indirect_dma source(%dma_start3A_198 : memref<128x64xf32, #tpu.memory_space<vmem>>) target(%dma_start3A_202 : memref<10000x64xf32, #tpu.memory_space<vmem_shared>>) offsets(%dma_start3A_199 : memref<128xi32, #tpu.memory_space<vmem>>) semaphore(%run_scoped3A_195 : memref<!tpu.dma_semaphore, #tpu.memory_space<semaphore_mem>>) {add = true}
        %dma_wait3A_203 = arith.constant 0 : i32
        %dma_wait3A_204 = arith.constant 0 : i32
        %dma_wait3A_205 = tpu.memref_slice %arg9[%dma_wait3A_203, %dma_wait3A_204] : memref<128x64xf32, #tpu.memory_space<vmem>> -> memref<128x64xf32, #tpu.memory_space<vmem>>
        %dma_wait3A_206 = tpu.memref_slice %arg6[%mul3A_161] : memref<10000xi32, #tpu.memory_space<vmem>> -> memref<128xi32, #tpu.memory_space<vmem>>
        %dma_wait3A_207 = arith.constant 0 : i32
        %dma_wait3A_208 = arith.constant 0 : i32
        %dma_wait3A_209 = tpu.memref_slice %arg13[%dma_wait3A_207, %dma_wait3A_208] : memref<10000x64xf32, #tpu.memory_space<vmem_shared>> -> memref<10000x64xf32, #tpu.memory_space<vmem_shared>>
        tpu.wait_indirect_dma semaphore(%run_scoped3A_195 : memref<!tpu.dma_semaphore, #tpu.memory_space<semaphore_mem>>) src(%dma_wait3A_205 : memref<128x64xf32, #tpu.memory_space<vmem>>) dst(%dma_wait3A_209 : memref<10000x64xf32, #tpu.memory_space<vmem_shared>>)
        tpu.yield
      }) : () -> ()
      %dma_wait3A_162 = arith.constant 0 : i32
      %dma_wait3A_163 = arith.constant 0 : i32
      %dma_wait3A_164 = tpu.memref_slice %arg10[%dma_wait3A_162, %dma_wait3A_163] : memref<128x64xf32, #tpu.memory_space<vmem>> -> memref<128x64xf32, #tpu.memory_space<vmem>>
      %dma_wait3A_165 = tpu.memref_slice %arg5[%mul3A_99] : memref<10000xi32, #tpu.memory_space<vmem>> -> memref<128xi32, #tpu.memory_space<vmem>>
      %dma_wait3A_166 = arith.constant 0 : i32
      %dma_wait3A_167 = arith.constant 0 : i32
      %dma_wait3A_168 = tpu.memref_slice %arg2[%dma_wait3A_166, %dma_wait3A_167] : memref<10000x64xf32, #tpu.memory_space<hbm>> -> memref<10000x64xf32, #tpu.memory_space<hbm>>
      tpu.wait_indirect_dma semaphore(%arg14 : memref<!tpu.dma_semaphore, #tpu.memory_space<semaphore_mem>>) src(%dma_wait3A_168 : memref<10000x64xf32, #tpu.memory_space<hbm>>) dst(%dma_wait3A_164 : memref<128x64xf32, #tpu.memory_space<vmem>>)
      %add3A_169 = arith.constant 3 : i32
      %add3A_170 = arith.addi %mul3A_62, %add3A_169 : i32
      %mul3A_171 = arith.constant 128 : i32
      %mul3A_172 = arith.muli %add3A_170, %mul3A_171 : i32
      "tpu.region"() ({
        %run_scoped3A_195 = tpu.sem_alloc : memref<!tpu.dma_semaphore, #tpu.memory_space<semaphore_mem>>
        %dma_start3A_196 = arith.constant 0 : i32
        %dma_start3A_197 = arith.constant 0 : i32
        %dma_start3A_198 = tpu.memref_slice %arg10[%dma_start3A_196, %dma_start3A_197] : memref<128x64xf32, #tpu.memory_space<vmem>> -> memref<128x64xf32, #tpu.memory_space<vmem>>
        %dma_start3A_199 = tpu.memref_slice %arg6[%mul3A_172] : memref<10000xi32, #tpu.memory_space<vmem>> -> memref<128xi32, #tpu.memory_space<vmem>>
        %dma_start3A_200 = arith.constant 0 : i32
        %dma_start3A_201 = arith.constant 0 : i32
        %dma_start3A_202 = tpu.memref_slice %arg13[%dma_start3A_200, %dma_start3A_201] : memref<10000x64xf32, #tpu.memory_space<vmem_shared>> -> memref<10000x64xf32, #tpu.memory_space<vmem_shared>>
        tpu.enqueue_indirect_dma source(%dma_start3A_198 : memref<128x64xf32, #tpu.memory_space<vmem>>) target(%dma_start3A_202 : memref<10000x64xf32, #tpu.memory_space<vmem_shared>>) offsets(%dma_start3A_199 : memref<128xi32, #tpu.memory_space<vmem>>) semaphore(%run_scoped3A_195 : memref<!tpu.dma_semaphore, #tpu.memory_space<semaphore_mem>>) {add = true}
        %dma_wait3A_203 = arith.constant 0 : i32
        %dma_wait3A_204 = arith.constant 0 : i32
        %dma_wait3A_205 = tpu.memref_slice %arg10[%dma_wait3A_203, %dma_wait3A_204] : memref<128x64xf32, #tpu.memory_space<vmem>> -> memref<128x64xf32, #tpu.memory_space<vmem>>
        %dma_wait3A_206 = tpu.memref_slice %arg6[%mul3A_172] : memref<10000xi32, #tpu.memory_space<vmem>> -> memref<128xi32, #tpu.memory_space<vmem>>
        %dma_wait3A_207 = arith.constant 0 : i32
        %dma_wait3A_208 = arith.constant 0 : i32
        %dma_wait3A_209 = tpu.memref_slice %arg13[%dma_wait3A_207, %dma_wait3A_208] : memref<10000x64xf32, #tpu.memory_space<vmem_shared>> -> memref<10000x64xf32, #tpu.memory_space<vmem_shared>>
        tpu.wait_indirect_dma semaphore(%run_scoped3A_195 : memref<!tpu.dma_semaphore, #tpu.memory_space<semaphore_mem>>) src(%dma_wait3A_205 : memref<128x64xf32, #tpu.memory_space<vmem>>) dst(%dma_wait3A_209 : memref<10000x64xf32, #tpu.memory_space<vmem_shared>>)
        tpu.yield
      }) : () -> ()
      %dma_wait3A_173 = arith.constant 0 : i32
      %dma_wait3A_174 = arith.constant 0 : i32
      %dma_wait3A_175 = tpu.memref_slice %arg11[%dma_wait3A_173, %dma_wait3A_174] : memref<128x64xf32, #tpu.memory_space<vmem>> -> memref<128x64xf32, #tpu.memory_space<vmem>>
      %dma_wait3A_176 = tpu.memref_slice %arg5[%mul3A_110] : memref<10000xi32, #tpu.memory_space<vmem>> -> memref<128xi32, #tpu.memory_space<vmem>>
      %dma_wait3A_177 = arith.constant 0 : i32
      %dma_wait3A_178 = arith.constant 0 : i32
      %dma_wait3A_179 = tpu.memref_slice %arg2[%dma_wait3A_177, %dma_wait3A_178] : memref<10000x64xf32, #tpu.memory_space<hbm>> -> memref<10000x64xf32, #tpu.memory_space<hbm>>
      tpu.wait_indirect_dma semaphore(%arg14 : memref<!tpu.dma_semaphore, #tpu.memory_space<semaphore_mem>>) src(%dma_wait3A_179 : memref<10000x64xf32, #tpu.memory_space<hbm>>) dst(%dma_wait3A_175 : memref<128x64xf32, #tpu.memory_space<vmem>>)
      %add3A_180 = arith.constant 4 : i32
      %add3A_181 = arith.addi %mul3A_62, %add3A_180 : i32
      %mul3A_182 = arith.constant 128 : i32
      %mul3A_183 = arith.muli %add3A_181, %mul3A_182 : i32
      "tpu.region"() ({
        %run_scoped3A_195 = tpu.sem_alloc : memref<!tpu.dma_semaphore, #tpu.memory_space<semaphore_mem>>
        %dma_start3A_196 = arith.constant 0 : i32
        %dma_start3A_197 = arith.constant 0 : i32
        %dma_start3A_198 = tpu.memref_slice %arg11[%dma_start3A_196, %dma_start3A_197] : memref<128x64xf32, #tpu.memory_space<vmem>> -> memref<128x64xf32, #tpu.memory_space<vmem>>
        %dma_start3A_199 = tpu.memref_slice %arg6[%mul3A_183] : memref<10000xi32, #tpu.memory_space<vmem>> -> memref<128xi32, #tpu.memory_space<vmem>>
        %dma_start3A_200 = arith.constant 0 : i32
        %dma_start3A_201 = arith.constant 0 : i32
        %dma_start3A_202 = tpu.memref_slice %arg13[%dma_start3A_200, %dma_start3A_201] : memref<10000x64xf32, #tpu.memory_space<vmem_shared>> -> memref<10000x64xf32, #tpu.memory_space<vmem_shared>>
        tpu.enqueue_indirect_dma source(%dma_start3A_198 : memref<128x64xf32, #tpu.memory_space<vmem>>) target(%dma_start3A_202 : memref<10000x64xf32, #tpu.memory_space<vmem_shared>>) offsets(%dma_start3A_199 : memref<128xi32, #tpu.memory_space<vmem>>) semaphore(%run_scoped3A_195 : memref<!tpu.dma_semaphore, #tpu.memory_space<semaphore_mem>>) {add = true}
        %dma_wait3A_203 = arith.constant 0 : i32
        %dma_wait3A_204 = arith.constant 0 : i32
        %dma_wait3A_205 = tpu.memref_slice %arg11[%dma_wait3A_203, %dma_wait3A_204] : memref<128x64xf32, #tpu.memory_space<vmem>> -> memref<128x64xf32, #tpu.memory_space<vmem>>
        %dma_wait3A_206 = tpu.memref_slice %arg6[%mul3A_183] : memref<10000xi32, #tpu.memory_space<vmem>> -> memref<128xi32, #tpu.memory_space<vmem>>
        %dma_wait3A_207 = arith.constant 0 : i32
        %dma_wait3A_208 = arith.constant 0 : i32
        %dma_wait3A_209 = tpu.memref_slice %arg13[%dma_wait3A_207, %dma_wait3A_208] : memref<10000x64xf32, #tpu.memory_space<vmem_shared>> -> memref<10000x64xf32, #tpu.memory_space<vmem_shared>>
        tpu.wait_indirect_dma semaphore(%run_scoped3A_195 : memref<!tpu.dma_semaphore, #tpu.memory_space<semaphore_mem>>) src(%dma_wait3A_205 : memref<128x64xf32, #tpu.memory_space<vmem>>) dst(%dma_wait3A_209 : memref<10000x64xf32, #tpu.memory_space<vmem_shared>>)
        tpu.yield
      }) : () -> ()
      %dma_wait3A_184 = arith.constant 0 : i32
      %dma_wait3A_185 = arith.constant 0 : i32
      %dma_wait3A_186 = tpu.memref_slice %arg12[%dma_wait3A_184, %dma_wait3A_185] : memref<128x64xf32, #tpu.memory_space<vmem>> -> memref<128x64xf32, #tpu.memory_space<vmem>>
      %dma_wait3A_187 = tpu.memref_slice %arg5[%mul3A_121] : memref<10000xi32, #tpu.memory_space<vmem>> -> memref<128xi32, #tpu.memory_space<vmem>>
      %dma_wait3A_188 = arith.constant 0 : i32
      %dma_wait3A_189 = arith.constant 0 : i32
      %dma_wait3A_190 = tpu.memref_slice %arg2[%dma_wait3A_188, %dma_wait3A_189] : memref<10000x64xf32, #tpu.memory_space<hbm>> -> memref<10000x64xf32, #tpu.memory_space<hbm>>
      tpu.wait_indirect_dma semaphore(%arg14 : memref<!tpu.dma_semaphore, #tpu.memory_space<semaphore_mem>>) src(%dma_wait3A_190 : memref<10000x64xf32, #tpu.memory_space<hbm>>) dst(%dma_wait3A_186 : memref<128x64xf32, #tpu.memory_space<vmem>>)
      %add3A_191 = arith.constant 5 : i32
      %add3A_192 = arith.addi %mul3A_62, %add3A_191 : i32
      %mul3A_193 = arith.constant 128 : i32
      %mul3A_194 = arith.muli %add3A_192, %mul3A_193 : i32
      "tpu.region"() ({
        %run_scoped3A_195 = tpu.sem_alloc : memref<!tpu.dma_semaphore, #tpu.memory_space<semaphore_mem>>
        %dma_start3A_196 = arith.constant 0 : i32
        %dma_start3A_197 = arith.constant 0 : i32
        %dma_start3A_198 = tpu.memref_slice %arg12[%dma_start3A_196, %dma_start3A_197] : memref<128x64xf32, #tpu.memory_space<vmem>> -> memref<128x64xf32, #tpu.memory_space<vmem>>
        %dma_start3A_199 = tpu.memref_slice %arg6[%mul3A_194] : memref<10000xi32, #tpu.memory_space<vmem>> -> memref<128xi32, #tpu.memory_space<vmem>>
        %dma_start3A_200 = arith.constant 0 : i32
        %dma_start3A_201 = arith.constant 0 : i32
        %dma_start3A_202 = tpu.memref_slice %arg13[%dma_start3A_200, %dma_start3A_201] : memref<10000x64xf32, #tpu.memory_space<vmem_shared>> -> memref<10000x64xf32, #tpu.memory_space<vmem_shared>>
        tpu.enqueue_indirect_dma source(%dma_start3A_198 : memref<128x64xf32, #tpu.memory_space<vmem>>) target(%dma_start3A_202 : memref<10000x64xf32, #tpu.memory_space<vmem_shared>>) offsets(%dma_start3A_199 : memref<128xi32, #tpu.memory_space<vmem>>) semaphore(%run_scoped3A_195 : memref<!tpu.dma_semaphore, #tpu.memory_space<semaphore_mem>>) {add = true}
        %dma_wait3A_203 = arith.constant 0 : i32
        %dma_wait3A_204 = arith.constant 0 : i32
        %dma_wait3A_205 = tpu.memref_slice %arg12[%dma_wait3A_203, %dma_wait3A_204] : memref<128x64xf32, #tpu.memory_space<vmem>> -> memref<128x64xf32, #tpu.memory_space<vmem>>
        %dma_wait3A_206 = tpu.memref_slice %arg6[%mul3A_194] : memref<10000xi32, #tpu.memory_space<vmem>> -> memref<128xi32, #tpu.memory_space<vmem>>
        %dma_wait3A_207 = arith.constant 0 : i32
        %dma_wait3A_208 = arith.constant 0 : i32
        %dma_wait3A_209 = tpu.memref_slice %arg13[%dma_wait3A_207, %dma_wait3A_208] : memref<10000x64xf32, #tpu.memory_space<vmem_shared>> -> memref<10000x64xf32, #tpu.memory_space<vmem_shared>>
        tpu.wait_indirect_dma semaphore(%run_scoped3A_195 : memref<!tpu.dma_semaphore, #tpu.memory_space<semaphore_mem>>) src(%dma_wait3A_205 : memref<128x64xf32, #tpu.memory_space<vmem>>) dst(%dma_wait3A_209 : memref<10000x64xf32, #tpu.memory_space<vmem_shared>>)
        tpu.yield
      }) : () -> ()
    }
    %scan3A_37 = arith.constant 13 : i32
    %dma_start3A = arith.constant 0 : i32
    %dma_start3A_38 = arith.constant 0 : i32
    %dma_start3A_39 = tpu.memref_slice %arg7[%dma_start3A, %dma_start3A_38] : memref<128x64xf32, #tpu.memory_space<vmem>> -> memref<16x64xf32, #tpu.memory_space<vmem>>
    %dma_start3A_40 = arith.constant 9984 : i32
    %dma_start3A_41 = tpu.memref_slice %arg5[%dma_start3A_40] : memref<10000xi32, #tpu.memory_space<vmem>> -> memref<16xi32, #tpu.memory_space<vmem>>
    %dma_start3A_42 = arith.constant 0 : i32
    %dma_start3A_43 = arith.constant 0 : i32
    %dma_start3A_44 = tpu.memref_slice %arg2[%dma_start3A_42, %dma_start3A_43] : memref<10000x64xf32, #tpu.memory_space<hbm>> -> memref<10000x64xf32, #tpu.memory_space<hbm>>
    tpu.enqueue_indirect_dma source(%dma_start3A_44 : memref<10000x64xf32, #tpu.memory_space<hbm>>) target(%dma_start3A_39 : memref<16x64xf32, #tpu.memory_space<vmem>>) offsets(%dma_start3A_41 : memref<16xi32, #tpu.memory_space<vmem>>) semaphore(%arg14 : memref<!tpu.dma_semaphore, #tpu.memory_space<semaphore_mem>>)
    %dma_wait3A = arith.constant 0 : i32
    %dma_wait3A_45 = arith.constant 0 : i32
    %dma_wait3A_46 = tpu.memref_slice %arg7[%dma_wait3A, %dma_wait3A_45] : memref<128x64xf32, #tpu.memory_space<vmem>> -> memref<16x64xf32, #tpu.memory_space<vmem>>
    %dma_wait3A_47 = arith.constant 9984 : i32
    %dma_wait3A_48 = tpu.memref_slice %arg5[%dma_wait3A_47] : memref<10000xi32, #tpu.memory_space<vmem>> -> memref<16xi32, #tpu.memory_space<vmem>>
    %dma_wait3A_49 = arith.constant 0 : i32
    %dma_wait3A_50 = arith.constant 0 : i32
    %dma_wait3A_51 = tpu.memref_slice %arg2[%dma_wait3A_49, %dma_wait3A_50] : memref<10000x64xf32, #tpu.memory_space<hbm>> -> memref<10000x64xf32, #tpu.memory_space<hbm>>
    tpu.wait_indirect_dma semaphore(%arg14 : memref<!tpu.dma_semaphore, #tpu.memory_space<semaphore_mem>>) src(%dma_wait3A_51 : memref<10000x64xf32, #tpu.memory_space<hbm>>) dst(%dma_wait3A_46 : memref<16x64xf32, #tpu.memory_space<vmem>>)
    "tpu.region"() ({
      %run_scoped3A_60 = tpu.sem_alloc : memref<!tpu.dma_semaphore, #tpu.memory_space<semaphore_mem>>
      %dma_start3A_61 = arith.constant 0 : i32
      %dma_start3A_62 = arith.constant 0 : i32
      %dma_start3A_63 = tpu.memref_slice %arg7[%dma_start3A_61, %dma_start3A_62] : memref<128x64xf32, #tpu.memory_space<vmem>> -> memref<16x64xf32, #tpu.memory_space<vmem>>
      %dma_start3A_64 = arith.constant 9984 : i32
      %dma_start3A_65 = tpu.memref_slice %arg6[%dma_start3A_64] : memref<10000xi32, #tpu.memory_space<vmem>> -> memref<16xi32, #tpu.memory_space<vmem>>
      %dma_start3A_66 = arith.constant 0 : i32
      %dma_start3A_67 = arith.constant 0 : i32
      %dma_start3A_68 = tpu.memref_slice %arg13[%dma_start3A_66, %dma_start3A_67] : memref<10000x64xf32, #tpu.memory_space<vmem_shared>> -> memref<10000x64xf32, #tpu.memory_space<vmem_shared>>
      tpu.enqueue_indirect_dma source(%dma_start3A_63 : memref<16x64xf32, #tpu.memory_space<vmem>>) target(%dma_start3A_68 : memref<10000x64xf32, #tpu.memory_space<vmem_shared>>) offsets(%dma_start3A_65 : memref<16xi32, #tpu.memory_space<vmem>>) semaphore(%run_scoped3A_60 : memref<!tpu.dma_semaphore, #tpu.memory_space<semaphore_mem>>) {add = true}
      %dma_wait3A_69 = arith.constant 0 : i32
      %dma_wait3A_70 = arith.constant 0 : i32
      %dma_wait3A_71 = tpu.memref_slice %arg7[%dma_wait3A_69, %dma_wait3A_70] : memref<128x64xf32, #tpu.memory_space<vmem>> -> memref<16x64xf32, #tpu.memory_space<vmem>>
      %dma_wait3A_72 = arith.constant 9984 : i32
      %dma_wait3A_73 = tpu.memref_slice %arg6[%dma_wait3A_72] : memref<10000xi32, #tpu.memory_space<vmem>> -> memref<16xi32, #tpu.memory_space<vmem>>
      %dma_wait3A_74 = arith.constant 0 : i32
      %dma_wait3A_75 = arith.constant 0 : i32
      %dma_wait3A_76 = tpu.memref_slice %arg13[%dma_wait3A_74, %dma_wait3A_75] : memref<10000x64xf32, #tpu.memory_space<vmem_shared>> -> memref<10000x64xf32, #tpu.memory_space<vmem_shared>>
      tpu.wait_indirect_dma semaphore(%run_scoped3A_60 : memref<!tpu.dma_semaphore, #tpu.memory_space<semaphore_mem>>) src(%dma_wait3A_71 : memref<16x64xf32, #tpu.memory_space<vmem>>) dst(%dma_wait3A_76 : memref<10000x64xf32, #tpu.memory_space<vmem_shared>>)
      tpu.yield
    }) : () -> ()
    %barrier3A_52 = arith.constant 0 : index
    tpu.barrier barrier_id(%barrier3A_52)
    %mul3A_53 = arith.constant 625 : i32
    %mul3A_54 = arith.muli %arg1, %mul3A_53 : i32
    %mul3A_55 = arith.constant 10000 : i32
    %mul3A_56 = arith.muli %arg0, %mul3A_55 : i32
    %mul3A_57 = arith.constant 625 : i32
    %mul3A_58 = arith.muli %arg1, %mul3A_57 : i32
    %add3A_59 = arith.addi %mul3A_56, %mul3A_58 : i32
    "tpu.region"() ({
      %run_scoped3A_60 = tpu.sem_alloc : memref<!tpu.dma_semaphore, #tpu.memory_space<semaphore_mem>>
      %dma_start3A_61 = arith.constant 0 : i32
      %dma_start3A_62 = tpu.memref_slice %arg4[%add3A_59, %dma_start3A_61] : memref<20000x128xf32, #tpu.memory_space<hbm>> -> memref<625x64xf32, #tpu.memory_space<hbm>>
      %dma_start3A_63 = arith.constant 0 : i32
      %dma_start3A_64 = tpu.memref_slice %arg13[%mul3A_54, %dma_start3A_63] : memref<10000x64xf32, #tpu.memory_space<vmem_shared>> -> memref<625x64xf32, #tpu.memory_space<vmem_shared>>
      tpu.enqueue_dma source(%dma_start3A_64 : memref<625x64xf32, #tpu.memory_space<vmem_shared>>) target(%dma_start3A_62 : memref<625x64xf32, #tpu.memory_space<hbm>>) target_semaphore(%run_scoped3A_60 : memref<!tpu.dma_semaphore, #tpu.memory_space<semaphore_mem>>)
      %dma_wait3A_65 = arith.constant 0 : i32
      %dma_wait3A_66 = tpu.memref_slice %arg4[%add3A_59, %dma_wait3A_65] : memref<20000x128xf32, #tpu.memory_space<hbm>> -> memref<625x64xf32, #tpu.memory_space<hbm>>
      %dma_wait3A_67 = arith.constant 0 : i32
      %dma_wait3A_68 = tpu.memref_slice %arg13[%mul3A_54, %dma_wait3A_67] : memref<10000x64xf32, #tpu.memory_space<vmem_shared>> -> memref<625x64xf32, #tpu.memory_space<vmem_shared>>
      tpu.wait_dma2 semaphore(%run_scoped3A_60 : memref<!tpu.dma_semaphore, #tpu.memory_space<semaphore_mem>>) src(%dma_wait3A_68 : memref<625x64xf32, #tpu.memory_space<vmem_shared>>) dst(%dma_wait3A_66 : memref<625x64xf32, #tpu.memory_space<hbm>>)
      tpu.yield
    }) : () -> ()
    return
  }
}

module attributes {stable_mosaic.version = 14 : i64} {
  func.func @body(%arg0: i32, %arg1: memref<1000x128xf32, #tpu.memory_space<vmem>>, %arg2: memref<1000x128xf32, #tpu.memory_space<vmem>>, %arg3: memref<1000x64xf32, #tpu.memory_space<vmem>>, %arg4: memref<1000x64xf32, #tpu.memory_space<vmem>>, %arg5: memref<1000x1xf32, #tpu.memory_space<vmem>>, %arg6: memref<1000x16xf32, #tpu.memory_space<vmem>>) attributes {dimension_semantics = [#tpu.dimension_semantics<arbitrary>], iteration_bounds = array<i64: 10>, scalar_prefetch = 0 : i64, scratch_operands = 0 : i64, tpu.core_type = #tpu.core_type<tc>, window_params = [{transform_indices = @transform_0, window_bounds = array<i64: 1000, 128>}, {transform_indices = @transform_1, window_bounds = array<i64: 1000, 128>}, {transform_indices = @transform_2, window_bounds = array<i64: 1000, 64>}, {transform_indices = @transform_3, window_bounds = array<i64: 1000, 64>}, {transform_indices = @transform_4, window_bounds = array<i64: 1000, 1>}, {transform_indices = @transform_5, window_bounds = array<i64: 1000, 16>}]} {
    %get3A = arith.constant 0 : index
    %get3A_0 = arith.constant 0 : index
    %get3A_1 = vector.load %arg1[%get3A, %get3A_0] : memref<1000x128xf32, #tpu.memory_space<vmem>>, vector<1000x1xf32>
    %get3A_2 = arith.constant 0 : index
    %get3A_3 = arith.constant 0 : index
    %get3A_4 = vector.load %arg2[%get3A_2, %get3A_3] : memref<1000x128xf32, #tpu.memory_space<vmem>>, vector<1000x1xf32>
    %add3A = arith.addf %get3A_1, %get3A_4 : vector<1000x1xf32>
    %add3A_5 = arith.constant 1.000000e+00 : f32
    %add3A_6 = vector.broadcast %add3A_5 : f32 to vector<1000x1xf32>
    %add3A_7 = arith.addf %add3A, %add3A_6 : vector<1000x1xf32>
    %rsqrt3A = math.rsqrt %add3A_7 : vector<1000x1xf32>
    %swap3A = arith.constant 0 : index
    %swap3A_8 = arith.constant 0 : index
    %swap3A_9 = vector.load %arg5[%swap3A, %swap3A_8] : memref<1000x1xf32, #tpu.memory_space<vmem>>, vector<1000x1xf32>
    tpu.vector_store %arg5[%swap3A, %swap3A_8], %rsqrt3A {strides = array<i32>} : memref<1000x1xf32, #tpu.memory_space<vmem>>, vector<1000x1xf32>,
    %broadcast_in_dim3A = vector.shape_cast %rsqrt3A : vector<1000x1xf32> to vector<1000x1xf32>
    %broadcast_in_dim3A_10 = vector.broadcast %broadcast_in_dim3A : vector<1000x1xf32> to vector<1000x16xf32>
    %swap3A_11 = arith.constant 0 : index
    %swap3A_12 = arith.constant 0 : index
    %swap3A_13 = vector.load %arg6[%swap3A_11, %swap3A_12] : memref<1000x16xf32, #tpu.memory_space<vmem>>, vector<1000x16xf32>
    tpu.vector_store %arg6[%swap3A_11, %swap3A_12], %broadcast_in_dim3A_10 {strides = array<i32>} : memref<1000x16xf32, #tpu.memory_space<vmem>>, vector<1000x16xf32>,
    %get3A_14 = arith.constant 0 : index
    %get3A_15 = arith.constant 0 : index
    %get3A_16 = vector.load %arg3[%get3A_14, %get3A_15] : memref<1000x64xf32, #tpu.memory_space<vmem>>, vector<1000x64xf32>
    %mul3A = vector.broadcast %rsqrt3A : vector<1000x1xf32> to vector<1000x64xf32>
    %mul3A_17 = arith.mulf %get3A_16, %mul3A : vector<1000x64xf32>
    %swap3A_18 = arith.constant 0 : index
    %swap3A_19 = arith.constant 0 : index
    %swap3A_20 = vector.load %arg4[%swap3A_18, %swap3A_19] : memref<1000x64xf32, #tpu.memory_space<vmem>>, vector<1000x64xf32>
    tpu.vector_store %arg4[%swap3A_18, %swap3A_19], %mul3A_17 {strides = array<i32>} : memref<1000x64xf32, #tpu.memory_space<vmem>>, vector<1000x64xf32>,
    return
  }
  func.func @transform_0(%arg0: i32) -> (i32, i32) {
    %c0_i32 = arith.constant 0 : i32
    %c0_i32_0 = arith.constant 0 : i32
    return %arg0, %c0_i32 : i32, i32
  }
  func.func @transform_1(%arg0: i32) -> (i32, i32) {
    %add3A = arith.constant 10 : i32
    %add3A_0 = arith.addi %arg0, %add3A : i32
    %c0_i32 = arith.constant 0 : i32
    %c0_i32_1 = arith.constant 0 : i32
    return %add3A_0, %c0_i32 : i32, i32
  }
  func.func @transform_2(%arg0: i32) -> (i32, i32) {
    %c0_i32 = arith.constant 0 : i32
    %c0_i32_0 = arith.constant 0 : i32
    return %arg0, %c0_i32 : i32, i32
  }
  func.func @transform_3(%arg0: i32) -> (i32, i32) {
    %c0_i32 = arith.constant 0 : i32
    %c0_i32_0 = arith.constant 0 : i32
    return %arg0, %c0_i32 : i32, i32
  }
  func.func @transform_4(%arg0: i32) -> (i32, i32) {
    %c0_i32 = arith.constant 0 : i32
    %c0_i32_0 = arith.constant 0 : i32
    return %arg0, %c0_i32 : i32, i32
  }
  func.func @transform_5(%arg0: i32) -> (i32, i32) {
    %c0_i32 = arith.constant 0 : i32
    %c0_i32_0 = arith.constant 0 : i32
    return %arg0, %c0_i32 : i32, i32
  }
}

module attributes {stable_mosaic.version = 14 : i64} {
  func.func @body(%arg0: i32, %arg1: memref<1000x128xf32, #tpu.memory_space<vmem>>, %arg2: memref<128x64xf32, #tpu.memory_space<vmem>>, %arg3: memref<1000x64xf32, #tpu.memory_space<vmem>>) attributes {dimension_semantics = [#tpu.dimension_semantics<arbitrary>], iteration_bounds = array<i64: 10>, scalar_prefetch = 0 : i64, scratch_operands = 0 : i64, tpu.core_type = #tpu.core_type<tc>, window_params = [{transform_indices = @transform_0, window_bounds = array<i64: 1000, 128>}, {pipeline_mode = #tpu.pipeline_mode<synchronous>, transform_indices = @transform_1, window_bounds = array<i64: 128, 64>}, {transform_indices = @transform_2, window_bounds = array<i64: 1000, 64>}]} {
    %get3A = arith.constant 0 : index
    %get3A_0 = arith.constant 0 : index
    %get3A_1 = vector.load %arg1[%get3A, %get3A_0] : memref<1000x128xf32, #tpu.memory_space<vmem>>, vector<1000x128xf32>
    %get3A_2 = arith.constant 0 : index
    %get3A_3 = arith.constant 0 : index
    %get3A_4 = vector.load %arg2[%get3A_2, %get3A_3] : memref<128x64xf32, #tpu.memory_space<vmem>>, vector<128x64xf32>
    %dot_general3A = arith.constant dense<0.000000e+00> : vector<1000x64xf32>
    %dot_general3A_5 = tpu.matmul %get3A_1, %get3A_4, %dot_general3A {dimension_numbers = #tpu.dot_dimension_numbers<[1], [0], [0], [1], [0, 0, 1, 1], [], []>, transpose_lhs_hint = false} : vector<1000x128xf32>, vector<128x64xf32>, vector<1000x64xf32> -> vector<1000x64xf32>
    %swap3A = arith.constant 0 : index
    %swap3A_6 = arith.constant 0 : index
    %swap3A_7 = vector.load %arg3[%swap3A, %swap3A_6] : memref<1000x64xf32, #tpu.memory_space<vmem>>, vector<1000x64xf32>
    tpu.vector_store %arg3[%swap3A, %swap3A_6], %dot_general3A_5 {strides = array<i32>} : memref<1000x64xf32, #tpu.memory_space<vmem>>, vector<1000x64xf32>,
    return
  }
  func.func @transform_0(%arg0: i32) -> (i32, i32) {
    %c0_i32 = arith.constant 0 : i32
    %c0_i32_0 = arith.constant 0 : i32
    return %arg0, %c0_i32 : i32, i32
  }
  func.func @transform_1(%arg0: i32) -> (i32, i32) {
    %c0_i32 = arith.constant 0 : i32
    %c0_i32_0 = arith.constant 0 : i32
    %c0_i32_1 = arith.constant 0 : i32
    return %c0_i32, %c0_i32_0 : i32, i32
  }
  func.func @transform_2(%arg0: i32) -> (i32, i32) {
    %c0_i32 = arith.constant 0 : i32
    %c0_i32_0 = arith.constant 0 : i32
    return %arg0, %c0_i32 : i32, i32
  }
}

module attributes {stable_mosaic.version = 14 : i64} {
  func.func @body(%arg0: i32, %arg1: memref<1000x128xf32, #tpu.memory_space<vmem>>, %arg2: memref<1000x128xf32, #tpu.memory_space<vmem>>, %arg3: memref<1000x64xf32, #tpu.memory_space<vmem>>, %arg4: memref<1000x1xf32, #tpu.memory_space<vmem>>, %arg5: memref<1x64xf32, #tpu.memory_space<vmem>>, %arg6: memref<64x64xf32, #tpu.memory_space<vmem>>, %arg7: memref<1000x64xf32, #tpu.memory_space<vmem>>) attributes {dimension_semantics = [#tpu.dimension_semantics<arbitrary>], iteration_bounds = array<i64: 10>, scalar_prefetch = 0 : i64, scratch_operands = 0 : i64, tpu.core_type = #tpu.core_type<tc>, window_params = [{transform_indices = @transform_0, window_bounds = array<i64: 1000, 128>}, {transform_indices = @transform_1, window_bounds = array<i64: 1000, 128>}, {transform_indices = @transform_2, window_bounds = array<i64: 1000, 64>}, {transform_indices = @transform_3, window_bounds = array<i64: 1000, 1>}, {pipeline_mode = #tpu.pipeline_mode<synchronous>, transform_indices = @transform_4, window_bounds = array<i64: 1, 64>}, {pipeline_mode = #tpu.pipeline_mode<synchronous>, transform_indices = @transform_5, window_bounds = array<i64: 64, 64>}, {transform_indices = @transform_6, window_bounds = array<i64: 1000, 64>}]} {
    %get3A = arith.constant 0 : index
    %get3A_0 = arith.constant 0 : index
    %get3A_1 = vector.load %arg1[%get3A, %get3A_0] : memref<1000x128xf32, #tpu.memory_space<vmem>>, vector<1000x64xf32>
    %get3A_2 = arith.constant 0 : index
    %get3A_3 = arith.constant 0 : index
    %get3A_4 = vector.load %arg2[%get3A_2, %get3A_3] : memref<1000x128xf32, #tpu.memory_space<vmem>>, vector<1000x64xf32>
    %add3A = arith.addf %get3A_1, %get3A_4 : vector<1000x64xf32>
    %get3A_5 = arith.constant 0 : index
    %get3A_6 = arith.constant 0 : index
    %get3A_7 = vector.load %arg3[%get3A_5, %get3A_6] : memref<1000x64xf32, #tpu.memory_space<vmem>>, vector<1000x64xf32>
    %add3A_8 = arith.addf %add3A, %get3A_7 : vector<1000x64xf32>
    %get3A_9 = arith.constant 0 : index
    %get3A_10 = arith.constant 0 : index
    %get3A_11 = vector.load %arg4[%get3A_9, %get3A_10] : memref<1000x1xf32, #tpu.memory_space<vmem>>, vector<1000x1xf32>
    %mul3A = vector.broadcast %get3A_11 : vector<1000x1xf32> to vector<1000x64xf32>
    %mul3A_12 = arith.mulf %add3A_8, %mul3A : vector<1000x64xf32>
    %get3A_13 = arith.constant 0 : index
    %get3A_14 = arith.constant 0 : index
    %get3A_15 = vector.load %arg5[%get3A_13, %get3A_14] : memref<1x64xf32, #tpu.memory_space<vmem>>, vector<1x64xf32>
    %add3A_16 = vector.broadcast %get3A_15 : vector<1x64xf32> to vector<1000x64xf32>
    %add3A_17 = arith.addf %mul3A_12, %add3A_16 : vector<1000x64xf32>
    %max3A = arith.constant 0.000000e+00 : f32
    %max3A_18 = vector.broadcast %max3A : f32 to vector<1000x64xf32>
    %max3A_19 = arith.maximumf %add3A_17, %max3A_18 : vector<1000x64xf32>
    %get3A_20 = arith.constant 0 : index
    %get3A_21 = arith.constant 0 : index
    %get3A_22 = vector.load %arg6[%get3A_20, %get3A_21] : memref<64x64xf32, #tpu.memory_space<vmem>>, vector<64x64xf32>
    %dot_general3A = arith.constant dense<0.000000e+00> : vector<1000x64xf32>
    %dot_general3A_23 = tpu.matmul %max3A_19, %get3A_22, %dot_general3A {dimension_numbers = #tpu.dot_dimension_numbers<[1], [0], [0], [1], [0, 0, 1, 1], [], []>, transpose_lhs_hint = false} : vector<1000x64xf32>, vector<64x64xf32>, vector<1000x64xf32> -> vector<1000x64xf32>
    %get3A_24 = arith.constant 0 : index
    %get3A_25 = arith.constant 0 : index
    %get3A_26 = vector.load %arg4[%get3A_24, %get3A_25] : memref<1000x1xf32, #tpu.memory_space<vmem>>, vector<1000x1xf32>
    %mul3A_27 = vector.broadcast %get3A_26 : vector<1000x1xf32> to vector<1000x64xf32>
    %mul3A_28 = arith.mulf %dot_general3A_23, %mul3A_27 : vector<1000x64xf32>
    %swap3A = arith.constant 0 : index
    %swap3A_29 = arith.constant 0 : index
    %swap3A_30 = vector.load %arg7[%swap3A, %swap3A_29] : memref<1000x64xf32, #tpu.memory_space<vmem>>, vector<1000x64xf32>
    tpu.vector_store %arg7[%swap3A, %swap3A_29], %mul3A_28 {strides = array<i32>} : memref<1000x64xf32, #tpu.memory_space<vmem>>, vector<1000x64xf32>,
    return
  }
  func.func @transform_0(%arg0: i32) -> (i32, i32) {
    %c0_i32 = arith.constant 0 : i32
    %c0_i32_0 = arith.constant 0 : i32
    return %arg0, %c0_i32 : i32, i32
  }
  func.func @transform_1(%arg0: i32) -> (i32, i32) {
    %add3A = arith.constant 10 : i32
    %add3A_0 = arith.addi %arg0, %add3A : i32
    %c0_i32 = arith.constant 0 : i32
    %c0_i32_1 = arith.constant 0 : i32
    return %add3A_0, %c0_i32 : i32, i32
  }
  func.func @transform_2(%arg0: i32) -> (i32, i32) {
    %c0_i32 = arith.constant 0 : i32
    %c0_i32_0 = arith.constant 0 : i32
    return %arg0, %c0_i32 : i32, i32
  }
  func.func @transform_3(%arg0: i32) -> (i32, i32) {
    %c0_i32 = arith.constant 0 : i32
    %c0_i32_0 = arith.constant 0 : i32
    return %arg0, %c0_i32 : i32, i32
  }
  func.func @transform_4(%arg0: i32) -> (i32, i32) {
    %c0_i32 = arith.constant 0 : i32
    %c0_i32_0 = arith.constant 0 : i32
    %c0_i32_1 = arith.constant 0 : i32
    return %c0_i32, %c0_i32_0 : i32, i32
  }
  func.func @transform_5(%arg0: i32) -> (i32, i32) {
    %c0_i32 = arith.constant 0 : i32
    %c0_i32_0 = arith.constant 0 : i32
    %c0_i32_1 = arith.constant 0 : i32
    return %c0_i32, %c0_i32_0 : i32, i32
  }
  func.func @transform_6(%arg0: i32) -> (i32, i32) {
    %c0_i32 = arith.constant 0 : i32
    %c0_i32_0 = arith.constant 0 : i32
    return %arg0, %c0_i32 : i32, i32
  }
}

module attributes {stable_mosaic.version = 14 : i64} {
  func.func @body(%arg0: i32, %arg1: memref<1000x128xf32, #tpu.memory_space<vmem>>, %arg2: memref<1000x128xf32, #tpu.memory_space<vmem>>, %arg3: memref<1000x64xf32, #tpu.memory_space<vmem>>, %arg4: memref<1000x1xf32, #tpu.memory_space<vmem>>, %arg5: memref<1x64xf32, #tpu.memory_space<vmem>>, %arg6: memref<64x64xf32, #tpu.memory_space<vmem>>, %arg7: memref<2x1000x16xf32, #tpu.memory_space<vmem>>, %arg8: memref<1x64xf32, #tpu.memory_space<vmem>>, %arg9: memref<64x32xf32, #tpu.memory_space<vmem>>, %arg10: memref<1x32xf32, #tpu.memory_space<vmem>>, %arg11: memref<32x2xf32, #tpu.memory_space<vmem>>, %arg12: memref<1x2xf32, #tpu.memory_space<vmem>>, %arg13: memref<1x2xf32, #tpu.memory_space<vmem>>, %arg14: memref<1x64xf32, #tpu.memory_space<vmem>>) attributes {dimension_semantics = [#tpu.dimension_semantics<arbitrary>], iteration_bounds = array<i64: 10>, scalar_prefetch = 0 : i64, scratch_operands = 1 : i64, tpu.core_type = #tpu.core_type<tc>, window_params = [{transform_indices = @transform_0, window_bounds = array<i64: 1000, 128>}, {transform_indices = @transform_1, window_bounds = array<i64: 1000, 128>}, {transform_indices = @transform_2, window_bounds = array<i64: 1000, 64>}, {transform_indices = @transform_3, window_bounds = array<i64: 1000, 1>}, {pipeline_mode = #tpu.pipeline_mode<synchronous>, transform_indices = @transform_4, window_bounds = array<i64: 1, 64>}, {pipeline_mode = #tpu.pipeline_mode<synchronous>, transform_indices = @transform_5, window_bounds = array<i64: 64, 64>}, {transform_indices = @transform_6, window_bounds = array<i64: 2, 1000, 16>}, {pipeline_mode = #tpu.pipeline_mode<synchronous>, transform_indices = @transform_7, window_bounds = array<i64: 1, 64>}, {pipeline_mode = #tpu.pipeline_mode<synchronous>, transform_indices = @transform_8, window_bounds = array<i64: 64, 32>}, {pipeline_mode = #tpu.pipeline_mode<synchronous>, transform_indices = @transform_9, window_bounds = array<i64: 1, 32>}, {pipeline_mode = #tpu.pipeline_mode<synchronous>, transform_indices = @transform_10, window_bounds = array<i64: 32, 2>}, {pipeline_mode = #tpu.pipeline_mode<synchronous>, transform_indices = @transform_11, window_bounds = array<i64: 1, 2>}, {pipeline_mode = #tpu.pipeline_mode<synchronous>, transform_indices = @transform_12, window_bounds = array<i64: 1, 2>}]} {
    %get3A = arith.constant 0 : index
    %get3A_0 = arith.constant 0 : index
    %get3A_1 = vector.load %arg4[%get3A, %get3A_0] : memref<1000x1xf32, #tpu.memory_space<vmem>>, vector<1000x1xf32>
    %get3A_2 = arith.constant 0 : index
    %get3A_3 = arith.constant 0 : index
    %get3A_4 = vector.load %arg1[%get3A_2, %get3A_3] : memref<1000x128xf32, #tpu.memory_space<vmem>>, vector<1000x64xf32>
    %get3A_5 = arith.constant 0 : index
    %get3A_6 = arith.constant 0 : index
    %get3A_7 = vector.load %arg2[%get3A_5, %get3A_6] : memref<1000x128xf32, #tpu.memory_space<vmem>>, vector<1000x64xf32>
    %add3A = arith.addf %get3A_4, %get3A_7 : vector<1000x64xf32>
    %get3A_8 = arith.constant 0 : index
    %get3A_9 = arith.constant 0 : index
    %get3A_10 = vector.load %arg3[%get3A_8, %get3A_9] : memref<1000x64xf32, #tpu.memory_space<vmem>>, vector<1000x64xf32>
    %add3A_11 = arith.addf %add3A, %get3A_10 : vector<1000x64xf32>
    %mul3A = vector.broadcast %get3A_1 : vector<1000x1xf32> to vector<1000x64xf32>
    %mul3A_12 = arith.mulf %add3A_11, %mul3A : vector<1000x64xf32>
    %get3A_13 = arith.constant 0 : index
    %get3A_14 = arith.constant 0 : index
    %get3A_15 = vector.load %arg5[%get3A_13, %get3A_14] : memref<1x64xf32, #tpu.memory_space<vmem>>, vector<1x64xf32>
    %add3A_16 = vector.broadcast %get3A_15 : vector<1x64xf32> to vector<1000x64xf32>
    %add3A_17 = arith.addf %mul3A_12, %add3A_16 : vector<1000x64xf32>
    %max3A = arith.constant 0.000000e+00 : f32
    %max3A_18 = vector.broadcast %max3A : f32 to vector<1000x64xf32>
    %max3A_19 = arith.maximumf %add3A_17, %max3A_18 : vector<1000x64xf32>
    %get3A_20 = arith.constant 0 : index
    %get3A_21 = arith.constant 0 : index
    %get3A_22 = arith.constant 0 : index
    %get3A_23 = vector.load %arg7[%get3A_20, %get3A_21, %get3A_22] : memref<2x1000x16xf32, #tpu.memory_space<vmem>>, vector<1x1000x1xf32>
    %get3A_24 = vector.shape_cast %get3A_23 : vector<1x1000x1xf32> to vector<1000x1xf32>
    %get3A_25 = arith.constant 1 : index
    %get3A_26 = arith.constant 0 : index
    %get3A_27 = arith.constant 0 : index
    %get3A_28 = vector.load %arg7[%get3A_25, %get3A_26, %get3A_27] : memref<2x1000x16xf32, #tpu.memory_space<vmem>>, vector<1x1000x1xf32>
    %get3A_29 = vector.shape_cast %get3A_28 : vector<1x1000x1xf32> to vector<1000x1xf32>
    %add3A_30 = arith.addf %get3A_24, %get3A_29 : vector<1000x1xf32>
    %add3A_31 = arith.addf %add3A_30, %get3A_1 : vector<1000x1xf32>
    %mul3A_32 = arith.mulf %add3A_31, %get3A_1 : vector<1000x1xf32>
    %mul3A_33 = vector.broadcast %mul3A_32 : vector<1000x1xf32> to vector<1000x64xf32>
    %mul3A_34 = arith.mulf %max3A_19, %mul3A_33 : vector<1000x64xf32>
    %reduce_sum3A = arith.constant dense<0.000000e+00> : vector<64xf32>
    %reduce_sum3A_35 = vector.multi_reduction <add>, %mul3A_34, %reduce_sum3A [0] : vector<1000x64xf32> to vector<64xf32>
    %broadcast_in_dim3A = vector.shape_cast %reduce_sum3A_35 : vector<64xf32> to vector<1x64xf32>
    %eq3A = arith.constant 0 : i32
    %eq3A_36 = arith.cmpi eq, %arg0, %eq3A : i32
    %convert_element_type3A = arith.extui %eq3A_36 : i1 to i32
    %cond3A = arith.constant 0 : i32
    %cond3A_37 = arith.cmpi ne, %convert_element_type3A, %cond3A : i32
    scf.if %cond3A_37 {
      %broadcast_in_dim3A_49 = arith.constant 0.000000e+00 : f32
      %broadcast_in_dim3A_50 = vector.broadcast %broadcast_in_dim3A_49 : f32 to vector<1x64xf32>
      %swap3A_51 = arith.constant 0 : index
      %swap3A_52 = arith.constant 0 : index
      %swap3A_53 = vector.load %arg14[%swap3A_51, %swap3A_52] : memref<1x64xf32, #tpu.memory_space<vmem>>, vector<1x64xf32>
      tpu.vector_store %arg14[%swap3A_51, %swap3A_52], %broadcast_in_dim3A_50 {strides = array<i32>} : memref<1x64xf32, #tpu.memory_space<vmem>>, vector<1x64xf32>,
    } else {
    }
    %get3A_38 = arith.constant 0 : index
    %get3A_39 = arith.constant 0 : index
    %get3A_40 = vector.load %arg14[%get3A_38, %get3A_39] : memref<1x64xf32, #tpu.memory_space<vmem>>, vector<1x64xf32>
    %add3A_41 = arith.addf %get3A_40, %broadcast_in_dim3A : vector<1x64xf32>
    %swap3A = arith.constant 0 : index
    %swap3A_42 = arith.constant 0 : index
    %swap3A_43 = vector.load %arg14[%swap3A, %swap3A_42] : memref<1x64xf32, #tpu.memory_space<vmem>>, vector<1x64xf32>
    tpu.vector_store %arg14[%swap3A, %swap3A_42], %add3A_41 {strides = array<i32>} : memref<1x64xf32, #tpu.memory_space<vmem>>, vector<1x64xf32>,
    %eq3A_44 = arith.constant 9 : i32
    %eq3A_45 = arith.cmpi eq, %arg0, %eq3A_44 : i32
    %convert_element_type3A_46 = arith.extui %eq3A_45 : i1 to i32
    %cond3A_47 = arith.constant 0 : i32
    %cond3A_48 = arith.cmpi ne, %convert_element_type3A_46, %cond3A_47 : i32
    scf.if %cond3A_48 {
      %get3A_49 = arith.constant 0 : index
      %get3A_50 = arith.constant 0 : index
      %get3A_51 = vector.load %arg14[%get3A_49, %get3A_50] : memref<1x64xf32, #tpu.memory_space<vmem>>, vector<1x64xf32>
      %mul3A_52 = arith.constant 9.99999974E-5 : f32
      %mul3A_53 = vector.broadcast %mul3A_52 : f32 to vector<1x64xf32>
      %mul3A_54 = arith.mulf %get3A_51, %mul3A_53 : vector<1x64xf32>
      %get3A_55 = arith.constant 0 : index
      %get3A_56 = arith.constant 0 : index
      %get3A_57 = vector.load %arg6[%get3A_55, %get3A_56] : memref<64x64xf32, #tpu.memory_space<vmem>>, vector<64x64xf32>
      %dot_general3A = arith.constant dense<0.000000e+00> : vector<1x64xf32>
      %dot_general3A_58 = tpu.matmul %mul3A_54, %get3A_57, %dot_general3A {dimension_numbers = #tpu.dot_dimension_numbers<[1], [0], [0], [1], [0, 0, 1, 1], [], []>, transpose_lhs_hint = false} : vector<1x64xf32>, vector<64x64xf32>, vector<1x64xf32> -> vector<1x64xf32>
      %get3A_59 = arith.constant 0 : index
      %get3A_60 = arith.constant 0 : index
      %get3A_61 = vector.load %arg8[%get3A_59, %get3A_60] : memref<1x64xf32, #tpu.memory_space<vmem>>, vector<1x64xf32>
      %add3A_62 = arith.addf %dot_general3A_58, %get3A_61 : vector<1x64xf32>
      %get3A_63 = arith.constant 0 : index
      %get3A_64 = arith.constant 0 : index
      %get3A_65 = vector.load %arg9[%get3A_63, %get3A_64] : memref<64x32xf32, #tpu.memory_space<vmem>>, vector<64x32xf32>
      %dot_general3A_66 = arith.constant dense<0.000000e+00> : vector<1x32xf32>
      %dot_general3A_67 = tpu.matmul %add3A_62, %get3A_65, %dot_general3A_66 {dimension_numbers = #tpu.dot_dimension_numbers<[1], [0], [0], [1], [0, 0, 1, 1], [], []>, transpose_lhs_hint = false} : vector<1x64xf32>, vector<64x32xf32>, vector<1x32xf32> -> vector<1x32xf32>
      %get3A_68 = arith.constant 0 : index
      %get3A_69 = arith.constant 0 : index
      %get3A_70 = vector.load %arg10[%get3A_68, %get3A_69] : memref<1x32xf32, #tpu.memory_space<vmem>>, vector<1x32xf32>
      %add3A_71 = arith.addf %dot_general3A_67, %get3A_70 : vector<1x32xf32>
      %max3A_72 = arith.constant 0.000000e+00 : f32
      %max3A_73 = vector.broadcast %max3A_72 : f32 to vector<1x32xf32>
      %max3A_74 = arith.maximumf %add3A_71, %max3A_73 : vector<1x32xf32>
      %get3A_75 = arith.constant 0 : index
      %get3A_76 = arith.constant 0 : index
      %get3A_77 = vector.load %arg11[%get3A_75, %get3A_76] : memref<32x2xf32, #tpu.memory_space<vmem>>, vector<32x2xf32>
      %dot_general3A_78 = arith.constant dense<0.000000e+00> : vector<1x2xf32>
      %dot_general3A_79 = tpu.matmul %max3A_74, %get3A_77, %dot_general3A_78 {dimension_numbers = #tpu.dot_dimension_numbers<[1], [0], [0], [1], [0, 0, 1, 1], [], []>, transpose_lhs_hint = false} : vector<1x32xf32>, vector<32x2xf32>, vector<1x2xf32> -> vector<1x2xf32>
      %get3A_80 = arith.constant 0 : index
      %get3A_81 = arith.constant 0 : index
      %get3A_82 = vector.load %arg12[%get3A_80, %get3A_81] : memref<1x2xf32, #tpu.memory_space<vmem>>, vector<1x2xf32>
      %add3A_83 = arith.addf %dot_general3A_79, %get3A_82 : vector<1x2xf32>
      %swap3A_84 = arith.constant 0 : index
      %swap3A_85 = arith.constant 0 : index
      %swap3A_86 = vector.load %arg13[%swap3A_84, %swap3A_85] : memref<1x2xf32, #tpu.memory_space<vmem>>, vector<1x2xf32>
      tpu.vector_store %arg13[%swap3A_84, %swap3A_85], %add3A_83 {strides = array<i32>} : memref<1x2xf32, #tpu.memory_space<vmem>>, vector<1x2xf32>,
    } else {
    }
    return
  }
  func.func @transform_0(%arg0: i32) -> (i32, i32) {
    %c0_i32 = arith.constant 0 : i32
    %c0_i32_0 = arith.constant 0 : i32
    return %arg0, %c0_i32 : i32, i32
  }
  func.func @transform_1(%arg0: i32) -> (i32, i32) {
    %add3A = arith.constant 10 : i32
    %add3A_0 = arith.addi %arg0, %add3A : i32
    %c0_i32 = arith.constant 0 : i32
    %c0_i32_1 = arith.constant 0 : i32
    return %add3A_0, %c0_i32 : i32, i32
  }
  func.func @transform_2(%arg0: i32) -> (i32, i32) {
    %c0_i32 = arith.constant 0 : i32
    %c0_i32_0 = arith.constant 0 : i32
    return %arg0, %c0_i32 : i32, i32
  }
  func.func @transform_3(%arg0: i32) -> (i32, i32) {
    %c0_i32 = arith.constant 0 : i32
    %c0_i32_0 = arith.constant 0 : i32
    return %arg0, %c0_i32 : i32, i32
  }
  func.func @transform_4(%arg0: i32) -> (i32, i32) {
    %c0_i32 = arith.constant 0 : i32
    %c0_i32_0 = arith.constant 0 : i32
    %c0_i32_1 = arith.constant 0 : i32
    return %c0_i32, %c0_i32_0 : i32, i32
  }
  func.func @transform_5(%arg0: i32) -> (i32, i32) {
    %c0_i32 = arith.constant 0 : i32
    %c0_i32_0 = arith.constant 0 : i32
    %c0_i32_1 = arith.constant 0 : i32
    return %c0_i32, %c0_i32_0 : i32, i32
  }
  func.func @transform_6(%arg0: i32) -> (i32, i32, i32) {
    %c0_i32 = arith.constant 0 : i32
    %c0_i32_0 = arith.constant 0 : i32
    %c0_i32_1 = arith.constant 0 : i32
    return %c0_i32, %arg0, %c0_i32_0 : i32, i32, i32
  }
  func.func @transform_7(%arg0: i32) -> (i32, i32) {
    %c0_i32 = arith.constant 0 : i32
    %c0_i32_0 = arith.constant 0 : i32
    %c0_i32_1 = arith.constant 0 : i32
    return %c0_i32, %c0_i32_0 : i32, i32
  }
  func.func @transform_8(%arg0: i32) -> (i32, i32) {
    %c0_i32 = arith.constant 0 : i32
    %c0_i32_0 = arith.constant 0 : i32
    %c0_i32_1 = arith.constant 0 : i32
    return %c0_i32, %c0_i32_0 : i32, i32
  }
  func.func @transform_9(%arg0: i32) -> (i32, i32) {
    %c0_i32 = arith.constant 0 : i32
    %c0_i32_0 = arith.constant 0 : i32
    %c0_i32_1 = arith.constant 0 : i32
    return %c0_i32, %c0_i32_0 : i32, i32
  }
  func.func @transform_10(%arg0: i32) -> (i32, i32) {
    %c0_i32 = arith.constant 0 : i32
    %c0_i32_0 = arith.constant 0 : i32
    %c0_i32_1 = arith.constant 0 : i32
    return %c0_i32, %c0_i32_0 : i32, i32
  }
  func.func @transform_11(%arg0: i32) -> (i32, i32) {
    %c0_i32 = arith.constant 0 : i32
    %c0_i32_0 = arith.constant 0 : i32
    %c0_i32_1 = arith.constant 0 : i32
    return %c0_i32, %c0_i32_0 : i32, i32
  }
  func.func @transform_12(%arg0: i32) -> (i32, i32) {
    %c0_i32 = arith.constant 0 : i32
    %c0_i32_0 = arith.constant 0 : i32
    %c0_i32_1 = arith.constant 0 : i32
    return %c0_i32, %c0_i32_0 : i32, i32
  }
}

</mosaic_0001>

<sc_bundles>
// kernel: kernel.12.cloned.1.call-start
scs
__scs_entry_jumppad:
0x0: {  	(pc) =	sbr.rel $0x88, $3  }
0x1: {  	(tag) =	ssettag $0x0;
	lr =	simm.s32 $0x1  }
0x2: {  	[smem:$0x3F95] =	sst lr;
	_ =	strace $0xD0000000  }
0x3: {  	_ = 	snop  }
0x4: {  	_ = 	snop  }
0x5: {  	_ = 	snop  }
0x6: {  	_ = 	snop  }
0x7: {  	_ = 	snop  }
__scs_overlays_trampoline_lowered:
0x8: {  	[smem:$0x3FA4] =	sst s0  }
0x9: {  	[smem:$0x3FA5] =	sst s1  }
0xa: {  	[smem:$0x3FA6] =	sst s2  }
0xb: {  	[smem:$0x3FA7] =	sst s3  }
0xc: {  	[smem:$0x3FA8] =	sst s4  }
0xd: {  	[smem:$0x3FA9] =	sst s5  }
0xe: {  	[smem:$0x3FAA] =	sst s6  }
0xf: {  	[smem:$0x3FAB] =	sst s7  }
0x10: {  	[smem:$0x3FAC] =	sst s8  }
0x11: {  	[smem:$0x3FAD] =	sst s9;
	s0 =	simm.s32 @!p0 $0x0  }
0x12: {  	s1 =	sld [smem:$0x3F93];
	s0 =	simm.s32 @p0 $0x1  }
0x13: {  	[smem:$0x3FAE] =	sst s0;
	s0 =	simm.s32 @!p1 $0x0  }
0x14: {  	s2 =	sld [smem:$0x3F92];
	s0 =	simm.s32 @p1 $0x1  }
0x15: {  	[smem:$0x3FAF] =	sst s0;
	s0 =	simm.s32 @!p2 $0x0  }
0x16: {  	s3 =	sld [smem:$0x3FDB];
	s0 =	simm.s32 @p2 $0x1  }
0x17: {  	s4 =	simm.s32 $0x1BF5;
	[smem:$0x3FB1] =	sst s0  }
0x18: {  	s0 =	sld [smem:$0x3F94];
	_ =	swait.ge [sflag:s4], $0x0  }
0x19: {  	s7 =	sld [smem:$0x3F95]  }
0x1a: {  	s8 =	sadd.s32 $0xFFFFE003, lr  }
0x1b: {  	s9 =	sadd.s32 $0xFFFFFEF7, lr;
	s5 =	simm.s32 $0xFFFFFFFF;
	p2 =	slt.u32 s8, $0xFFFFF086  }
0x1c: {  	p1 =	slt.u32 s9, $0xF7A;
	s5 =	simm.s32 @!p2 $0x0  }
0x1d: {  	s5 =	simm.s32 @p1 $0x1;
	p0 =	seq.s32 s7, s2  }
0x1e: {  	s7 =	smul.u32 @!p0 $0xF7A, s2;
	p2 =	seq.s32 @!p0 s5, $0x0  }
0x1f: {  	s9 =	smul.u32 $0xF7A, s1;
	s8 =	simm.s32 @!p0 $0x1BF5;
	p2 =	por !p2, p0  }
0x20: {  	[sflag:s8] =	ssyncset.s32 @!p0 $0xFFFFF086;
	s6 =	sadd.s32 @!p0 s3, s7;
	s7 =	simm.s32 @!p0 $0x108  }
0x21: {  	s3 =	sadd.s32 s3, s9;
	s6 =	sadd.s32 @!p0 $0x88, s6;
	s7 =	simm.s32 @p2 $0x1082  }
0x22: {  	[simem:s7], [sflag:s8] =	dma.local @!p0 [hbm:s6], $0xF7A  }
0x23: {  	s9 =	sor.u32 $0xD0000000, s2;
	s6 =	simm.s32 $0x108;
	_ =	swait.ge @!p0 [sflag:s8], $0x0  }
0x24: {  	s3 =	sadd.s32 $0x88, s3;
	s6 =	simm.s32 @!p1 $0x1082;
	[sflag:s4] =	ssyncset.s32 $0xFFFFF086  }
0x25: {  	[simem:s6], [sflag:s4] =	dma.local [hbm:s3], $0xF7A  }
0x26: {  	[smem:$0x3F95] =	sst s1;
	(tag) =	ssettag s2;
	_ =	strace s9  }
0x27: {  	s1 =	sld [smem:$0x3FA5]  }
0x28: {  	s2 =	sld [smem:$0x3FA6]  }
0x29: {  	s4 =	sld [smem:$0x3FA8]  }
0x2a: {  	p0 =	seq.s32 s5, $0x0;
	s5 =	sld [smem:$0x3FA9]  }
0x2b: {  	s6 =	sld [smem:$0x3FAA]  }
0x2c: {  	s7 =	sld [smem:$0x3FAB]  }
0x2d: {  	s3 =	simm.s32 $0x108;
	s8 =	sld [smem:$0x3FAC]  }
0x2e: {  	s3 =	simm.s32 @!p0 $0x1082;
	s9 =	sld [smem:$0x3FAD]  }
0x2f: {  	lr =	sadd.s32 s0, s3;
	s0 =	sld [smem:$0x3FA4]  }
0x30: {  	s3 =	sld [smem:$0x3FA7]  }
0x31: {  	[smem:$0x3FB0] =	sst s10  }
0x32: {  	s10 =	sld [smem:$0x3FAE];
	_ =	sdelay $0x3  }
0x33: {  	p0 =	seq.s32 s10, $0x1;
	s10 =	sld [smem:$0x3FB0];
	_ =	sdelay $0x3  }
0x34: {  	[smem:$0x3FB0] =	sst s10  }
0x35: {  	s10 =	sld [smem:$0x3FAF];
	_ =	sdelay $0x3  }
0x36: {  	p1 =	seq.s32 s10, $0x1;
	s10 =	sld [smem:$0x3FB0];
	_ =	sdelay $0x3  }
0x37: {  	[smem:$0x3FB0] =	sst s10  }
0x38: {  	s10 =	sld [smem:$0x3FB1]  }
0x39: {  	_ = 	snop;
	(pc) =	sbr.ind lr, $3  }
0x3a: {  	_ = 	snop  }
0x3b: {  	_ = 	snop  }
0x3c: {  	p2 =	seq.s32 s10, $0x1;
	s10 =	sld [smem:$0x3FB0]  }
0x3d: {  	_ =	shalt  }
0x3e: {  	_ =	shalt  }
0x3f: {  	_ =	shalt  }
0x40: {  	_ =	shalt  }
0x41: {  	_ =	shalt  }
0x42: {  	_ =	shalt  }
0x43: {  	_ =	shalt  }
0x44: {  	_ =	shalt  }
0x45: {  	_ =	shalt  }
0x46: {  	_ =	shalt  }
0x47: {  	_ =	shalt  }
0x48: {  	_ =	shalt  }
0x49: {  	_ =	shalt  }
0x4a: {  	_ =	shalt  }
0x4b: {  	_ =	shalt  }
0x4c: {  	_ =	shalt  }
0x4d: {  	_ =	shalt  }
0x4e: {  	_ =	shalt  }
0x4f: {  	_ =	shalt  }
0x50: {  	_ =	shalt  }
0x51: {  	_ =	shalt  }
0x52: {  	_ =	shalt  }
0x53: {  	_ =	shalt  }
0x54: {  	_ =	shalt  }
0x55: {  	_ =	shalt  }
0x56: {  	_ =	shalt  }
0x57: {  	_ =	shalt  }
0x58: {  	_ =	shalt  }
0x59: {  	_ =	shalt  }
0x5a: {  	_ =	shalt  }
0x5b: {  	_ =	shalt  }
0x5c: {  	_ =	shalt  }
0x5d: {  	_ =	shalt  }
0x5e: {  	_ =	shalt  }
0x5f: {  	_ =	shalt  }
0x60: {  	_ =	shalt  }
0x61: {  	_ =	shalt  }
0x62: {  	_ =	shalt  }
0x63: {  	_ =	shalt  }
0x64: {  	_ =	shalt  }
0x65: {  	_ =	shalt  }
0x66: {  	_ =	shalt  }
0x67: {  	_ =	shalt  }
0x68: {  	_ =	shalt  }
0x69: {  	_ =	shalt  }
0x6a: {  	_ =	shalt  }
0x6b: {  	_ =	shalt  }
0x6c: {  	_ =	shalt  }
0x6d: {  	_ =	shalt  }
0x6e: {  	_ =	shalt  }
0x6f: {  	_ =	shalt  }
0x70: {  	_ =	shalt  }
0x71: {  	_ =	shalt  }
0x72: {  	_ =	shalt  }
0x73: {  	_ =	shalt  }
0x74: {  	_ =	shalt  }
0x75: {  	_ =	shalt  }
0x76: {  	_ =	shalt  }
0x77: {  	_ =	shalt  }
0x78: {  	_ =	shalt  }
0x79: {  	_ =	shalt  }
0x7a: {  	_ =	shalt  }
0x7b: {  	_ =	shalt  }
0x7c: {  	_ =	shalt  }
0x7d: {  	_ =	shalt  }
0x7e: {  	_ =	shalt  }
0x7f: {  	_ =	shalt  }
0x80: {  	_ =	shalt  }
0x81: {  	_ =	shalt  }
0x82: {  	_ =	shalt  }
0x83: {  	_ =	shalt  }
0x84: {  	_ =	shalt  }
0x85: {  	_ =	shalt  }
0x86: {  	_ =	shalt  }
0x87: {  	_ =	shalt  }
.Lfunc_end0:
.L_simem_size_0:
called_computation.1_lowered:
.L_overlay_start_0:
0x88: {  	s2 =	sld [smem:$0x3FD9]  }
0x89: {  	s3 =	sld [smem:$0x3FFE];
	_ =	sdelay $0x1  }
0x8a: {  	s1 =	srdreg.scid  }
0x8b: {  	s0 =	sand.u32 $0x1, s1  }
0x8c: {  	s16 =	sshll.u32 s0, $0xA;
	s2 =	sadd.s32 s3, s2  }
0x8d: {  	s2 =	sadd.s32 s2, s16  }
0x8e: {  	[smem:$0x3FBC] =	sst s2  }
0x8f: {  	_ = 	snop  }
0x90: {  	(tm) =	ssettm $0x1  }
0x91: {  	s17 =	sld [smem:$0x3FFB];
	_ =	sdelay $0x3  }
0x92: {  	_ =	strace s17  }
0x93: {  	s2 =	sld [smem:$0x3FFC];
	_ =	sdelay $0x3  }
0x94: {  	_ =	strace s2  }
0x95: {  	s2 =	sld [smem:$0x3FFD];
	_ =	sdelay $0x3  }
0x96: {  	_ =	strace s2  }
0x97: {  	_ =	strace $0x8FFFFFFF  }
0x98: {  	s18 =	sld [smem:$0x3FDB];
	_ =	sdelay $0x1  }
0x99: {  	s19 =	simm.s32 $_scs_section_size  }
0x9a: {  	s4 =	simm.s32 $_size__tile_overlayer_lowered;
	s5 =	simm.s32 $_tile_overlayer_lowered  }
0x9b: {  	s22 =	simm.s32 $0x1BFF;
	s21 =	sshll.u32 s5, $0x1;
	s2 =	sadd.s32 s19, s18  }
0x9c: {  	s6 =	simm.s32 $0x0;
	s20 =	sshll.u32 s4, $0x1;
	s4 =	sadd.s32 s21, s2  }
0x9d: {  	[timem:s6], [sflag:s22] =	dma.local [hbm:s4], s20  }
0x9e: {  	_ =	swait.ge [sflag:s22], s20  }
0x9f: {  	s3 =	ssub.s32 $0x0, s20;
	[sflag:s22] =	ssyncset.done $0x0  }
0xa0: {  	[sflag:s22] =	ssyncadd.s32 s3;
	_ =	sdelay $0x1  }
0xa1: {  	s23 =	simm.s32 $0x1B8B  }
0xa2: {  	_ =	swait.ge [sflag:s23], $0x1  }
0xa3: {  	[sflag:s23] =	ssyncset.done $0x0  }
0xa4: {  	s25 =	simm.s32 $0x1B8E;
	s24 =	sld [smem:$0x3FFE];
	[sflag:s23] =	ssyncadd.s32 $0xFFFFFFFF  }
0xa5: {  	s26 =	simm.s32 $execute0_lowered;
	[smem:$0x3FD2] =	sst s25  }
0xa6: {  	s4 =	sshll.u32 s26, $0x1;
	_ =	strace $0x80000049;
	[dreg:$0x1] =	wrdreg $0xFFFFFFFF  }
0xa7: {  	s28 =	simm.s32 $_size_execute0_lowered;
	s2 =	sadd.s32 s2, s4;
	[dreg:$0x0] =	wrdreg $0x0  }
0xa8: {  	s4 =	sshll.u32 s28, $0x1;
	[dreg:$0x2] =	wrdreg s2  }
0xa9: {  	[dreg:$0x3] =	wrdreg s4  }
0xaa: {  	[dreg:$0x4] =	wrdreg $0xC0  }
0xab: {  	_ =	task [dreg:s6], $0x5FFFF  }
0xac: {  	[dreg:$0x1] =	wrdreg $0xFFFFFFFF  }
0xad: {  	[dreg:$0x0] =	wrdreg $0x60  }
0xae: {  	[dreg:$0x2] =	wrdreg s24  }
0xaf: {  	[dreg:$0x3] =	wrdreg $0x116200  }
0xb0: {  	[dreg:$0x4] =	wrdreg $0x1B2600  }
0xb1: {  	[dreg:$0x5] =	wrdreg $0x9  }
0xb2: {  	_ =	task.clear_ibuf [dreg:s6], $0x6FFFF;
	_ =	strace $0x90000049  }
0xb3: {  	s29 =	simm.s32 $0x9;
	_ =	strace $0x8000004B  }
0xb4: {  	_ =	swait.ge [sflag:s29], $0x1  }
0xb5: {  	[sflag:s29] =	ssyncadd.s32 $0xFFFFFFFF  }
0xb6: {  	_ =	strace $0x9000004B  }
0xb7: {  	_ =	sfence  }
0xb8: {  	s30 =	sld [smem:$0x0];
	_ =	sdelay $0x2  }
0xb9: {  	s31 =	sshll.u32 s1, $0xD;
	s1 =	sshrl.u32 s1, $0x2  }
0xba: {  	s3 =	sand.u32 $0x4000, s31;
	s1 =	sadd.s32 s1, s30  }
0xbb: {  	s0 =	sor.u32 s3, s0;
	s1 =	sshll.u32 s1, $0x11  }
0xbc: {  	s0 =	sor.u32 s1, s0  }
0xbd: {  	s0 =	sadd.s32 $0x8F2B, s0  }
0xbe: {  	[sflag:s0] =	ssyncadd.remote.s32 $0x1  }
0xbf: {  	_ =	sfence.sel $0xFFFF  }
0xc0: {  	[dreg:$0x0] =	wrdreg $0xFFFFFFFF;
	(pc) =	sbr.abs _section_cstart, $3  }
0xc1: {  	[dreg:$0x1] =	wrdreg $0xFFFFFFFF  }
0xc2: {  	_ =	task.clear_ibuf [dreg:s6], $0x2FFFF;
	_ =	strace $0x9FFFFFFF  }
0xc3: {  	(tm) =	ssettm $0x7FFFFFFF  }
tec
execute0_lowered:
.L_overlay_start_1:
0x0: {  	(tag) =	ssettag $0x1  }
0x1: {  	s0 =	srdreg.scid;
	s1 =	rddreg [dreg:$0x0]  }
0x2: {  	s13 =	stileid.u32;
	s2 =	rddreg [dreg:$0x1];
	s28 =	simm.s32 $0x6E20  }
0x3: {  	s29 =	simm.s32 $0x8E20;
	s30 =	simm.s32 $0xAE20;
	s7 =	smul.u32 $0x271, s13  }
0x4: {  	s31 =	simm.s32 $0xCE20;
	s0 =	sand.u32 $0x1, s0;
	s11 =	smul.u32 $0x27100, s13  }
0x5: {  	s5 =	sadd.s32 $0x16C00, s1;
	s3 =	sshll.u32 s0, $0x4;
	s8 =	smul.u32 $0x2710, s0  }
0x6: {  	s0 =	ssub.s32 $0x2, s0;
	s4 =	sor.u32 s13, s3;
	s3 =	rddreg [dreg:$0x2]  }
0x7: {  	s12 =	sshrl.u32 s0, $0x1;
	s13 =	smul.u32 $0x9C40, s13;
	s17 =	sshrl.u32 s11, $0x2  }
0x8: {  	s19 =	sadd.s32 $0x80, s7;
	s23 =	sadd.s32 $0x100, s7;
	s26 =	sadd.s32 $0x180, s7  }
0x9: {  	s6 =	smul.u32 $0x2710, s4;
	s4 =	simm.s32 $0x0;
	s8 =	sadd.s32 s7, s8  }
0xa: {  	s0 =	ssub.s32 s0, s12;
	s14 =	sadd.s32 s17, s2;
	s20 =	sshll.u32 s19, $0x6  }
0xb: {  	s22 =	sshll.u32 s19, $0x4;
	s25 =	sshll.u32 s23, $0x6;
	s16 =	sshll.u32 s23, $0x4  }
0xc: {  	s17 =	sshll.u32 s26, $0x6;
	s7 =	sadd.s32 $0x200, s7;
	[smem:$0x7FF] =	sst s4  }
0xd: {  	s10 =	sshll.u32 s8, $0x4;
	s8 =	sshll.u32 s8, $0x1;
	s21 =	sadd.s32 s20, s2  }
0xe: {  	s24 =	sadd.s32 s22, s3;
	_ =	strace $0x8000004A;
	[dreg:$0x6] =	wrdreg s21  }
0xf: {  	s18 =	sshrl.u32 s13, $0x2;
	s11 =	sadd.s32 s25, s2;
	[dreg:$0x7] =	wrdreg s24  }
0x10: {  	s19 =	sadd.s32 s17, s2;
	s20 =	sshll.u32 s26, $0x4;
	[dreg:$0x8] =	wrdreg s11  }
0x11: {  	s0 =	smax.u32 s0, $0x1;
	s9 =	sshrl.u32 s6, $0x3;
	[dreg:$0xa] =	wrdreg s19  }
0x12: {  	s6 =	sadd.s32 $0x2A600, s1;
	s10 =	sadd.s32 s10, s1;
	[dreg:$0x12] =	wrdreg s0  }
0x13: {  	s15 =	sadd.s32 s18, s3;
	s18 =	sadd.s32 s16, s3;
	[dreg:$0x4] =	wrdreg s14  }
0x14: {  	s21 =	sshll.u32 s7, $0x6;
	s22 =	sadd.s32 s20, s3;
	[dreg:$0x9] =	wrdreg s18  }
0x15: {  	s7 =	sshll.u32 s7, $0x4;
	s0 =	simm.s32 $0x10620;
	[dreg:$0xb] =	wrdreg s22  }
0x16: {  	s11 =	simm.s32 $0x2;
	s23 =	sadd.s32 s21, s2;
	[dreg:$0x5] =	wrdreg s15  }
0x17: {  	s9 =	sadd.s32 s9, s1;
	s7 =	sadd.s32 s7, s3;
	[dreg:$0xc] =	wrdreg s23  }
0x18: {  	s1 =	sadd.s32 s8, s1;
	s26 =	sadd.s32 $0x2F600, s10;
	[dreg:$0xd] =	wrdreg s7  }
0x19: {  	s22 =	simm.s32 $0x4E20;
	s24 =	sadd.s32 $0x3200, s9;
	[dreg:$0x10] =	wrdreg s26  }
0x1a: {  	s10 =	simm.s32 $0x1;
	s25 =	sadd.s32 $0xCE40, s9;
	[dreg:$0xe] =	wrdreg s24  }
0x1b: {  	s1 =	sadd.s32 $0x7D800, s1;
	s23 =	simm.s32 $0x3;
	[dreg:$0xf] =	wrdreg s25  }
0x1c: {  	s26 =	simm.s32 $0x80;
	s9 =	simm.s32 $0x10E20;
	[dreg:$0x11] =	wrdreg s1  }
0x1d: {  	v0 =	vimm.f32 $0.0e+00;
	s24 =	simm.s32 $0xEE20;
	s1 =	simm.s32 $0xF620;
	s25 =	simm.s32 $0xFE20  }
.LBB2_1:
0x1e: {  	s7 =	simm.s32 $0x4E40  }
0x1f: {  	[tilespmem:s7+$0x0] =	vst v0  }
0x20: {  	[tilespmem:s7+$0xFFFFFFE0] =	vst v0  }
0x21: {  	[tilespmem:s7+$0x10] =	vst v0  }
0x22: {  	s12 =	simm.s32 $0x40;
	s13 =	simm.s32 $0x0;
	[tilespmem:s7+$0xFFFFFFF0] =	vst v0  }
.LBB2_2:
0x23: {  	p0 =	sne.s32 s12, $0x1FC0  }
0x24: {  	[tilespmem:s13+$0xEE20] =	vst v0;
	s7 =	sadd.s32 $0x40, s7;
	s13 =	smov.u32 s12;
	s12 =	sadd.s32 $0x40, s12  }
.Ltmp0:
0x25: {  	[tilespmem:s7+$0x0] =	vst v0;
	(pc) =	sbr.rel @p0 .LBB2_2-.Ltmp0, $4  }
0x26: {  	_ = 	snop  }
0x27: {  	[tilespmem:s7+$0xFFFFFFE0] =	vst v0  }
0x28: {  	[tilespmem:s7+$0x10] =	vst v0  }
0x29: {  	s13 =	sshra.s32 s13, $0x2;
	[tilespmem:s7+$0xFFFFFFF0] =	vst v0  }
0x2a: {  	[tilespmem:s13+$0xEE20] =	vst v0  }
0x2b: {  	[spmem:s14] =	stream.linear.scatter [tilespmem:s22], [sflag:$0x3], $0x2000, $0x38;
	[tilespmem:$0x1D970] =	vst v63  }
0x2c: {  	_ =	swait.ge [sflag:s23], $0x2000  }
0x2d: {  	[sflag:s23] =	ssyncset.done $0x0  }
0x2e: {  	[sflag:s23] =	ssyncadd.s32 $0xFFFFE000  }
0x2f: {  	[spmem:s15] =	stream.linear.scatter [tilespmem:s24], [sflag:$0x3], $0x800, $0x38;
	[tilespmem:$0x1D970] =	vst v63  }
0x30: {  	_ =	swait.ge [sflag:s23], $0x800  }
0x31: {  	[sflag:s23] =	ssyncset.done $0x0  }
0x32: {  	s7 =	rddreg [dreg:$0x6];
	[sflag:s23] =	ssyncadd.s32 $0xFFFFF800  }
0x33: {  	[spmem:s7] =	stream.linear.scatter [tilespmem:s22], [sflag:$0x3], $0x2000, $0x38;
	[tilespmem:$0x1D970] =	vst v63  }
0x34: {  	_ =	swait.ge [sflag:s23], $0x2000  }
0x35: {  	[sflag:s23] =	ssyncset.done $0x0  }
0x36: {  	s14 =	rddreg [dreg:$0x7];
	[sflag:s23] =	ssyncadd.s32 $0xFFFFE000  }
0x37: {  	[spmem:s14] =	stream.linear.scatter [tilespmem:s24], [sflag:$0x3], $0x800, $0x38;
	[tilespmem:$0x1D970] =	vst v63  }
0x38: {  	_ =	swait.ge [sflag:s23], $0x800  }
0x39: {  	[sflag:s23] =	ssyncset.done $0x0  }
0x3a: {  	s15 =	rddreg [dreg:$0x8];
	[sflag:s23] =	ssyncadd.s32 $0xFFFFF800  }
0x3b: {  	[spmem:s15] =	stream.linear.scatter [tilespmem:s22], [sflag:$0x3], $0x2000, $0x38;
	[tilespmem:$0x1D970] =	vst v63  }
0x3c: {  	_ =	swait.ge [sflag:s23], $0x2000  }
0x3d: {  	[sflag:s23] =	ssyncset.done $0x0  }
0x3e: {  	s16 =	rddreg [dreg:$0x9];
	[sflag:s23] =	ssyncadd.s32 $0xFFFFE000  }
0x3f: {  	[spmem:s16] =	stream.linear.scatter [tilespmem:s24], [sflag:$0x3], $0x800, $0x38;
	[tilespmem:$0x1D970] =	vst v63  }
0x40: {  	_ =	swait.ge [sflag:s23], $0x800  }
0x41: {  	[sflag:s23] =	ssyncset.done $0x0  }
0x42: {  	s17 =	rddreg [dreg:$0xa];
	[sflag:s23] =	ssyncadd.s32 $0xFFFFF800  }
0x43: {  	[spmem:s17] =	stream.linear.scatter [tilespmem:s22], [sflag:$0x3], $0x2000, $0x38;
	[tilespmem:$0x1D970] =	vst v63  }
0x44: {  	_ =	swait.ge [sflag:s23], $0x2000  }
0x45: {  	[sflag:s23] =	ssyncset.done $0x0  }
0x46: {  	s18 =	rddreg [dreg:$0xb];
	[sflag:s23] =	ssyncadd.s32 $0xFFFFE000  }
0x47: {  	[spmem:s18] =	stream.linear.scatter [tilespmem:s24], [sflag:$0x3], $0x800, $0x38;
	[tilespmem:$0x1D970] =	vst v63  }
0x48: {  	_ =	swait.ge [sflag:s23], $0x800  }
0x49: {  	[sflag:s23] =	ssyncset.done $0x0  }
0x4a: {  	s19 =	rddreg [dreg:$0xc];
	[sflag:s23] =	ssyncadd.s32 $0xFFFFF800  }
0x4b: {  	[spmem:s19] =	stream.linear.scatter [tilespmem:s22], [sflag:$0x3], $0x1C40, $0x38;
	[tilespmem:$0x1D970] =	vst v63  }
0x4c: {  	_ =	swait.ge [sflag:s23], $0x1C40  }
0x4d: {  	[sflag:s23] =	ssyncset.done $0x0  }
0x4e: {  	s20 =	rddreg [dreg:$0xd];
	[sflag:s23] =	ssyncadd.s32 $0xFFFFE3C0  }
0x4f: {  	[spmem:s20] =	stream.linear.scatter [tilespmem:s24], [sflag:$0x3], $0x710, $0x38;
	[tilespmem:$0x1D970] =	vst v63  }
0x50: {  	_ =	swait.ge [sflag:s23], $0x710  }
0x51: {  	[sflag:s23] =	ssyncset.done $0x0  }
0x52: {  	s21 =	simm.s32 $0x0;
	s8 =	rddreg [dreg:$0xe];
	[sflag:s23] =	ssyncadd.s32 $0xFFFFF8F0  }
0x53: {  	[tilespmem:s21], [sflag:$0x3] =	stream.linear.gather [hbm4b:s8+s21], $0x2710, $0x38;
	[tilespmem:$0x1D970] =	vst v63  }
0x54: {  	_ =	swait.ge [sflag:s23], $0x2710  }
0x55: {  	[sflag:s23] =	ssyncset.done $0x0  }
0x56: {  	s12 =	simm.s32 $0x2710;
	s13 =	rddreg [dreg:$0xf];
	[sflag:s23] =	ssyncadd.s32 $0xFFFFD8F0  }
0x57: {  	[tilespmem:s12], [sflag:$0x3] =	stream.linear.gather [hbm4b:s13+s21], $0x2710, $0x38;
	[tilespmem:$0x1D970] =	vst v63  }
0x58: {  	_ =	swait.ge [sflag:s23], $0x2710  }
0x59: {  	[sflag:s23] =	ssyncset.done $0x0  }
0x5a: {  	[sflag:s23] =	ssyncadd.s32 $0xFFFFD8F0  }
0x5b: {  	s14 =	simm.s32 $0x0;
	[bflag:$0x0] =	sbarrier.arrive $0xFFFF  }
0x5c: {  	[tilespmem:s22], [sflag:$0x1] =	stream.indirect.gather [hbm4b:s5+s26], $0x40, s14, s26, $0xb8;
	[tilespmem:$0x1D970] =	vst v63  }
0x5d: {  	s15 =	simm.s32 $0x80  }
0x5e: {  	[tilespmem:s28], [sflag:$0x1] =	stream.indirect.gather [hbm4b:s5+s26], $0x40, s15, s26, $0xb8;
	[tilespmem:$0x1D970] =	vst v63  }
0x5f: {  	s8 =	simm.s32 $0x100  }
0x60: {  	[tilespmem:s29], [sflag:$0x1] =	stream.indirect.gather [hbm4b:s5+s26], $0x40, s8, s26, $0xb8;
	[tilespmem:$0x1D970] =	vst v63  }
0x61: {  	s12 =	simm.s32 $0x180  }
0x62: {  	[tilespmem:s30], [sflag:$0x1] =	stream.indirect.gather [hbm4b:s5+s26], $0x40, s12, s26, $0xb8;
	[tilespmem:$0x1D970] =	vst v63  }
0x63: {  	s18 =	simm.s32 $0x200  }
0x64: {  	[tilespmem:s31], [sflag:$0x1] =	stream.indirect.gather [hbm4b:s5+s26], $0x40, s18, s26, $0xb8;
	[tilespmem:$0x1D970] =	vst v63  }
0x65: {  	s16 =	simm.s32 $0x2710  }
0x66: {  	[tilespmem:s24], [sflag:$0x2] =	stream.indirect.gather [hbm4b:s6+s26], $0x10, s16, s26, $0xb8;
	[tilespmem:$0x1D970] =	vst v63  }
0x67: {  	s17 =	simm.s32 $0x2790  }
0x68: {  	[tilespmem:s1], [sflag:$0x2] =	stream.indirect.gather [hbm4b:s6+s26], $0x10, s17, s26, $0xb8;
	[tilespmem:$0x1D970] =	vst v63  }
0x69: {  	s19 =	simm.s32 $0x2810  }
0x6a: {  	[tilespmem:s25], [sflag:$0x2] =	stream.indirect.gather [hbm4b:s6+s26], $0x10, s19, s26, $0xb8;
	[tilespmem:$0x1D970] =	vst v63  }
0x6b: {  	s20 =	simm.s32 $0x2890  }
0x6c: {  	[tilespmem:s0], [sflag:$0x2] =	stream.indirect.gather [hbm4b:s6+s26], $0x10, s20, s26, $0xb8;
	[tilespmem:$0x1D970] =	vst v63  }
0x6d: {  	s21 =	simm.s32 $0x2910  }
0x6e: {  	[tilespmem:s9], [sflag:$0x2] =	stream.indirect.gather [hbm4b:s6+s26], $0x10, s21, s26, $0xb8;
	[tilespmem:$0x1D970] =	vst v63  }
0x6f: {  	_ =	swait.ge [sflag:s10], $0x2000  }
0x70: {  	[sflag:s10] =	ssyncset.done $0x0  }
0x71: {  	[sflag:s10] =	ssyncadd.s32 $0xFFFFE000  }
0x72: {  	[spmem:s2] =	stream.indirect.scatter.add.f32 [tilespmem:s22], [sflag:$0x3], $0x40, s16, s26, $0xb8;
	[tilespmem:$0x1D970] =	vst v63  }
0x73: {  	_ =	swait.ge [sflag:s23], $0x2000  }
0x74: {  	[sflag:s23] =	ssyncset.done $0x0  }
0x75: {  	[sflag:s23] =	ssyncadd.s32 $0xFFFFE000  }
0x76: {  	_ =	swait.ge [sflag:s11], $0x800  }
0x77: {  	[sflag:s11] =	ssyncset.done $0x0  }
0x78: {  	[sflag:s11] =	ssyncadd.s32 $0xFFFFF800  }
0x79: {  	[spmem:s3] =	stream.indirect.scatter.add.f32 [tilespmem:s24], [sflag:$0x3], $0x10, s14, s26, $0xb8;
	[tilespmem:$0x1D970] =	vst v63  }
0x7a: {  	_ =	swait.ge [sflag:s23], $0x800  }
0x7b: {  	[sflag:s23] =	ssyncset.done $0x0  }
0x7c: {  	[sflag:s23] =	ssyncadd.s32 $0xFFFFF800  }
0x7d: {  	_ =	swait.ge [sflag:s10], $0x2000  }
0x7e: {  	[sflag:s10] =	ssyncset.done $0x0  }
0x7f: {  	[sflag:s10] =	ssyncadd.s32 $0xFFFFE000  }
0x80: {  	[spmem:s2] =	stream.indirect.scatter.add.f32 [tilespmem:s28], [sflag:$0x3], $0x40, s17, s26, $0xb8;
	[tilespmem:$0x1D970] =	vst v63  }
0x81: {  	_ =	swait.ge [sflag:s23], $0x2000  }
0x82: {  	[sflag:s23] =	ssyncset.done $0x0  }
0x83: {  	[sflag:s23] =	ssyncadd.s32 $0xFFFFE000  }
0x84: {  	_ =	swait.ge [sflag:s11], $0x800  }
0x85: {  	[sflag:s11] =	ssyncset.done $0x0  }
0x86: {  	[sflag:s11] =	ssyncadd.s32 $0xFFFFF800  }
0x87: {  	[spmem:s3] =	stream.indirect.scatter.add.f32 [tilespmem:s1], [sflag:$0x3], $0x10, s15, s26, $0xb8;
	[tilespmem:$0x1D970] =	vst v63  }
0x88: {  	_ =	swait.ge [sflag:s23], $0x800  }
0x89: {  	[sflag:s23] =	ssyncset.done $0x0  }
0x8a: {  	[sflag:s23] =	ssyncadd.s32 $0xFFFFF800  }
0x8b: {  	_ =	swait.ge [sflag:s10], $0x2000  }
0x8c: {  	[sflag:s10] =	ssyncset.done $0x0  }
0x8d: {  	[sflag:s10] =	ssyncadd.s32 $0xFFFFE000  }
0x8e: {  	[spmem:s2] =	stream.indirect.scatter.add.f32 [tilespmem:s29], [sflag:$0x3], $0x40, s19, s26, $0xb8;
	[tilespmem:$0x1D970] =	vst v63  }
0x8f: {  	_ =	swait.ge [sflag:s23], $0x2000  }
0x90: {  	[sflag:s23] =	ssyncset.done $0x0  }
0x91: {  	[sflag:s23] =	ssyncadd.s32 $0xFFFFE000  }
0x92: {  	_ =	swait.ge [sflag:s11], $0x800  }
0x93: {  	[sflag:s11] =	ssyncset.done $0x0  }
0x94: {  	[sflag:s11] =	ssyncadd.s32 $0xFFFFF800  }
0x95: {  	[spmem:s3] =	stream.indirect.scatter.add.f32 [tilespmem:s25], [sflag:$0x3], $0x10, s8, s26, $0xb8;
	[tilespmem:$0x1D970] =	vst v63  }
0x96: {  	_ =	swait.ge [sflag:s23], $0x800  }
0x97: {  	[sflag:s23] =	ssyncset.done $0x0  }
0x98: {  	[sflag:s23] =	ssyncadd.s32 $0xFFFFF800  }
0x99: {  	_ =	swait.ge [sflag:s10], $0x2000  }
0x9a: {  	[sflag:s10] =	ssyncset.done $0x0  }
0x9b: {  	[sflag:s10] =	ssyncadd.s32 $0xFFFFE000  }
0x9c: {  	[spmem:s2] =	stream.indirect.scatter.add.f32 [tilespmem:s30], [sflag:$0x3], $0x40, s20, s26, $0xb8;
	[tilespmem:$0x1D970] =	vst v63  }
0x9d: {  	_ =	swait.ge [sflag:s23], $0x2000  }
0x9e: {  	[sflag:s23] =	ssyncset.done $0x0  }
0x9f: {  	[sflag:s23] =	ssyncadd.s32 $0xFFFFE000  }
0xa0: {  	_ =	swait.ge [sflag:s11], $0x800  }
0xa1: {  	[sflag:s11] =	ssyncset.done $0x0  }
0xa2: {  	[sflag:s11] =	ssyncadd.s32 $0xFFFFF800  }
0xa3: {  	[spmem:s3] =	stream.indirect.scatter.add.f32 [tilespmem:s0], [sflag:$0x3], $0x10, s12, s26, $0xb8;
	[tilespmem:$0x1D970] =	vst v63  }
0xa4: {  	_ =	swait.ge [sflag:s23], $0x800  }
0xa5: {  	[sflag:s23] =	ssyncset.done $0x0  }
0xa6: {  	[sflag:s23] =	ssyncadd.s32 $0xFFFFF800  }
0xa7: {  	_ =	swait.ge [sflag:s10], $0x2000  }
0xa8: {  	[sflag:s10] =	ssyncset.done $0x0  }
0xa9: {  	[sflag:s10] =	ssyncadd.s32 $0xFFFFE000  }
0xaa: {  	[spmem:s2] =	stream.indirect.scatter.add.f32 [tilespmem:s31], [sflag:$0x3], $0x40, s21, s26, $0xb8;
	[tilespmem:$0x1D970] =	vst v63  }
0xab: {  	_ =	swait.ge [sflag:s23], $0x2000  }
0xac: {  	[sflag:s23] =	ssyncset.done $0x0  }
0xad: {  	[sflag:s23] =	ssyncadd.s32 $0xFFFFE000  }
0xae: {  	_ =	swait.ge [sflag:s11], $0x800  }
0xaf: {  	[sflag:s11] =	ssyncset.done $0x0  }
0xb0: {  	[sflag:s11] =	ssyncadd.s32 $0xFFFFF800  }
0xb1: {  	[spmem:s3] =	stream.indirect.scatter.add.f32 [tilespmem:s9], [sflag:$0x3], $0x10, s18, s26, $0xb8;
	[tilespmem:$0x1D970] =	vst v63  }
0xb2: {  	_ =	swait.ge [sflag:s23], $0x800  }
0xb3: {  	s13 =	simm.s32 $0x1400;
	s21 =	simm.s32 $0xA00;
	[sflag:s23] =	ssyncset.done $0x0  }
.LBB2_4:
0xb4: {  	s7 =	sshra.s32 s21, $0x2  }
0xb5: {  	[sflag:s23] =	ssyncadd.s32 $0xFFFFF800;
	s21 =	smov.u32 s13;
	s12 =	sadd.s32 $0xA00, s13  }
0xb6: {  	[tilespmem:s22], [sflag:$0x1] =	stream.indirect.gather [hbm4b:s5+s26], $0x40, s7, s26, $0xb8;
	[tilespmem:$0x1D970] =	vst v63  }
0xb7: {  	p0 =	sne.s32 s13, $0x8C00;
	s19 =	sadd.s32 $0x80, s7  }
0xb8: {  	[tilespmem:s28], [sflag:$0x1] =	stream.indirect.gather [hbm4b:s5+s26], $0x40, s19, s26, $0xb8;
	[tilespmem:$0x1D970] =	vst v63  }
0xb9: {  	s16 =	sadd.s32 $0x100, s7  }
0xba: {  	[tilespmem:s29], [sflag:$0x1] =	stream.indirect.gather [hbm4b:s5+s26], $0x40, s16, s26, $0xb8;
	[tilespmem:$0x1D970] =	vst v63  }
0xbb: {  	s14 =	sadd.s32 $0x180, s7  }
0xbc: {  	[tilespmem:s30], [sflag:$0x1] =	stream.indirect.gather [hbm4b:s5+s26], $0x40, s14, s26, $0xb8;
	[tilespmem:$0x1D970] =	vst v63  }
0xbd: {  	s13 =	sadd.s32 $0x200, s7  }
0xbe: {  	[tilespmem:s31], [sflag:$0x1] =	stream.indirect.gather [hbm4b:s5+s26], $0x40, s13, s26, $0xb8;
	[tilespmem:$0x1D970] =	vst v63  }
0xbf: {  	s8 =	sadd.s32 $0x2710, s7  }
0xc0: {  	[tilespmem:s24], [sflag:$0x2] =	stream.indirect.gather [hbm4b:s6+s26], $0x10, s8, s26, $0xb8;
	[tilespmem:$0x1D970] =	vst v63  }
0xc1: {  	s18 =	sadd.s32 $0x2790, s7  }
0xc2: {  	[tilespmem:s1], [sflag:$0x2] =	stream.indirect.gather [hbm4b:s6+s26], $0x10, s18, s26, $0xb8;
	[tilespmem:$0x1D970] =	vst v63  }
0xc3: {  	s20 =	sadd.s32 $0x2810, s7  }
0xc4: {  	[tilespmem:s25], [sflag:$0x2] =	stream.indirect.gather [hbm4b:s6+s26], $0x10, s20, s26, $0xb8;
	[tilespmem:$0x1D970] =	vst v63  }
0xc5: {  	s17 =	sadd.s32 $0x2890, s7  }
0xc6: {  	[tilespmem:s0], [sflag:$0x2] =	stream.indirect.gather [hbm4b:s6+s26], $0x10, s17, s26, $0xb8;
	[tilespmem:$0x1D970] =	vst v63  }
0xc7: {  	s15 =	sadd.s32 $0x2910, s7  }
0xc8: {  	[tilespmem:s9], [sflag:$0x2] =	stream.indirect.gather [hbm4b:s6+s26], $0x10, s15, s26, $0xb8;
	[tilespmem:$0x1D970] =	vst v63  }
0xc9: {  	_ =	swait.ge [sflag:s10], $0x2000  }
0xca: {  	[sflag:s10] =	ssyncset.done $0x0  }
0xcb: {  	[sflag:s10] =	ssyncadd.s32 $0xFFFFE000  }
0xcc: {  	[spmem:s2] =	stream.indirect.scatter.add.f32 [tilespmem:s22], [sflag:$0x3], $0x40, s8, s26, $0xb8;
	[tilespmem:$0x1D970] =	vst v63  }
0xcd: {  	_ =	swait.ge [sflag:s23], $0x2000  }
0xce: {  	[sflag:s23] =	ssyncset.done $0x0  }
0xcf: {  	[sflag:s23] =	ssyncadd.s32 $0xFFFFE000  }
0xd0: {  	_ =	swait.ge [sflag:s11], $0x800  }
0xd1: {  	[sflag:s11] =	ssyncset.done $0x0  }
0xd2: {  	[sflag:s11] =	ssyncadd.s32 $0xFFFFF800  }
0xd3: {  	[spmem:s3] =	stream.indirect.scatter.add.f32 [tilespmem:s24], [sflag:$0x3], $0x10, s7, s26, $0xb8;
	[tilespmem:$0x1D970] =	vst v63  }
0xd4: {  	_ =	swait.ge [sflag:s23], $0x800  }
0xd5: {  	[sflag:s23] =	ssyncset.done $0x0  }
0xd6: {  	[sflag:s23] =	ssyncadd.s32 $0xFFFFF800  }
0xd7: {  	_ =	swait.ge [sflag:s10], $0x2000  }
0xd8: {  	[sflag:s10] =	ssyncset.done $0x0  }
0xd9: {  	[sflag:s10] =	ssyncadd.s32 $0xFFFFE000  }
0xda: {  	[spmem:s2] =	stream.indirect.scatter.add.f32 [tilespmem:s28], [sflag:$0x3], $0x40, s18, s26, $0xb8;
	[tilespmem:$0x1D970] =	vst v63  }
0xdb: {  	_ =	swait.ge [sflag:s23], $0x2000  }
0xdc: {  	[sflag:s23] =	ssyncset.done $0x0  }
0xdd: {  	[sflag:s23] =	ssyncadd.s32 $0xFFFFE000  }
0xde: {  	_ =	swait.ge [sflag:s11], $0x800  }
0xdf: {  	[sflag:s11] =	ssyncset.done $0x0  }
0xe0: {  	[sflag:s11] =	ssyncadd.s32 $0xFFFFF800  }
0xe1: {  	[spmem:s3] =	stream.indirect.scatter.add.f32 [tilespmem:s1], [sflag:$0x3], $0x10, s19, s26, $0xb8;
	[tilespmem:$0x1D970] =	vst v63  }
0xe2: {  	_ =	swait.ge [sflag:s23], $0x800  }
0xe3: {  	[sflag:s23] =	ssyncset.done $0x0  }
0xe4: {  	[sflag:s23] =	ssyncadd.s32 $0xFFFFF800  }
0xe5: {  	_ =	swait.ge [sflag:s10], $0x2000  }
0xe6: {  	[sflag:s10] =	ssyncset.done $0x0  }
0xe7: {  	[sflag:s10] =	ssyncadd.s32 $0xFFFFE000  }
0xe8: {  	[spmem:s2] =	stream.indirect.scatter.add.f32 [tilespmem:s29], [sflag:$0x3], $0x40, s20, s26, $0xb8;
	[tilespmem:$0x1D970] =	vst v63  }
0xe9: {  	_ =	swait.ge [sflag:s23], $0x2000  }
0xea: {  	[sflag:s23] =	ssyncset.done $0x0  }
0xeb: {  	[sflag:s23] =	ssyncadd.s32 $0xFFFFE000  }
0xec: {  	_ =	swait.ge [sflag:s11], $0x800  }
0xed: {  	[sflag:s11] =	ssyncset.done $0x0  }
0xee: {  	[sflag:s11] =	ssyncadd.s32 $0xFFFFF800  }
0xef: {  	[spmem:s3] =	stream.indirect.scatter.add.f32 [tilespmem:s25], [sflag:$0x3], $0x10, s16, s26, $0xb8;
	[tilespmem:$0x1D970] =	vst v63  }
0xf0: {  	_ =	swait.ge [sflag:s23], $0x800  }
0xf1: {  	[sflag:s23] =	ssyncset.done $0x0  }
0xf2: {  	[sflag:s23] =	ssyncadd.s32 $0xFFFFF800  }
0xf3: {  	_ =	swait.ge [sflag:s10], $0x2000  }
0xf4: {  	[sflag:s10] =	ssyncset.done $0x0  }
0xf5: {  	[sflag:s10] =	ssyncadd.s32 $0xFFFFE000  }
0xf6: {  	[spmem:s2] =	stream.indirect.scatter.add.f32 [tilespmem:s30], [sflag:$0x3], $0x40, s17, s26, $0xb8;
	[tilespmem:$0x1D970] =	vst v63  }
0xf7: {  	_ =	swait.ge [sflag:s23], $0x2000  }
0xf8: {  	[sflag:s23] =	ssyncset.done $0x0  }
0xf9: {  	[sflag:s23] =	ssyncadd.s32 $0xFFFFE000  }
0xfa: {  	_ =	swait.ge [sflag:s11], $0x800  }
0xfb: {  	[sflag:s11] =	ssyncset.done $0x0  }
0xfc: {  	[sflag:s11] =	ssyncadd.s32 $0xFFFFF800  }
0xfd: {  	[spmem:s3] =	stream.indirect.scatter.add.f32 [tilespmem:s0], [sflag:$0x3], $0x10, s14, s26, $0xb8;
	[tilespmem:$0x1D970] =	vst v63  }
0xfe: {  	_ =	swait.ge [sflag:s23], $0x800  }
0xff: {  	[sflag:s23] =	ssyncset.done $0x0  }
0x100: {  	[sflag:s23] =	ssyncadd.s32 $0xFFFFF800  }
0x101: {  	_ =	swait.ge [sflag:s10], $0x2000  }
0x102: {  	[sflag:s10] =	ssyncset.done $0x0  }
0x103: {  	[sflag:s10] =	ssyncadd.s32 $0xFFFFE000  }
0x104: {  	[spmem:s2] =	stream.indirect.scatter.add.f32 [tilespmem:s31], [sflag:$0x3], $0x40, s15, s26, $0xb8;
	[tilespmem:$0x1D970] =	vst v63  }
0x105: {  	_ =	swait.ge [sflag:s23], $0x2000  }
0x106: {  	[sflag:s23] =	ssyncset.done $0x0  }
0x107: {  	[sflag:s23] =	ssyncadd.s32 $0xFFFFE000  }
0x108: {  	_ =	swait.ge [sflag:s11], $0x800  }
.Ltmp1:
0x109: {  	[sflag:s11] =	ssyncset.done $0x0;
	(pc) =	sbr.rel @p0 .LBB2_4-.Ltmp1, $4  }
0x10a: {  	[sflag:s11] =	ssyncadd.s32 $0xFFFFF800  }
0x10b: {  	[spmem:s3] =	stream.indirect.scatter.add.f32 [tilespmem:s9], [sflag:$0x3], $0x10, s13, s26, $0xb8;
	[tilespmem:$0x1D970] =	vst v63  }
0x10c: {  	_ =	swait.ge [sflag:s23], $0x800  }
0x10d: {  	s13 =	smov.u32 s12;
	[sflag:s23] =	ssyncset.done $0x0  }
0x10e: {  	s7 =	sshra.s32 s21, $0x2;
	[sflag:s23] =	ssyncadd.s32 $0xFFFFF800  }
0x10f: {  	[tilespmem:s22], [sflag:$0x1] =	stream.indirect.gather [hbm4b:s5+s26], $0x40, s7, s26, $0xb8;
	[tilespmem:$0x1D970] =	vst v63  }
0x110: {  	s8 =	sadd.s32 $0x80, s7  }
0x111: {  	[tilespmem:s28], [sflag:$0x1] =	stream.indirect.gather [hbm4b:s5+s26], $0x40, s8, s26, $0xb8;
	[tilespmem:$0x1D970] =	vst v63  }
0x112: {  	s14 =	sadd.s32 $0x100, s7  }
0x113: {  	[tilespmem:s29], [sflag:$0x1] =	stream.indirect.gather [hbm4b:s5+s26], $0x40, s14, s26, $0xb8;
	[tilespmem:$0x1D970] =	vst v63  }
0x114: {  	s13 =	sadd.s32 $0x180, s7  }
0x115: {  	[tilespmem:s30], [sflag:$0x1] =	stream.indirect.gather [hbm4b:s5+s26], $0x40, s13, s26, $0xb8;
	[tilespmem:$0x1D970] =	vst v63  }
0x116: {  	s12 =	sadd.s32 $0x200, s7  }
0x117: {  	[tilespmem:s31], [sflag:$0x1] =	stream.indirect.gather [hbm4b:s5+s26], $0x40, s12, s26, $0xb8;
	[tilespmem:$0x1D970] =	vst v63  }
0x118: {  	s15 =	sadd.s32 $0x2710, s7  }
0x119: {  	[tilespmem:s24], [sflag:$0x2] =	stream.indirect.gather [hbm4b:s6+s26], $0x10, s15, s26, $0xb8;
	[tilespmem:$0x1D970] =	vst v63  }
0x11a: {  	s16 =	sadd.s32 $0x2790, s7  }
0x11b: {  	[tilespmem:s1], [sflag:$0x2] =	stream.indirect.gather [hbm4b:s6+s26], $0x10, s16, s26, $0xb8;
	[tilespmem:$0x1D970] =	vst v63  }
0x11c: {  	s17 =	sadd.s32 $0x2810, s7  }
0x11d: {  	[tilespmem:s25], [sflag:$0x2] =	stream.indirect.gather [hbm4b:s6+s26], $0x10, s17, s26, $0xb8;
	[tilespmem:$0x1D970] =	vst v63  }
0x11e: {  	s18 =	sadd.s32 $0x2890, s7  }
0x11f: {  	[tilespmem:s0], [sflag:$0x2] =	stream.indirect.gather [hbm4b:s6+s26], $0x10, s18, s26, $0xb8;
	[tilespmem:$0x1D970] =	vst v63  }
0x120: {  	s19 =	sadd.s32 $0x2910, s7  }
0x121: {  	[tilespmem:s9], [sflag:$0x2] =	stream.indirect.gather [hbm4b:s6+s26], $0x10, s19, s26, $0xb8;
	[tilespmem:$0x1D970] =	vst v63  }
0x122: {  	_ =	swait.ge [sflag:s10], $0x2000  }
0x123: {  	[sflag:s10] =	ssyncset.done $0x0  }
0x124: {  	[sflag:s10] =	ssyncadd.s32 $0xFFFFE000  }
0x125: {  	[spmem:s2] =	stream.indirect.scatter.add.f32 [tilespmem:s22], [sflag:$0x3], $0x40, s15, s26, $0xb8;
	[tilespmem:$0x1D970] =	vst v63  }
0x126: {  	_ =	swait.ge [sflag:s23], $0x2000  }
0x127: {  	[sflag:s23] =	ssyncset.done $0x0  }
0x128: {  	[sflag:s23] =	ssyncadd.s32 $0xFFFFE000  }
0x129: {  	_ =	swait.ge [sflag:s11], $0x800  }
0x12a: {  	[sflag:s11] =	ssyncset.done $0x0  }
0x12b: {  	[sflag:s11] =	ssyncadd.s32 $0xFFFFF800  }
0x12c: {  	[spmem:s3] =	stream.indirect.scatter.add.f32 [tilespmem:s24], [sflag:$0x3], $0x10, s7, s26, $0xb8;
	[tilespmem:$0x1D970] =	vst v63  }
0x12d: {  	_ =	swait.ge [sflag:s23], $0x800  }
0x12e: {  	[sflag:s23] =	ssyncset.done $0x0  }
0x12f: {  	[sflag:s23] =	ssyncadd.s32 $0xFFFFF800  }
0x130: {  	_ =	swait.ge [sflag:s10], $0x2000  }
0x131: {  	[sflag:s10] =	ssyncset.done $0x0  }
0x132: {  	[sflag:s10] =	ssyncadd.s32 $0xFFFFE000  }
0x133: {  	[spmem:s2] =	stream.indirect.scatter.add.f32 [tilespmem:s28], [sflag:$0x3], $0x40, s16, s26, $0xb8;
	[tilespmem:$0x1D970] =	vst v63  }
0x134: {  	_ =	swait.ge [sflag:s23], $0x2000  }
0x135: {  	[sflag:s23] =	ssyncset.done $0x0  }
0x136: {  	[sflag:s23] =	ssyncadd.s32 $0xFFFFE000  }
0x137: {  	_ =	swait.ge [sflag:s11], $0x800  }
0x138: {  	[sflag:s11] =	ssyncset.done $0x0  }
0x139: {  	[sflag:s11] =	ssyncadd.s32 $0xFFFFF800  }
0x13a: {  	[spmem:s3] =	stream.indirect.scatter.add.f32 [tilespmem:s1], [sflag:$0x3], $0x10, s8, s26, $0xb8;
	[tilespmem:$0x1D970] =	vst v63  }
0x13b: {  	_ =	swait.ge [sflag:s23], $0x800  }
0x13c: {  	[sflag:s23] =	ssyncset.done $0x0  }
0x13d: {  	[sflag:s23] =	ssyncadd.s32 $0xFFFFF800  }
0x13e: {  	_ =	swait.ge [sflag:s10], $0x2000  }
0x13f: {  	[sflag:s10] =	ssyncset.done $0x0  }
0x140: {  	[sflag:s10] =	ssyncadd.s32 $0xFFFFE000  }
0x141: {  	[spmem:s2] =	stream.indirect.scatter.add.f32 [tilespmem:s29], [sflag:$0x3], $0x40, s17, s26, $0xb8;
	[tilespmem:$0x1D970] =	vst v63  }
0x142: {  	_ =	swait.ge [sflag:s23], $0x2000  }
0x143: {  	[sflag:s23] =	ssyncset.done $0x0  }
0x144: {  	[sflag:s23] =	ssyncadd.s32 $0xFFFFE000  }
0x145: {  	_ =	swait.ge [sflag:s11], $0x800  }
0x146: {  	[sflag:s11] =	ssyncset.done $0x0  }
0x147: {  	[sflag:s11] =	ssyncadd.s32 $0xFFFFF800  }
0x148: {  	[spmem:s3] =	stream.indirect.scatter.add.f32 [tilespmem:s25], [sflag:$0x3], $0x10, s14, s26, $0xb8;
	[tilespmem:$0x1D970] =	vst v63  }
0x149: {  	_ =	swait.ge [sflag:s23], $0x800  }
0x14a: {  	[sflag:s23] =	ssyncset.done $0x0  }
0x14b: {  	[sflag:s23] =	ssyncadd.s32 $0xFFFFF800  }
0x14c: {  	_ =	swait.ge [sflag:s10], $0x2000  }
0x14d: {  	[sflag:s10] =	ssyncset.done $0x0  }
0x14e: {  	[sflag:s10] =	ssyncadd.s32 $0xFFFFE000  }
0x14f: {  	[spmem:s2] =	stream.indirect.scatter.add.f32 [tilespmem:s30], [sflag:$0x3], $0x40, s18, s26, $0xb8;
	[tilespmem:$0x1D970] =	vst v63  }
0x150: {  	_ =	swait.ge [sflag:s23], $0x2000  }
0x151: {  	[sflag:s23] =	ssyncset.done $0x0  }
0x152: {  	[sflag:s23] =	ssyncadd.s32 $0xFFFFE000  }
0x153: {  	_ =	swait.ge [sflag:s11], $0x800  }
0x154: {  	[sflag:s11] =	ssyncset.done $0x0  }
0x155: {  	[sflag:s11] =	ssyncadd.s32 $0xFFFFF800  }
0x156: {  	[spmem:s3] =	stream.indirect.scatter.add.f32 [tilespmem:s0], [sflag:$0x3], $0x10, s13, s26, $0xb8;
	[tilespmem:$0x1D970] =	vst v63  }
0x157: {  	_ =	swait.ge [sflag:s23], $0x800  }
0x158: {  	[sflag:s23] =	ssyncset.done $0x0  }
0x159: {  	[sflag:s23] =	ssyncadd.s32 $0xFFFFF800  }
0x15a: {  	_ =	swait.ge [sflag:s10], $0x2000  }
0x15b: {  	[sflag:s10] =	ssyncset.done $0x0  }
0x15c: {  	[sflag:s10] =	ssyncadd.s32 $0xFFFFE000  }
0x15d: {  	[spmem:s2] =	stream.indirect.scatter.add.f32 [tilespmem:s31], [sflag:$0x3], $0x40, s19, s26, $0xb8;
	[tilespmem:$0x1D970] =	vst v63  }
0x15e: {  	_ =	swait.ge [sflag:s23], $0x2000  }
0x15f: {  	[sflag:s23] =	ssyncset.done $0x0  }
0x160: {  	[sflag:s23] =	ssyncadd.s32 $0xFFFFE000  }
0x161: {  	_ =	swait.ge [sflag:s11], $0x800  }
0x162: {  	[sflag:s11] =	ssyncset.done $0x0  }
0x163: {  	[sflag:s11] =	ssyncadd.s32 $0xFFFFF800  }
0x164: {  	[spmem:s3] =	stream.indirect.scatter.add.f32 [tilespmem:s9], [sflag:$0x3], $0x10, s12, s26, $0xb8;
	[tilespmem:$0x1D970] =	vst v63  }
0x165: {  	_ =	swait.ge [sflag:s23], $0x800  }
0x166: {  	[sflag:s23] =	ssyncset.done $0x0  }
0x167: {  	s15 =	simm.s32 $0x2580;
	[sflag:s23] =	ssyncadd.s32 $0xFFFFF800  }
0x168: {  	[tilespmem:s22], [sflag:$0x1] =	stream.indirect.gather [hbm4b:s5+s26], $0x40, s15, s26, $0xb8;
	[tilespmem:$0x1D970] =	vst v63  }
0x169: {  	s16 =	simm.s32 $0x2600  }
0x16a: {  	[tilespmem:s28], [sflag:$0x1] =	stream.indirect.gather [hbm4b:s5+s26], $0x40, s16, s26, $0xb8;
	[tilespmem:$0x1D970] =	vst v63  }
0x16b: {  	s17 =	simm.s32 $0x2680  }
0x16c: {  	[tilespmem:s29], [sflag:$0x1] =	stream.indirect.gather [hbm4b:s5+s26], $0x40, s17, s26, $0xb8;
	[tilespmem:$0x1D970] =	vst v63  }
0x16d: {  	s18 =	simm.s32 $0x4C90  }
0x16e: {  	[tilespmem:s24], [sflag:$0x2] =	stream.indirect.gather [hbm4b:s6+s26], $0x10, s18, s26, $0xb8;
	[tilespmem:$0x1D970] =	vst v63  }
0x16f: {  	s19 =	simm.s32 $0x4D10  }
0x170: {  	[tilespmem:s1], [sflag:$0x2] =	stream.indirect.gather [hbm4b:s6+s26], $0x10, s19, s26, $0xb8;
	[tilespmem:$0x1D970] =	vst v63  }
0x171: {  	s20 =	simm.s32 $0x4D90  }
0x172: {  	[tilespmem:s25], [sflag:$0x2] =	stream.indirect.gather [hbm4b:s6+s26], $0x10, s20, s26, $0xb8;
	[tilespmem:$0x1D970] =	vst v63  }
0x173: {  	_ =	swait.ge [sflag:s10], $0x2000  }
0x174: {  	[sflag:s10] =	ssyncset.done $0x0  }
0x175: {  	[sflag:s10] =	ssyncadd.s32 $0xFFFFE000  }
0x176: {  	[spmem:s2] =	stream.indirect.scatter.add.f32 [tilespmem:s22], [sflag:$0x3], $0x40, s18, s26, $0xb8;
	[tilespmem:$0x1D970] =	vst v63  }
0x177: {  	_ =	swait.ge [sflag:s23], $0x2000  }
0x178: {  	[sflag:s23] =	ssyncset.done $0x0  }
0x179: {  	[sflag:s23] =	ssyncadd.s32 $0xFFFFE000  }
0x17a: {  	_ =	swait.ge [sflag:s11], $0x800  }
0x17b: {  	[sflag:s11] =	ssyncset.done $0x0  }
0x17c: {  	[sflag:s11] =	ssyncadd.s32 $0xFFFFF800  }
0x17d: {  	[spmem:s3] =	stream.indirect.scatter.add.f32 [tilespmem:s24], [sflag:$0x3], $0x10, s15, s26, $0xb8;
	[tilespmem:$0x1D970] =	vst v63  }
0x17e: {  	_ =	swait.ge [sflag:s23], $0x800  }
0x17f: {  	[sflag:s23] =	ssyncset.done $0x0  }
0x180: {  	[sflag:s23] =	ssyncadd.s32 $0xFFFFF800  }
0x181: {  	_ =	swait.ge [sflag:s10], $0x2000  }
0x182: {  	[sflag:s10] =	ssyncset.done $0x0  }
0x183: {  	[sflag:s10] =	ssyncadd.s32 $0xFFFFE000  }
0x184: {  	[spmem:s2] =	stream.indirect.scatter.add.f32 [tilespmem:s28], [sflag:$0x3], $0x40, s19, s26, $0xb8;
	[tilespmem:$0x1D970] =	vst v63  }
0x185: {  	_ =	swait.ge [sflag:s23], $0x2000  }
0x186: {  	[sflag:s23] =	ssyncset.done $0x0  }
0x187: {  	[sflag:s23] =	ssyncadd.s32 $0xFFFFE000  }
0x188: {  	_ =	swait.ge [sflag:s11], $0x800  }
0x189: {  	[sflag:s11] =	ssyncset.done $0x0  }
0x18a: {  	[sflag:s11] =	ssyncadd.s32 $0xFFFFF800  }
0x18b: {  	[spmem:s3] =	stream.indirect.scatter.add.f32 [tilespmem:s1], [sflag:$0x3], $0x10, s16, s26, $0xb8;
	[tilespmem:$0x1D970] =	vst v63  }
0x18c: {  	_ =	swait.ge [sflag:s23], $0x800  }
0x18d: {  	[sflag:s23] =	ssyncset.done $0x0  }
0x18e: {  	[sflag:s23] =	ssyncadd.s32 $0xFFFFF800  }
0x18f: {  	_ =	swait.ge [sflag:s10], $0x2000  }
0x190: {  	[sflag:s10] =	ssyncset.done $0x0  }
0x191: {  	[sflag:s10] =	ssyncadd.s32 $0xFFFFE000  }
0x192: {  	[spmem:s2] =	stream.indirect.scatter.add.f32 [tilespmem:s29], [sflag:$0x3], $0x40, s20, s26, $0xb8;
	[tilespmem:$0x1D970] =	vst v63  }
0x193: {  	_ =	swait.ge [sflag:s23], $0x2000  }
0x194: {  	[sflag:s23] =	ssyncset.done $0x0  }
0x195: {  	[sflag:s23] =	ssyncadd.s32 $0xFFFFE000  }
0x196: {  	_ =	swait.ge [sflag:s11], $0x800  }
0x197: {  	[sflag:s11] =	ssyncset.done $0x0  }
0x198: {  	[sflag:s11] =	ssyncadd.s32 $0xFFFFF800  }
0x199: {  	[spmem:s3] =	stream.indirect.scatter.add.f32 [tilespmem:s25], [sflag:$0x3], $0x10, s17, s26, $0xb8;
	[tilespmem:$0x1D970] =	vst v63  }
0x19a: {  	_ =	swait.ge [sflag:s23], $0x800  }
0x19b: {  	[sflag:s23] =	ssyncset.done $0x0  }
0x19c: {  	s21 =	simm.s32 $0x10;
	s12 =	simm.s32 $0x2700;
	[sflag:s23] =	ssyncadd.s32 $0xFFFFF800  }
0x19d: {  	[tilespmem:s22], [sflag:$0x1] =	stream.indirect.gather [hbm4b:s5+s21], $0x40, s12, s21, $0xb8;
	[tilespmem:$0x1D970] =	vst v63  }
0x19e: {  	s14 =	simm.s32 $0x4E10  }
0x19f: {  	[tilespmem:s24], [sflag:$0x2] =	stream.indirect.gather [hbm4b:s6+s21], $0x10, s14, s21, $0xb8;
	[tilespmem:$0x1D970] =	vst v63  }
0x1a0: {  	_ =	swait.ge [sflag:s10], $0x400  }
0x1a1: {  	[sflag:s10] =	ssyncset.done $0x0  }
0x1a2: {  	[sflag:s10] =	ssyncadd.s32 $0xFFFFFC00  }
0x1a3: {  	[spmem:s2] =	stream.indirect.scatter.add.f32 [tilespmem:s22], [sflag:$0x3], $0x40, s14, s21, $0xb8;
	[tilespmem:$0x1D970] =	vst v63  }
0x1a4: {  	_ =	swait.ge [sflag:s23], $0x400  }
0x1a5: {  	[sflag:s23] =	ssyncset.done $0x0  }
0x1a6: {  	[sflag:s23] =	ssyncadd.s32 $0xFFFFFC00  }
0x1a7: {  	_ =	swait.ge [sflag:s11], $0x100  }
0x1a8: {  	[sflag:s11] =	ssyncset.done $0x0  }
0x1a9: {  	[sflag:s11] =	ssyncadd.s32 $0xFFFFFF00  }
0x1aa: {  	[spmem:s3] =	stream.indirect.scatter.add.f32 [tilespmem:s24], [sflag:$0x3], $0x10, s12, s21, $0xb8;
	[tilespmem:$0x1D970] =	vst v63  }
0x1ab: {  	_ =	swait.ge [sflag:s23], $0x100  }
0x1ac: {  	[sflag:s23] =	ssyncset.done $0x0  }
0x1ad: {  	[sflag:s23] =	ssyncadd.s32 $0xFFFFFF00  }
0x1ae: {  	s15 =	stileid.u32;
	[bflag:$0x0] =	sbarrier.arrive $0xFFFF  }
0x1af: {  	s18 =	simm.s32 $0x8;
	s7 =	sshll.u32 s15, $0x6;
	s14 =	rddreg [dreg:$0x4]  }
0x1b0: {  	s7 =	sor.u32 $0x1C03, s7;
	s17 =	rddreg [dreg:$0x10];
	s16 =	sshrl.u32 s14, $0x3  }
0x1b1: {  	[hbm:s17@s21], [sflag:s7] =	dma.strided [spmem:s16@s18], $0x1388, s10, $0x8   }
0x1b2: {  	_ =	swait.ge [sflag:s23], $0x1388  }
0x1b3: {  	[sflag:s23] =	ssyncset.done $0x0;
	s15 =	rddreg [dreg:$0x5]  }
0x1b4: {  	s20 =	rddreg [dreg:$0x11];
	[sflag:s23] =	ssyncadd.s32 $0xFFFFEC78;
	s19 =	sshrl.u32 s15, $0x3  }
0x1b5: {  	[hbm:s20], [sflag:s7] =	dma.local [spmem:s19], $0x4E2  }
0x1b6: {  	_ =	swait.ge [sflag:s23], $0x4E2  }
0x1b7: {  	s4 =	sadd.s32 $0x1, s4;
	s21 =	rddreg [dreg:$0x12]  }
0x1b8: {  	p0 =	sne.s32 s4, s21  }
.Ltmp2:
0x1b9: {  	_ = 	snop;
	(pc) =	sbr.rel @p0 .LBB2_1-.Ltmp2, $3  }
0x1ba: {  	_ =	sdelay $0x1  }
0x1bb: {  	[sflag:s23] =	ssyncset.done $0x0  }
0x1bc: {  	[sflag:s23] =	ssyncadd.s32 $0xFFFFFB1E  }
0x1bd: {  	_ =	sfence.sel $0x180000  }
0x1be: {  	[bflag:$0x0] =	sbarrier.arrive $0xFFFF  }
0x1bf: {  	_ =	strace $0x9000004A  }
0x1c0: {  	s0 =	stileid.u32;
	[bflag:$0x2] =	sbarrier.arrive $0xFFFF  }
0x1c1: {  	p0 =	sne.s32 s0, $0x0;
	s0 =	rddreg [dreg:$0x3]  }
0x1c2: {  	s0 =	sadd.s32 @!p0 $0x100000, s0  }
0x1c3: {  	[sflag:s0] =	ssyncadd.tile.s32 @!p0 $0x1;
	_ =	shalt  }
.Lfunc_end2:
_tile_overlayer_lowered:
.L_overlay_start_2:
0x1c4: {  	(tag) =	ssettag $0x2  }
0x1c5: {  	s0 =	rddreg [dreg:$0x0];
	s2 =	stileid.u32  }
0x1c6: {  	s1 =	rddreg [dreg:$0x1];
	p0 =	sne.s32 s2, $0x0  }
0x1c7: {  	s3 =	rddreg [dreg:$0x2];
	[bflag:$0x3] =	sbarrier.arrive $0xFFFF;
	s2 =	simm.s32 @!p0 $0x1C03  }
0x1c8: {  	[timem:s3], [sflag:s2] =	dma.local @!p0 [hbm:s0], s1  }
0x1c9: {  	s0 =	simm.s32 @!p0 $0x3  }
0x1ca: {  	_ =	swait.ge @!p0 [sflag:s0], s1  }
0x1cb: {  	s1 =	ssub.s32 @!p0 $0x0, s1;
	[sflag:s0] =	ssyncset.done @!p0 $0x0  }
0x1cc: {  	[sflag:s0] =	ssyncadd.s32 @!p0 s1  }
0x1cd: {  	[bflag:$0x3] =	sbarrier.arrive $0xFFFF  }
0x1ce: {  	_ =	shalt  }

// kernel: kernel.15.cloned.1.call-start
scs
__scs_entry_jumppad:
0x0: {  	(pc) =	sbr.rel $0x88, $3  }
0x1: {  	(tag) =	ssettag $0x0;
	lr =	simm.s32 $0x1  }
0x2: {  	[smem:$0x3F95] =	sst lr;
	_ =	strace $0xD0000000  }
0x3: {  	_ = 	snop  }
0x4: {  	_ = 	snop  }
0x5: {  	_ = 	snop  }
0x6: {  	_ = 	snop  }
0x7: {  	_ = 	snop  }
__scs_overlays_trampoline_lowered:
0x8: {  	[smem:$0x3FA4] =	sst s0  }
0x9: {  	[smem:$0x3FA5] =	sst s1  }
0xa: {  	[smem:$0x3FA6] =	sst s2  }
0xb: {  	[smem:$0x3FA7] =	sst s3  }
0xc: {  	[smem:$0x3FA8] =	sst s4  }
0xd: {  	[smem:$0x3FA9] =	sst s5  }
0xe: {  	[smem:$0x3FAA] =	sst s6  }
0xf: {  	[smem:$0x3FAB] =	sst s7  }
0x10: {  	[smem:$0x3FAC] =	sst s8  }
0x11: {  	[smem:$0x3FAD] =	sst s9;
	s0 =	simm.s32 @!p0 $0x0  }
0x12: {  	s1 =	sld [smem:$0x3F93];
	s0 =	simm.s32 @p0 $0x1  }
0x13: {  	[smem:$0x3FAE] =	sst s0;
	s0 =	simm.s32 @!p1 $0x0  }
0x14: {  	s2 =	sld [smem:$0x3F92];
	s0 =	simm.s32 @p1 $0x1  }
0x15: {  	[smem:$0x3FAF] =	sst s0;
	s0 =	simm.s32 @!p2 $0x0  }
0x16: {  	s3 =	sld [smem:$0x3FDB];
	s0 =	simm.s32 @p2 $0x1  }
0x17: {  	s4 =	simm.s32 $0x1BF5;
	[smem:$0x3FB1] =	sst s0  }
0x18: {  	s0 =	sld [smem:$0x3F94];
	_ =	swait.ge [sflag:s4], $0x0  }
0x19: {  	s7 =	sld [smem:$0x3F95]  }
0x1a: {  	s8 =	sadd.s32 $0xFFFFE003, lr  }
0x1b: {  	s9 =	sadd.s32 $0xFFFFFEF7, lr;
	s5 =	simm.s32 $0xFFFFFFFF;
	p2 =	slt.u32 s8, $0xFFFFF086  }
0x1c: {  	p1 =	slt.u32 s9, $0xF7A;
	s5 =	simm.s32 @!p2 $0x0  }
0x1d: {  	s5 =	simm.s32 @p1 $0x1;
	p0 =	seq.s32 s7, s2  }
0x1e: {  	s7 =	smul.u32 @!p0 $0xF7A, s2;
	p2 =	seq.s32 @!p0 s5, $0x0  }
0x1f: {  	s9 =	smul.u32 $0xF7A, s1;
	s8 =	simm.s32 @!p0 $0x1BF5;
	p2 =	por !p2, p0  }
0x20: {  	[sflag:s8] =	ssyncset.s32 @!p0 $0xFFFFF086;
	s6 =	sadd.s32 @!p0 s3, s7;
	s7 =	simm.s32 @!p0 $0x108  }
0x21: {  	s3 =	sadd.s32 s3, s9;
	s6 =	sadd.s32 @!p0 $0x88, s6;
	s7 =	simm.s32 @p2 $0x1082  }
0x22: {  	[simem:s7], [sflag:s8] =	dma.local @!p0 [hbm:s6], $0xF7A  }
0x23: {  	s9 =	sor.u32 $0xD0000000, s2;
	s6 =	simm.s32 $0x108;
	_ =	swait.ge @!p0 [sflag:s8], $0x0  }
0x24: {  	s3 =	sadd.s32 $0x88, s3;
	s6 =	simm.s32 @!p1 $0x1082;
	[sflag:s4] =	ssyncset.s32 $0xFFFFF086  }
0x25: {  	[simem:s6], [sflag:s4] =	dma.local [hbm:s3], $0xF7A  }
0x26: {  	[smem:$0x3F95] =	sst s1;
	(tag) =	ssettag s2;
	_ =	strace s9  }
0x27: {  	s1 =	sld [smem:$0x3FA5]  }
0x28: {  	s2 =	sld [smem:$0x3FA6]  }
0x29: {  	s4 =	sld [smem:$0x3FA8]  }
0x2a: {  	p0 =	seq.s32 s5, $0x0;
	s5 =	sld [smem:$0x3FA9]  }
0x2b: {  	s6 =	sld [smem:$0x3FAA]  }
0x2c: {  	s7 =	sld [smem:$0x3FAB]  }
0x2d: {  	s3 =	simm.s32 $0x108;
	s8 =	sld [smem:$0x3FAC]  }
0x2e: {  	s3 =	simm.s32 @!p0 $0x1082;
	s9 =	sld [smem:$0x3FAD]  }
0x2f: {  	lr =	sadd.s32 s0, s3;
	s0 =	sld [smem:$0x3FA4]  }
0x30: {  	s3 =	sld [smem:$0x3FA7]  }
0x31: {  	[smem:$0x3FB0] =	sst s10  }
0x32: {  	s10 =	sld [smem:$0x3FAE];
	_ =	sdelay $0x3  }
0x33: {  	p0 =	seq.s32 s10, $0x1;
	s10 =	sld [smem:$0x3FB0];
	_ =	sdelay $0x3  }
0x34: {  	[smem:$0x3FB0] =	sst s10  }
0x35: {  	s10 =	sld [smem:$0x3FAF];
	_ =	sdelay $0x3  }
0x36: {  	p1 =	seq.s32 s10, $0x1;
	s10 =	sld [smem:$0x3FB0];
	_ =	sdelay $0x3  }
0x37: {  	[smem:$0x3FB0] =	sst s10  }
0x38: {  	s10 =	sld [smem:$0x3FB1]  }
0x39: {  	_ = 	snop;
	(pc) =	sbr.ind lr, $3  }
0x3a: {  	_ = 	snop  }
0x3b: {  	_ = 	snop  }
0x3c: {  	p2 =	seq.s32 s10, $0x1;
	s10 =	sld [smem:$0x3FB0]  }
0x3d: {  	_ =	shalt  }
0x3e: {  	_ =	shalt  }
0x3f: {  	_ =	shalt  }
0x40: {  	_ =	shalt  }
0x41: {  	_ =	shalt  }
0x42: {  	_ =	shalt  }
0x43: {  	_ =	shalt  }
0x44: {  	_ =	shalt  }
0x45: {  	_ =	shalt  }
0x46: {  	_ =	shalt  }
0x47: {  	_ =	shalt  }
0x48: {  	_ =	shalt  }
0x49: {  	_ =	shalt  }
0x4a: {  	_ =	shalt  }
0x4b: {  	_ =	shalt  }
0x4c: {  	_ =	shalt  }
0x4d: {  	_ =	shalt  }
0x4e: {  	_ =	shalt  }
0x4f: {  	_ =	shalt  }
0x50: {  	_ =	shalt  }
0x51: {  	_ =	shalt  }
0x52: {  	_ =	shalt  }
0x53: {  	_ =	shalt  }
0x54: {  	_ =	shalt  }
0x55: {  	_ =	shalt  }
0x56: {  	_ =	shalt  }
0x57: {  	_ =	shalt  }
0x58: {  	_ =	shalt  }
0x59: {  	_ =	shalt  }
0x5a: {  	_ =	shalt  }
0x5b: {  	_ =	shalt  }
0x5c: {  	_ =	shalt  }
0x5d: {  	_ =	shalt  }
0x5e: {  	_ =	shalt  }
0x5f: {  	_ =	shalt  }
0x60: {  	_ =	shalt  }
0x61: {  	_ =	shalt  }
0x62: {  	_ =	shalt  }
0x63: {  	_ =	shalt  }
0x64: {  	_ =	shalt  }
0x65: {  	_ =	shalt  }
0x66: {  	_ =	shalt  }
0x67: {  	_ =	shalt  }
0x68: {  	_ =	shalt  }
0x69: {  	_ =	shalt  }
0x6a: {  	_ =	shalt  }
0x6b: {  	_ =	shalt  }
0x6c: {  	_ =	shalt  }
0x6d: {  	_ =	shalt  }
0x6e: {  	_ =	shalt  }
0x6f: {  	_ =	shalt  }
0x70: {  	_ =	shalt  }
0x71: {  	_ =	shalt  }
0x72: {  	_ =	shalt  }
0x73: {  	_ =	shalt  }
0x74: {  	_ =	shalt  }
0x75: {  	_ =	shalt  }
0x76: {  	_ =	shalt  }
0x77: {  	_ =	shalt  }
0x78: {  	_ =	shalt  }
0x79: {  	_ =	shalt  }
0x7a: {  	_ =	shalt  }
0x7b: {  	_ =	shalt  }
0x7c: {  	_ =	shalt  }
0x7d: {  	_ =	shalt  }
0x7e: {  	_ =	shalt  }
0x7f: {  	_ =	shalt  }
0x80: {  	_ =	shalt  }
0x81: {  	_ =	shalt  }
0x82: {  	_ =	shalt  }
0x83: {  	_ =	shalt  }
0x84: {  	_ =	shalt  }
0x85: {  	_ =	shalt  }
0x86: {  	_ =	shalt  }
0x87: {  	_ =	shalt  }
.Lfunc_end0:
.L_simem_size_0:
called_computation.2_lowered:
.L_overlay_start_0:
0x88: {  	s2 =	sld [smem:$0x3FD9]  }
0x89: {  	s3 =	sld [smem:$0x3FFE];
	_ =	sdelay $0x1  }
0x8a: {  	s1 =	srdreg.scid  }
0x8b: {  	s0 =	sand.u32 $0x1, s1  }
0x8c: {  	s16 =	sshll.u32 s0, $0xA;
	s2 =	sadd.s32 s3, s2  }
0x8d: {  	s2 =	sadd.s32 s2, s16  }
0x8e: {  	[smem:$0x3FBC] =	sst s2  }
0x8f: {  	_ = 	snop  }
0x90: {  	(tm) =	ssettm $0x1  }
0x91: {  	s17 =	sld [smem:$0x3FFB];
	_ =	sdelay $0x3  }
0x92: {  	_ =	strace s17  }
0x93: {  	s2 =	sld [smem:$0x3FFC];
	_ =	sdelay $0x3  }
0x94: {  	_ =	strace s2  }
0x95: {  	s2 =	sld [smem:$0x3FFD];
	_ =	sdelay $0x3  }
0x96: {  	_ =	strace s2  }
0x97: {  	_ =	strace $0x8FFFFFFF  }
0x98: {  	s18 =	sld [smem:$0x3FDB];
	_ =	sdelay $0x1  }
0x99: {  	s19 =	simm.s32 $_scs_section_size  }
0x9a: {  	s4 =	simm.s32 $_size__tile_overlayer_lowered;
	s5 =	simm.s32 $_tile_overlayer_lowered  }
0x9b: {  	s22 =	simm.s32 $0x1BFF;
	s21 =	sshll.u32 s5, $0x1;
	s2 =	sadd.s32 s19, s18  }
0x9c: {  	s6 =	simm.s32 $0x0;
	s20 =	sshll.u32 s4, $0x1;
	s4 =	sadd.s32 s21, s2  }
0x9d: {  	[timem:s6], [sflag:s22] =	dma.local [hbm:s4], s20  }
0x9e: {  	_ =	swait.ge [sflag:s22], s20  }
0x9f: {  	s3 =	ssub.s32 $0x0, s20;
	[sflag:s22] =	ssyncset.done $0x0  }
0xa0: {  	[sflag:s22] =	ssyncadd.s32 s3;
	_ =	sdelay $0x1  }
0xa1: {  	s23 =	simm.s32 $0x1B8B  }
0xa2: {  	_ =	swait.ge [sflag:s23], $0x1  }
0xa3: {  	[sflag:s23] =	ssyncset.done $0x0  }
0xa4: {  	s25 =	simm.s32 $0x1B8E;
	s24 =	sld [smem:$0x3FFE];
	[sflag:s23] =	ssyncadd.s32 $0xFFFFFFFF  }
0xa5: {  	s26 =	simm.s32 $execute0_lowered;
	[smem:$0x3FD2] =	sst s25  }
0xa6: {  	s4 =	sshll.u32 s26, $0x1;
	_ =	strace $0x8000004C;
	[dreg:$0x1] =	wrdreg $0xFFFFFFFF  }
0xa7: {  	s28 =	simm.s32 $_size_execute0_lowered;
	s2 =	sadd.s32 s2, s4;
	[dreg:$0x0] =	wrdreg $0x0  }
0xa8: {  	s4 =	sshll.u32 s28, $0x1;
	[dreg:$0x2] =	wrdreg s2  }
0xa9: {  	[dreg:$0x3] =	wrdreg s4  }
0xaa: {  	[dreg:$0x4] =	wrdreg $0xC0  }
0xab: {  	_ =	task [dreg:s6], $0x5FFFF  }
0xac: {  	[dreg:$0x1] =	wrdreg $0xFFFFFFFF  }
0xad: {  	[dreg:$0x0] =	wrdreg $0x60  }
0xae: {  	[dreg:$0x2] =	wrdreg s24  }
0xaf: {  	[dreg:$0x3] =	wrdreg $0x10E200  }
0xb0: {  	[dreg:$0x4] =	wrdreg $0x9  }
0xb1: {  	_ =	task.clear_ibuf [dreg:s6], $0x5FFFF;
	_ =	strace $0x9000004C  }
0xb2: {  	s29 =	simm.s32 $0x9;
	_ =	strace $0x8000004E  }
0xb3: {  	_ =	swait.ge [sflag:s29], $0x1  }
0xb4: {  	[sflag:s29] =	ssyncadd.s32 $0xFFFFFFFF  }
0xb5: {  	_ =	strace $0x9000004E  }
0xb6: {  	_ =	sfence  }
0xb7: {  	s30 =	sld [smem:$0x0];
	_ =	sdelay $0x2  }
0xb8: {  	s31 =	sshll.u32 s1, $0xD;
	s1 =	sshrl.u32 s1, $0x2  }
0xb9: {  	s3 =	sand.u32 $0x4000, s31;
	s1 =	sadd.s32 s1, s30  }
0xba: {  	s0 =	sor.u32 s3, s0;
	s1 =	sshll.u32 s1, $0x11  }
0xbb: {  	s0 =	sor.u32 s1, s0  }
0xbc: {  	s0 =	sadd.s32 $0x8F2B, s0  }
0xbd: {  	[sflag:s0] =	ssyncadd.remote.s32 $0x1  }
0xbe: {  	_ =	sfence.sel $0xFFFF  }
0xbf: {  	[dreg:$0x0] =	wrdreg $0xFFFFFFFF;
	(pc) =	sbr.abs _section_cstart, $3  }
0xc0: {  	[dreg:$0x1] =	wrdreg $0xFFFFFFFF  }
0xc1: {  	_ =	task.clear_ibuf [dreg:s6], $0x2FFFF;
	_ =	strace $0x9FFFFFFF  }
0xc2: {  	(tm) =	ssettm $0x7FFFFFFF  }
0xc3: {  	_ =	shalt  }
tec
execute0_lowered:
.L_overlay_start_1:
0x0: {  	(tag) =	ssettag $0x1  }
0x1: {  	s6 =	rddreg [dreg:$0x0]  }
0x2: {  	s0 =	srdreg.scid;
	s2 =	rddreg [dreg:$0x1];
	s14 =	simm.s32 $0x4E20  }
0x3: {  	s15 =	simm.s32 $0x2;
	s16 =	simm.s32 $0x2710;
	s17 =	simm.s32 $0x80  }
0x4: {  	s18 =	simm.s32 $0x6E20;
	s19 =	simm.s32 $0x8E20;
	s20 =	simm.s32 $0xAE20  }
0x5: {  	s21 =	simm.s32 $0xCE20;
	s22 =	simm.s32 $0xEE20;
	s23 =	simm.s32 $0x1  }
0x6: {  	s24 =	simm.s32 $0x10;
	s1 =	sand.u32 $0x1, s0;
	s0 =	stileid.u32  }
0x7: {  	s25 =	simm.s32 $0x2700;
	s26 =	simm.s32 $0x4E10;
	s7 =	smul.u32 $0x2710, s0  }
0x8: {  	s28 =	simm.s32 $0x8;
	s3 =	sshll.u32 s1, $0x4;
	s8 =	smul.u32 $0x27100, s0  }
0x9: {  	s9 =	smul.u32 $0x27100, s1;
	s1 =	ssub.s32 $0x2, s1;
	s4 =	sor.u32 s0, s3  }
0xa: {  	s3 =	simm.s32 $0x0;
	s31 =	sshrl.u32 s1, $0x1;
	s5 =	smul.u32 $0x2710, s4  }
0xb: {  	[smem:$0x7FF] =	sst s3;
	s4 =	sadd.s32 $0x16C00, s6;
	s30 =	sshrl.u32 s8, $0x2  }
0xc: {  	s7 =	sadd.s32 s7, s9;
	s1 =	ssub.s32 s1, s31;
	_ =	strace $0x8000004D  }
0xd: {  	s12 =	sadd.s32 s7, s6;
	s13 =	smax.u32 s1, $0x1;
	s5 =	sshrl.u32 s5, $0x3  }
0xe: {  	s12 =	sadd.s32 $0x2A600, s12;
	s11 =	sadd.s32 s5, s6;
	s5 =	sadd.s32 s30, s2  }
0xf: {  	s6 =	sadd.s32 $0x2000, s5;
	s7 =	sadd.s32 $0x4000, s5;
	s8 =	sadd.s32 $0x6000, s5  }
0x10: {  	v0 =	vimm.f32 $0.0e+00;
	s9 =	sadd.s32 $0x8000, s5;
	s10 =	sadd.s32 $0x3200, s11;
	s11 =	sadd.s32 $0xCE40, s11  }
.LBB2_1:
0x11: {  	s30 =	simm.s32 $0x100;
	s29 =	simm.s32 $0x0  }
.LBB2_2:
0x12: {  	p0 =	sne.s32 s30, $0x7F00;
	[tilespmem:s29+$0x4E50] =	vst v0;
	s1 =	smov.u32 s30;
	s30 =	sadd.s32 $0x100, s30  }
.Ltmp0:
0x13: {  	[tilespmem:s29+$0x4E40] =	vst v0;
	(pc) =	sbr.rel @p0 .LBB2_2-.Ltmp0, $3  }
0x14: {  	[tilespmem:s29+$0x4E20] =	vst v0  }
0x15: {  	[tilespmem:s29+$0x4E30] =	vst v0;
	_ =	sdelay $0x1  }
0x16: {  	s29 =	sshra.s32 s1, $0x2  }
0x17: {  	[tilespmem:s29+$0x4E50] =	vst v0  }
0x18: {  	[tilespmem:s29+$0x4E40] =	vst v0  }
0x19: {  	[tilespmem:s29+$0x4E20] =	vst v0  }
0x1a: {  	[tilespmem:s29+$0x4E30] =	vst v0  }
0x1b: {  	[spmem:s5] =	stream.linear.scatter [tilespmem:s14], [sflag:$0x2], $0x2000, $0x38;
	[tilespmem:$0x1AA60] =	vst v63  }
0x1c: {  	_ =	swait.ge [sflag:s15], $0x2000  }
0x1d: {  	[sflag:s15] =	ssyncset.done $0x0  }
0x1e: {  	[sflag:s15] =	ssyncadd.s32 $0xFFFFE000  }
0x1f: {  	[spmem:s6] =	stream.linear.scatter [tilespmem:s14], [sflag:$0x2], $0x2000, $0x38;
	[tilespmem:$0x1AA60] =	vst v63  }
0x20: {  	_ =	swait.ge [sflag:s15], $0x2000  }
0x21: {  	[sflag:s15] =	ssyncset.done $0x0  }
0x22: {  	[sflag:s15] =	ssyncadd.s32 $0xFFFFE000  }
0x23: {  	[spmem:s7] =	stream.linear.scatter [tilespmem:s14], [sflag:$0x2], $0x2000, $0x38;
	[tilespmem:$0x1AA60] =	vst v63  }
0x24: {  	_ =	swait.ge [sflag:s15], $0x2000  }
0x25: {  	[sflag:s15] =	ssyncset.done $0x0  }
0x26: {  	[sflag:s15] =	ssyncadd.s32 $0xFFFFE000  }
0x27: {  	[spmem:s8] =	stream.linear.scatter [tilespmem:s14], [sflag:$0x2], $0x2000, $0x38;
	[tilespmem:$0x1AA60] =	vst v63  }
0x28: {  	_ =	swait.ge [sflag:s15], $0x2000  }
0x29: {  	[sflag:s15] =	ssyncset.done $0x0  }
0x2a: {  	[sflag:s15] =	ssyncadd.s32 $0xFFFFE000  }
0x2b: {  	[spmem:s9] =	stream.linear.scatter [tilespmem:s14], [sflag:$0x2], $0x1C40, $0x38;
	[tilespmem:$0x1AA60] =	vst v63  }
0x2c: {  	_ =	swait.ge [sflag:s15], $0x1C40  }
0x2d: {  	[sflag:s15] =	ssyncset.done $0x0  }
0x2e: {  	s1 =	simm.s32 $0x0;
	[sflag:s15] =	ssyncadd.s32 $0xFFFFE3C0  }
0x2f: {  	[tilespmem:s1], [sflag:$0x2] =	stream.linear.gather [hbm4b:s10+s1], $0x2710, $0x38;
	[tilespmem:$0x1AA60] =	vst v63  }
0x30: {  	_ =	swait.ge [sflag:s15], $0x2710  }
0x31: {  	[sflag:s15] =	ssyncset.done $0x0  }
0x32: {  	[sflag:s15] =	ssyncadd.s32 $0xFFFFD8F0  }
0x33: {  	[tilespmem:s16], [sflag:$0x2] =	stream.linear.gather [hbm4b:s11+s1], $0x2710, $0x38;
	[tilespmem:$0x1AA60] =	vst v63  }
0x34: {  	_ =	swait.ge [sflag:s15], $0x2710  }
0x35: {  	[sflag:s15] =	ssyncset.done $0x0  }
0x36: {  	[sflag:s15] =	ssyncadd.s32 $0xFFFFD8F0  }
0x37: {  	s31 =	simm.s32 $0x0;
	[bflag:$0x0] =	sbarrier.arrive $0xFFFF  }
0x38: {  	[tilespmem:s14], [sflag:$0x1] =	stream.indirect.gather [hbm4b:s4+s17], $0x40, s31, s17, $0xb8;
	[tilespmem:$0x1AA60] =	vst v63  }
0x39: {  	s31 =	simm.s32 $0x80  }
0x3a: {  	[tilespmem:s18], [sflag:$0x1] =	stream.indirect.gather [hbm4b:s4+s17], $0x40, s31, s17, $0xb8;
	[tilespmem:$0x1AA60] =	vst v63  }
0x3b: {  	s31 =	simm.s32 $0x100  }
0x3c: {  	[tilespmem:s19], [sflag:$0x1] =	stream.indirect.gather [hbm4b:s4+s17], $0x40, s31, s17, $0xb8;
	[tilespmem:$0x1AA60] =	vst v63  }
0x3d: {  	s31 =	simm.s32 $0x180  }
0x3e: {  	[tilespmem:s20], [sflag:$0x1] =	stream.indirect.gather [hbm4b:s4+s17], $0x40, s31, s17, $0xb8;
	[tilespmem:$0x1AA60] =	vst v63  }
0x3f: {  	s31 =	simm.s32 $0x200  }
0x40: {  	[tilespmem:s21], [sflag:$0x1] =	stream.indirect.gather [hbm4b:s4+s17], $0x40, s31, s17, $0xb8;
	[tilespmem:$0x1AA60] =	vst v63  }
0x41: {  	s31 =	simm.s32 $0x280  }
0x42: {  	[tilespmem:s22], [sflag:$0x1] =	stream.indirect.gather [hbm4b:s4+s17], $0x40, s31, s17, $0xb8;
	[tilespmem:$0x1AA60] =	vst v63  }
0x43: {  	_ =	swait.ge [sflag:s23], $0x2000  }
0x44: {  	[sflag:s23] =	ssyncset.done $0x0  }
0x45: {  	s31 =	simm.s32 $0x2710;
	[sflag:s23] =	ssyncadd.s32 $0xFFFFE000  }
0x46: {  	[spmem:s2] =	stream.indirect.scatter.add.f32 [tilespmem:s14], [sflag:$0x2], $0x40, s31, s17, $0xb8;
	[tilespmem:$0x1AA60] =	vst v63  }
0x47: {  	_ =	swait.ge [sflag:s15], $0x2000  }
0x48: {  	[sflag:s15] =	ssyncset.done $0x0  }
0x49: {  	[sflag:s15] =	ssyncadd.s32 $0xFFFFE000  }
0x4a: {  	_ =	swait.ge [sflag:s23], $0x2000  }
0x4b: {  	[sflag:s23] =	ssyncset.done $0x0  }
0x4c: {  	s31 =	simm.s32 $0x2790;
	[sflag:s23] =	ssyncadd.s32 $0xFFFFE000  }
0x4d: {  	[spmem:s2] =	stream.indirect.scatter.add.f32 [tilespmem:s18], [sflag:$0x2], $0x40, s31, s17, $0xb8;
	[tilespmem:$0x1AA60] =	vst v63  }
0x4e: {  	_ =	swait.ge [sflag:s15], $0x2000  }
0x4f: {  	[sflag:s15] =	ssyncset.done $0x0  }
0x50: {  	[sflag:s15] =	ssyncadd.s32 $0xFFFFE000  }
0x51: {  	_ =	swait.ge [sflag:s23], $0x2000  }
0x52: {  	[sflag:s23] =	ssyncset.done $0x0  }
0x53: {  	s31 =	simm.s32 $0x2810;
	[sflag:s23] =	ssyncadd.s32 $0xFFFFE000  }
0x54: {  	[spmem:s2] =	stream.indirect.scatter.add.f32 [tilespmem:s19], [sflag:$0x2], $0x40, s31, s17, $0xb8;
	[tilespmem:$0x1AA60] =	vst v63  }
0x55: {  	_ =	swait.ge [sflag:s15], $0x2000  }
0x56: {  	[sflag:s15] =	ssyncset.done $0x0  }
0x57: {  	[sflag:s15] =	ssyncadd.s32 $0xFFFFE000  }
0x58: {  	_ =	swait.ge [sflag:s23], $0x2000  }
0x59: {  	[sflag:s23] =	ssyncset.done $0x0  }
0x5a: {  	s31 =	simm.s32 $0x2890;
	[sflag:s23] =	ssyncadd.s32 $0xFFFFE000  }
0x5b: {  	[spmem:s2] =	stream.indirect.scatter.add.f32 [tilespmem:s20], [sflag:$0x2], $0x40, s31, s17, $0xb8;
	[tilespmem:$0x1AA60] =	vst v63  }
0x5c: {  	_ =	swait.ge [sflag:s15], $0x2000  }
0x5d: {  	[sflag:s15] =	ssyncset.done $0x0  }
0x5e: {  	[sflag:s15] =	ssyncadd.s32 $0xFFFFE000  }
0x5f: {  	_ =	swait.ge [sflag:s23], $0x2000  }
0x60: {  	[sflag:s23] =	ssyncset.done $0x0  }
0x61: {  	s31 =	simm.s32 $0x2910;
	[sflag:s23] =	ssyncadd.s32 $0xFFFFE000  }
0x62: {  	[spmem:s2] =	stream.indirect.scatter.add.f32 [tilespmem:s21], [sflag:$0x2], $0x40, s31, s17, $0xb8;
	[tilespmem:$0x1AA60] =	vst v63  }
0x63: {  	_ =	swait.ge [sflag:s15], $0x2000  }
0x64: {  	[sflag:s15] =	ssyncset.done $0x0  }
0x65: {  	[sflag:s15] =	ssyncadd.s32 $0xFFFFE000  }
0x66: {  	_ =	swait.ge [sflag:s23], $0x2000  }
0x67: {  	[sflag:s23] =	ssyncset.done $0x0  }
0x68: {  	s31 =	simm.s32 $0x2990;
	[sflag:s23] =	ssyncadd.s32 $0xFFFFE000  }
0x69: {  	[spmem:s2] =	stream.indirect.scatter.add.f32 [tilespmem:s22], [sflag:$0x2], $0x40, s31, s17, $0xb8;
	[tilespmem:$0x1AA60] =	vst v63  }
0x6a: {  	_ =	swait.ge [sflag:s15], $0x2000  }
0x6b: {  	s29 =	simm.s32 $0xC00;
	s30 =	simm.s32 $0x1800;
	[sflag:s15] =	ssyncset.done $0x0  }
.LBB2_4:
0x6c: {  	s31 =	sshra.s32 s29, $0x2  }
0x6d: {  	[sflag:s15] =	ssyncadd.s32 $0xFFFFE000;
	s29 =	smov.u32 s30;
	s1 =	sadd.s32 $0xC00, s30  }
0x6e: {  	[tilespmem:s14], [sflag:$0x1] =	stream.indirect.gather [hbm4b:s4+s17], $0x40, s31, s17, $0xb8;
	[tilespmem:$0x1AA60] =	vst v63  }
0x6f: {  	p0 =	sne.s32 s30, $0x9000;
	s30 =	sadd.s32 $0x80, s31  }
0x70: {  	[tilespmem:s18], [sflag:$0x1] =	stream.indirect.gather [hbm4b:s4+s17], $0x40, s30, s17, $0xb8;
	[tilespmem:$0x1AA60] =	vst v63  }
0x71: {  	s30 =	sadd.s32 $0x100, s31  }
0x72: {  	[tilespmem:s19], [sflag:$0x1] =	stream.indirect.gather [hbm4b:s4+s17], $0x40, s30, s17, $0xb8;
	[tilespmem:$0x1AA60] =	vst v63  }
0x73: {  	s30 =	sadd.s32 $0x180, s31  }
0x74: {  	[tilespmem:s20], [sflag:$0x1] =	stream.indirect.gather [hbm4b:s4+s17], $0x40, s30, s17, $0xb8;
	[tilespmem:$0x1AA60] =	vst v63  }
0x75: {  	s30 =	sadd.s32 $0x200, s31  }
0x76: {  	[tilespmem:s21], [sflag:$0x1] =	stream.indirect.gather [hbm4b:s4+s17], $0x40, s30, s17, $0xb8;
	[tilespmem:$0x1AA60] =	vst v63  }
0x77: {  	s30 =	sadd.s32 $0x280, s31  }
0x78: {  	[tilespmem:s22], [sflag:$0x1] =	stream.indirect.gather [hbm4b:s4+s17], $0x40, s30, s17, $0xb8;
	[tilespmem:$0x1AA60] =	vst v63  }
0x79: {  	_ =	swait.ge [sflag:s23], $0x2000  }
0x7a: {  	[sflag:s23] =	ssyncset.done $0x0  }
0x7b: {  	s30 =	sadd.s32 $0x2710, s31;
	[sflag:s23] =	ssyncadd.s32 $0xFFFFE000  }
0x7c: {  	[spmem:s2] =	stream.indirect.scatter.add.f32 [tilespmem:s14], [sflag:$0x2], $0x40, s30, s17, $0xb8;
	[tilespmem:$0x1AA60] =	vst v63  }
0x7d: {  	_ =	swait.ge [sflag:s15], $0x2000  }
0x7e: {  	[sflag:s15] =	ssyncset.done $0x0  }
0x7f: {  	[sflag:s15] =	ssyncadd.s32 $0xFFFFE000  }
0x80: {  	_ =	swait.ge [sflag:s23], $0x2000  }
0x81: {  	[sflag:s23] =	ssyncset.done $0x0  }
0x82: {  	s30 =	sadd.s32 $0x2790, s31;
	[sflag:s23] =	ssyncadd.s32 $0xFFFFE000  }
0x83: {  	[spmem:s2] =	stream.indirect.scatter.add.f32 [tilespmem:s18], [sflag:$0x2], $0x40, s30, s17, $0xb8;
	[tilespmem:$0x1AA60] =	vst v63  }
0x84: {  	_ =	swait.ge [sflag:s15], $0x2000  }
0x85: {  	[sflag:s15] =	ssyncset.done $0x0  }
0x86: {  	[sflag:s15] =	ssyncadd.s32 $0xFFFFE000  }
0x87: {  	_ =	swait.ge [sflag:s23], $0x2000  }
0x88: {  	[sflag:s23] =	ssyncset.done $0x0  }
0x89: {  	s30 =	sadd.s32 $0x2810, s31;
	[sflag:s23] =	ssyncadd.s32 $0xFFFFE000  }
0x8a: {  	[spmem:s2] =	stream.indirect.scatter.add.f32 [tilespmem:s19], [sflag:$0x2], $0x40, s30, s17, $0xb8;
	[tilespmem:$0x1AA60] =	vst v63  }
0x8b: {  	_ =	swait.ge [sflag:s15], $0x2000  }
0x8c: {  	[sflag:s15] =	ssyncset.done $0x0  }
0x8d: {  	[sflag:s15] =	ssyncadd.s32 $0xFFFFE000  }
0x8e: {  	_ =	swait.ge [sflag:s23], $0x2000  }
0x8f: {  	[sflag:s23] =	ssyncset.done $0x0  }
0x90: {  	s30 =	sadd.s32 $0x2890, s31;
	[sflag:s23] =	ssyncadd.s32 $0xFFFFE000  }
0x91: {  	[spmem:s2] =	stream.indirect.scatter.add.f32 [tilespmem:s20], [sflag:$0x2], $0x40, s30, s17, $0xb8;
	[tilespmem:$0x1AA60] =	vst v63  }
0x92: {  	_ =	swait.ge [sflag:s15], $0x2000  }
0x93: {  	[sflag:s15] =	ssyncset.done $0x0  }
0x94: {  	[sflag:s15] =	ssyncadd.s32 $0xFFFFE000  }
0x95: {  	_ =	swait.ge [sflag:s23], $0x2000  }
0x96: {  	[sflag:s23] =	ssyncset.done $0x0  }
0x97: {  	s30 =	sadd.s32 $0x2910, s31;
	[sflag:s23] =	ssyncadd.s32 $0xFFFFE000  }
0x98: {  	[spmem:s2] =	stream.indirect.scatter.add.f32 [tilespmem:s21], [sflag:$0x2], $0x40, s30, s17, $0xb8;
	[tilespmem:$0x1AA60] =	vst v63  }
0x99: {  	_ =	swait.ge [sflag:s15], $0x2000  }
0x9a: {  	[sflag:s15] =	ssyncset.done $0x0  }
0x9b: {  	[sflag:s15] =	ssyncadd.s32 $0xFFFFE000  }
0x9c: {  	_ =	swait.ge [sflag:s23], $0x2000  }
.Ltmp1:
0x9d: {  	[sflag:s23] =	ssyncset.done $0x0;
	(pc) =	sbr.rel @p0 .LBB2_4-.Ltmp1, $4  }
0x9e: {  	s30 =	sadd.s32 $0x2990, s31;
	[sflag:s23] =	ssyncadd.s32 $0xFFFFE000  }
0x9f: {  	[spmem:s2] =	stream.indirect.scatter.add.f32 [tilespmem:s22], [sflag:$0x2], $0x40, s30, s17, $0xb8;
	[tilespmem:$0x1AA60] =	vst v63  }
0xa0: {  	_ =	swait.ge [sflag:s15], $0x2000  }
0xa1: {  	s30 =	smov.u32 s1;
	[sflag:s15] =	ssyncset.done $0x0  }
0xa2: {  	s1 =	sshra.s32 s29, $0x2;
	[sflag:s15] =	ssyncadd.s32 $0xFFFFE000  }
0xa3: {  	[tilespmem:s14], [sflag:$0x1] =	stream.indirect.gather [hbm4b:s4+s17], $0x40, s1, s17, $0xb8;
	[tilespmem:$0x1AA60] =	vst v63  }
0xa4: {  	s29 =	sadd.s32 $0x80, s1  }
0xa5: {  	[tilespmem:s18], [sflag:$0x1] =	stream.indirect.gather [hbm4b:s4+s17], $0x40, s29, s17, $0xb8;
	[tilespmem:$0x1AA60] =	vst v63  }
0xa6: {  	s31 =	sadd.s32 $0x100, s1  }
0xa7: {  	[tilespmem:s19], [sflag:$0x1] =	stream.indirect.gather [hbm4b:s4+s17], $0x40, s31, s17, $0xb8;
	[tilespmem:$0x1AA60] =	vst v63  }
0xa8: {  	s30 =	sadd.s32 $0x180, s1  }
0xa9: {  	[tilespmem:s20], [sflag:$0x1] =	stream.indirect.gather [hbm4b:s4+s17], $0x40, s30, s17, $0xb8;
	[tilespmem:$0x1AA60] =	vst v63  }
0xaa: {  	s31 =	sadd.s32 $0x200, s1  }
0xab: {  	[tilespmem:s21], [sflag:$0x1] =	stream.indirect.gather [hbm4b:s4+s17], $0x40, s31, s17, $0xb8;
	[tilespmem:$0x1AA60] =	vst v63  }
0xac: {  	s30 =	sadd.s32 $0x280, s1  }
0xad: {  	[tilespmem:s22], [sflag:$0x1] =	stream.indirect.gather [hbm4b:s4+s17], $0x40, s30, s17, $0xb8;
	[tilespmem:$0x1AA60] =	vst v63  }
0xae: {  	_ =	swait.ge [sflag:s23], $0x2000  }
0xaf: {  	[sflag:s23] =	ssyncset.done $0x0  }
0xb0: {  	s31 =	sadd.s32 $0x2710, s1;
	[sflag:s23] =	ssyncadd.s32 $0xFFFFE000  }
0xb1: {  	[spmem:s2] =	stream.indirect.scatter.add.f32 [tilespmem:s14], [sflag:$0x2], $0x40, s31, s17, $0xb8;
	[tilespmem:$0x1AA60] =	vst v63  }
0xb2: {  	_ =	swait.ge [sflag:s15], $0x2000  }
0xb3: {  	[sflag:s15] =	ssyncset.done $0x0  }
0xb4: {  	[sflag:s15] =	ssyncadd.s32 $0xFFFFE000  }
0xb5: {  	_ =	swait.ge [sflag:s23], $0x2000  }
0xb6: {  	[sflag:s23] =	ssyncset.done $0x0  }
0xb7: {  	s30 =	sadd.s32 $0x2790, s1;
	[sflag:s23] =	ssyncadd.s32 $0xFFFFE000  }
0xb8: {  	[spmem:s2] =	stream.indirect.scatter.add.f32 [tilespmem:s18], [sflag:$0x2], $0x40, s30, s17, $0xb8;
	[tilespmem:$0x1AA60] =	vst v63  }
0xb9: {  	_ =	swait.ge [sflag:s15], $0x2000  }
0xba: {  	[sflag:s15] =	ssyncset.done $0x0  }
0xbb: {  	[sflag:s15] =	ssyncadd.s32 $0xFFFFE000  }
0xbc: {  	_ =	swait.ge [sflag:s23], $0x2000  }
0xbd: {  	[sflag:s23] =	ssyncset.done $0x0  }
0xbe: {  	s31 =	sadd.s32 $0x2810, s1;
	[sflag:s23] =	ssyncadd.s32 $0xFFFFE000  }
0xbf: {  	[spmem:s2] =	stream.indirect.scatter.add.f32 [tilespmem:s19], [sflag:$0x2], $0x40, s31, s17, $0xb8;
	[tilespmem:$0x1AA60] =	vst v63  }
0xc0: {  	_ =	swait.ge [sflag:s15], $0x2000  }
0xc1: {  	[sflag:s15] =	ssyncset.done $0x0  }
0xc2: {  	[sflag:s15] =	ssyncadd.s32 $0xFFFFE000  }
0xc3: {  	_ =	swait.ge [sflag:s23], $0x2000  }
0xc4: {  	[sflag:s23] =	ssyncset.done $0x0  }
0xc5: {  	s30 =	sadd.s32 $0x2890, s1;
	[sflag:s23] =	ssyncadd.s32 $0xFFFFE000  }
0xc6: {  	[spmem:s2] =	stream.indirect.scatter.add.f32 [tilespmem:s20], [sflag:$0x2], $0x40, s30, s17, $0xb8;
	[tilespmem:$0x1AA60] =	vst v63  }
0xc7: {  	_ =	swait.ge [sflag:s15], $0x2000  }
0xc8: {  	[sflag:s15] =	ssyncset.done $0x0  }
0xc9: {  	[sflag:s15] =	ssyncadd.s32 $0xFFFFE000  }
0xca: {  	_ =	swait.ge [sflag:s23], $0x2000  }
0xcb: {  	[sflag:s23] =	ssyncset.done $0x0  }
0xcc: {  	s31 =	sadd.s32 $0x2910, s1;
	[sflag:s23] =	ssyncadd.s32 $0xFFFFE000  }
0xcd: {  	[spmem:s2] =	stream.indirect.scatter.add.f32 [tilespmem:s21], [sflag:$0x2], $0x40, s31, s17, $0xb8;
	[tilespmem:$0x1AA60] =	vst v63  }
0xce: {  	_ =	swait.ge [sflag:s15], $0x2000  }
0xcf: {  	[sflag:s15] =	ssyncset.done $0x0  }
0xd0: {  	[sflag:s15] =	ssyncadd.s32 $0xFFFFE000  }
0xd1: {  	_ =	swait.ge [sflag:s23], $0x2000  }
0xd2: {  	[sflag:s23] =	ssyncset.done $0x0  }
0xd3: {  	s1 =	sadd.s32 $0x2990, s1;
	[sflag:s23] =	ssyncadd.s32 $0xFFFFE000  }
0xd4: {  	[spmem:s2] =	stream.indirect.scatter.add.f32 [tilespmem:s22], [sflag:$0x2], $0x40, s1, s17, $0xb8;
	[tilespmem:$0x1AA60] =	vst v63  }
0xd5: {  	_ =	swait.ge [sflag:s15], $0x2000  }
0xd6: {  	[sflag:s15] =	ssyncset.done $0x0  }
0xd7: {  	[sflag:s15] =	ssyncadd.s32 $0xFFFFE000  }
0xd8: {  	[tilespmem:s14], [sflag:$0x1] =	stream.indirect.gather [hbm4b:s4+s24], $0x40, s25, s24, $0xb8;
	[tilespmem:$0x1AA60] =	vst v63  }
0xd9: {  	_ =	swait.ge [sflag:s23], $0x400  }
0xda: {  	[sflag:s23] =	ssyncset.done $0x0  }
0xdb: {  	[sflag:s23] =	ssyncadd.s32 $0xFFFFFC00  }
0xdc: {  	[spmem:s2] =	stream.indirect.scatter.add.f32 [tilespmem:s14], [sflag:$0x2], $0x40, s26, s24, $0xb8;
	[tilespmem:$0x1AA60] =	vst v63  }
0xdd: {  	s3 =	sadd.s32 $0x1, s3;
	_ =	swait.ge [sflag:s15], $0x400  }
0xde: {  	p0 =	sne.s32 s3, s13;
	[sflag:s15] =	ssyncset.done $0x0  }
0xdf: {  	s30 =	sshll.u32 s0, $0x6;
	s31 =	sshrl.u32 s5, $0x3;
	[sflag:s15] =	ssyncadd.s32 $0xFFFFFC00  }
.Ltmp2:
0xe0: {  	s1 =	sor.u32 $0x1C02, s30;
	[bflag:$0x0] =	sbarrier.arrive $0xFFFF;
	(pc) =	sbr.rel @p0 .LBB2_1-.Ltmp2, $4  }
0xe1: {  	[hbm:s12@s24], [sflag:s1] =	dma.strided [spmem:s31@s28], $0x1388, s23, $0x8   }
0xe2: {  	_ =	swait.ge [sflag:s15], $0x1388  }
0xe3: {  	[sflag:s15] =	ssyncset.done $0x0  }
0xe4: {  	[sflag:s15] =	ssyncadd.s32 $0xFFFFEC78  }
0xe5: {  	_ =	sfence.sel $0x180000  }
0xe6: {  	[bflag:$0x0] =	sbarrier.arrive $0xFFFF  }
0xe7: {  	_ =	strace $0x9000004D  }
0xe8: {  	[bflag:$0x2] =	sbarrier.arrive $0xFFFF  }
0xe9: {  	p0 =	sne.s32 s0, $0x0;
	s0 =	rddreg [dreg:$0x2]  }
0xea: {  	s0 =	sadd.s32 @!p0 $0x100000, s0  }
0xeb: {  	[sflag:s0] =	ssyncadd.tile.s32 @!p0 $0x1;
	_ =	shalt  }
.Lfunc_end2:
_tile_overlayer_lowered:
.L_overlay_start_2:
0xec: {  	(tag) =	ssettag $0x2  }
0xed: {  	s0 =	rddreg [dreg:$0x0];
	s2 =	stileid.u32  }
0xee: {  	s1 =	rddreg [dreg:$0x1];
	p0 =	sne.s32 s2, $0x0  }
0xef: {  	s3 =	rddreg [dreg:$0x2];
	[bflag:$0x3] =	sbarrier.arrive $0xFFFF;
	s2 =	simm.s32 @!p0 $0x1C02  }
0xf0: {  	[timem:s3], [sflag:s2] =	dma.local @!p0 [hbm:s0], s1  }
0xf1: {  	s0 =	simm.s32 @!p0 $0x2  }
0xf2: {  	_ =	swait.ge @!p0 [sflag:s0], s1  }
0xf3: {  	s1 =	ssub.s32 @!p0 $0x0, s1;
	[sflag:s0] =	ssyncset.done @!p0 $0x0  }
0xf4: {  	[sflag:s0] =	ssyncadd.s32 @!p0 s1  }
0xf5: {  	[bflag:$0x3] =	sbarrier.arrive $0xFFFF  }
0xf6: {  	_ =	shalt  }

// kernel: kernel.9.cloned.1.call-start
scs
__scs_entry_jumppad:
0x0: {  	(pc) =	sbr.rel $0x88, $3  }
0x1: {  	(tag) =	ssettag $0x0;
	lr =	simm.s32 $0x1  }
0x2: {  	[smem:$0x3F95] =	sst lr;
	_ =	strace $0xD0000000  }
0x3: {  	_ = 	snop  }
0x4: {  	_ = 	snop  }
0x5: {  	_ = 	snop  }
0x6: {  	_ = 	snop  }
0x7: {  	_ = 	snop  }
__scs_overlays_trampoline_lowered:
0x8: {  	[smem:$0x3FA4] =	sst s0  }
0x9: {  	[smem:$0x3FA5] =	sst s1  }
0xa: {  	[smem:$0x3FA6] =	sst s2  }
0xb: {  	[smem:$0x3FA7] =	sst s3  }
0xc: {  	[smem:$0x3FA8] =	sst s4  }
0xd: {  	[smem:$0x3FA9] =	sst s5  }
0xe: {  	[smem:$0x3FAA] =	sst s6  }
0xf: {  	[smem:$0x3FAB] =	sst s7  }
0x10: {  	[smem:$0x3FAC] =	sst s8  }
0x11: {  	[smem:$0x3FAD] =	sst s9;
	s0 =	simm.s32 @!p0 $0x0  }
0x12: {  	s1 =	sld [smem:$0x3F93];
	s0 =	simm.s32 @p0 $0x1  }
0x13: {  	[smem:$0x3FAE] =	sst s0;
	s0 =	simm.s32 @!p1 $0x0  }
0x14: {  	s2 =	sld [smem:$0x3F92];
	s0 =	simm.s32 @p1 $0x1  }
0x15: {  	[smem:$0x3FAF] =	sst s0;
	s0 =	simm.s32 @!p2 $0x0  }
0x16: {  	s3 =	sld [smem:$0x3FDB];
	s0 =	simm.s32 @p2 $0x1  }
0x17: {  	s4 =	simm.s32 $0x1BF5;
	[smem:$0x3FB1] =	sst s0  }
0x18: {  	s0 =	sld [smem:$0x3F94];
	_ =	swait.ge [sflag:s4], $0x0  }
0x19: {  	s7 =	sld [smem:$0x3F95]  }
0x1a: {  	s8 =	sadd.s32 $0xFFFFE003, lr  }
0x1b: {  	s9 =	sadd.s32 $0xFFFFFEF7, lr;
	s5 =	simm.s32 $0xFFFFFFFF;
	p2 =	slt.u32 s8, $0xFFFFF086  }
0x1c: {  	p1 =	slt.u32 s9, $0xF7A;
	s5 =	simm.s32 @!p2 $0x0  }
0x1d: {  	s5 =	simm.s32 @p1 $0x1;
	p0 =	seq.s32 s7, s2  }
0x1e: {  	s7 =	smul.u32 @!p0 $0xF7A, s2;
	p2 =	seq.s32 @!p0 s5, $0x0  }
0x1f: {  	s9 =	smul.u32 $0xF7A, s1;
	s8 =	simm.s32 @!p0 $0x1BF5;
	p2 =	por !p2, p0  }
0x20: {  	[sflag:s8] =	ssyncset.s32 @!p0 $0xFFFFF086;
	s6 =	sadd.s32 @!p0 s3, s7;
	s7 =	simm.s32 @!p0 $0x108  }
0x21: {  	s3 =	sadd.s32 s3, s9;
	s6 =	sadd.s32 @!p0 $0x88, s6;
	s7 =	simm.s32 @p2 $0x1082  }
0x22: {  	[simem:s7], [sflag:s8] =	dma.local @!p0 [hbm:s6], $0xF7A  }
0x23: {  	s9 =	sor.u32 $0xD0000000, s2;
	s6 =	simm.s32 $0x108;
	_ =	swait.ge @!p0 [sflag:s8], $0x0  }
0x24: {  	s3 =	sadd.s32 $0x88, s3;
	s6 =	simm.s32 @!p1 $0x1082;
	[sflag:s4] =	ssyncset.s32 $0xFFFFF086  }
0x25: {  	[simem:s6], [sflag:s4] =	dma.local [hbm:s3], $0xF7A  }
0x26: {  	[smem:$0x3F95] =	sst s1;
	(tag) =	ssettag s2;
	_ =	strace s9  }
0x27: {  	s1 =	sld [smem:$0x3FA5]  }
0x28: {  	s2 =	sld [smem:$0x3FA6]  }
0x29: {  	s4 =	sld [smem:$0x3FA8]  }
0x2a: {  	p0 =	seq.s32 s5, $0x0;
	s5 =	sld [smem:$0x3FA9]  }
0x2b: {  	s6 =	sld [smem:$0x3FAA]  }
0x2c: {  	s7 =	sld [smem:$0x3FAB]  }
0x2d: {  	s3 =	simm.s32 $0x108;
	s8 =	sld [smem:$0x3FAC]  }
0x2e: {  	s3 =	simm.s32 @!p0 $0x1082;
	s9 =	sld [smem:$0x3FAD]  }
0x2f: {  	lr =	sadd.s32 s0, s3;
	s0 =	sld [smem:$0x3FA4]  }
0x30: {  	s3 =	sld [smem:$0x3FA7]  }
0x31: {  	[smem:$0x3FB0] =	sst s10  }
0x32: {  	s10 =	sld [smem:$0x3FAE];
	_ =	sdelay $0x3  }
0x33: {  	p0 =	seq.s32 s10, $0x1;
	s10 =	sld [smem:$0x3FB0];
	_ =	sdelay $0x3  }
0x34: {  	[smem:$0x3FB0] =	sst s10  }
0x35: {  	s10 =	sld [smem:$0x3FAF];
	_ =	sdelay $0x3  }
0x36: {  	p1 =	seq.s32 s10, $0x1;
	s10 =	sld [smem:$0x3FB0];
	_ =	sdelay $0x3  }
0x37: {  	[smem:$0x3FB0] =	sst s10  }
0x38: {  	s10 =	sld [smem:$0x3FB1]  }
0x39: {  	_ = 	snop;
	(pc) =	sbr.ind lr, $3  }
0x3a: {  	_ = 	snop  }
0x3b: {  	_ = 	snop  }
0x3c: {  	p2 =	seq.s32 s10, $0x1;
	s10 =	sld [smem:$0x3FB0]  }
0x3d: {  	_ =	shalt  }
0x3e: {  	_ =	shalt  }
0x3f: {  	_ =	shalt  }
0x40: {  	_ =	shalt  }
0x41: {  	_ =	shalt  }
0x42: {  	_ =	shalt  }
0x43: {  	_ =	shalt  }
0x44: {  	_ =	shalt  }
0x45: {  	_ =	shalt  }
0x46: {  	_ =	shalt  }
0x47: {  	_ =	shalt  }
0x48: {  	_ =	shalt  }
0x49: {  	_ =	shalt  }
0x4a: {  	_ =	shalt  }
0x4b: {  	_ =	shalt  }
0x4c: {  	_ =	shalt  }
0x4d: {  	_ =	shalt  }
0x4e: {  	_ =	shalt  }
0x4f: {  	_ =	shalt  }
0x50: {  	_ =	shalt  }
0x51: {  	_ =	shalt  }
0x52: {  	_ =	shalt  }
0x53: {  	_ =	shalt  }
0x54: {  	_ =	shalt  }
0x55: {  	_ =	shalt  }
0x56: {  	_ =	shalt  }
0x57: {  	_ =	shalt  }
0x58: {  	_ =	shalt  }
0x59: {  	_ =	shalt  }
0x5a: {  	_ =	shalt  }
0x5b: {  	_ =	shalt  }
0x5c: {  	_ =	shalt  }
0x5d: {  	_ =	shalt  }
0x5e: {  	_ =	shalt  }
0x5f: {  	_ =	shalt  }
0x60: {  	_ =	shalt  }
0x61: {  	_ =	shalt  }
0x62: {  	_ =	shalt  }
0x63: {  	_ =	shalt  }
0x64: {  	_ =	shalt  }
0x65: {  	_ =	shalt  }
0x66: {  	_ =	shalt  }
0x67: {  	_ =	shalt  }
0x68: {  	_ =	shalt  }
0x69: {  	_ =	shalt  }
0x6a: {  	_ =	shalt  }
0x6b: {  	_ =	shalt  }
0x6c: {  	_ =	shalt  }
0x6d: {  	_ =	shalt  }
0x6e: {  	_ =	shalt  }
0x6f: {  	_ =	shalt  }
0x70: {  	_ =	shalt  }
0x71: {  	_ =	shalt  }
0x72: {  	_ =	shalt  }
0x73: {  	_ =	shalt  }
0x74: {  	_ =	shalt  }
0x75: {  	_ =	shalt  }
0x76: {  	_ =	shalt  }
0x77: {  	_ =	shalt  }
0x78: {  	_ =	shalt  }
0x79: {  	_ =	shalt  }
0x7a: {  	_ =	shalt  }
0x7b: {  	_ =	shalt  }
0x7c: {  	_ =	shalt  }
0x7d: {  	_ =	shalt  }
0x7e: {  	_ =	shalt  }
0x7f: {  	_ =	shalt  }
0x80: {  	_ =	shalt  }
0x81: {  	_ =	shalt  }
0x82: {  	_ =	shalt  }
0x83: {  	_ =	shalt  }
0x84: {  	_ =	shalt  }
0x85: {  	_ =	shalt  }
0x86: {  	_ =	shalt  }
0x87: {  	_ =	shalt  }
.Lfunc_end0:
.L_simem_size_0:
called_computation_lowered:
.L_overlay_start_0:
0x88: {  	s2 =	sld [smem:$0x3FD9]  }
0x89: {  	s3 =	sld [smem:$0x3FFE];
	_ =	sdelay $0x1  }
0x8a: {  	s1 =	srdreg.scid  }
0x8b: {  	s0 =	sand.u32 $0x1, s1  }
0x8c: {  	s16 =	sshll.u32 s0, $0xA;
	s2 =	sadd.s32 s3, s2  }
0x8d: {  	s2 =	sadd.s32 s2, s16  }
0x8e: {  	[smem:$0x3FBC] =	sst s2  }
0x8f: {  	_ = 	snop  }
0x90: {  	(tm) =	ssettm $0x1  }
0x91: {  	s17 =	sld [smem:$0x3FFB];
	_ =	sdelay $0x3  }
0x92: {  	_ =	strace s17  }
0x93: {  	s2 =	sld [smem:$0x3FFC];
	_ =	sdelay $0x3  }
0x94: {  	_ =	strace s2  }
0x95: {  	s2 =	sld [smem:$0x3FFD];
	_ =	sdelay $0x3  }
0x96: {  	_ =	strace s2  }
0x97: {  	_ =	strace $0x8FFFFFFF  }
0x98: {  	s18 =	sld [smem:$0x3FDB];
	_ =	sdelay $0x1  }
0x99: {  	s19 =	simm.s32 $_scs_section_size  }
0x9a: {  	s4 =	simm.s32 $_size__tile_overlayer_lowered;
	s5 =	simm.s32 $_tile_overlayer_lowered  }
0x9b: {  	s22 =	simm.s32 $0x1BFF;
	s21 =	sshll.u32 s5, $0x1;
	s2 =	sadd.s32 s19, s18  }
0x9c: {  	s6 =	simm.s32 $0x0;
	s20 =	sshll.u32 s4, $0x1;
	s4 =	sadd.s32 s21, s2  }
0x9d: {  	[timem:s6], [sflag:s22] =	dma.local [hbm:s4], s20  }
0x9e: {  	_ =	swait.ge [sflag:s22], s20  }
0x9f: {  	s3 =	ssub.s32 $0x0, s20;
	[sflag:s22] =	ssyncset.done $0x0  }
0xa0: {  	[sflag:s22] =	ssyncadd.s32 s3;
	_ =	sdelay $0x1  }
0xa1: {  	s23 =	simm.s32 $0x1B8B  }
0xa2: {  	_ =	swait.ge [sflag:s23], $0x1  }
0xa3: {  	[sflag:s23] =	ssyncset.done $0x0  }
0xa4: {  	s25 =	simm.s32 $0x1B8E;
	s24 =	sld [smem:$0x3FFE];
	[sflag:s23] =	ssyncadd.s32 $0xFFFFFFFF  }
0xa5: {  	s26 =	simm.s32 $execute0_lowered;
	[smem:$0x3FD2] =	sst s25  }
0xa6: {  	s4 =	sshll.u32 s26, $0x1;
	_ =	strace $0x80000046;
	[dreg:$0x1] =	wrdreg $0xFFFFFFFF  }
0xa7: {  	s28 =	simm.s32 $_size_execute0_lowered;
	s2 =	sadd.s32 s2, s4;
	[dreg:$0x0] =	wrdreg $0x0  }
0xa8: {  	s4 =	sshll.u32 s28, $0x1;
	[dreg:$0x2] =	wrdreg s2  }
0xa9: {  	[dreg:$0x3] =	wrdreg s4  }
0xaa: {  	[dreg:$0x4] =	wrdreg $0xC0  }
0xab: {  	_ =	task [dreg:s6], $0x5FFFF  }
0xac: {  	[dreg:$0x1] =	wrdreg $0xFFFFFFFF  }
0xad: {  	[dreg:$0x0] =	wrdreg $0x60  }
0xae: {  	[dreg:$0x2] =	wrdreg s24  }
0xaf: {  	[dreg:$0x3] =	wrdreg $0x56200  }
0xb0: {  	[dreg:$0x4] =	wrdreg $0x9  }
0xb1: {  	_ =	task.clear_ibuf [dreg:s6], $0x5FFFF;
	_ =	strace $0x90000046  }
0xb2: {  	s29 =	simm.s32 $0x9;
	_ =	strace $0x80000048  }
0xb3: {  	_ =	swait.ge [sflag:s29], $0x1  }
0xb4: {  	[sflag:s29] =	ssyncadd.s32 $0xFFFFFFFF  }
0xb5: {  	_ =	strace $0x90000048  }
0xb6: {  	_ =	sfence  }
0xb7: {  	s30 =	sld [smem:$0x0];
	_ =	sdelay $0x2  }
0xb8: {  	s31 =	sshll.u32 s1, $0xD;
	s1 =	sshrl.u32 s1, $0x2  }
0xb9: {  	s3 =	sand.u32 $0x4000, s31;
	s1 =	sadd.s32 s1, s30  }
0xba: {  	s0 =	sor.u32 s3, s0;
	s1 =	sshll.u32 s1, $0x11  }
0xbb: {  	s0 =	sor.u32 s1, s0  }
0xbc: {  	s0 =	sadd.s32 $0x8F2B, s0  }
0xbd: {  	[sflag:s0] =	ssyncadd.remote.s32 $0x1  }
0xbe: {  	_ =	sfence.sel $0xFFFF  }
0xbf: {  	[dreg:$0x0] =	wrdreg $0xFFFFFFFF;
	(pc) =	sbr.abs _section_cstart, $3  }
0xc0: {  	[dreg:$0x1] =	wrdreg $0xFFFFFFFF  }
0xc1: {  	_ =	task.clear_ibuf [dreg:s6], $0x2FFFF;
	_ =	strace $0x9FFFFFFF  }
0xc2: {  	(tm) =	ssettm $0x7FFFFFFF  }
0xc3: {  	_ =	shalt  }
tec
execute0_lowered:
.L_overlay_start_1:
0x0: {  	(tag) =	ssettag $0x1  }
0x1: {  	s4 =	rddreg [dreg:$0x0];
	s0 =	srdreg.scid  }
0x2: {  	s2 =	rddreg [dreg:$0x1];
	s1 =	stileid.u32  }
0x3: {  	s3 =	simm.s32 $0x0;
	s10 =	simm.s32 $0x80;
	s11 =	simm.s32 $0x2710  }
0x4: {  	s12 =	simm.s32 $0x1;
	s13 =	simm.s32 $0x10;
	s14 =	simm.s32 $0x2700  }
0x5: {  	s5 =	sand.u32 $0x1, s0;
	s0 =	rddreg [dreg:$0x2];
	s6 =	smul.u32 $0x2710, s1  }
0x6: {  	[smem:$0x7FF] =	sst s3;
	s31 =	smul.u32 $0x9C40, s1;
	s7 =	sshll.u32 s5, $0x4  }
0x7: {  	s15 =	sshll.u32 s1, $0x6;
	s8 =	smul.u32 $0x27100, s5;
	s7 =	sor.u32 s1, s7  }
0x8: {  	_ =	strace $0x80000047;
	s5 =	ssub.s32 $0x2, s5;
	s7 =	smul.u32 $0x2710, s7  }
0x9: {  	s15 =	sor.u32 $0x1C02, s15;
	s9 =	sshrl.u32 s5, $0x1;
	s6 =	sadd.s32 s6, s8  }
0xa: {  	s8 =	sshrl.u32 s31, $0x2;
	s6 =	sadd.s32 s6, s4;
	s7 =	sshrl.u32 s7, $0x3  }
0xb: {  	s9 =	ssub.s32 s5, s9;
	s6 =	sadd.s32 $0x16C00, s6;
	s7 =	sadd.s32 s4, s7  }
0xc: {  	v0 =	vimm.f32 $0.0e+00;
	vm0 =	vcmask $0x300;
	s4 =	sadd.s32 s8, s2;
	s8 =	simm.s32 $0x2F10;
	s5 =	sadd.s32 $0xCE40, s7  }
0xd: {  	v1 =	vsel vm0, $0x3F800000, v0;
	s7 =	smax.u32 s9, $0x1;
	s9 =	simm.s32 $0x2;
	s16 =	sshrl.u32 s4, $0x3  }
.LBB2_1:
0xe: {  	s17 =	simm.s32 $0x0  }
.LBB2_2:
0xf: {  	p0 =	sne.s32 s17, $0x1FC0  }
.Ltmp0:
0x10: {  	_ = 	snop;
	(pc) =	sbr.rel @p0 .LBB2_2-.Ltmp0, $3  }
0x11: {  	_ =	sdelay $0x1  }
0x12: {  	s18 =	sshra.s32 s17, $0x2  }
0x13: {  	s17 =	sadd.s32 $0x40, s17;
	[tilespmem:s18+$0x2710] =	vst v1  }
0x14: {  	s17 =	simm.s32 $0x40;
	s18 =	simm.s32 $0x0  }
.LBB2_4:
0x15: {  	p0 =	sne.s32 s17, $0x9C00;
	[tilespmem:s18+$0x2F10] =	vst v0;
	s18 =	smov.u32 s17;
	s17 =	sadd.s32 $0x40, s17  }
.Ltmp1:
0x16: {  	(pc) =	sbr.rel @p0 .LBB2_4-.Ltmp1, $2  }
0x17: {  	_ =	sdelay $0x2  }
0x18: {  	s18 =	sshra.s32 s18, $0x2  }
0x19: {  	[tilespmem:s18+$0x2F10] =	vst v0  }
0x1a: {  	[spmem:s4] =	stream.linear.scatter [tilespmem:s8], [sflag:$0x2], $0x2710, $0x38;
	[tilespmem:$0x7D30] =	vst v63  }
0x1b: {  	_ =	swait.ge [sflag:s9], $0x2710  }
0x1c: {  	[sflag:s9] =	ssyncset.done $0x0  }
0x1d: {  	s17 =	simm.s32 $0x0;
	[sflag:s9] =	ssyncadd.s32 $0xFFFFD8F0  }
0x1e: {  	[tilespmem:s17], [sflag:$0x2] =	stream.linear.gather [hbm4b:s5+s17], $0x2710, $0x38;
	[tilespmem:$0x7D30] =	vst v63  }
0x1f: {  	_ =	swait.ge [sflag:s9], $0x2710  }
0x20: {  	[sflag:s9] =	ssyncset.done $0x0  }
0x21: {  	[sflag:s9] =	ssyncadd.s32 $0xFFFFD8F0  }
0x22: {  	s25 =	simm.s32 $0x0;
	[bflag:$0x0] =	sbarrier.arrive $0xFFFF  }
0x23: {  	[spmem:s2] =	stream.indirect.scatter.add.f32 [tilespmem:s11], [sflag:$0x1], $0x10, s25, s10, $0xb8;
	[tilespmem:$0x7D30] =	vst v63  }
0x24: {  	s26 =	simm.s32 $0x80  }
0x25: {  	[spmem:s2] =	stream.indirect.scatter.add.f32 [tilespmem:s11], [sflag:$0x1], $0x10, s26, s10, $0xb8;
	[tilespmem:$0x7D30] =	vst v63  }
0x26: {  	s28 =	simm.s32 $0x100  }
0x27: {  	[spmem:s2] =	stream.indirect.scatter.add.f32 [tilespmem:s11], [sflag:$0x1], $0x10, s28, s10, $0xb8;
	[tilespmem:$0x7D30] =	vst v63  }
0x28: {  	s29 =	simm.s32 $0x180  }
0x29: {  	[spmem:s2] =	stream.indirect.scatter.add.f32 [tilespmem:s11], [sflag:$0x1], $0x10, s29, s10, $0xb8;
	[tilespmem:$0x7D30] =	vst v63  }
0x2a: {  	s30 =	simm.s32 $0x200  }
0x2b: {  	[spmem:s2] =	stream.indirect.scatter.add.f32 [tilespmem:s11], [sflag:$0x1], $0x10, s30, s10, $0xb8;
	[tilespmem:$0x7D30] =	vst v63  }
0x2c: {  	s31 =	simm.s32 $0x280  }
0x2d: {  	[spmem:s2] =	stream.indirect.scatter.add.f32 [tilespmem:s11], [sflag:$0x1], $0x10, s31, s10, $0xb8;
	[tilespmem:$0x7D30] =	vst v63  }
0x2e: {  	_ =	swait.ge [sflag:s12], $0x800  }
0x2f: {  	[sflag:s12] =	ssyncset.done $0x0  }
0x30: {  	[sflag:s12] =	ssyncadd.s32 $0xFFFFF800  }
0x31: {  	_ =	swait.ge [sflag:s12], $0x800  }
0x32: {  	[sflag:s12] =	ssyncset.done $0x0  }
0x33: {  	[sflag:s12] =	ssyncadd.s32 $0xFFFFF800  }
0x34: {  	_ =	swait.ge [sflag:s12], $0x800  }
0x35: {  	[sflag:s12] =	ssyncset.done $0x0  }
0x36: {  	[sflag:s12] =	ssyncadd.s32 $0xFFFFF800  }
0x37: {  	_ =	swait.ge [sflag:s12], $0x800  }
0x38: {  	[sflag:s12] =	ssyncset.done $0x0  }
0x39: {  	[sflag:s12] =	ssyncadd.s32 $0xFFFFF800  }
0x3a: {  	_ =	swait.ge [sflag:s12], $0x800  }
0x3b: {  	[sflag:s12] =	ssyncset.done $0x0  }
0x3c: {  	[sflag:s12] =	ssyncadd.s32 $0xFFFFF800  }
0x3d: {  	_ =	swait.ge [sflag:s12], $0x800  }
0x3e: {  	s18 =	simm.s32 $0x1800;
	s17 =	simm.s32 $0xC00;
	[sflag:s12] =	ssyncset.done $0x0  }
.LBB2_6:
0x3f: {  	s19 =	sshra.s32 s17, $0x2  }
0x40: {  	[sflag:s12] =	ssyncadd.s32 $0xFFFFF800;
	s17 =	smov.u32 s18;
	s20 =	sadd.s32 $0xC00, s18  }
0x41: {  	[spmem:s2] =	stream.indirect.scatter.add.f32 [tilespmem:s11], [sflag:$0x1], $0x10, s19, s10, $0xb8;
	[tilespmem:$0x7D30] =	vst v63  }
0x42: {  	p0 =	sne.s32 s18, $0x9000;
	s18 =	sadd.s32 $0x80, s19  }
0x43: {  	[spmem:s2] =	stream.indirect.scatter.add.f32 [tilespmem:s11], [sflag:$0x1], $0x10, s18, s10, $0xb8;
	[tilespmem:$0x7D30] =	vst v63  }
0x44: {  	s18 =	sadd.s32 $0x100, s19  }
0x45: {  	[spmem:s2] =	stream.indirect.scatter.add.f32 [tilespmem:s11], [sflag:$0x1], $0x10, s18, s10, $0xb8;
	[tilespmem:$0x7D30] =	vst v63  }
0x46: {  	s18 =	sadd.s32 $0x180, s19  }
0x47: {  	[spmem:s2] =	stream.indirect.scatter.add.f32 [tilespmem:s11], [sflag:$0x1], $0x10, s18, s10, $0xb8;
	[tilespmem:$0x7D30] =	vst v63  }
0x48: {  	s18 =	sadd.s32 $0x200, s19  }
0x49: {  	[spmem:s2] =	stream.indirect.scatter.add.f32 [tilespmem:s11], [sflag:$0x1], $0x10, s18, s10, $0xb8;
	[tilespmem:$0x7D30] =	vst v63  }
0x4a: {  	s18 =	sadd.s32 $0x280, s19  }
0x4b: {  	[spmem:s2] =	stream.indirect.scatter.add.f32 [tilespmem:s11], [sflag:$0x1], $0x10, s18, s10, $0xb8;
	[tilespmem:$0x7D30] =	vst v63  }
0x4c: {  	_ =	swait.ge [sflag:s12], $0x800  }
0x4d: {  	[sflag:s12] =	ssyncset.done $0x0  }
0x4e: {  	[sflag:s12] =	ssyncadd.s32 $0xFFFFF800  }
0x4f: {  	_ =	swait.ge [sflag:s12], $0x800  }
0x50: {  	[sflag:s12] =	ssyncset.done $0x0  }
0x51: {  	[sflag:s12] =	ssyncadd.s32 $0xFFFFF800  }
0x52: {  	_ =	swait.ge [sflag:s12], $0x800  }
0x53: {  	[sflag:s12] =	ssyncset.done $0x0  }
0x54: {  	[sflag:s12] =	ssyncadd.s32 $0xFFFFF800  }
0x55: {  	_ =	swait.ge [sflag:s12], $0x800  }
0x56: {  	[sflag:s12] =	ssyncset.done $0x0  }
0x57: {  	[sflag:s12] =	ssyncadd.s32 $0xFFFFF800  }
.Ltmp2:
0x58: {  	_ =	swait.ge [sflag:s12], $0x800;
	(pc) =	sbr.rel @p0 .LBB2_6-.Ltmp2, $4  }
0x59: {  	[sflag:s12] =	ssyncset.done $0x0  }
0x5a: {  	[sflag:s12] =	ssyncadd.s32 $0xFFFFF800  }
0x5b: {  	_ =	swait.ge [sflag:s12], $0x800  }
0x5c: {  	s18 =	smov.u32 s20;
	[sflag:s12] =	ssyncset.done $0x0  }
0x5d: {  	s17 =	sshra.s32 s17, $0x2;
	[sflag:s12] =	ssyncadd.s32 $0xFFFFF800  }
0x5e: {  	[spmem:s2] =	stream.indirect.scatter.add.f32 [tilespmem:s11], [sflag:$0x1], $0x10, s17, s10, $0xb8;
	[tilespmem:$0x7D30] =	vst v63  }
0x5f: {  	s18 =	sadd.s32 $0x80, s17  }
0x60: {  	[spmem:s2] =	stream.indirect.scatter.add.f32 [tilespmem:s11], [sflag:$0x1], $0x10, s18, s10, $0xb8;
	[tilespmem:$0x7D30] =	vst v63  }
0x61: {  	s29 =	sadd.s32 $0x100, s17  }
0x62: {  	[spmem:s2] =	stream.indirect.scatter.add.f32 [tilespmem:s11], [sflag:$0x1], $0x10, s29, s10, $0xb8;
	[tilespmem:$0x7D30] =	vst v63  }
0x63: {  	s30 =	sadd.s32 $0x180, s17  }
0x64: {  	[spmem:s2] =	stream.indirect.scatter.add.f32 [tilespmem:s11], [sflag:$0x1], $0x10, s30, s10, $0xb8;
	[tilespmem:$0x7D30] =	vst v63  }
0x65: {  	s31 =	sadd.s32 $0x200, s17  }
0x66: {  	[spmem:s2] =	stream.indirect.scatter.add.f32 [tilespmem:s11], [sflag:$0x1], $0x10, s31, s10, $0xb8;
	[tilespmem:$0x7D30] =	vst v63  }
0x67: {  	s17 =	sadd.s32 $0x280, s17  }
0x68: {  	[spmem:s2] =	stream.indirect.scatter.add.f32 [tilespmem:s11], [sflag:$0x1], $0x10, s17, s10, $0xb8;
	[tilespmem:$0x7D30] =	vst v63  }
0x69: {  	_ =	swait.ge [sflag:s12], $0x800  }
0x6a: {  	[sflag:s12] =	ssyncset.done $0x0  }
0x6b: {  	[sflag:s12] =	ssyncadd.s32 $0xFFFFF800  }
0x6c: {  	_ =	swait.ge [sflag:s12], $0x800  }
0x6d: {  	[sflag:s12] =	ssyncset.done $0x0  }
0x6e: {  	[sflag:s12] =	ssyncadd.s32 $0xFFFFF800  }
0x6f: {  	_ =	swait.ge [sflag:s12], $0x800  }
0x70: {  	[sflag:s12] =	ssyncset.done $0x0  }
0x71: {  	[sflag:s12] =	ssyncadd.s32 $0xFFFFF800  }
0x72: {  	_ =	swait.ge [sflag:s12], $0x800  }
0x73: {  	[sflag:s12] =	ssyncset.done $0x0  }
0x74: {  	[sflag:s12] =	ssyncadd.s32 $0xFFFFF800  }
0x75: {  	_ =	swait.ge [sflag:s12], $0x800  }
0x76: {  	[sflag:s12] =	ssyncset.done $0x0  }
0x77: {  	[sflag:s12] =	ssyncadd.s32 $0xFFFFF800  }
0x78: {  	_ =	swait.ge [sflag:s12], $0x800  }
0x79: {  	[sflag:s12] =	ssyncset.done $0x0  }
0x7a: {  	[sflag:s12] =	ssyncadd.s32 $0xFFFFF800  }
0x7b: {  	[spmem:s2] =	stream.indirect.scatter.add.f32 [tilespmem:s11], [sflag:$0x1], $0x10, s14, s13, $0xb8;
	[tilespmem:$0x7D30] =	vst v63  }
0x7c: {  	_ =	swait.ge [sflag:s12], $0x100  }
0x7d: {  	s3 =	sadd.s32 $0x1, s3;
	[sflag:s12] =	ssyncset.done $0x0  }
0x7e: {  	p0 =	sne.s32 s3, s7;
	[sflag:s12] =	ssyncadd.s32 $0xFFFFFF00  }
.Ltmp3:
0x7f: {  	[bflag:$0x0] =	sbarrier.arrive $0xFFFF;
	(pc) =	sbr.rel @p0 .LBB2_1-.Ltmp3, $4  }
0x80: {  	[hbm:s6@s13], [sflag:s15] =	dma.strided [spmem:s16@s9], $0x4E2, s12, $0x2   }
0x81: {  	_ =	swait.ge [sflag:s9], $0x4E2  }
0x82: {  	[sflag:s9] =	ssyncset.done $0x0  }
0x83: {  	[sflag:s9] =	ssyncadd.s32 $0xFFFFFB1E  }
0x84: {  	_ =	sfence.sel $0x180000  }
0x85: {  	[bflag:$0x0] =	sbarrier.arrive $0xFFFF  }
0x86: {  	p0 =	sne.s32 s1, $0x0;
	_ =	strace $0x90000047  }
0x87: {  	s0 =	sadd.s32 @!p0 $0x100000, s0;
	[bflag:$0x2] =	sbarrier.arrive $0xFFFF  }
0x88: {  	[sflag:s0] =	ssyncadd.tile.s32 @!p0 $0x1;
	_ =	shalt  }
.Lfunc_end2:
_tile_overlayer_lowered:
.L_overlay_start_2:
0x89: {  	(tag) =	ssettag $0x2  }
0x8a: {  	s0 =	rddreg [dreg:$0x0];
	s2 =	stileid.u32  }
0x8b: {  	s1 =	rddreg [dreg:$0x1];
	p0 =	sne.s32 s2, $0x0  }
0x8c: {  	s3 =	rddreg [dreg:$0x2];
	[bflag:$0x3] =	sbarrier.arrive $0xFFFF;
	s2 =	simm.s32 @!p0 $0x1C02  }
0x8d: {  	[timem:s3], [sflag:s2] =	dma.local @!p0 [hbm:s0], s1  }
0x8e: {  	s0 =	simm.s32 @!p0 $0x2  }
0x8f: {  	_ =	swait.ge @!p0 [sflag:s0], s1  }
0x90: {  	s1 =	ssub.s32 @!p0 $0x0, s1;
	[sflag:s0] =	ssyncset.done @!p0 $0x0  }
0x91: {  	[sflag:s0] =	ssyncadd.s32 @!p0 s1  }
0x92: {  	[bflag:$0x3] =	sbarrier.arrive $0xFFFF  }
0x93: {  	_ =	shalt  }

</sc_bundles>
